<compile_context>
chip_gen: v7x
topology: tpu7x:2x2x1
jax: 0.10.2.dev20260603
libtpu: 0.0.44.dev20260713+nightly
codegen_flags: <defaults>
</compile_context>

<pallas_src>
import jax
import jax.numpy as jnp
from jax import lax
from jax.experimental import pallas as pl
from jax.experimental.pallas import tpu as pltpu
from jax.experimental.pallas import tpu_sc as plsc

NC = 2
NS = 16
CHUNK = 128
K = 2
NB = 2 * K

MLP_BLK = 2000



def _mlp1_body(x_ref, w1_ref, b1_ref, w2_ref, b2_ref, o_ref):
    h = jnp.dot(x_ref[...], w1_ref[...], preferred_element_type=jnp.float32) + b1_ref[...]
    h = jnp.maximum(h, 0.0)
    o = jnp.dot(h, w2_ref[...], preferred_element_type=jnp.float32) + b2_ref[...]
    d2 = o.shape[1] // 2
    o_ref[0] = o[:, :d2]
    o_ref[1] = o[:, d2:]


def _mlp1(x, w1, b1, w2, b2, a_pad):
    n, d_in = x.shape
    hid = w1.shape[1]
    d_out = w2.shape[1]
    grid = n // MLP_BLK
    return pl.pallas_call(
        _mlp1_body,
        grid=(grid,),
        in_specs=[
            pl.BlockSpec((MLP_BLK, d_in), lambda i: (i, 0)),
            pl.BlockSpec((d_in, hid), lambda i: (0, 0)),
            pl.BlockSpec((1, hid), lambda i: (0, 0)),
            pl.BlockSpec((hid, d_out), lambda i: (0, 0)),
            pl.BlockSpec((1, d_out), lambda i: (0, 0)),
        ],
        out_specs=pl.BlockSpec((2, MLP_BLK, d_out // 2), lambda i: (0, i, 0)),
        out_shape=jax.ShapeDtypeStruct((2, a_pad, d_out // 2), jnp.float32),
    )(x, w1, b1, w2, b2)


def _mlp2_body(p_ref, cf_ref, w1a_ref, w1b_ref, b1_ref, w2_ref, b2_ref, o_ref):
    cembs = jnp.concatenate(
        [jnp.maximum(p_ref[0], 0.0), jnp.maximum(p_ref[1], 0.0)], axis=1)
    h = (jnp.dot(cembs, w1a_ref[...], preferred_element_type=jnp.float32)
         + jnp.dot(cf_ref[...], w1b_ref[...], preferred_element_type=jnp.float32)
         + b1_ref[...])
    h = jnp.maximum(h, 0.0)
    o = jnp.dot(h, w2_ref[...], preferred_element_type=jnp.float32) + b2_ref[...]
    d2 = o.shape[1] // 2
    o_ref[0] = o[:, :d2]
    o_ref[1] = o[:, d2:]


def _mlp2(partials, cf, w1a, w1b, b1, w2, b2, a_pad):
    d2 = partials.shape[2]
    n = cf.shape[0]
    dc = cf.shape[1]
    hid = w1a.shape[1]
    d_out = w2.shape[1]
    grid = n // MLP_BLK
    return pl.pallas_call(
        _mlp2_body,
        grid=(grid,),
        in_specs=[
            pl.BlockSpec((2, MLP_BLK, d2), lambda i: (0, i, 0)),
            pl.BlockSpec((MLP_BLK, dc), lambda i: (i, 0)),
            pl.BlockSpec((2 * d2, hid), lambda i: (0, 0)),
            pl.BlockSpec((dc, hid), lambda i: (0, 0)),
            pl.BlockSpec((1, hid), lambda i: (0, 0)),
            pl.BlockSpec((hid, d_out), lambda i: (0, 0)),
            pl.BlockSpec((1, d_out), lambda i: (0, 0)),
        ],
        out_specs=pl.BlockSpec((2, MLP_BLK, d_out // 2), lambda i: (0, i, 0)),
        out_shape=jax.ShapeDtypeStruct((2, a_pad, d_out // 2), jnp.float32),
    )(partials, cf, w1a, w1b, b1, w2, b2)


def _relu_halves_body(p_ref, o_ref):
    d2 = p_ref.shape[2]
    o_ref[:, :d2] = jnp.maximum(p_ref[0], 0.0)
    o_ref[:, d2:] = jnp.maximum(p_ref[1], 0.0)


def _relu_halves(partials, n):
    d2 = partials.shape[2]
    grid = n // MLP_BLK
    return pl.pallas_call(
        _relu_halves_body,
        grid=(grid,),
        in_specs=[pl.BlockSpec((2, MLP_BLK, d2), lambda i: (0, i, 0))],
        out_specs=pl.BlockSpec((MLP_BLK, 2 * d2), lambda i: (i, 0)),
        out_shape=jax.ShapeDtypeStruct((n, 2 * d2), jnp.float32),
    )(partials)



def _edge_pass(table, g_idx, s_idx, zeros, a_pad):
    d2 = table.shape[2]
    chunks = g_idx.shape[1]
    z_rows = a_pad // NS
    nsub = 4
    qch = chunks // nsub

    def body(table_hbm, g_hbm, s_hbm, z_hbm, out_hbm,
             table_sp, accum, g_v, s_v, rows_v, gsem, ssem):
        c = lax.axis_index("c")
        s = lax.axis_index("s")

        def load_idx(q):
            base = q * qch
            pltpu.async_copy(g_hbm.at[s, pl.ds(base, qch)], g_v, gsem)
            pltpu.async_copy(s_hbm.at[s, pl.ds(base, qch)], s_v, gsem)

        def wait_idx():
            pltpu.make_async_copy(g_hbm.at[s, pl.ds(0, qch)], g_v,
                                  gsem).wait()
            pltpu.make_async_copy(s_hbm.at[s, pl.ds(0, qch)], s_v,
                                  gsem).wait()

        load_idx(0)
        pltpu.sync_copy(z_hbm, accum.at[pl.ds(s * z_rows, z_rows)])
        pltpu.sync_copy(table_hbm.at[c, pl.ds(s * z_rows, z_rows)],
                        table_sp.at[pl.ds(s * z_rows, z_rows)])
        plsc.subcore_barrier()

        def fire_gather(j, b):
            pltpu.async_copy(table_sp.at[g_v.at[j]], rows_v.at[b], gsem)

        def wait_gather(b):
            pltpu.make_async_copy(table_sp.at[g_v.at[0]],
                                  rows_v.at[b], gsem).wait()

        def fire_scatter(j, b):
            pltpu.async_copy(rows_v.at[b], accum.at[s_v.at[j]], ssem,
                             add=True)

        def drain_scatter(b):
            pltpu.make_async_copy(rows_v.at[b], accum.at[s_v.at[0]],
                                  ssem).wait()

        def ring_step(t4, carry):
            for r in range(NB):
                t = t4 * NB + r
                wait_gather(r)
                fire_scatter(t, r)

                @pl.when(t >= 2)
                def _():
                    drain_scatter((r + 2) % NB)

                @pl.when(t + 2 < qch)
                def _():
                    fire_gather(t + 2, (r + 2) % NB)
            return carry

        for q in range(nsub):
            if q:
                load_idx(q)
            wait_idx()
            fire_gather(0, 0)
            fire_gather(1, 1)
            lax.fori_loop(0, qch // NB, ring_step, 0)
            drain_scatter(0)
            drain_scatter(1)

        plsc.subcore_barrier()
        pltpu.sync_copy(accum.at[pl.ds(s * z_rows, z_rows)],
                        out_hbm.at[c, pl.ds(s * z_rows, z_rows)])

    return pl.kernel(
        body,
        out_type=jax.ShapeDtypeStruct((NC, a_pad, d2), jnp.float32),
        mesh=plsc.VectorSubcoreMesh(core_axis_name="c", subcore_axis_name="s"),
        compiler_params=pltpu.CompilerParams(use_tc_tiling_on_sc=False),
        scratch_types=[
            pltpu.VMEM_SHARED((a_pad, d2), jnp.float32),
            pltpu.VMEM_SHARED((a_pad, d2), jnp.float32),
            pltpu.VMEM((chunks // nsub, CHUNK), jnp.int32),
            pltpu.VMEM((chunks // nsub, CHUNK), jnp.int32),
            pltpu.VMEM((NB, CHUNK, d2), jnp.float32),
            pltpu.SemaphoreType.DMA,
            pltpu.SemaphoreType.DMA,
        ],
    )(table, g_idx, s_idx, zeros)



def kernel(literal_feat, clause_feat, edge_index,
           W1_l2c, b1_l2c, W2_l2c, b2_l2c,
           W1_c2l, b1_c2l, W2_c2l, b2_c2l):
    n_lit, d_in = literal_feat.shape
    n_cl = clause_feat.shape[0]
    e = edge_index.shape[1]
    d = W2_l2c.shape[1]
    d2 = d // 2

    grain = NS * CHUNK * 2 * K * 4
    e_pad = -(-e // grain) * grain
    chunks = e_pad // (NS * CHUNK)
    a_pad = -(-(max(n_lit, n_cl) + 1) // (NS * 8)) * (NS * 8)
    dummy = max(n_lit, n_cl)

    src = edge_index[0].astype(jnp.int32)
    dst = edge_index[1].astype(jnp.int32)
    pad = e_pad - e
    dpad = jnp.full((pad,), dummy, jnp.int32)
    srcp = jnp.concatenate([src, dpad]).reshape(NS, chunks, CHUNK)
    dstp = jnp.concatenate([dst, dpad]).reshape(NS, chunks, CHUNK)
    zeros = jnp.zeros((a_pad // NS, d2), jnp.float32)

    wh_l2c = _mlp1(literal_feat, W1_l2c, b1_l2c.reshape(1, -1),
                   W2_l2c, b2_l2c.reshape(1, -1), a_pad)
    p_cl = _edge_pass(wh_l2c, srcp, dstp, zeros, a_pad)
    wh_c2l = _mlp2(p_cl, clause_feat,
                   W1_c2l[:d], W1_c2l[d:],
                   b1_c2l.reshape(1, -1), W2_c2l, b2_c2l.reshape(1, -1), a_pad)
    p_lit = _edge_pass(wh_c2l, dstp, srcp, zeros, a_pad)
    return _relu_halves(p_lit, n_lit)

# --- scband reference (transcript-rebuilt; emitter-appended) ---
"""Pipeline reference for scband-cnflayer-24507083391229 (READ-ONLY COPY).

The authoritative reference and input builder live on the scoring server;
editing this copy changes nothing except your own understanding.
"""

import jax, jax.numpy as jnp
import numpy as np

N_LIT = 10000
N_CL = 10000
E = 320000
IN_SIZE = 128
CLAUSE_SIZE = 128
OUT_SIZE = 128
CLABEL_DIM = 16
HIDDEN = 128


def setup_inputs(seed: int = 0) -> dict:
    key = jax.random.key(seed)
    ks = jax.random.split(key, 12)
    inp = {}
    inp["literal_feat"] = jax.random.normal(ks[0], (N_LIT, IN_SIZE), dtype=jnp.float32)
    inp["clause_feat"] = jax.random.normal(ks[1], (N_CL, CLABEL_DIM), dtype=jnp.float32)
    src = jax.random.randint(ks[2], (E,), 0, N_LIT)
    dst = jax.random.randint(ks[3], (E,), 0, N_CL)
    inp["edge_index"] = jnp.stack([src, dst], axis=0).astype(jnp.int64)
    # MLPModel l2c: Linear(in_size,128) -> relu -> Linear(128, clause_size)
    inp["W1_l2c"] = jax.random.normal(ks[4], (IN_SIZE, HIDDEN), dtype=jnp.float32) * 0.05
    inp["b1_l2c"] = jnp.zeros((HIDDEN,), dtype=jnp.float32)
    inp["W2_l2c"] = jax.random.normal(ks[5], (HIDDEN, CLAUSE_SIZE), dtype=jnp.float32) * 0.05
    inp["b2_l2c"] = jnp.zeros((CLAUSE_SIZE,), dtype=jnp.float32)
    # MLPModel c2l: Linear(clause_size+clabel_dim,128) -> relu -> Linear(128, out_size)
    inp["W1_c2l"] = jax.random.normal(ks[6], (CLAUSE_SIZE + CLABEL_DIM, HIDDEN), dtype=jnp.float32) * 0.05
    inp["b1_c2l"] = jnp.zeros((HIDDEN,), dtype=jnp.float32)
    inp["W2_c2l"] = jax.random.normal(ks[7], (HIDDEN, OUT_SIZE), dtype=jnp.float32) * 0.05
    inp["b2_c2l"] = jnp.zeros((OUT_SIZE,), dtype=jnp.float32)
    return inp


def _mlp(x, W1, b1, W2, b2):
    h = jnp.maximum(x @ W1 + b1, 0.0)
    return h @ W2 + b2


def reference(literal_feat, clause_feat, edge_index, W1_l2c, b1_l2c, W2_l2c, b2_l2c, W1_c2l, b1_c2l, W2_c2l, b2_c2l):
    src = edge_index[0]  # literal ids
    dst = edge_index[1]  # clause ids
    # l2c message passing: Wh_l2c = MLP(literal); copy_src then sum over incoming edges at clauses
    Wh_l2c = _mlp(literal_feat, W1_l2c, b1_l2c, W2_l2c, b2_l2c)  # [N_lit, clause_size]
    h_clause = jnp.zeros((clause_feat.shape[0], Wh_l2c.shape[1]), dtype=Wh_l2c.dtype)
    h_clause = h_clause.at[dst].add(jnp.take(Wh_l2c, src, axis=0))
    cembs = jax.nn.relu(h_clause)
    # c2l message passing: Wh_c2l = MLP(concat(cembs, clause_feat))
    Wh_c2l = _mlp(jnp.concatenate([cembs, clause_feat], axis=1), W1_c2l, b1_c2l, W2_c2l, b2_c2l)  # [N_cl, out_size]
    h_lit = jnp.zeros((literal_feat.shape[0], Wh_c2l.shape[1]), dtype=Wh_c2l.dtype)
    h_lit = h_lit.at[src].add(jnp.take(Wh_c2l, dst, axis=0))
    lembs = jax.nn.relu(h_lit)
    return lembs

if __name__ == "__main__":
    import jax
    _d = setup_inputs()
    print(jax.jit(kernel)(*tuple(_d.values())))

</pallas_src>

<mosaic_0001>
#map = affine_map<(d0, d1) -> (0, 0, 0)>
#map1 = affine_map<(d0, d1) -> (0, 0)>
module attributes {stable_mosaic.version = 14 : i64} {
  func.func @body(%arg0: i32, %arg1: i32, %arg2: memref<2x10112x64xf32, #tpu.memory_space<hbm>>, %arg3: memref<16x160x128xi32, #tpu.memory_space<hbm>>, %arg4: memref<16x160x128xi32, #tpu.memory_space<hbm>>, %arg5: memref<632x64xf32, #tpu.memory_space<hbm>>, %arg6: memref<2x10112x64xf32, #tpu.memory_space<hbm>>, %arg7: memref<10112x64xf32, #tpu.memory_space<vmem_shared>>, %arg8: memref<10112x64xf32, #tpu.memory_space<vmem_shared>>, %arg9: memref<40x128xi32, #tpu.memory_space<vmem>>, %arg10: memref<40x128xi32, #tpu.memory_space<vmem>>, %arg11: memref<4x128x64xf32, #tpu.memory_space<vmem>>, %arg12: memref<!tpu.dma_semaphore, #tpu.memory_space<semaphore_mem>>, %arg13: memref<!tpu.dma_semaphore, #tpu.memory_space<semaphore_mem>>) attributes {dimension_semantics = [#tpu.dimension_semantics<core_parallel>, #tpu.dimension_semantics<subcore_parallel>], iteration_bounds = array<i64: 2, 16>, scalar_prefetch = 0 : i64, scratch_operands = 7 : i64, tpu.core_type = #tpu.core_type<sc_vector_subcore>, window_params = [{transform_indices = #map}, {transform_indices = #map}, {transform_indices = #map}, {transform_indices = #map1}, {transform_indices = #map}]} {
    %dma_start3A = arith.constant 0 : i32
    %dma_start3A_0 = arith.constant 0 : i32
    %dma_start3A_1 = tpu.memref_slice %arg3[%arg1, %dma_start3A, %dma_start3A_0] : memref<16x160x128xi32, #tpu.memory_space<hbm>> -> memref<1x40x128xi32, #tpu.memory_space<hbm>>
    %dma_start3A_2 = tpu.memref_squeeze %dma_start3A_1 : memref<1x40x128xi32, #tpu.memory_space<hbm>> -> memref<40x128xi32, #tpu.memory_space<hbm>>
    %dma_start3A_3 = arith.constant 0 : i32
    %dma_start3A_4 = arith.constant 0 : i32
    %dma_start3A_5 = tpu.memref_slice %arg3[%arg1, %dma_start3A_3, %dma_start3A_4] : memref<16x160x128xi32, #tpu.memory_space<hbm>> -> memref<1x40x128xi32, #tpu.memory_space<hbm>>
    %dma_start3A_6 = tpu.memref_squeeze %dma_start3A_5 : memref<1x40x128xi32, #tpu.memory_space<hbm>> -> memref<40x128xi32, #tpu.memory_space<hbm>>
    tpu.enqueue_dma source(%dma_start3A_6 : memref<40x128xi32, #tpu.memory_space<hbm>>) target(%arg9 : memref<40x128xi32, #tpu.memory_space<vmem>>) target_semaphore(%arg12 : memref<!tpu.dma_semaphore, #tpu.memory_space<semaphore_mem>>)
    %dma_start3A_7 = arith.constant 0 : i32
    %dma_start3A_8 = arith.constant 0 : i32
    %dma_start3A_9 = tpu.memref_slice %arg4[%arg1, %dma_start3A_7, %dma_start3A_8] : memref<16x160x128xi32, #tpu.memory_space<hbm>> -> memref<1x40x128xi32, #tpu.memory_space<hbm>>
    %dma_start3A_10 = tpu.memref_squeeze %dma_start3A_9 : memref<1x40x128xi32, #tpu.memory_space<hbm>> -> memref<40x128xi32, #tpu.memory_space<hbm>>
    %dma_start3A_11 = arith.constant 0 : i32
    %dma_start3A_12 = arith.constant 0 : i32
    %dma_start3A_13 = tpu.memref_slice %arg4[%arg1, %dma_start3A_11, %dma_start3A_12] : memref<16x160x128xi32, #tpu.memory_space<hbm>> -> memref<1x40x128xi32, #tpu.memory_space<hbm>>
    %dma_start3A_14 = tpu.memref_squeeze %dma_start3A_13 : memref<1x40x128xi32, #tpu.memory_space<hbm>> -> memref<40x128xi32, #tpu.memory_space<hbm>>
    tpu.enqueue_dma source(%dma_start3A_14 : memref<40x128xi32, #tpu.memory_space<hbm>>) target(%arg10 : memref<40x128xi32, #tpu.memory_space<vmem>>) target_semaphore(%arg12 : memref<!tpu.dma_semaphore, #tpu.memory_space<semaphore_mem>>)
    %mul3A = arith.constant 632 : i32
    %mul3A_15 = arith.muli %arg1, %mul3A : i32
    "tpu.region"() ({
      %run_scoped3A = tpu.sem_alloc : memref<!tpu.dma_semaphore, #tpu.memory_space<semaphore_mem>>
      %dma_start3A_351 = arith.constant 0 : i32
      %dma_start3A_352 = tpu.memref_slice %arg8[%mul3A_15, %dma_start3A_351] : memref<10112x64xf32, #tpu.memory_space<vmem_shared>> -> memref<632x64xf32, #tpu.memory_space<vmem_shared>>
      tpu.enqueue_dma source(%arg5 : memref<632x64xf32, #tpu.memory_space<hbm>>) target(%dma_start3A_352 : memref<632x64xf32, #tpu.memory_space<vmem_shared>>) target_semaphore(%run_scoped3A : memref<!tpu.dma_semaphore, #tpu.memory_space<semaphore_mem>>)
      %dma_wait3A_353 = arith.constant 0 : i32
      %dma_wait3A_354 = tpu.memref_slice %arg8[%mul3A_15, %dma_wait3A_353] : memref<10112x64xf32, #tpu.memory_space<vmem_shared>> -> memref<632x64xf32, #tpu.memory_space<vmem_shared>>
      tpu.wait_dma2 semaphore(%run_scoped3A : memref<!tpu.dma_semaphore, #tpu.memory_space<semaphore_mem>>) src(%arg5 : memref<632x64xf32, #tpu.memory_space<hbm>>) dst(%dma_wait3A_354 : memref<632x64xf32, #tpu.memory_space<vmem_shared>>)
      tpu.yield
    }) : () -> ()
    %mul3A_16 = arith.constant 632 : i32
    %mul3A_17 = arith.muli %arg1, %mul3A_16 : i32
    %mul3A_18 = arith.constant 632 : i32
    %mul3A_19 = arith.muli %arg1, %mul3A_18 : i32
    "tpu.region"() ({
      %run_scoped3A = tpu.sem_alloc : memref<!tpu.dma_semaphore, #tpu.memory_space<semaphore_mem>>
      %dma_start3A_351 = arith.constant 0 : i32
      %dma_start3A_352 = tpu.memref_slice %arg7[%mul3A_19, %dma_start3A_351] : memref<10112x64xf32, #tpu.memory_space<vmem_shared>> -> memref<632x64xf32, #tpu.memory_space<vmem_shared>>
      %dma_start3A_353 = arith.constant 0 : i32
      %dma_start3A_354 = tpu.memref_slice %arg2[%arg0, %mul3A_17, %dma_start3A_353] : memref<2x10112x64xf32, #tpu.memory_space<hbm>> -> memref<1x632x64xf32, #tpu.memory_space<hbm>>
      %dma_start3A_355 = tpu.memref_squeeze %dma_start3A_354 : memref<1x632x64xf32, #tpu.memory_space<hbm>> -> memref<632x64xf32, #tpu.memory_space<hbm>>
      tpu.enqueue_dma source(%dma_start3A_355 : memref<632x64xf32, #tpu.memory_space<hbm>>) target(%dma_start3A_352 : memref<632x64xf32, #tpu.memory_space<vmem_shared>>) target_semaphore(%run_scoped3A : memref<!tpu.dma_semaphore, #tpu.memory_space<semaphore_mem>>)
      %dma_wait3A_356 = arith.constant 0 : i32
      %dma_wait3A_357 = tpu.memref_slice %arg7[%mul3A_19, %dma_wait3A_356] : memref<10112x64xf32, #tpu.memory_space<vmem_shared>> -> memref<632x64xf32, #tpu.memory_space<vmem_shared>>
      %dma_wait3A_358 = arith.constant 0 : i32
      %dma_wait3A_359 = tpu.memref_slice %arg2[%arg0, %mul3A_17, %dma_wait3A_358] : memref<2x10112x64xf32, #tpu.memory_space<hbm>> -> memref<1x632x64xf32, #tpu.memory_space<hbm>>
      %dma_wait3A_360 = tpu.memref_squeeze %dma_wait3A_359 : memref<1x632x64xf32, #tpu.memory_space<hbm>> -> memref<632x64xf32, #tpu.memory_space<hbm>>
      tpu.wait_dma2 semaphore(%run_scoped3A : memref<!tpu.dma_semaphore, #tpu.memory_space<semaphore_mem>>) src(%dma_wait3A_360 : memref<632x64xf32, #tpu.memory_space<hbm>>) dst(%dma_wait3A_357 : memref<632x64xf32, #tpu.memory_space<vmem_shared>>)
      tpu.yield
    }) : () -> ()
    %barrier3A = arith.constant 0 : index
    tpu.barrier barrier_id(%barrier3A)
    %dma_wait3A = arith.constant 0 : i32
    %dma_wait3A_20 = arith.constant 0 : i32
    %dma_wait3A_21 = tpu.memref_slice %arg3[%arg1, %dma_wait3A, %dma_wait3A_20] : memref<16x160x128xi32, #tpu.memory_space<hbm>> -> memref<1x40x128xi32, #tpu.memory_space<hbm>>
    %dma_wait3A_22 = tpu.memref_squeeze %dma_wait3A_21 : memref<1x40x128xi32, #tpu.memory_space<hbm>> -> memref<40x128xi32, #tpu.memory_space<hbm>>
    %dma_wait3A_23 = arith.constant 0 : i32
    %dma_wait3A_24 = arith.constant 0 : i32
    %dma_wait3A_25 = tpu.memref_slice %arg3[%arg1, %dma_wait3A_23, %dma_wait3A_24] : memref<16x160x128xi32, #tpu.memory_space<hbm>> -> memref<1x40x128xi32, #tpu.memory_space<hbm>>
    %dma_wait3A_26 = tpu.memref_squeeze %dma_wait3A_25 : memref<1x40x128xi32, #tpu.memory_space<hbm>> -> memref<40x128xi32, #tpu.memory_space<hbm>>
    tpu.wait_dma2 semaphore(%arg12 : memref<!tpu.dma_semaphore, #tpu.memory_space<semaphore_mem>>) src(%dma_wait3A_26 : memref<40x128xi32, #tpu.memory_space<hbm>>) dst(%arg9 : memref<40x128xi32, #tpu.memory_space<vmem>>)
    %dma_wait3A_27 = arith.constant 0 : i32
    %dma_wait3A_28 = arith.constant 0 : i32
    %dma_wait3A_29 = tpu.memref_slice %arg4[%arg1, %dma_wait3A_27, %dma_wait3A_28] : memref<16x160x128xi32, #tpu.memory_space<hbm>> -> memref<1x40x128xi32, #tpu.memory_space<hbm>>
    %dma_wait3A_30 = tpu.memref_squeeze %dma_wait3A_29 : memref<1x40x128xi32, #tpu.memory_space<hbm>> -> memref<40x128xi32, #tpu.memory_space<hbm>>
    %dma_wait3A_31 = arith.constant 0 : i32
    %dma_wait3A_32 = arith.constant 0 : i32
    %dma_wait3A_33 = tpu.memref_slice %arg4[%arg1, %dma_wait3A_31, %dma_wait3A_32] : memref<16x160x128xi32, #tpu.memory_space<hbm>> -> memref<1x40x128xi32, #tpu.memory_space<hbm>>
    %dma_wait3A_34 = tpu.memref_squeeze %dma_wait3A_33 : memref<1x40x128xi32, #tpu.memory_space<hbm>> -> memref<40x128xi32, #tpu.memory_space<hbm>>
    tpu.wait_dma2 semaphore(%arg12 : memref<!tpu.dma_semaphore, #tpu.memory_space<semaphore_mem>>) src(%dma_wait3A_34 : memref<40x128xi32, #tpu.memory_space<hbm>>) dst(%arg10 : memref<40x128xi32, #tpu.memory_space<vmem>>)
    %dma_start3A_35 = arith.constant 0 : i32
    %dma_start3A_36 = arith.constant 0 : i32
    %dma_start3A_37 = arith.constant 0 : i32
    %dma_start3A_38 = arith.constant 0 : i32
    %dma_start3A_39 = tpu.memref_slice %arg11[%dma_start3A_36, %dma_start3A_37, %dma_start3A_38] : memref<4x128x64xf32, #tpu.memory_space<vmem>> -> memref<1x128x64xf32, #tpu.memory_space<vmem>>
    %dma_start3A_40 = tpu.memref_squeeze %dma_start3A_39 : memref<1x128x64xf32, #tpu.memory_space<vmem>> -> memref<128x64xf32, #tpu.memory_space<vmem>>
    %dma_start3A_41 = arith.constant 0 : i32
    %dma_start3A_42 = tpu.memref_slice %arg9[%dma_start3A_35, %dma_start3A_41] : memref<40x128xi32, #tpu.memory_space<vmem>> -> memref<1x128xi32, #tpu.memory_space<vmem>>
    %dma_start3A_43 = tpu.memref_squeeze %dma_start3A_42 : memref<1x128xi32, #tpu.memory_space<vmem>> -> memref<128xi32, #tpu.memory_space<vmem>>
    %dma_start3A_44 = arith.constant 0 : i32
    %dma_start3A_45 = arith.constant 0 : i32
    %dma_start3A_46 = tpu.memref_slice %arg7[%dma_start3A_44, %dma_start3A_45] : memref<10112x64xf32, #tpu.memory_space<vmem_shared>> -> memref<10112x64xf32, #tpu.memory_space<vmem_shared>>
    tpu.enqueue_indirect_dma source(%dma_start3A_46 : memref<10112x64xf32, #tpu.memory_space<vmem_shared>>) target(%dma_start3A_40 : memref<128x64xf32, #tpu.memory_space<vmem>>) offsets(%dma_start3A_43 : memref<128xi32, #tpu.memory_space<vmem>>) semaphore(%arg12 : memref<!tpu.dma_semaphore, #tpu.memory_space<semaphore_mem>>)
    %dma_start3A_47 = arith.constant 1 : i32
    %dma_start3A_48 = arith.constant 1 : i32
    %dma_start3A_49 = arith.constant 0 : i32
    %dma_start3A_50 = arith.constant 0 : i32
    %dma_start3A_51 = tpu.memref_slice %arg11[%dma_start3A_48, %dma_start3A_49, %dma_start3A_50] : memref<4x128x64xf32, #tpu.memory_space<vmem>> -> memref<1x128x64xf32, #tpu.memory_space<vmem>>
    %dma_start3A_52 = tpu.memref_squeeze %dma_start3A_51 : memref<1x128x64xf32, #tpu.memory_space<vmem>> -> memref<128x64xf32, #tpu.memory_space<vmem>>
    %dma_start3A_53 = arith.constant 0 : i32
    %dma_start3A_54 = tpu.memref_slice %arg9[%dma_start3A_47, %dma_start3A_53] : memref<40x128xi32, #tpu.memory_space<vmem>> -> memref<1x128xi32, #tpu.memory_space<vmem>>
    %dma_start3A_55 = tpu.memref_squeeze %dma_start3A_54 : memref<1x128xi32, #tpu.memory_space<vmem>> -> memref<128xi32, #tpu.memory_space<vmem>>
    %dma_start3A_56 = arith.constant 0 : i32
    %dma_start3A_57 = arith.constant 0 : i32
    %dma_start3A_58 = tpu.memref_slice %arg7[%dma_start3A_56, %dma_start3A_57] : memref<10112x64xf32, #tpu.memory_space<vmem_shared>> -> memref<10112x64xf32, #tpu.memory_space<vmem_shared>>
    tpu.enqueue_indirect_dma source(%dma_start3A_58 : memref<10112x64xf32, #tpu.memory_space<vmem_shared>>) target(%dma_start3A_52 : memref<128x64xf32, #tpu.memory_space<vmem>>) offsets(%dma_start3A_55 : memref<128xi32, #tpu.memory_space<vmem>>) semaphore(%arg12 : memref<!tpu.dma_semaphore, #tpu.memory_space<semaphore_mem>>)
    %scan3A = arith.constant 0 : i32
    %scan3A_59 = arith.constant 0 : i32
    %scan3A_60 = arith.constant 10 : i32
    %scan3A_61 = arith.addi %scan3A_59, %scan3A_60 : i32
    %scan3A_62 = arith.constant 1 : i32
    scf.for %scan3A_351 = %scan3A_59 to %scan3A_61 step %scan3A_62  : i32 {
      %mul3A_352 = arith.constant 4 : i32
      %mul3A_353 = arith.muli %scan3A_351, %mul3A_352 : i32
      %add3A = arith.constant 0 : i32
      %add3A_354 = arith.addi %mul3A_353, %add3A : i32
      %dma_wait3A_355 = arith.constant 0 : i32
      %dma_wait3A_356 = arith.constant 0 : i32
      %dma_wait3A_357 = arith.constant 0 : i32
      %dma_wait3A_358 = arith.constant 0 : i32
      %dma_wait3A_359 = tpu.memref_slice %arg11[%dma_wait3A_356, %dma_wait3A_357, %dma_wait3A_358] : memref<4x128x64xf32, #tpu.memory_space<vmem>> -> memref<1x128x64xf32, #tpu.memory_space<vmem>>
      %dma_wait3A_360 = tpu.memref_squeeze %dma_wait3A_359 : memref<1x128x64xf32, #tpu.memory_space<vmem>> -> memref<128x64xf32, #tpu.memory_space<vmem>>
      %dma_wait3A_361 = arith.constant 0 : i32
      %dma_wait3A_362 = tpu.memref_slice %arg9[%dma_wait3A_355, %dma_wait3A_361] : memref<40x128xi32, #tpu.memory_space<vmem>> -> memref<1x128xi32, #tpu.memory_space<vmem>>
      %dma_wait3A_363 = tpu.memref_squeeze %dma_wait3A_362 : memref<1x128xi32, #tpu.memory_space<vmem>> -> memref<128xi32, #tpu.memory_space<vmem>>
      %dma_wait3A_364 = arith.constant 0 : i32
      %dma_wait3A_365 = arith.constant 0 : i32
      %dma_wait3A_366 = tpu.memref_slice %arg7[%dma_wait3A_364, %dma_wait3A_365] : memref<10112x64xf32, #tpu.memory_space<vmem_shared>> -> memref<10112x64xf32, #tpu.memory_space<vmem_shared>>
      tpu.wait_indirect_dma semaphore(%arg12 : memref<!tpu.dma_semaphore, #tpu.memory_space<semaphore_mem>>) src(%dma_wait3A_366 : memref<10112x64xf32, #tpu.memory_space<vmem_shared>>) dst(%dma_wait3A_360 : memref<128x64xf32, #tpu.memory_space<vmem>>)
      %dma_start3A_367 = arith.constant 0 : i32
      %dma_start3A_368 = arith.constant 0 : i32
      %dma_start3A_369 = arith.constant 0 : i32
      %dma_start3A_370 = tpu.memref_slice %arg11[%dma_start3A_367, %dma_start3A_368, %dma_start3A_369] : memref<4x128x64xf32, #tpu.memory_space<vmem>> -> memref<1x128x64xf32, #tpu.memory_space<vmem>>
      %dma_start3A_371 = tpu.memref_squeeze %dma_start3A_370 : memref<1x128x64xf32, #tpu.memory_space<vmem>> -> memref<128x64xf32, #tpu.memory_space<vmem>>
      %dma_start3A_372 = arith.constant 0 : i32
      %dma_start3A_373 = tpu.memref_slice %arg10[%add3A_354, %dma_start3A_372] : memref<40x128xi32, #tpu.memory_space<vmem>> -> memref<1x128xi32, #tpu.memory_space<vmem>>
      %dma_start3A_374 = tpu.memref_squeeze %dma_start3A_373 : memref<1x128xi32, #tpu.memory_space<vmem>> -> memref<128xi32, #tpu.memory_space<vmem>>
      %dma_start3A_375 = arith.constant 0 : i32
      %dma_start3A_376 = arith.constant 0 : i32
      %dma_start3A_377 = tpu.memref_slice %arg8[%dma_start3A_375, %dma_start3A_376] : memref<10112x64xf32, #tpu.memory_space<vmem_shared>> -> memref<10112x64xf32, #tpu.memory_space<vmem_shared>>
      tpu.enqueue_indirect_dma source(%dma_start3A_371 : memref<128x64xf32, #tpu.memory_space<vmem>>) target(%dma_start3A_377 : memref<10112x64xf32, #tpu.memory_space<vmem_shared>>) offsets(%dma_start3A_374 : memref<128xi32, #tpu.memory_space<vmem>>) semaphore(%arg13 : memref<!tpu.dma_semaphore, #tpu.memory_space<semaphore_mem>>) {add = true}
      %ge3A = arith.constant 2 : i32
      %ge3A_378 = arith.cmpi sge, %add3A_354, %ge3A : i32
      %convert_element_type3A = arith.extui %ge3A_378 : i1 to i32
      %cond3A = arith.constant 0 : i32
      %cond3A_379 = arith.cmpi ne, %convert_element_type3A, %cond3A : i32
      scf.if %cond3A_379 {
        %dma_wait3A_503 = arith.constant 2 : i32
        %dma_wait3A_504 = arith.constant 0 : i32
        %dma_wait3A_505 = arith.constant 0 : i32
        %dma_wait3A_506 = arith.constant 0 : i32
        %dma_wait3A_507 = tpu.memref_slice %arg11[%dma_wait3A_503, %dma_wait3A_505, %dma_wait3A_506] : memref<4x128x64xf32, #tpu.memory_space<vmem>> -> memref<1x128x64xf32, #tpu.memory_space<vmem>>
        %dma_wait3A_508 = tpu.memref_squeeze %dma_wait3A_507 : memref<1x128x64xf32, #tpu.memory_space<vmem>> -> memref<128x64xf32, #tpu.memory_space<vmem>>
        %dma_wait3A_509 = arith.constant 0 : i32
        %dma_wait3A_510 = tpu.memref_slice %arg10[%dma_wait3A_504, %dma_wait3A_509] : memref<40x128xi32, #tpu.memory_space<vmem>> -> memref<1x128xi32, #tpu.memory_space<vmem>>
        %dma_wait3A_511 = tpu.memref_squeeze %dma_wait3A_510 : memref<1x128xi32, #tpu.memory_space<vmem>> -> memref<128xi32, #tpu.memory_space<vmem>>
        %dma_wait3A_512 = arith.constant 0 : i32
        %dma_wait3A_513 = arith.constant 0 : i32
        %dma_wait3A_514 = tpu.memref_slice %arg8[%dma_wait3A_512, %dma_wait3A_513] : memref<10112x64xf32, #tpu.memory_space<vmem_shared>> -> memref<10112x64xf32, #tpu.memory_space<vmem_shared>>
        tpu.wait_indirect_dma semaphore(%arg13 : memref<!tpu.dma_semaphore, #tpu.memory_space<semaphore_mem>>) src(%dma_wait3A_508 : memref<128x64xf32, #tpu.memory_space<vmem>>) dst(%dma_wait3A_514 : memref<10112x64xf32, #tpu.memory_space<vmem_shared>>)
      } else {
      }
      %add3A_380 = arith.constant 2 : i32
      %add3A_381 = arith.addi %add3A_354, %add3A_380 : i32
      %lt3A = arith.constant 40 : i32
      %lt3A_382 = arith.cmpi slt, %add3A_381, %lt3A : i32
      %convert_element_type3A_383 = arith.extui %lt3A_382 : i1 to i32
      %cond3A_384 = arith.constant 0 : i32
      %cond3A_385 = arith.cmpi ne, %convert_element_type3A_383, %cond3A_384 : i32
      scf.if %cond3A_385 {
        %add3A_503 = arith.constant 2 : i32
        %add3A_504 = arith.addi %add3A_354, %add3A_503 : i32
        %dma_start3A_505 = arith.constant 2 : i32
        %dma_start3A_506 = arith.constant 0 : i32
        %dma_start3A_507 = arith.constant 0 : i32
        %dma_start3A_508 = tpu.memref_slice %arg11[%dma_start3A_505, %dma_start3A_506, %dma_start3A_507] : memref<4x128x64xf32, #tpu.memory_space<vmem>> -> memref<1x128x64xf32, #tpu.memory_space<vmem>>
        %dma_start3A_509 = tpu.memref_squeeze %dma_start3A_508 : memref<1x128x64xf32, #tpu.memory_space<vmem>> -> memref<128x64xf32, #tpu.memory_space<vmem>>
        %dma_start3A_510 = arith.constant 0 : i32
        %dma_start3A_511 = tpu.memref_slice %arg9[%add3A_504, %dma_start3A_510] : memref<40x128xi32, #tpu.memory_space<vmem>> -> memref<1x128xi32, #tpu.memory_space<vmem>>
        %dma_start3A_512 = tpu.memref_squeeze %dma_start3A_511 : memref<1x128xi32, #tpu.memory_space<vmem>> -> memref<128xi32, #tpu.memory_space<vmem>>
        %dma_start3A_513 = arith.constant 0 : i32
        %dma_start3A_514 = arith.constant 0 : i32
        %dma_start3A_515 = tpu.memref_slice %arg7[%dma_start3A_513, %dma_start3A_514] : memref<10112x64xf32, #tpu.memory_space<vmem_shared>> -> memref<10112x64xf32, #tpu.memory_space<vmem_shared>>
        tpu.enqueue_indirect_dma source(%dma_start3A_515 : memref<10112x64xf32, #tpu.memory_space<vmem_shared>>) target(%dma_start3A_509 : memref<128x64xf32, #tpu.memory_space<vmem>>) offsets(%dma_start3A_512 : memref<128xi32, #tpu.memory_space<vmem>>) semaphore(%arg12 : memref<!tpu.dma_semaphore, #tpu.memory_space<semaphore_mem>>)
      } else {
      }
      %mul3A_386 = arith.constant 4 : i32
      %mul3A_387 = arith.muli %scan3A_351, %mul3A_386 : i32
      %add3A_388 = arith.constant 1 : i32
      %add3A_389 = arith.addi %mul3A_387, %add3A_388 : i32
      %dma_wait3A_390 = arith.constant 0 : i32
      %dma_wait3A_391 = arith.constant 1 : i32
      %dma_wait3A_392 = arith.constant 0 : i32
      %dma_wait3A_393 = arith.constant 0 : i32
      %dma_wait3A_394 = tpu.memref_slice %arg11[%dma_wait3A_391, %dma_wait3A_392, %dma_wait3A_393] : memref<4x128x64xf32, #tpu.memory_space<vmem>> -> memref<1x128x64xf32, #tpu.memory_space<vmem>>
      %dma_wait3A_395 = tpu.memref_squeeze %dma_wait3A_394 : memref<1x128x64xf32, #tpu.memory_space<vmem>> -> memref<128x64xf32, #tpu.memory_space<vmem>>
      %dma_wait3A_396 = arith.constant 0 : i32
      %dma_wait3A_397 = tpu.memref_slice %arg9[%dma_wait3A_390, %dma_wait3A_396] : memref<40x128xi32, #tpu.memory_space<vmem>> -> memref<1x128xi32, #tpu.memory_space<vmem>>
      %dma_wait3A_398 = tpu.memref_squeeze %dma_wait3A_397 : memref<1x128xi32, #tpu.memory_space<vmem>> -> memref<128xi32, #tpu.memory_space<vmem>>
      %dma_wait3A_399 = arith.constant 0 : i32
      %dma_wait3A_400 = arith.constant 0 : i32
      %dma_wait3A_401 = tpu.memref_slice %arg7[%dma_wait3A_399, %dma_wait3A_400] : memref<10112x64xf32, #tpu.memory_space<vmem_shared>> -> memref<10112x64xf32, #tpu.memory_space<vmem_shared>>
      tpu.wait_indirect_dma semaphore(%arg12 : memref<!tpu.dma_semaphore, #tpu.memory_space<semaphore_mem>>) src(%dma_wait3A_401 : memref<10112x64xf32, #tpu.memory_space<vmem_shared>>) dst(%dma_wait3A_395 : memref<128x64xf32, #tpu.memory_space<vmem>>)
      %dma_start3A_402 = arith.constant 1 : i32
      %dma_start3A_403 = arith.constant 0 : i32
      %dma_start3A_404 = arith.constant 0 : i32
      %dma_start3A_405 = tpu.memref_slice %arg11[%dma_start3A_402, %dma_start3A_403, %dma_start3A_404] : memref<4x128x64xf32, #tpu.memory_space<vmem>> -> memref<1x128x64xf32, #tpu.memory_space<vmem>>
      %dma_start3A_406 = tpu.memref_squeeze %dma_start3A_405 : memref<1x128x64xf32, #tpu.memory_space<vmem>> -> memref<128x64xf32, #tpu.memory_space<vmem>>
      %dma_start3A_407 = arith.constant 0 : i32
      %dma_start3A_408 = tpu.memref_slice %arg10[%add3A_389, %dma_start3A_407] : memref<40x128xi32, #tpu.memory_space<vmem>> -> memref<1x128xi32, #tpu.memory_space<vmem>>
      %dma_start3A_409 = tpu.memref_squeeze %dma_start3A_408 : memref<1x128xi32, #tpu.memory_space<vmem>> -> memref<128xi32, #tpu.memory_space<vmem>>
      %dma_start3A_410 = arith.constant 0 : i32
      %dma_start3A_411 = arith.constant 0 : i32
      %dma_start3A_412 = tpu.memref_slice %arg8[%dma_start3A_410, %dma_start3A_411] : memref<10112x64xf32, #tpu.memory_space<vmem_shared>> -> memref<10112x64xf32, #tpu.memory_space<vmem_shared>>
      tpu.enqueue_indirect_dma source(%dma_start3A_406 : memref<128x64xf32, #tpu.memory_space<vmem>>) target(%dma_start3A_412 : memref<10112x64xf32, #tpu.memory_space<vmem_shared>>) offsets(%dma_start3A_409 : memref<128xi32, #tpu.memory_space<vmem>>) semaphore(%arg13 : memref<!tpu.dma_semaphore, #tpu.memory_space<semaphore_mem>>) {add = true}
      %ge3A_413 = arith.constant 2 : i32
      %ge3A_414 = arith.cmpi sge, %add3A_389, %ge3A_413 : i32
      %convert_element_type3A_415 = arith.extui %ge3A_414 : i1 to i32
      %cond3A_416 = arith.constant 0 : i32
      %cond3A_417 = arith.cmpi ne, %convert_element_type3A_415, %cond3A_416 : i32
      scf.if %cond3A_417 {
        %dma_wait3A_503 = arith.constant 3 : i32
        %dma_wait3A_504 = arith.constant 0 : i32
        %dma_wait3A_505 = arith.constant 0 : i32
        %dma_wait3A_506 = arith.constant 0 : i32
        %dma_wait3A_507 = tpu.memref_slice %arg11[%dma_wait3A_503, %dma_wait3A_505, %dma_wait3A_506] : memref<4x128x64xf32, #tpu.memory_space<vmem>> -> memref<1x128x64xf32, #tpu.memory_space<vmem>>
        %dma_wait3A_508 = tpu.memref_squeeze %dma_wait3A_507 : memref<1x128x64xf32, #tpu.memory_space<vmem>> -> memref<128x64xf32, #tpu.memory_space<vmem>>
        %dma_wait3A_509 = arith.constant 0 : i32
        %dma_wait3A_510 = tpu.memref_slice %arg10[%dma_wait3A_504, %dma_wait3A_509] : memref<40x128xi32, #tpu.memory_space<vmem>> -> memref<1x128xi32, #tpu.memory_space<vmem>>
        %dma_wait3A_511 = tpu.memref_squeeze %dma_wait3A_510 : memref<1x128xi32, #tpu.memory_space<vmem>> -> memref<128xi32, #tpu.memory_space<vmem>>
        %dma_wait3A_512 = arith.constant 0 : i32
        %dma_wait3A_513 = arith.constant 0 : i32
        %dma_wait3A_514 = tpu.memref_slice %arg8[%dma_wait3A_512, %dma_wait3A_513] : memref<10112x64xf32, #tpu.memory_space<vmem_shared>> -> memref<10112x64xf32, #tpu.memory_space<vmem_shared>>
        tpu.wait_indirect_dma semaphore(%arg13 : memref<!tpu.dma_semaphore, #tpu.memory_space<semaphore_mem>>) src(%dma_wait3A_508 : memref<128x64xf32, #tpu.memory_space<vmem>>) dst(%dma_wait3A_514 : memref<10112x64xf32, #tpu.memory_space<vmem_shared>>)
      } else {
      }
      %add3A_418 = arith.constant 2 : i32
      %add3A_419 = arith.addi %add3A_389, %add3A_418 : i32
      %lt3A_420 = arith.constant 40 : i32
      %lt3A_421 = arith.cmpi slt, %add3A_419, %lt3A_420 : i32
      %convert_element_type3A_422 = arith.extui %lt3A_421 : i1 to i32
      %cond3A_423 = arith.constant 0 : i32
      %cond3A_424 = arith.cmpi ne, %convert_element_type3A_422, %cond3A_423 : i32
      scf.if %cond3A_424 {
        %add3A_503 = arith.constant 2 : i32
        %add3A_504 = arith.addi %add3A_389, %add3A_503 : i32
        %dma_start3A_505 = arith.constant 3 : i32
        %dma_start3A_506 = arith.constant 0 : i32
        %dma_start3A_507 = arith.constant 0 : i32
        %dma_start3A_508 = tpu.memref_slice %arg11[%dma_start3A_505, %dma_start3A_506, %dma_start3A_507] : memref<4x128x64xf32, #tpu.memory_space<vmem>> -> memref<1x128x64xf32, #tpu.memory_space<vmem>>
        %dma_start3A_509 = tpu.memref_squeeze %dma_start3A_508 : memref<1x128x64xf32, #tpu.memory_space<vmem>> -> memref<128x64xf32, #tpu.memory_space<vmem>>
        %dma_start3A_510 = arith.constant 0 : i32
        %dma_start3A_511 = tpu.memref_slice %arg9[%add3A_504, %dma_start3A_510] : memref<40x128xi32, #tpu.memory_space<vmem>> -> memref<1x128xi32, #tpu.memory_space<vmem>>
        %dma_start3A_512 = tpu.memref_squeeze %dma_start3A_511 : memref<1x128xi32, #tpu.memory_space<vmem>> -> memref<128xi32, #tpu.memory_space<vmem>>
        %dma_start3A_513 = arith.constant 0 : i32
        %dma_start3A_514 = arith.constant 0 : i32
        %dma_start3A_515 = tpu.memref_slice %arg7[%dma_start3A_513, %dma_start3A_514] : memref<10112x64xf32, #tpu.memory_space<vmem_shared>> -> memref<10112x64xf32, #tpu.memory_space<vmem_shared>>
        tpu.enqueue_indirect_dma source(%dma_start3A_515 : memref<10112x64xf32, #tpu.memory_space<vmem_shared>>) target(%dma_start3A_509 : memref<128x64xf32, #tpu.memory_space<vmem>>) offsets(%dma_start3A_512 : memref<128xi32, #tpu.memory_space<vmem>>) semaphore(%arg12 : memref<!tpu.dma_semaphore, #tpu.memory_space<semaphore_mem>>)
      } else {
      }
      %mul3A_425 = arith.constant 4 : i32
      %mul3A_426 = arith.muli %scan3A_351, %mul3A_425 : i32
      %add3A_427 = arith.constant 2 : i32
      %add3A_428 = arith.addi %mul3A_426, %add3A_427 : i32
      %dma_wait3A_429 = arith.constant 0 : i32
      %dma_wait3A_430 = arith.constant 2 : i32
      %dma_wait3A_431 = arith.constant 0 : i32
      %dma_wait3A_432 = arith.constant 0 : i32
      %dma_wait3A_433 = tpu.memref_slice %arg11[%dma_wait3A_430, %dma_wait3A_431, %dma_wait3A_432] : memref<4x128x64xf32, #tpu.memory_space<vmem>> -> memref<1x128x64xf32, #tpu.memory_space<vmem>>
      %dma_wait3A_434 = tpu.memref_squeeze %dma_wait3A_433 : memref<1x128x64xf32, #tpu.memory_space<vmem>> -> memref<128x64xf32, #tpu.memory_space<vmem>>
      %dma_wait3A_435 = arith.constant 0 : i32
      %dma_wait3A_436 = tpu.memref_slice %arg9[%dma_wait3A_429, %dma_wait3A_435] : memref<40x128xi32, #tpu.memory_space<vmem>> -> memref<1x128xi32, #tpu.memory_space<vmem>>
      %dma_wait3A_437 = tpu.memref_squeeze %dma_wait3A_436 : memref<1x128xi32, #tpu.memory_space<vmem>> -> memref<128xi32, #tpu.memory_space<vmem>>
      %dma_wait3A_438 = arith.constant 0 : i32
      %dma_wait3A_439 = arith.constant 0 : i32
      %dma_wait3A_440 = tpu.memref_slice %arg7[%dma_wait3A_438, %dma_wait3A_439] : memref<10112x64xf32, #tpu.memory_space<vmem_shared>> -> memref<10112x64xf32, #tpu.memory_space<vmem_shared>>
      tpu.wait_indirect_dma semaphore(%arg12 : memref<!tpu.dma_semaphore, #tpu.memory_space<semaphore_mem>>) src(%dma_wait3A_440 : memref<10112x64xf32, #tpu.memory_space<vmem_shared>>) dst(%dma_wait3A_434 : memref<128x64xf32, #tpu.memory_space<vmem>>)
      %dma_start3A_441 = arith.constant 2 : i32
      %dma_start3A_442 = arith.constant 0 : i32
      %dma_start3A_443 = arith.constant 0 : i32
      %dma_start3A_444 = tpu.memref_slice %arg11[%dma_start3A_441, %dma_start3A_442, %dma_start3A_443] : memref<4x128x64xf32, #tpu.memory_space<vmem>> -> memref<1x128x64xf32, #tpu.memory_space<vmem>>
      %dma_start3A_445 = tpu.memref_squeeze %dma_start3A_444 : memref<1x128x64xf32, #tpu.memory_space<vmem>> -> memref<128x64xf32, #tpu.memory_space<vmem>>
      %dma_start3A_446 = arith.constant 0 : i32
      %dma_start3A_447 = tpu.memref_slice %arg10[%add3A_428, %dma_start3A_446] : memref<40x128xi32, #tpu.memory_space<vmem>> -> memref<1x128xi32, #tpu.memory_space<vmem>>
      %dma_start3A_448 = tpu.memref_squeeze %dma_start3A_447 : memref<1x128xi32, #tpu.memory_space<vmem>> -> memref<128xi32, #tpu.memory_space<vmem>>
      %dma_start3A_449 = arith.constant 0 : i32
      %dma_start3A_450 = arith.constant 0 : i32
      %dma_start3A_451 = tpu.memref_slice %arg8[%dma_start3A_449, %dma_start3A_450] : memref<10112x64xf32, #tpu.memory_space<vmem_shared>> -> memref<10112x64xf32, #tpu.memory_space<vmem_shared>>
      tpu.enqueue_indirect_dma source(%dma_start3A_445 : memref<128x64xf32, #tpu.memory_space<vmem>>) target(%dma_start3A_451 : memref<10112x64xf32, #tpu.memory_space<vmem_shared>>) offsets(%dma_start3A_448 : memref<128xi32, #tpu.memory_space<vmem>>) semaphore(%arg13 : memref<!tpu.dma_semaphore, #tpu.memory_space<semaphore_mem>>) {add = true}
      %ge3A_452 = arith.constant 2 : i32
      %ge3A_453 = arith.cmpi sge, %add3A_428, %ge3A_452 : i32
      %convert_element_type3A_454 = arith.extui %ge3A_453 : i1 to i32
      %cond3A_455 = arith.constant 0 : i32
      %cond3A_456 = arith.cmpi ne, %convert_element_type3A_454, %cond3A_455 : i32
      scf.if %cond3A_456 {
        %dma_wait3A_503 = arith.constant 0 : i32
        %dma_wait3A_504 = arith.constant 0 : i32
        %dma_wait3A_505 = arith.constant 0 : i32
        %dma_wait3A_506 = arith.constant 0 : i32
        %dma_wait3A_507 = tpu.memref_slice %arg11[%dma_wait3A_503, %dma_wait3A_505, %dma_wait3A_506] : memref<4x128x64xf32, #tpu.memory_space<vmem>> -> memref<1x128x64xf32, #tpu.memory_space<vmem>>
        %dma_wait3A_508 = tpu.memref_squeeze %dma_wait3A_507 : memref<1x128x64xf32, #tpu.memory_space<vmem>> -> memref<128x64xf32, #tpu.memory_space<vmem>>
        %dma_wait3A_509 = arith.constant 0 : i32
        %dma_wait3A_510 = tpu.memref_slice %arg10[%dma_wait3A_504, %dma_wait3A_509] : memref<40x128xi32, #tpu.memory_space<vmem>> -> memref<1x128xi32, #tpu.memory_space<vmem>>
        %dma_wait3A_511 = tpu.memref_squeeze %dma_wait3A_510 : memref<1x128xi32, #tpu.memory_space<vmem>> -> memref<128xi32, #tpu.memory_space<vmem>>
        %dma_wait3A_512 = arith.constant 0 : i32
        %dma_wait3A_513 = arith.constant 0 : i32
        %dma_wait3A_514 = tpu.memref_slice %arg8[%dma_wait3A_512, %dma_wait3A_513] : memref<10112x64xf32, #tpu.memory_space<vmem_shared>> -> memref<10112x64xf32, #tpu.memory_space<vmem_shared>>
        tpu.wait_indirect_dma semaphore(%arg13 : memref<!tpu.dma_semaphore, #tpu.memory_space<semaphore_mem>>) src(%dma_wait3A_508 : memref<128x64xf32, #tpu.memory_space<vmem>>) dst(%dma_wait3A_514 : memref<10112x64xf32, #tpu.memory_space<vmem_shared>>)
      } else {
      }
      %add3A_457 = arith.constant 2 : i32
      %add3A_458 = arith.addi %add3A_428, %add3A_457 : i32
      %lt3A_459 = arith.constant 40 : i32
      %lt3A_460 = arith.cmpi slt, %add3A_458, %lt3A_459 : i32
      %convert_element_type3A_461 = arith.extui %lt3A_460 : i1 to i32
      %cond3A_462 = arith.constant 0 : i32
      %cond3A_463 = arith.cmpi ne, %convert_element_type3A_461, %cond3A_462 : i32
      scf.if %cond3A_463 {
        %add3A_503 = arith.constant 2 : i32
        %add3A_504 = arith.addi %add3A_428, %add3A_503 : i32
        %dma_start3A_505 = arith.constant 0 : i32
        %dma_start3A_506 = arith.constant 0 : i32
        %dma_start3A_507 = arith.constant 0 : i32
        %dma_start3A_508 = tpu.memref_slice %arg11[%dma_start3A_505, %dma_start3A_506, %dma_start3A_507] : memref<4x128x64xf32, #tpu.memory_space<vmem>> -> memref<1x128x64xf32, #tpu.memory_space<vmem>>
        %dma_start3A_509 = tpu.memref_squeeze %dma_start3A_508 : memref<1x128x64xf32, #tpu.memory_space<vmem>> -> memref<128x64xf32, #tpu.memory_space<vmem>>
        %dma_start3A_510 = arith.constant 0 : i32
        %dma_start3A_511 = tpu.memref_slice %arg9[%add3A_504, %dma_start3A_510] : memref<40x128xi32, #tpu.memory_space<vmem>> -> memref<1x128xi32, #tpu.memory_space<vmem>>
        %dma_start3A_512 = tpu.memref_squeeze %dma_start3A_511 : memref<1x128xi32, #tpu.memory_space<vmem>> -> memref<128xi32, #tpu.memory_space<vmem>>
        %dma_start3A_513 = arith.constant 0 : i32
        %dma_start3A_514 = arith.constant 0 : i32
        %dma_start3A_515 = tpu.memref_slice %arg7[%dma_start3A_513, %dma_start3A_514] : memref<10112x64xf32, #tpu.memory_space<vmem_shared>> -> memref<10112x64xf32, #tpu.memory_space<vmem_shared>>
        tpu.enqueue_indirect_dma source(%dma_start3A_515 : memref<10112x64xf32, #tpu.memory_space<vmem_shared>>) target(%dma_start3A_509 : memref<128x64xf32, #tpu.memory_space<vmem>>) offsets(%dma_start3A_512 : memref<128xi32, #tpu.memory_space<vmem>>) semaphore(%arg12 : memref<!tpu.dma_semaphore, #tpu.memory_space<semaphore_mem>>)
      } else {
      }
      %mul3A_464 = arith.constant 4 : i32
      %mul3A_465 = arith.muli %scan3A_351, %mul3A_464 : i32
      %add3A_466 = arith.constant 3 : i32
      %add3A_467 = arith.addi %mul3A_465, %add3A_466 : i32
      %dma_wait3A_468 = arith.constant 0 : i32
      %dma_wait3A_469 = arith.constant 3 : i32
      %dma_wait3A_470 = arith.constant 0 : i32
      %dma_wait3A_471 = arith.constant 0 : i32
      %dma_wait3A_472 = tpu.memref_slice %arg11[%dma_wait3A_469, %dma_wait3A_470, %dma_wait3A_471] : memref<4x128x64xf32, #tpu.memory_space<vmem>> -> memref<1x128x64xf32, #tpu.memory_space<vmem>>
      %dma_wait3A_473 = tpu.memref_squeeze %dma_wait3A_472 : memref<1x128x64xf32, #tpu.memory_space<vmem>> -> memref<128x64xf32, #tpu.memory_space<vmem>>
      %dma_wait3A_474 = arith.constant 0 : i32
      %dma_wait3A_475 = tpu.memref_slice %arg9[%dma_wait3A_468, %dma_wait3A_474] : memref<40x128xi32, #tpu.memory_space<vmem>> -> memref<1x128xi32, #tpu.memory_space<vmem>>
      %dma_wait3A_476 = tpu.memref_squeeze %dma_wait3A_475 : memref<1x128xi32, #tpu.memory_space<vmem>> -> memref<128xi32, #tpu.memory_space<vmem>>
      %dma_wait3A_477 = arith.constant 0 : i32
      %dma_wait3A_478 = arith.constant 0 : i32
      %dma_wait3A_479 = tpu.memref_slice %arg7[%dma_wait3A_477, %dma_wait3A_478] : memref<10112x64xf32, #tpu.memory_space<vmem_shared>> -> memref<10112x64xf32, #tpu.memory_space<vmem_shared>>
      tpu.wait_indirect_dma semaphore(%arg12 : memref<!tpu.dma_semaphore, #tpu.memory_space<semaphore_mem>>) src(%dma_wait3A_479 : memref<10112x64xf32, #tpu.memory_space<vmem_shared>>) dst(%dma_wait3A_473 : memref<128x64xf32, #tpu.memory_space<vmem>>)
      %dma_start3A_480 = arith.constant 3 : i32
      %dma_start3A_481 = arith.constant 0 : i32
      %dma_start3A_482 = arith.constant 0 : i32
      %dma_start3A_483 = tpu.memref_slice %arg11[%dma_start3A_480, %dma_start3A_481, %dma_start3A_482] : memref<4x128x64xf32, #tpu.memory_space<vmem>> -> memref<1x128x64xf32, #tpu.memory_space<vmem>>
      %dma_start3A_484 = tpu.memref_squeeze %dma_start3A_483 : memref<1x128x64xf32, #tpu.memory_space<vmem>> -> memref<128x64xf32, #tpu.memory_space<vmem>>
      %dma_start3A_485 = arith.constant 0 : i32
      %dma_start3A_486 = tpu.memref_slice %arg10[%add3A_467, %dma_start3A_485] : memref<40x128xi32, #tpu.memory_space<vmem>> -> memref<1x128xi32, #tpu.memory_space<vmem>>
      %dma_start3A_487 = tpu.memref_squeeze %dma_start3A_486 : memref<1x128xi32, #tpu.memory_space<vmem>> -> memref<128xi32, #tpu.memory_space<vmem>>
      %dma_start3A_488 = arith.constant 0 : i32
      %dma_start3A_489 = arith.constant 0 : i32
      %dma_start3A_490 = tpu.memref_slice %arg8[%dma_start3A_488, %dma_start3A_489] : memref<10112x64xf32, #tpu.memory_space<vmem_shared>> -> memref<10112x64xf32, #tpu.memory_space<vmem_shared>>
      tpu.enqueue_indirect_dma source(%dma_start3A_484 : memref<128x64xf32, #tpu.memory_space<vmem>>) target(%dma_start3A_490 : memref<10112x64xf32, #tpu.memory_space<vmem_shared>>) offsets(%dma_start3A_487 : memref<128xi32, #tpu.memory_space<vmem>>) semaphore(%arg13 : memref<!tpu.dma_semaphore, #tpu.memory_space<semaphore_mem>>) {add = true}
      %ge3A_491 = arith.constant 2 : i32
      %ge3A_492 = arith.cmpi sge, %add3A_467, %ge3A_491 : i32
      %convert_element_type3A_493 = arith.extui %ge3A_492 : i1 to i32
      %cond3A_494 = arith.constant 0 : i32
      %cond3A_495 = arith.cmpi ne, %convert_element_type3A_493, %cond3A_494 : i32
      scf.if %cond3A_495 {
        %dma_wait3A_503 = arith.constant 1 : i32
        %dma_wait3A_504 = arith.constant 0 : i32
        %dma_wait3A_505 = arith.constant 0 : i32
        %dma_wait3A_506 = arith.constant 0 : i32
        %dma_wait3A_507 = tpu.memref_slice %arg11[%dma_wait3A_503, %dma_wait3A_505, %dma_wait3A_506] : memref<4x128x64xf32, #tpu.memory_space<vmem>> -> memref<1x128x64xf32, #tpu.memory_space<vmem>>
        %dma_wait3A_508 = tpu.memref_squeeze %dma_wait3A_507 : memref<1x128x64xf32, #tpu.memory_space<vmem>> -> memref<128x64xf32, #tpu.memory_space<vmem>>
        %dma_wait3A_509 = arith.constant 0 : i32
        %dma_wait3A_510 = tpu.memref_slice %arg10[%dma_wait3A_504, %dma_wait3A_509] : memref<40x128xi32, #tpu.memory_space<vmem>> -> memref<1x128xi32, #tpu.memory_space<vmem>>
        %dma_wait3A_511 = tpu.memref_squeeze %dma_wait3A_510 : memref<1x128xi32, #tpu.memory_space<vmem>> -> memref<128xi32, #tpu.memory_space<vmem>>
        %dma_wait3A_512 = arith.constant 0 : i32
        %dma_wait3A_513 = arith.constant 0 : i32
        %dma_wait3A_514 = tpu.memref_slice %arg8[%dma_wait3A_512, %dma_wait3A_513] : memref<10112x64xf32, #tpu.memory_space<vmem_shared>> -> memref<10112x64xf32, #tpu.memory_space<vmem_shared>>
        tpu.wait_indirect_dma semaphore(%arg13 : memref<!tpu.dma_semaphore, #tpu.memory_space<semaphore_mem>>) src(%dma_wait3A_508 : memref<128x64xf32, #tpu.memory_space<vmem>>) dst(%dma_wait3A_514 : memref<10112x64xf32, #tpu.memory_space<vmem_shared>>)
      } else {
      }
      %add3A_496 = arith.constant 2 : i32
      %add3A_497 = arith.addi %add3A_467, %add3A_496 : i32
      %lt3A_498 = arith.constant 40 : i32
      %lt3A_499 = arith.cmpi slt, %add3A_497, %lt3A_498 : i32
      %convert_element_type3A_500 = arith.extui %lt3A_499 : i1 to i32
      %cond3A_501 = arith.constant 0 : i32
      %cond3A_502 = arith.cmpi ne, %convert_element_type3A_500, %cond3A_501 : i32
      scf.if %cond3A_502 {
        %add3A_503 = arith.constant 2 : i32
        %add3A_504 = arith.addi %add3A_467, %add3A_503 : i32
        %dma_start3A_505 = arith.constant 1 : i32
        %dma_start3A_506 = arith.constant 0 : i32
        %dma_start3A_507 = arith.constant 0 : i32
        %dma_start3A_508 = tpu.memref_slice %arg11[%dma_start3A_505, %dma_start3A_506, %dma_start3A_507] : memref<4x128x64xf32, #tpu.memory_space<vmem>> -> memref<1x128x64xf32, #tpu.memory_space<vmem>>
        %dma_start3A_509 = tpu.memref_squeeze %dma_start3A_508 : memref<1x128x64xf32, #tpu.memory_space<vmem>> -> memref<128x64xf32, #tpu.memory_space<vmem>>
        %dma_start3A_510 = arith.constant 0 : i32
        %dma_start3A_511 = tpu.memref_slice %arg9[%add3A_504, %dma_start3A_510] : memref<40x128xi32, #tpu.memory_space<vmem>> -> memref<1x128xi32, #tpu.memory_space<vmem>>
        %dma_start3A_512 = tpu.memref_squeeze %dma_start3A_511 : memref<1x128xi32, #tpu.memory_space<vmem>> -> memref<128xi32, #tpu.memory_space<vmem>>
        %dma_start3A_513 = arith.constant 0 : i32
        %dma_start3A_514 = arith.constant 0 : i32
        %dma_start3A_515 = tpu.memref_slice %arg7[%dma_start3A_513, %dma_start3A_514] : memref<10112x64xf32, #tpu.memory_space<vmem_shared>> -> memref<10112x64xf32, #tpu.memory_space<vmem_shared>>
        tpu.enqueue_indirect_dma source(%dma_start3A_515 : memref<10112x64xf32, #tpu.memory_space<vmem_shared>>) target(%dma_start3A_509 : memref<128x64xf32, #tpu.memory_space<vmem>>) offsets(%dma_start3A_512 : memref<128xi32, #tpu.memory_space<vmem>>) semaphore(%arg12 : memref<!tpu.dma_semaphore, #tpu.memory_space<semaphore_mem>>)
      } else {
      }
    }
    %scan3A_63 = arith.constant 10 : i32
    %dma_wait3A_64 = arith.constant 0 : i32
    %dma_wait3A_65 = arith.constant 0 : i32
    %dma_wait3A_66 = arith.constant 0 : i32
    %dma_wait3A_67 = arith.constant 0 : i32
    %dma_wait3A_68 = tpu.memref_slice %arg11[%dma_wait3A_64, %dma_wait3A_66, %dma_wait3A_67] : memref<4x128x64xf32, #tpu.memory_space<vmem>> -> memref<1x128x64xf32, #tpu.memory_space<vmem>>
    %dma_wait3A_69 = tpu.memref_squeeze %dma_wait3A_68 : memref<1x128x64xf32, #tpu.memory_space<vmem>> -> memref<128x64xf32, #tpu.memory_space<vmem>>
    %dma_wait3A_70 = arith.constant 0 : i32
    %dma_wait3A_71 = tpu.memref_slice %arg10[%dma_wait3A_65, %dma_wait3A_70] : memref<40x128xi32, #tpu.memory_space<vmem>> -> memref<1x128xi32, #tpu.memory_space<vmem>>
    %dma_wait3A_72 = tpu.memref_squeeze %dma_wait3A_71 : memref<1x128xi32, #tpu.memory_space<vmem>> -> memref<128xi32, #tpu.memory_space<vmem>>
    %dma_wait3A_73 = arith.constant 0 : i32
    %dma_wait3A_74 = arith.constant 0 : i32
    %dma_wait3A_75 = tpu.memref_slice %arg8[%dma_wait3A_73, %dma_wait3A_74] : memref<10112x64xf32, #tpu.memory_space<vmem_shared>> -> memref<10112x64xf32, #tpu.memory_space<vmem_shared>>
    tpu.wait_indirect_dma semaphore(%arg13 : memref<!tpu.dma_semaphore, #tpu.memory_space<semaphore_mem>>) src(%dma_wait3A_69 : memref<128x64xf32, #tpu.memory_space<vmem>>) dst(%dma_wait3A_75 : memref<10112x64xf32, #tpu.memory_space<vmem_shared>>)
    %dma_wait3A_76 = arith.constant 1 : i32
    %dma_wait3A_77 = arith.constant 0 : i32
    %dma_wait3A_78 = arith.constant 0 : i32
    %dma_wait3A_79 = arith.constant 0 : i32
    %dma_wait3A_80 = tpu.memref_slice %arg11[%dma_wait3A_76, %dma_wait3A_78, %dma_wait3A_79] : memref<4x128x64xf32, #tpu.memory_space<vmem>> -> memref<1x128x64xf32, #tpu.memory_space<vmem>>
    %dma_wait3A_81 = tpu.memref_squeeze %dma_wait3A_80 : memref<1x128x64xf32, #tpu.memory_space<vmem>> -> memref<128x64xf32, #tpu.memory_space<vmem>>
    %dma_wait3A_82 = arith.constant 0 : i32
    %dma_wait3A_83 = tpu.memref_slice %arg10[%dma_wait3A_77, %dma_wait3A_82] : memref<40x128xi32, #tpu.memory_space<vmem>> -> memref<1x128xi32, #tpu.memory_space<vmem>>
    %dma_wait3A_84 = tpu.memref_squeeze %dma_wait3A_83 : memref<1x128xi32, #tpu.memory_space<vmem>> -> memref<128xi32, #tpu.memory_space<vmem>>
    %dma_wait3A_85 = arith.constant 0 : i32
    %dma_wait3A_86 = arith.constant 0 : i32
    %dma_wait3A_87 = tpu.memref_slice %arg8[%dma_wait3A_85, %dma_wait3A_86] : memref<10112x64xf32, #tpu.memory_space<vmem_shared>> -> memref<10112x64xf32, #tpu.memory_space<vmem_shared>>
    tpu.wait_indirect_dma semaphore(%arg13 : memref<!tpu.dma_semaphore, #tpu.memory_space<semaphore_mem>>) src(%dma_wait3A_81 : memref<128x64xf32, #tpu.memory_space<vmem>>) dst(%dma_wait3A_87 : memref<10112x64xf32, #tpu.memory_space<vmem_shared>>)
    %dma_start3A_88 = arith.constant 40 : i32
    %dma_start3A_89 = arith.constant 0 : i32
    %dma_start3A_90 = tpu.memref_slice %arg3[%arg1, %dma_start3A_88, %dma_start3A_89] : memref<16x160x128xi32, #tpu.memory_space<hbm>> -> memref<1x40x128xi32, #tpu.memory_space<hbm>>
    %dma_start3A_91 = tpu.memref_squeeze %dma_start3A_90 : memref<1x40x128xi32, #tpu.memory_space<hbm>> -> memref<40x128xi32, #tpu.memory_space<hbm>>
    %dma_start3A_92 = arith.constant 40 : i32
    %dma_start3A_93 = arith.constant 0 : i32
    %dma_start3A_94 = tpu.memref_slice %arg3[%arg1, %dma_start3A_92, %dma_start3A_93] : memref<16x160x128xi32, #tpu.memory_space<hbm>> -> memref<1x40x128xi32, #tpu.memory_space<hbm>>
    %dma_start3A_95 = tpu.memref_squeeze %dma_start3A_94 : memref<1x40x128xi32, #tpu.memory_space<hbm>> -> memref<40x128xi32, #tpu.memory_space<hbm>>
    tpu.enqueue_dma source(%dma_start3A_95 : memref<40x128xi32, #tpu.memory_space<hbm>>) target(%arg9 : memref<40x128xi32, #tpu.memory_space<vmem>>) target_semaphore(%arg12 : memref<!tpu.dma_semaphore, #tpu.memory_space<semaphore_mem>>)
    %dma_start3A_96 = arith.constant 40 : i32
    %dma_start3A_97 = arith.constant 0 : i32
    %dma_start3A_98 = tpu.memref_slice %arg4[%arg1, %dma_start3A_96, %dma_start3A_97] : memref<16x160x128xi32, #tpu.memory_space<hbm>> -> memref<1x40x128xi32, #tpu.memory_space<hbm>>
    %dma_start3A_99 = tpu.memref_squeeze %dma_start3A_98 : memref<1x40x128xi32, #tpu.memory_space<hbm>> -> memref<40x128xi32, #tpu.memory_space<hbm>>
    %dma_start3A_100 = arith.constant 40 : i32
    %dma_start3A_101 = arith.constant 0 : i32
    %dma_start3A_102 = tpu.memref_slice %arg4[%arg1, %dma_start3A_100, %dma_start3A_101] : memref<16x160x128xi32, #tpu.memory_space<hbm>> -> memref<1x40x128xi32, #tpu.memory_space<hbm>>
    %dma_start3A_103 = tpu.memref_squeeze %dma_start3A_102 : memref<1x40x128xi32, #tpu.memory_space<hbm>> -> memref<40x128xi32, #tpu.memory_space<hbm>>
    tpu.enqueue_dma source(%dma_start3A_103 : memref<40x128xi32, #tpu.memory_space<hbm>>) target(%arg10 : memref<40x128xi32, #tpu.memory_space<vmem>>) target_semaphore(%arg12 : memref<!tpu.dma_semaphore, #tpu.memory_space<semaphore_mem>>)
    %dma_wait3A_104 = arith.constant 0 : i32
    %dma_wait3A_105 = arith.constant 0 : i32
    %dma_wait3A_106 = tpu.memref_slice %arg3[%arg1, %dma_wait3A_104, %dma_wait3A_105] : memref<16x160x128xi32, #tpu.memory_space<hbm>> -> memref<1x40x128xi32, #tpu.memory_space<hbm>>
    %dma_wait3A_107 = tpu.memref_squeeze %dma_wait3A_106 : memref<1x40x128xi32, #tpu.memory_space<hbm>> -> memref<40x128xi32, #tpu.memory_space<hbm>>
    %dma_wait3A_108 = arith.constant 0 : i32
    %dma_wait3A_109 = arith.constant 0 : i32
    %dma_wait3A_110 = tpu.memref_slice %arg3[%arg1, %dma_wait3A_108, %dma_wait3A_109] : memref<16x160x128xi32, #tpu.memory_space<hbm>> -> memref<1x40x128xi32, #tpu.memory_space<hbm>>
    %dma_wait3A_111 = tpu.memref_squeeze %dma_wait3A_110 : memref<1x40x128xi32, #tpu.memory_space<hbm>> -> memref<40x128xi32, #tpu.memory_space<hbm>>
    tpu.wait_dma2 semaphore(%arg12 : memref<!tpu.dma_semaphore, #tpu.memory_space<semaphore_mem>>) src(%dma_wait3A_111 : memref<40x128xi32, #tpu.memory_space<hbm>>) dst(%arg9 : memref<40x128xi32, #tpu.memory_space<vmem>>)
    %dma_wait3A_112 = arith.constant 0 : i32
    %dma_wait3A_113 = arith.constant 0 : i32
    %dma_wait3A_114 = tpu.memref_slice %arg4[%arg1, %dma_wait3A_112, %dma_wait3A_113] : memref<16x160x128xi32, #tpu.memory_space<hbm>> -> memref<1x40x128xi32, #tpu.memory_space<hbm>>
    %dma_wait3A_115 = tpu.memref_squeeze %dma_wait3A_114 : memref<1x40x128xi32, #tpu.memory_space<hbm>> -> memref<40x128xi32, #tpu.memory_space<hbm>>
    %dma_wait3A_116 = arith.constant 0 : i32
    %dma_wait3A_117 = arith.constant 0 : i32
    %dma_wait3A_118 = tpu.memref_slice %arg4[%arg1, %dma_wait3A_116, %dma_wait3A_117] : memref<16x160x128xi32, #tpu.memory_space<hbm>> -> memref<1x40x128xi32, #tpu.memory_space<hbm>>
    %dma_wait3A_119 = tpu.memref_squeeze %dma_wait3A_118 : memref<1x40x128xi32, #tpu.memory_space<hbm>> -> memref<40x128xi32, #tpu.memory_space<hbm>>
    tpu.wait_dma2 semaphore(%arg12 : memref<!tpu.dma_semaphore, #tpu.memory_space<semaphore_mem>>) src(%dma_wait3A_119 : memref<40x128xi32, #tpu.memory_space<hbm>>) dst(%arg10 : memref<40x128xi32, #tpu.memory_space<vmem>>)
    %dma_start3A_120 = arith.constant 0 : i32
    %dma_start3A_121 = arith.constant 0 : i32
    %dma_start3A_122 = arith.constant 0 : i32
    %dma_start3A_123 = arith.constant 0 : i32
    %dma_start3A_124 = tpu.memref_slice %arg11[%dma_start3A_121, %dma_start3A_122, %dma_start3A_123] : memref<4x128x64xf32, #tpu.memory_space<vmem>> -> memref<1x128x64xf32, #tpu.memory_space<vmem>>
    %dma_start3A_125 = tpu.memref_squeeze %dma_start3A_124 : memref<1x128x64xf32, #tpu.memory_space<vmem>> -> memref<128x64xf32, #tpu.memory_space<vmem>>
    %dma_start3A_126 = arith.constant 0 : i32
    %dma_start3A_127 = tpu.memref_slice %arg9[%dma_start3A_120, %dma_start3A_126] : memref<40x128xi32, #tpu.memory_space<vmem>> -> memref<1x128xi32, #tpu.memory_space<vmem>>
    %dma_start3A_128 = tpu.memref_squeeze %dma_start3A_127 : memref<1x128xi32, #tpu.memory_space<vmem>> -> memref<128xi32, #tpu.memory_space<vmem>>
    %dma_start3A_129 = arith.constant 0 : i32
    %dma_start3A_130 = arith.constant 0 : i32
    %dma_start3A_131 = tpu.memref_slice %arg7[%dma_start3A_129, %dma_start3A_130] : memref<10112x64xf32, #tpu.memory_space<vmem_shared>> -> memref<10112x64xf32, #tpu.memory_space<vmem_shared>>
    tpu.enqueue_indirect_dma source(%dma_start3A_131 : memref<10112x64xf32, #tpu.memory_space<vmem_shared>>) target(%dma_start3A_125 : memref<128x64xf32, #tpu.memory_space<vmem>>) offsets(%dma_start3A_128 : memref<128xi32, #tpu.memory_space<vmem>>) semaphore(%arg12 : memref<!tpu.dma_semaphore, #tpu.memory_space<semaphore_mem>>)
    %dma_start3A_132 = arith.constant 1 : i32
    %dma_start3A_133 = arith.constant 1 : i32
    %dma_start3A_134 = arith.constant 0 : i32
    %dma_start3A_135 = arith.constant 0 : i32
    %dma_start3A_136 = tpu.memref_slice %arg11[%dma_start3A_133, %dma_start3A_134, %dma_start3A_135] : memref<4x128x64xf32, #tpu.memory_space<vmem>> -> memref<1x128x64xf32, #tpu.memory_space<vmem>>
    %dma_start3A_137 = tpu.memref_squeeze %dma_start3A_136 : memref<1x128x64xf32, #tpu.memory_space<vmem>> -> memref<128x64xf32, #tpu.memory_space<vmem>>
    %dma_start3A_138 = arith.constant 0 : i32
    %dma_start3A_139 = tpu.memref_slice %arg9[%dma_start3A_132, %dma_start3A_138] : memref<40x128xi32, #tpu.memory_space<vmem>> -> memref<1x128xi32, #tpu.memory_space<vmem>>
    %dma_start3A_140 = tpu.memref_squeeze %dma_start3A_139 : memref<1x128xi32, #tpu.memory_space<vmem>> -> memref<128xi32, #tpu.memory_space<vmem>>
    %dma_start3A_141 = arith.constant 0 : i32
    %dma_start3A_142 = arith.constant 0 : i32
    %dma_start3A_143 = tpu.memref_slice %arg7[%dma_start3A_141, %dma_start3A_142] : memref<10112x64xf32, #tpu.memory_space<vmem_shared>> -> memref<10112x64xf32, #tpu.memory_space<vmem_shared>>
    tpu.enqueue_indirect_dma source(%dma_start3A_143 : memref<10112x64xf32, #tpu.memory_space<vmem_shared>>) target(%dma_start3A_137 : memref<128x64xf32, #tpu.memory_space<vmem>>) offsets(%dma_start3A_140 : memref<128xi32, #tpu.memory_space<vmem>>) semaphore(%arg12 : memref<!tpu.dma_semaphore, #tpu.memory_space<semaphore_mem>>)
    %scan3A_144 = arith.constant 0 : i32
    %scan3A_145 = arith.constant 0 : i32
    %scan3A_146 = arith.constant 10 : i32
    %scan3A_147 = arith.addi %scan3A_145, %scan3A_146 : i32
    %scan3A_148 = arith.constant 1 : i32
    scf.for %scan3A_351 = %scan3A_145 to %scan3A_147 step %scan3A_148  : i32 {
      %mul3A_352 = arith.constant 4 : i32
      %mul3A_353 = arith.muli %scan3A_351, %mul3A_352 : i32
      %add3A = arith.constant 0 : i32
      %add3A_354 = arith.addi %mul3A_353, %add3A : i32
      %dma_wait3A_355 = arith.constant 0 : i32
      %dma_wait3A_356 = arith.constant 0 : i32
      %dma_wait3A_357 = arith.constant 0 : i32
      %dma_wait3A_358 = arith.constant 0 : i32
      %dma_wait3A_359 = tpu.memref_slice %arg11[%dma_wait3A_356, %dma_wait3A_357, %dma_wait3A_358] : memref<4x128x64xf32, #tpu.memory_space<vmem>> -> memref<1x128x64xf32, #tpu.memory_space<vmem>>
      %dma_wait3A_360 = tpu.memref_squeeze %dma_wait3A_359 : memref<1x128x64xf32, #tpu.memory_space<vmem>> -> memref<128x64xf32, #tpu.memory_space<vmem>>
      %dma_wait3A_361 = arith.constant 0 : i32
      %dma_wait3A_362 = tpu.memref_slice %arg9[%dma_wait3A_355, %dma_wait3A_361] : memref<40x128xi32, #tpu.memory_space<vmem>> -> memref<1x128xi32, #tpu.memory_space<vmem>>
      %dma_wait3A_363 = tpu.memref_squeeze %dma_wait3A_362 : memref<1x128xi32, #tpu.memory_space<vmem>> -> memref<128xi32, #tpu.memory_space<vmem>>
      %dma_wait3A_364 = arith.constant 0 : i32
      %dma_wait3A_365 = arith.constant 0 : i32
      %dma_wait3A_366 = tpu.memref_slice %arg7[%dma_wait3A_364, %dma_wait3A_365] : memref<10112x64xf32, #tpu.memory_space<vmem_shared>> -> memref<10112x64xf32, #tpu.memory_space<vmem_shared>>
      tpu.wait_indirect_dma semaphore(%arg12 : memref<!tpu.dma_semaphore, #tpu.memory_space<semaphore_mem>>) src(%dma_wait3A_366 : memref<10112x64xf32, #tpu.memory_space<vmem_shared>>) dst(%dma_wait3A_360 : memref<128x64xf32, #tpu.memory_space<vmem>>)
      %dma_start3A_367 = arith.constant 0 : i32
      %dma_start3A_368 = arith.constant 0 : i32
      %dma_start3A_369 = arith.constant 0 : i32
      %dma_start3A_370 = tpu.memref_slice %arg11[%dma_start3A_367, %dma_start3A_368, %dma_start3A_369] : memref<4x128x64xf32, #tpu.memory_space<vmem>> -> memref<1x128x64xf32, #tpu.memory_space<vmem>>
      %dma_start3A_371 = tpu.memref_squeeze %dma_start3A_370 : memref<1x128x64xf32, #tpu.memory_space<vmem>> -> memref<128x64xf32, #tpu.memory_space<vmem>>
      %dma_start3A_372 = arith.constant 0 : i32
      %dma_start3A_373 = tpu.memref_slice %arg10[%add3A_354, %dma_start3A_372] : memref<40x128xi32, #tpu.memory_space<vmem>> -> memref<1x128xi32, #tpu.memory_space<vmem>>
      %dma_start3A_374 = tpu.memref_squeeze %dma_start3A_373 : memref<1x128xi32, #tpu.memory_space<vmem>> -> memref<128xi32, #tpu.memory_space<vmem>>
      %dma_start3A_375 = arith.constant 0 : i32
      %dma_start3A_376 = arith.constant 0 : i32
      %dma_start3A_377 = tpu.memref_slice %arg8[%dma_start3A_375, %dma_start3A_376] : memref<10112x64xf32, #tpu.memory_space<vmem_shared>> -> memref<10112x64xf32, #tpu.memory_space<vmem_shared>>
      tpu.enqueue_indirect_dma source(%dma_start3A_371 : memref<128x64xf32, #tpu.memory_space<vmem>>) target(%dma_start3A_377 : memref<10112x64xf32, #tpu.memory_space<vmem_shared>>) offsets(%dma_start3A_374 : memref<128xi32, #tpu.memory_space<vmem>>) semaphore(%arg13 : memref<!tpu.dma_semaphore, #tpu.memory_space<semaphore_mem>>) {add = true}
      %ge3A = arith.constant 2 : i32
      %ge3A_378 = arith.cmpi sge, %add3A_354, %ge3A : i32
      %convert_element_type3A = arith.extui %ge3A_378 : i1 to i32
      %cond3A = arith.constant 0 : i32
      %cond3A_379 = arith.cmpi ne, %convert_element_type3A, %cond3A : i32
      scf.if %cond3A_379 {
        %dma_wait3A_503 = arith.constant 2 : i32
        %dma_wait3A_504 = arith.constant 0 : i32
        %dma_wait3A_505 = arith.constant 0 : i32
        %dma_wait3A_506 = arith.constant 0 : i32
        %dma_wait3A_507 = tpu.memref_slice %arg11[%dma_wait3A_503, %dma_wait3A_505, %dma_wait3A_506] : memref<4x128x64xf32, #tpu.memory_space<vmem>> -> memref<1x128x64xf32, #tpu.memory_space<vmem>>
        %dma_wait3A_508 = tpu.memref_squeeze %dma_wait3A_507 : memref<1x128x64xf32, #tpu.memory_space<vmem>> -> memref<128x64xf32, #tpu.memory_space<vmem>>
        %dma_wait3A_509 = arith.constant 0 : i32
        %dma_wait3A_510 = tpu.memref_slice %arg10[%dma_wait3A_504, %dma_wait3A_509] : memref<40x128xi32, #tpu.memory_space<vmem>> -> memref<1x128xi32, #tpu.memory_space<vmem>>
        %dma_wait3A_511 = tpu.memref_squeeze %dma_wait3A_510 : memref<1x128xi32, #tpu.memory_space<vmem>> -> memref<128xi32, #tpu.memory_space<vmem>>
        %dma_wait3A_512 = arith.constant 0 : i32
        %dma_wait3A_513 = arith.constant 0 : i32
        %dma_wait3A_514 = tpu.memref_slice %arg8[%dma_wait3A_512, %dma_wait3A_513] : memref<10112x64xf32, #tpu.memory_space<vmem_shared>> -> memref<10112x64xf32, #tpu.memory_space<vmem_shared>>
        tpu.wait_indirect_dma semaphore(%arg13 : memref<!tpu.dma_semaphore, #tpu.memory_space<semaphore_mem>>) src(%dma_wait3A_508 : memref<128x64xf32, #tpu.memory_space<vmem>>) dst(%dma_wait3A_514 : memref<10112x64xf32, #tpu.memory_space<vmem_shared>>)
      } else {
      }
      %add3A_380 = arith.constant 2 : i32
      %add3A_381 = arith.addi %add3A_354, %add3A_380 : i32
      %lt3A = arith.constant 40 : i32
      %lt3A_382 = arith.cmpi slt, %add3A_381, %lt3A : i32
      %convert_element_type3A_383 = arith.extui %lt3A_382 : i1 to i32
      %cond3A_384 = arith.constant 0 : i32
      %cond3A_385 = arith.cmpi ne, %convert_element_type3A_383, %cond3A_384 : i32
      scf.if %cond3A_385 {
        %add3A_503 = arith.constant 2 : i32
        %add3A_504 = arith.addi %add3A_354, %add3A_503 : i32
        %dma_start3A_505 = arith.constant 2 : i32
        %dma_start3A_506 = arith.constant 0 : i32
        %dma_start3A_507 = arith.constant 0 : i32
        %dma_start3A_508 = tpu.memref_slice %arg11[%dma_start3A_505, %dma_start3A_506, %dma_start3A_507] : memref<4x128x64xf32, #tpu.memory_space<vmem>> -> memref<1x128x64xf32, #tpu.memory_space<vmem>>
        %dma_start3A_509 = tpu.memref_squeeze %dma_start3A_508 : memref<1x128x64xf32, #tpu.memory_space<vmem>> -> memref<128x64xf32, #tpu.memory_space<vmem>>
        %dma_start3A_510 = arith.constant 0 : i32
        %dma_start3A_511 = tpu.memref_slice %arg9[%add3A_504, %dma_start3A_510] : memref<40x128xi32, #tpu.memory_space<vmem>> -> memref<1x128xi32, #tpu.memory_space<vmem>>
        %dma_start3A_512 = tpu.memref_squeeze %dma_start3A_511 : memref<1x128xi32, #tpu.memory_space<vmem>> -> memref<128xi32, #tpu.memory_space<vmem>>
        %dma_start3A_513 = arith.constant 0 : i32
        %dma_start3A_514 = arith.constant 0 : i32
        %dma_start3A_515 = tpu.memref_slice %arg7[%dma_start3A_513, %dma_start3A_514] : memref<10112x64xf32, #tpu.memory_space<vmem_shared>> -> memref<10112x64xf32, #tpu.memory_space<vmem_shared>>
        tpu.enqueue_indirect_dma source(%dma_start3A_515 : memref<10112x64xf32, #tpu.memory_space<vmem_shared>>) target(%dma_start3A_509 : memref<128x64xf32, #tpu.memory_space<vmem>>) offsets(%dma_start3A_512 : memref<128xi32, #tpu.memory_space<vmem>>) semaphore(%arg12 : memref<!tpu.dma_semaphore, #tpu.memory_space<semaphore_mem>>)
      } else {
      }
      %mul3A_386 = arith.constant 4 : i32
      %mul3A_387 = arith.muli %scan3A_351, %mul3A_386 : i32
      %add3A_388 = arith.constant 1 : i32
      %add3A_389 = arith.addi %mul3A_387, %add3A_388 : i32
      %dma_wait3A_390 = arith.constant 0 : i32
      %dma_wait3A_391 = arith.constant 1 : i32
      %dma_wait3A_392 = arith.constant 0 : i32
      %dma_wait3A_393 = arith.constant 0 : i32
      %dma_wait3A_394 = tpu.memref_slice %arg11[%dma_wait3A_391, %dma_wait3A_392, %dma_wait3A_393] : memref<4x128x64xf32, #tpu.memory_space<vmem>> -> memref<1x128x64xf32, #tpu.memory_space<vmem>>
      %dma_wait3A_395 = tpu.memref_squeeze %dma_wait3A_394 : memref<1x128x64xf32, #tpu.memory_space<vmem>> -> memref<128x64xf32, #tpu.memory_space<vmem>>
      %dma_wait3A_396 = arith.constant 0 : i32
      %dma_wait3A_397 = tpu.memref_slice %arg9[%dma_wait3A_390, %dma_wait3A_396] : memref<40x128xi32, #tpu.memory_space<vmem>> -> memref<1x128xi32, #tpu.memory_space<vmem>>
      %dma_wait3A_398 = tpu.memref_squeeze %dma_wait3A_397 : memref<1x128xi32, #tpu.memory_space<vmem>> -> memref<128xi32, #tpu.memory_space<vmem>>
      %dma_wait3A_399 = arith.constant 0 : i32
      %dma_wait3A_400 = arith.constant 0 : i32
      %dma_wait3A_401 = tpu.memref_slice %arg7[%dma_wait3A_399, %dma_wait3A_400] : memref<10112x64xf32, #tpu.memory_space<vmem_shared>> -> memref<10112x64xf32, #tpu.memory_space<vmem_shared>>
      tpu.wait_indirect_dma semaphore(%arg12 : memref<!tpu.dma_semaphore, #tpu.memory_space<semaphore_mem>>) src(%dma_wait3A_401 : memref<10112x64xf32, #tpu.memory_space<vmem_shared>>) dst(%dma_wait3A_395 : memref<128x64xf32, #tpu.memory_space<vmem>>)
      %dma_start3A_402 = arith.constant 1 : i32
      %dma_start3A_403 = arith.constant 0 : i32
      %dma_start3A_404 = arith.constant 0 : i32
      %dma_start3A_405 = tpu.memref_slice %arg11[%dma_start3A_402, %dma_start3A_403, %dma_start3A_404] : memref<4x128x64xf32, #tpu.memory_space<vmem>> -> memref<1x128x64xf32, #tpu.memory_space<vmem>>
      %dma_start3A_406 = tpu.memref_squeeze %dma_start3A_405 : memref<1x128x64xf32, #tpu.memory_space<vmem>> -> memref<128x64xf32, #tpu.memory_space<vmem>>
      %dma_start3A_407 = arith.constant 0 : i32
      %dma_start3A_408 = tpu.memref_slice %arg10[%add3A_389, %dma_start3A_407] : memref<40x128xi32, #tpu.memory_space<vmem>> -> memref<1x128xi32, #tpu.memory_space<vmem>>
      %dma_start3A_409 = tpu.memref_squeeze %dma_start3A_408 : memref<1x128xi32, #tpu.memory_space<vmem>> -> memref<128xi32, #tpu.memory_space<vmem>>
      %dma_start3A_410 = arith.constant 0 : i32
      %dma_start3A_411 = arith.constant 0 : i32
      %dma_start3A_412 = tpu.memref_slice %arg8[%dma_start3A_410, %dma_start3A_411] : memref<10112x64xf32, #tpu.memory_space<vmem_shared>> -> memref<10112x64xf32, #tpu.memory_space<vmem_shared>>
      tpu.enqueue_indirect_dma source(%dma_start3A_406 : memref<128x64xf32, #tpu.memory_space<vmem>>) target(%dma_start3A_412 : memref<10112x64xf32, #tpu.memory_space<vmem_shared>>) offsets(%dma_start3A_409 : memref<128xi32, #tpu.memory_space<vmem>>) semaphore(%arg13 : memref<!tpu.dma_semaphore, #tpu.memory_space<semaphore_mem>>) {add = true}
      %ge3A_413 = arith.constant 2 : i32
      %ge3A_414 = arith.cmpi sge, %add3A_389, %ge3A_413 : i32
      %convert_element_type3A_415 = arith.extui %ge3A_414 : i1 to i32
      %cond3A_416 = arith.constant 0 : i32
      %cond3A_417 = arith.cmpi ne, %convert_element_type3A_415, %cond3A_416 : i32
      scf.if %cond3A_417 {
        %dma_wait3A_503 = arith.constant 3 : i32
        %dma_wait3A_504 = arith.constant 0 : i32
        %dma_wait3A_505 = arith.constant 0 : i32
        %dma_wait3A_506 = arith.constant 0 : i32
        %dma_wait3A_507 = tpu.memref_slice %arg11[%dma_wait3A_503, %dma_wait3A_505, %dma_wait3A_506] : memref<4x128x64xf32, #tpu.memory_space<vmem>> -> memref<1x128x64xf32, #tpu.memory_space<vmem>>
        %dma_wait3A_508 = tpu.memref_squeeze %dma_wait3A_507 : memref<1x128x64xf32, #tpu.memory_space<vmem>> -> memref<128x64xf32, #tpu.memory_space<vmem>>
        %dma_wait3A_509 = arith.constant 0 : i32
        %dma_wait3A_510 = tpu.memref_slice %arg10[%dma_wait3A_504, %dma_wait3A_509] : memref<40x128xi32, #tpu.memory_space<vmem>> -> memref<1x128xi32, #tpu.memory_space<vmem>>
        %dma_wait3A_511 = tpu.memref_squeeze %dma_wait3A_510 : memref<1x128xi32, #tpu.memory_space<vmem>> -> memref<128xi32, #tpu.memory_space<vmem>>
        %dma_wait3A_512 = arith.constant 0 : i32
        %dma_wait3A_513 = arith.constant 0 : i32
        %dma_wait3A_514 = tpu.memref_slice %arg8[%dma_wait3A_512, %dma_wait3A_513] : memref<10112x64xf32, #tpu.memory_space<vmem_shared>> -> memref<10112x64xf32, #tpu.memory_space<vmem_shared>>
        tpu.wait_indirect_dma semaphore(%arg13 : memref<!tpu.dma_semaphore, #tpu.memory_space<semaphore_mem>>) src(%dma_wait3A_508 : memref<128x64xf32, #tpu.memory_space<vmem>>) dst(%dma_wait3A_514 : memref<10112x64xf32, #tpu.memory_space<vmem_shared>>)
      } else {
      }
      %add3A_418 = arith.constant 2 : i32
      %add3A_419 = arith.addi %add3A_389, %add3A_418 : i32
      %lt3A_420 = arith.constant 40 : i32
      %lt3A_421 = arith.cmpi slt, %add3A_419, %lt3A_420 : i32
      %convert_element_type3A_422 = arith.extui %lt3A_421 : i1 to i32
      %cond3A_423 = arith.constant 0 : i32
      %cond3A_424 = arith.cmpi ne, %convert_element_type3A_422, %cond3A_423 : i32
      scf.if %cond3A_424 {
        %add3A_503 = arith.constant 2 : i32
        %add3A_504 = arith.addi %add3A_389, %add3A_503 : i32
        %dma_start3A_505 = arith.constant 3 : i32
        %dma_start3A_506 = arith.constant 0 : i32
        %dma_start3A_507 = arith.constant 0 : i32
        %dma_start3A_508 = tpu.memref_slice %arg11[%dma_start3A_505, %dma_start3A_506, %dma_start3A_507] : memref<4x128x64xf32, #tpu.memory_space<vmem>> -> memref<1x128x64xf32, #tpu.memory_space<vmem>>
        %dma_start3A_509 = tpu.memref_squeeze %dma_start3A_508 : memref<1x128x64xf32, #tpu.memory_space<vmem>> -> memref<128x64xf32, #tpu.memory_space<vmem>>
        %dma_start3A_510 = arith.constant 0 : i32
        %dma_start3A_511 = tpu.memref_slice %arg9[%add3A_504, %dma_start3A_510] : memref<40x128xi32, #tpu.memory_space<vmem>> -> memref<1x128xi32, #tpu.memory_space<vmem>>
        %dma_start3A_512 = tpu.memref_squeeze %dma_start3A_511 : memref<1x128xi32, #tpu.memory_space<vmem>> -> memref<128xi32, #tpu.memory_space<vmem>>
        %dma_start3A_513 = arith.constant 0 : i32
        %dma_start3A_514 = arith.constant 0 : i32
        %dma_start3A_515 = tpu.memref_slice %arg7[%dma_start3A_513, %dma_start3A_514] : memref<10112x64xf32, #tpu.memory_space<vmem_shared>> -> memref<10112x64xf32, #tpu.memory_space<vmem_shared>>
        tpu.enqueue_indirect_dma source(%dma_start3A_515 : memref<10112x64xf32, #tpu.memory_space<vmem_shared>>) target(%dma_start3A_509 : memref<128x64xf32, #tpu.memory_space<vmem>>) offsets(%dma_start3A_512 : memref<128xi32, #tpu.memory_space<vmem>>) semaphore(%arg12 : memref<!tpu.dma_semaphore, #tpu.memory_space<semaphore_mem>>)
      } else {
      }
      %mul3A_425 = arith.constant 4 : i32
      %mul3A_426 = arith.muli %scan3A_351, %mul3A_425 : i32
      %add3A_427 = arith.constant 2 : i32
      %add3A_428 = arith.addi %mul3A_426, %add3A_427 : i32
      %dma_wait3A_429 = arith.constant 0 : i32
      %dma_wait3A_430 = arith.constant 2 : i32
      %dma_wait3A_431 = arith.constant 0 : i32
      %dma_wait3A_432 = arith.constant 0 : i32
      %dma_wait3A_433 = tpu.memref_slice %arg11[%dma_wait3A_430, %dma_wait3A_431, %dma_wait3A_432] : memref<4x128x64xf32, #tpu.memory_space<vmem>> -> memref<1x128x64xf32, #tpu.memory_space<vmem>>
      %dma_wait3A_434 = tpu.memref_squeeze %dma_wait3A_433 : memref<1x128x64xf32, #tpu.memory_space<vmem>> -> memref<128x64xf32, #tpu.memory_space<vmem>>
      %dma_wait3A_435 = arith.constant 0 : i32
      %dma_wait3A_436 = tpu.memref_slice %arg9[%dma_wait3A_429, %dma_wait3A_435] : memref<40x128xi32, #tpu.memory_space<vmem>> -> memref<1x128xi32, #tpu.memory_space<vmem>>
      %dma_wait3A_437 = tpu.memref_squeeze %dma_wait3A_436 : memref<1x128xi32, #tpu.memory_space<vmem>> -> memref<128xi32, #tpu.memory_space<vmem>>
      %dma_wait3A_438 = arith.constant 0 : i32
      %dma_wait3A_439 = arith.constant 0 : i32
      %dma_wait3A_440 = tpu.memref_slice %arg7[%dma_wait3A_438, %dma_wait3A_439] : memref<10112x64xf32, #tpu.memory_space<vmem_shared>> -> memref<10112x64xf32, #tpu.memory_space<vmem_shared>>
      tpu.wait_indirect_dma semaphore(%arg12 : memref<!tpu.dma_semaphore, #tpu.memory_space<semaphore_mem>>) src(%dma_wait3A_440 : memref<10112x64xf32, #tpu.memory_space<vmem_shared>>) dst(%dma_wait3A_434 : memref<128x64xf32, #tpu.memory_space<vmem>>)
      %dma_start3A_441 = arith.constant 2 : i32
      %dma_start3A_442 = arith.constant 0 : i32
      %dma_start3A_443 = arith.constant 0 : i32
      %dma_start3A_444 = tpu.memref_slice %arg11[%dma_start3A_441, %dma_start3A_442, %dma_start3A_443] : memref<4x128x64xf32, #tpu.memory_space<vmem>> -> memref<1x128x64xf32, #tpu.memory_space<vmem>>
      %dma_start3A_445 = tpu.memref_squeeze %dma_start3A_444 : memref<1x128x64xf32, #tpu.memory_space<vmem>> -> memref<128x64xf32, #tpu.memory_space<vmem>>
      %dma_start3A_446 = arith.constant 0 : i32
      %dma_start3A_447 = tpu.memref_slice %arg10[%add3A_428, %dma_start3A_446] : memref<40x128xi32, #tpu.memory_space<vmem>> -> memref<1x128xi32, #tpu.memory_space<vmem>>
      %dma_start3A_448 = tpu.memref_squeeze %dma_start3A_447 : memref<1x128xi32, #tpu.memory_space<vmem>> -> memref<128xi32, #tpu.memory_space<vmem>>
      %dma_start3A_449 = arith.constant 0 : i32
      %dma_start3A_450 = arith.constant 0 : i32
      %dma_start3A_451 = tpu.memref_slice %arg8[%dma_start3A_449, %dma_start3A_450] : memref<10112x64xf32, #tpu.memory_space<vmem_shared>> -> memref<10112x64xf32, #tpu.memory_space<vmem_shared>>
      tpu.enqueue_indirect_dma source(%dma_start3A_445 : memref<128x64xf32, #tpu.memory_space<vmem>>) target(%dma_start3A_451 : memref<10112x64xf32, #tpu.memory_space<vmem_shared>>) offsets(%dma_start3A_448 : memref<128xi32, #tpu.memory_space<vmem>>) semaphore(%arg13 : memref<!tpu.dma_semaphore, #tpu.memory_space<semaphore_mem>>) {add = true}
      %ge3A_452 = arith.constant 2 : i32
      %ge3A_453 = arith.cmpi sge, %add3A_428, %ge3A_452 : i32
      %convert_element_type3A_454 = arith.extui %ge3A_453 : i1 to i32
      %cond3A_455 = arith.constant 0 : i32
      %cond3A_456 = arith.cmpi ne, %convert_element_type3A_454, %cond3A_455 : i32
      scf.if %cond3A_456 {
        %dma_wait3A_503 = arith.constant 0 : i32
        %dma_wait3A_504 = arith.constant 0 : i32
        %dma_wait3A_505 = arith.constant 0 : i32
        %dma_wait3A_506 = arith.constant 0 : i32
        %dma_wait3A_507 = tpu.memref_slice %arg11[%dma_wait3A_503, %dma_wait3A_505, %dma_wait3A_506] : memref<4x128x64xf32, #tpu.memory_space<vmem>> -> memref<1x128x64xf32, #tpu.memory_space<vmem>>
        %dma_wait3A_508 = tpu.memref_squeeze %dma_wait3A_507 : memref<1x128x64xf32, #tpu.memory_space<vmem>> -> memref<128x64xf32, #tpu.memory_space<vmem>>
        %dma_wait3A_509 = arith.constant 0 : i32
        %dma_wait3A_510 = tpu.memref_slice %arg10[%dma_wait3A_504, %dma_wait3A_509] : memref<40x128xi32, #tpu.memory_space<vmem>> -> memref<1x128xi32, #tpu.memory_space<vmem>>
        %dma_wait3A_511 = tpu.memref_squeeze %dma_wait3A_510 : memref<1x128xi32, #tpu.memory_space<vmem>> -> memref<128xi32, #tpu.memory_space<vmem>>
        %dma_wait3A_512 = arith.constant 0 : i32
        %dma_wait3A_513 = arith.constant 0 : i32
        %dma_wait3A_514 = tpu.memref_slice %arg8[%dma_wait3A_512, %dma_wait3A_513] : memref<10112x64xf32, #tpu.memory_space<vmem_shared>> -> memref<10112x64xf32, #tpu.memory_space<vmem_shared>>
        tpu.wait_indirect_dma semaphore(%arg13 : memref<!tpu.dma_semaphore, #tpu.memory_space<semaphore_mem>>) src(%dma_wait3A_508 : memref<128x64xf32, #tpu.memory_space<vmem>>) dst(%dma_wait3A_514 : memref<10112x64xf32, #tpu.memory_space<vmem_shared>>)
      } else {
      }
      %add3A_457 = arith.constant 2 : i32
      %add3A_458 = arith.addi %add3A_428, %add3A_457 : i32
      %lt3A_459 = arith.constant 40 : i32
      %lt3A_460 = arith.cmpi slt, %add3A_458, %lt3A_459 : i32
      %convert_element_type3A_461 = arith.extui %lt3A_460 : i1 to i32
      %cond3A_462 = arith.constant 0 : i32
      %cond3A_463 = arith.cmpi ne, %convert_element_type3A_461, %cond3A_462 : i32
      scf.if %cond3A_463 {
        %add3A_503 = arith.constant 2 : i32
        %add3A_504 = arith.addi %add3A_428, %add3A_503 : i32
        %dma_start3A_505 = arith.constant 0 : i32
        %dma_start3A_506 = arith.constant 0 : i32
        %dma_start3A_507 = arith.constant 0 : i32
        %dma_start3A_508 = tpu.memref_slice %arg11[%dma_start3A_505, %dma_start3A_506, %dma_start3A_507] : memref<4x128x64xf32, #tpu.memory_space<vmem>> -> memref<1x128x64xf32, #tpu.memory_space<vmem>>
        %dma_start3A_509 = tpu.memref_squeeze %dma_start3A_508 : memref<1x128x64xf32, #tpu.memory_space<vmem>> -> memref<128x64xf32, #tpu.memory_space<vmem>>
        %dma_start3A_510 = arith.constant 0 : i32
        %dma_start3A_511 = tpu.memref_slice %arg9[%add3A_504, %dma_start3A_510] : memref<40x128xi32, #tpu.memory_space<vmem>> -> memref<1x128xi32, #tpu.memory_space<vmem>>
        %dma_start3A_512 = tpu.memref_squeeze %dma_start3A_511 : memref<1x128xi32, #tpu.memory_space<vmem>> -> memref<128xi32, #tpu.memory_space<vmem>>
        %dma_start3A_513 = arith.constant 0 : i32
        %dma_start3A_514 = arith.constant 0 : i32
        %dma_start3A_515 = tpu.memref_slice %arg7[%dma_start3A_513, %dma_start3A_514] : memref<10112x64xf32, #tpu.memory_space<vmem_shared>> -> memref<10112x64xf32, #tpu.memory_space<vmem_shared>>
        tpu.enqueue_indirect_dma source(%dma_start3A_515 : memref<10112x64xf32, #tpu.memory_space<vmem_shared>>) target(%dma_start3A_509 : memref<128x64xf32, #tpu.memory_space<vmem>>) offsets(%dma_start3A_512 : memref<128xi32, #tpu.memory_space<vmem>>) semaphore(%arg12 : memref<!tpu.dma_semaphore, #tpu.memory_space<semaphore_mem>>)
      } else {
      }
      %mul3A_464 = arith.constant 4 : i32
      %mul3A_465 = arith.muli %scan3A_351, %mul3A_464 : i32
      %add3A_466 = arith.constant 3 : i32
      %add3A_467 = arith.addi %mul3A_465, %add3A_466 : i32
      %dma_wait3A_468 = arith.constant 0 : i32
      %dma_wait3A_469 = arith.constant 3 : i32
      %dma_wait3A_470 = arith.constant 0 : i32
      %dma_wait3A_471 = arith.constant 0 : i32
      %dma_wait3A_472 = tpu.memref_slice %arg11[%dma_wait3A_469, %dma_wait3A_470, %dma_wait3A_471] : memref<4x128x64xf32, #tpu.memory_space<vmem>> -> memref<1x128x64xf32, #tpu.memory_space<vmem>>
      %dma_wait3A_473 = tpu.memref_squeeze %dma_wait3A_472 : memref<1x128x64xf32, #tpu.memory_space<vmem>> -> memref<128x64xf32, #tpu.memory_space<vmem>>
      %dma_wait3A_474 = arith.constant 0 : i32
      %dma_wait3A_475 = tpu.memref_slice %arg9[%dma_wait3A_468, %dma_wait3A_474] : memref<40x128xi32, #tpu.memory_space<vmem>> -> memref<1x128xi32, #tpu.memory_space<vmem>>
      %dma_wait3A_476 = tpu.memref_squeeze %dma_wait3A_475 : memref<1x128xi32, #tpu.memory_space<vmem>> -> memref<128xi32, #tpu.memory_space<vmem>>
      %dma_wait3A_477 = arith.constant 0 : i32
      %dma_wait3A_478 = arith.constant 0 : i32
      %dma_wait3A_479 = tpu.memref_slice %arg7[%dma_wait3A_477, %dma_wait3A_478] : memref<10112x64xf32, #tpu.memory_space<vmem_shared>> -> memref<10112x64xf32, #tpu.memory_space<vmem_shared>>
      tpu.wait_indirect_dma semaphore(%arg12 : memref<!tpu.dma_semaphore, #tpu.memory_space<semaphore_mem>>) src(%dma_wait3A_479 : memref<10112x64xf32, #tpu.memory_space<vmem_shared>>) dst(%dma_wait3A_473 : memref<128x64xf32, #tpu.memory_space<vmem>>)
      %dma_start3A_480 = arith.constant 3 : i32
      %dma_start3A_481 = arith.constant 0 : i32
      %dma_start3A_482 = arith.constant 0 : i32
      %dma_start3A_483 = tpu.memref_slice %arg11[%dma_start3A_480, %dma_start3A_481, %dma_start3A_482] : memref<4x128x64xf32, #tpu.memory_space<vmem>> -> memref<1x128x64xf32, #tpu.memory_space<vmem>>
      %dma_start3A_484 = tpu.memref_squeeze %dma_start3A_483 : memref<1x128x64xf32, #tpu.memory_space<vmem>> -> memref<128x64xf32, #tpu.memory_space<vmem>>
      %dma_start3A_485 = arith.constant 0 : i32
      %dma_start3A_486 = tpu.memref_slice %arg10[%add3A_467, %dma_start3A_485] : memref<40x128xi32, #tpu.memory_space<vmem>> -> memref<1x128xi32, #tpu.memory_space<vmem>>
      %dma_start3A_487 = tpu.memref_squeeze %dma_start3A_486 : memref<1x128xi32, #tpu.memory_space<vmem>> -> memref<128xi32, #tpu.memory_space<vmem>>
      %dma_start3A_488 = arith.constant 0 : i32
      %dma_start3A_489 = arith.constant 0 : i32
      %dma_start3A_490 = tpu.memref_slice %arg8[%dma_start3A_488, %dma_start3A_489] : memref<10112x64xf32, #tpu.memory_space<vmem_shared>> -> memref<10112x64xf32, #tpu.memory_space<vmem_shared>>
      tpu.enqueue_indirect_dma source(%dma_start3A_484 : memref<128x64xf32, #tpu.memory_space<vmem>>) target(%dma_start3A_490 : memref<10112x64xf32, #tpu.memory_space<vmem_shared>>) offsets(%dma_start3A_487 : memref<128xi32, #tpu.memory_space<vmem>>) semaphore(%arg13 : memref<!tpu.dma_semaphore, #tpu.memory_space<semaphore_mem>>) {add = true}
      %ge3A_491 = arith.constant 2 : i32
      %ge3A_492 = arith.cmpi sge, %add3A_467, %ge3A_491 : i32
      %convert_element_type3A_493 = arith.extui %ge3A_492 : i1 to i32
      %cond3A_494 = arith.constant 0 : i32
      %cond3A_495 = arith.cmpi ne, %convert_element_type3A_493, %cond3A_494 : i32
      scf.if %cond3A_495 {
        %dma_wait3A_503 = arith.constant 1 : i32
        %dma_wait3A_504 = arith.constant 0 : i32
        %dma_wait3A_505 = arith.constant 0 : i32
        %dma_wait3A_506 = arith.constant 0 : i32
        %dma_wait3A_507 = tpu.memref_slice %arg11[%dma_wait3A_503, %dma_wait3A_505, %dma_wait3A_506] : memref<4x128x64xf32, #tpu.memory_space<vmem>> -> memref<1x128x64xf32, #tpu.memory_space<vmem>>
        %dma_wait3A_508 = tpu.memref_squeeze %dma_wait3A_507 : memref<1x128x64xf32, #tpu.memory_space<vmem>> -> memref<128x64xf32, #tpu.memory_space<vmem>>
        %dma_wait3A_509 = arith.constant 0 : i32
        %dma_wait3A_510 = tpu.memref_slice %arg10[%dma_wait3A_504, %dma_wait3A_509] : memref<40x128xi32, #tpu.memory_space<vmem>> -> memref<1x128xi32, #tpu.memory_space<vmem>>
        %dma_wait3A_511 = tpu.memref_squeeze %dma_wait3A_510 : memref<1x128xi32, #tpu.memory_space<vmem>> -> memref<128xi32, #tpu.memory_space<vmem>>
        %dma_wait3A_512 = arith.constant 0 : i32
        %dma_wait3A_513 = arith.constant 0 : i32
        %dma_wait3A_514 = tpu.memref_slice %arg8[%dma_wait3A_512, %dma_wait3A_513] : memref<10112x64xf32, #tpu.memory_space<vmem_shared>> -> memref<10112x64xf32, #tpu.memory_space<vmem_shared>>
        tpu.wait_indirect_dma semaphore(%arg13 : memref<!tpu.dma_semaphore, #tpu.memory_space<semaphore_mem>>) src(%dma_wait3A_508 : memref<128x64xf32, #tpu.memory_space<vmem>>) dst(%dma_wait3A_514 : memref<10112x64xf32, #tpu.memory_space<vmem_shared>>)
      } else {
      }
      %add3A_496 = arith.constant 2 : i32
      %add3A_497 = arith.addi %add3A_467, %add3A_496 : i32
      %lt3A_498 = arith.constant 40 : i32
      %lt3A_499 = arith.cmpi slt, %add3A_497, %lt3A_498 : i32
      %convert_element_type3A_500 = arith.extui %lt3A_499 : i1 to i32
      %cond3A_501 = arith.constant 0 : i32
      %cond3A_502 = arith.cmpi ne, %convert_element_type3A_500, %cond3A_501 : i32
      scf.if %cond3A_502 {
        %add3A_503 = arith.constant 2 : i32
        %add3A_504 = arith.addi %add3A_467, %add3A_503 : i32
        %dma_start3A_505 = arith.constant 1 : i32
        %dma_start3A_506 = arith.constant 0 : i32
        %dma_start3A_507 = arith.constant 0 : i32
        %dma_start3A_508 = tpu.memref_slice %arg11[%dma_start3A_505, %dma_start3A_506, %dma_start3A_507] : memref<4x128x64xf32, #tpu.memory_space<vmem>> -> memref<1x128x64xf32, #tpu.memory_space<vmem>>
        %dma_start3A_509 = tpu.memref_squeeze %dma_start3A_508 : memref<1x128x64xf32, #tpu.memory_space<vmem>> -> memref<128x64xf32, #tpu.memory_space<vmem>>
        %dma_start3A_510 = arith.constant 0 : i32
        %dma_start3A_511 = tpu.memref_slice %arg9[%add3A_504, %dma_start3A_510] : memref<40x128xi32, #tpu.memory_space<vmem>> -> memref<1x128xi32, #tpu.memory_space<vmem>>
        %dma_start3A_512 = tpu.memref_squeeze %dma_start3A_511 : memref<1x128xi32, #tpu.memory_space<vmem>> -> memref<128xi32, #tpu.memory_space<vmem>>
        %dma_start3A_513 = arith.constant 0 : i32
        %dma_start3A_514 = arith.constant 0 : i32
        %dma_start3A_515 = tpu.memref_slice %arg7[%dma_start3A_513, %dma_start3A_514] : memref<10112x64xf32, #tpu.memory_space<vmem_shared>> -> memref<10112x64xf32, #tpu.memory_space<vmem_shared>>
        tpu.enqueue_indirect_dma source(%dma_start3A_515 : memref<10112x64xf32, #tpu.memory_space<vmem_shared>>) target(%dma_start3A_509 : memref<128x64xf32, #tpu.memory_space<vmem>>) offsets(%dma_start3A_512 : memref<128xi32, #tpu.memory_space<vmem>>) semaphore(%arg12 : memref<!tpu.dma_semaphore, #tpu.memory_space<semaphore_mem>>)
      } else {
      }
    }
    %scan3A_149 = arith.constant 10 : i32
    %dma_wait3A_150 = arith.constant 0 : i32
    %dma_wait3A_151 = arith.constant 0 : i32
    %dma_wait3A_152 = arith.constant 0 : i32
    %dma_wait3A_153 = arith.constant 0 : i32
    %dma_wait3A_154 = tpu.memref_slice %arg11[%dma_wait3A_150, %dma_wait3A_152, %dma_wait3A_153] : memref<4x128x64xf32, #tpu.memory_space<vmem>> -> memref<1x128x64xf32, #tpu.memory_space<vmem>>
    %dma_wait3A_155 = tpu.memref_squeeze %dma_wait3A_154 : memref<1x128x64xf32, #tpu.memory_space<vmem>> -> memref<128x64xf32, #tpu.memory_space<vmem>>
    %dma_wait3A_156 = arith.constant 0 : i32
    %dma_wait3A_157 = tpu.memref_slice %arg10[%dma_wait3A_151, %dma_wait3A_156] : memref<40x128xi32, #tpu.memory_space<vmem>> -> memref<1x128xi32, #tpu.memory_space<vmem>>
    %dma_wait3A_158 = tpu.memref_squeeze %dma_wait3A_157 : memref<1x128xi32, #tpu.memory_space<vmem>> -> memref<128xi32, #tpu.memory_space<vmem>>
    %dma_wait3A_159 = arith.constant 0 : i32
    %dma_wait3A_160 = arith.constant 0 : i32
    %dma_wait3A_161 = tpu.memref_slice %arg8[%dma_wait3A_159, %dma_wait3A_160] : memref<10112x64xf32, #tpu.memory_space<vmem_shared>> -> memref<10112x64xf32, #tpu.memory_space<vmem_shared>>
    tpu.wait_indirect_dma semaphore(%arg13 : memref<!tpu.dma_semaphore, #tpu.memory_space<semaphore_mem>>) src(%dma_wait3A_155 : memref<128x64xf32, #tpu.memory_space<vmem>>) dst(%dma_wait3A_161 : memref<10112x64xf32, #tpu.memory_space<vmem_shared>>)
    %dma_wait3A_162 = arith.constant 1 : i32
    %dma_wait3A_163 = arith.constant 0 : i32
    %dma_wait3A_164 = arith.constant 0 : i32
    %dma_wait3A_165 = arith.constant 0 : i32
    %dma_wait3A_166 = tpu.memref_slice %arg11[%dma_wait3A_162, %dma_wait3A_164, %dma_wait3A_165] : memref<4x128x64xf32, #tpu.memory_space<vmem>> -> memref<1x128x64xf32, #tpu.memory_space<vmem>>
    %dma_wait3A_167 = tpu.memref_squeeze %dma_wait3A_166 : memref<1x128x64xf32, #tpu.memory_space<vmem>> -> memref<128x64xf32, #tpu.memory_space<vmem>>
    %dma_wait3A_168 = arith.constant 0 : i32
    %dma_wait3A_169 = tpu.memref_slice %arg10[%dma_wait3A_163, %dma_wait3A_168] : memref<40x128xi32, #tpu.memory_space<vmem>> -> memref<1x128xi32, #tpu.memory_space<vmem>>
    %dma_wait3A_170 = tpu.memref_squeeze %dma_wait3A_169 : memref<1x128xi32, #tpu.memory_space<vmem>> -> memref<128xi32, #tpu.memory_space<vmem>>
    %dma_wait3A_171 = arith.constant 0 : i32
    %dma_wait3A_172 = arith.constant 0 : i32
    %dma_wait3A_173 = tpu.memref_slice %arg8[%dma_wait3A_171, %dma_wait3A_172] : memref<10112x64xf32, #tpu.memory_space<vmem_shared>> -> memref<10112x64xf32, #tpu.memory_space<vmem_shared>>
    tpu.wait_indirect_dma semaphore(%arg13 : memref<!tpu.dma_semaphore, #tpu.memory_space<semaphore_mem>>) src(%dma_wait3A_167 : memref<128x64xf32, #tpu.memory_space<vmem>>) dst(%dma_wait3A_173 : memref<10112x64xf32, #tpu.memory_space<vmem_shared>>)
    %dma_start3A_174 = arith.constant 80 : i32
    %dma_start3A_175 = arith.constant 0 : i32
    %dma_start3A_176 = tpu.memref_slice %arg3[%arg1, %dma_start3A_174, %dma_start3A_175] : memref<16x160x128xi32, #tpu.memory_space<hbm>> -> memref<1x40x128xi32, #tpu.memory_space<hbm>>
    %dma_start3A_177 = tpu.memref_squeeze %dma_start3A_176 : memref<1x40x128xi32, #tpu.memory_space<hbm>> -> memref<40x128xi32, #tpu.memory_space<hbm>>
    %dma_start3A_178 = arith.constant 80 : i32
    %dma_start3A_179 = arith.constant 0 : i32
    %dma_start3A_180 = tpu.memref_slice %arg3[%arg1, %dma_start3A_178, %dma_start3A_179] : memref<16x160x128xi32, #tpu.memory_space<hbm>> -> memref<1x40x128xi32, #tpu.memory_space<hbm>>
    %dma_start3A_181 = tpu.memref_squeeze %dma_start3A_180 : memref<1x40x128xi32, #tpu.memory_space<hbm>> -> memref<40x128xi32, #tpu.memory_space<hbm>>
    tpu.enqueue_dma source(%dma_start3A_181 : memref<40x128xi32, #tpu.memory_space<hbm>>) target(%arg9 : memref<40x128xi32, #tpu.memory_space<vmem>>) target_semaphore(%arg12 : memref<!tpu.dma_semaphore, #tpu.memory_space<semaphore_mem>>)
    %dma_start3A_182 = arith.constant 80 : i32
    %dma_start3A_183 = arith.constant 0 : i32
    %dma_start3A_184 = tpu.memref_slice %arg4[%arg1, %dma_start3A_182, %dma_start3A_183] : memref<16x160x128xi32, #tpu.memory_space<hbm>> -> memref<1x40x128xi32, #tpu.memory_space<hbm>>
    %dma_start3A_185 = tpu.memref_squeeze %dma_start3A_184 : memref<1x40x128xi32, #tpu.memory_space<hbm>> -> memref<40x128xi32, #tpu.memory_space<hbm>>
    %dma_start3A_186 = arith.constant 80 : i32
    %dma_start3A_187 = arith.constant 0 : i32
    %dma_start3A_188 = tpu.memref_slice %arg4[%arg1, %dma_start3A_186, %dma_start3A_187] : memref<16x160x128xi32, #tpu.memory_space<hbm>> -> memref<1x40x128xi32, #tpu.memory_space<hbm>>
    %dma_start3A_189 = tpu.memref_squeeze %dma_start3A_188 : memref<1x40x128xi32, #tpu.memory_space<hbm>> -> memref<40x128xi32, #tpu.memory_space<hbm>>
    tpu.enqueue_dma source(%dma_start3A_189 : memref<40x128xi32, #tpu.memory_space<hbm>>) target(%arg10 : memref<40x128xi32, #tpu.memory_space<vmem>>) target_semaphore(%arg12 : memref<!tpu.dma_semaphore, #tpu.memory_space<semaphore_mem>>)
    %dma_wait3A_190 = arith.constant 0 : i32
    %dma_wait3A_191 = arith.constant 0 : i32
    %dma_wait3A_192 = tpu.memref_slice %arg3[%arg1, %dma_wait3A_190, %dma_wait3A_191] : memref<16x160x128xi32, #tpu.memory_space<hbm>> -> memref<1x40x128xi32, #tpu.memory_space<hbm>>
    %dma_wait3A_193 = tpu.memref_squeeze %dma_wait3A_192 : memref<1x40x128xi32, #tpu.memory_space<hbm>> -> memref<40x128xi32, #tpu.memory_space<hbm>>
    %dma_wait3A_194 = arith.constant 0 : i32
    %dma_wait3A_195 = arith.constant 0 : i32
    %dma_wait3A_196 = tpu.memref_slice %arg3[%arg1, %dma_wait3A_194, %dma_wait3A_195] : memref<16x160x128xi32, #tpu.memory_space<hbm>> -> memref<1x40x128xi32, #tpu.memory_space<hbm>>
    %dma_wait3A_197 = tpu.memref_squeeze %dma_wait3A_196 : memref<1x40x128xi32, #tpu.memory_space<hbm>> -> memref<40x128xi32, #tpu.memory_space<hbm>>
    tpu.wait_dma2 semaphore(%arg12 : memref<!tpu.dma_semaphore, #tpu.memory_space<semaphore_mem>>) src(%dma_wait3A_197 : memref<40x128xi32, #tpu.memory_space<hbm>>) dst(%arg9 : memref<40x128xi32, #tpu.memory_space<vmem>>)
    %dma_wait3A_198 = arith.constant 0 : i32
    %dma_wait3A_199 = arith.constant 0 : i32
    %dma_wait3A_200 = tpu.memref_slice %arg4[%arg1, %dma_wait3A_198, %dma_wait3A_199] : memref<16x160x128xi32, #tpu.memory_space<hbm>> -> memref<1x40x128xi32, #tpu.memory_space<hbm>>
    %dma_wait3A_201 = tpu.memref_squeeze %dma_wait3A_200 : memref<1x40x128xi32, #tpu.memory_space<hbm>> -> memref<40x128xi32, #tpu.memory_space<hbm>>
    %dma_wait3A_202 = arith.constant 0 : i32
    %dma_wait3A_203 = arith.constant 0 : i32
    %dma_wait3A_204 = tpu.memref_slice %arg4[%arg1, %dma_wait3A_202, %dma_wait3A_203] : memref<16x160x128xi32, #tpu.memory_space<hbm>> -> memref<1x40x128xi32, #tpu.memory_space<hbm>>
    %dma_wait3A_205 = tpu.memref_squeeze %dma_wait3A_204 : memref<1x40x128xi32, #tpu.memory_space<hbm>> -> memref<40x128xi32, #tpu.memory_space<hbm>>
    tpu.wait_dma2 semaphore(%arg12 : memref<!tpu.dma_semaphore, #tpu.memory_space<semaphore_mem>>) src(%dma_wait3A_205 : memref<40x128xi32, #tpu.memory_space<hbm>>) dst(%arg10 : memref<40x128xi32, #tpu.memory_space<vmem>>)
    %dma_start3A_206 = arith.constant 0 : i32
    %dma_start3A_207 = arith.constant 0 : i32
    %dma_start3A_208 = arith.constant 0 : i32
    %dma_start3A_209 = arith.constant 0 : i32
    %dma_start3A_210 = tpu.memref_slice %arg11[%dma_start3A_207, %dma_start3A_208, %dma_start3A_209] : memref<4x128x64xf32, #tpu.memory_space<vmem>> -> memref<1x128x64xf32, #tpu.memory_space<vmem>>
    %dma_start3A_211 = tpu.memref_squeeze %dma_start3A_210 : memref<1x128x64xf32, #tpu.memory_space<vmem>> -> memref<128x64xf32, #tpu.memory_space<vmem>>
    %dma_start3A_212 = arith.constant 0 : i32
    %dma_start3A_213 = tpu.memref_slice %arg9[%dma_start3A_206, %dma_start3A_212] : memref<40x128xi32, #tpu.memory_space<vmem>> -> memref<1x128xi32, #tpu.memory_space<vmem>>
    %dma_start3A_214 = tpu.memref_squeeze %dma_start3A_213 : memref<1x128xi32, #tpu.memory_space<vmem>> -> memref<128xi32, #tpu.memory_space<vmem>>
    %dma_start3A_215 = arith.constant 0 : i32
    %dma_start3A_216 = arith.constant 0 : i32
    %dma_start3A_217 = tpu.memref_slice %arg7[%dma_start3A_215, %dma_start3A_216] : memref<10112x64xf32, #tpu.memory_space<vmem_shared>> -> memref<10112x64xf32, #tpu.memory_space<vmem_shared>>
    tpu.enqueue_indirect_dma source(%dma_start3A_217 : memref<10112x64xf32, #tpu.memory_space<vmem_shared>>) target(%dma_start3A_211 : memref<128x64xf32, #tpu.memory_space<vmem>>) offsets(%dma_start3A_214 : memref<128xi32, #tpu.memory_space<vmem>>) semaphore(%arg12 : memref<!tpu.dma_semaphore, #tpu.memory_space<semaphore_mem>>)
    %dma_start3A_218 = arith.constant 1 : i32
    %dma_start3A_219 = arith.constant 1 : i32
    %dma_start3A_220 = arith.constant 0 : i32
    %dma_start3A_221 = arith.constant 0 : i32
    %dma_start3A_222 = tpu.memref_slice %arg11[%dma_start3A_219, %dma_start3A_220, %dma_start3A_221] : memref<4x128x64xf32, #tpu.memory_space<vmem>> -> memref<1x128x64xf32, #tpu.memory_space<vmem>>
    %dma_start3A_223 = tpu.memref_squeeze %dma_start3A_222 : memref<1x128x64xf32, #tpu.memory_space<vmem>> -> memref<128x64xf32, #tpu.memory_space<vmem>>
    %dma_start3A_224 = arith.constant 0 : i32
    %dma_start3A_225 = tpu.memref_slice %arg9[%dma_start3A_218, %dma_start3A_224] : memref<40x128xi32, #tpu.memory_space<vmem>> -> memref<1x128xi32, #tpu.memory_space<vmem>>
    %dma_start3A_226 = tpu.memref_squeeze %dma_start3A_225 : memref<1x128xi32, #tpu.memory_space<vmem>> -> memref<128xi32, #tpu.memory_space<vmem>>
    %dma_start3A_227 = arith.constant 0 : i32
    %dma_start3A_228 = arith.constant 0 : i32
    %dma_start3A_229 = tpu.memref_slice %arg7[%dma_start3A_227, %dma_start3A_228] : memref<10112x64xf32, #tpu.memory_space<vmem_shared>> -> memref<10112x64xf32, #tpu.memory_space<vmem_shared>>
    tpu.enqueue_indirect_dma source(%dma_start3A_229 : memref<10112x64xf32, #tpu.memory_space<vmem_shared>>) target(%dma_start3A_223 : memref<128x64xf32, #tpu.memory_space<vmem>>) offsets(%dma_start3A_226 : memref<128xi32, #tpu.memory_space<vmem>>) semaphore(%arg12 : memref<!tpu.dma_semaphore, #tpu.memory_space<semaphore_mem>>)
    %scan3A_230 = arith.constant 0 : i32
    %scan3A_231 = arith.constant 0 : i32
    %scan3A_232 = arith.constant 10 : i32
    %scan3A_233 = arith.addi %scan3A_231, %scan3A_232 : i32
    %scan3A_234 = arith.constant 1 : i32
    scf.for %scan3A_351 = %scan3A_231 to %scan3A_233 step %scan3A_234  : i32 {
      %mul3A_352 = arith.constant 4 : i32
      %mul3A_353 = arith.muli %scan3A_351, %mul3A_352 : i32
      %add3A = arith.constant 0 : i32
      %add3A_354 = arith.addi %mul3A_353, %add3A : i32
      %dma_wait3A_355 = arith.constant 0 : i32
      %dma_wait3A_356 = arith.constant 0 : i32
      %dma_wait3A_357 = arith.constant 0 : i32
      %dma_wait3A_358 = arith.constant 0 : i32
      %dma_wait3A_359 = tpu.memref_slice %arg11[%dma_wait3A_356, %dma_wait3A_357, %dma_wait3A_358] : memref<4x128x64xf32, #tpu.memory_space<vmem>> -> memref<1x128x64xf32, #tpu.memory_space<vmem>>
      %dma_wait3A_360 = tpu.memref_squeeze %dma_wait3A_359 : memref<1x128x64xf32, #tpu.memory_space<vmem>> -> memref<128x64xf32, #tpu.memory_space<vmem>>
      %dma_wait3A_361 = arith.constant 0 : i32
      %dma_wait3A_362 = tpu.memref_slice %arg9[%dma_wait3A_355, %dma_wait3A_361] : memref<40x128xi32, #tpu.memory_space<vmem>> -> memref<1x128xi32, #tpu.memory_space<vmem>>
      %dma_wait3A_363 = tpu.memref_squeeze %dma_wait3A_362 : memref<1x128xi32, #tpu.memory_space<vmem>> -> memref<128xi32, #tpu.memory_space<vmem>>
      %dma_wait3A_364 = arith.constant 0 : i32
      %dma_wait3A_365 = arith.constant 0 : i32
      %dma_wait3A_366 = tpu.memref_slice %arg7[%dma_wait3A_364, %dma_wait3A_365] : memref<10112x64xf32, #tpu.memory_space<vmem_shared>> -> memref<10112x64xf32, #tpu.memory_space<vmem_shared>>
      tpu.wait_indirect_dma semaphore(%arg12 : memref<!tpu.dma_semaphore, #tpu.memory_space<semaphore_mem>>) src(%dma_wait3A_366 : memref<10112x64xf32, #tpu.memory_space<vmem_shared>>) dst(%dma_wait3A_360 : memref<128x64xf32, #tpu.memory_space<vmem>>)
      %dma_start3A_367 = arith.constant 0 : i32
      %dma_start3A_368 = arith.constant 0 : i32
      %dma_start3A_369 = arith.constant 0 : i32
      %dma_start3A_370 = tpu.memref_slice %arg11[%dma_start3A_367, %dma_start3A_368, %dma_start3A_369] : memref<4x128x64xf32, #tpu.memory_space<vmem>> -> memref<1x128x64xf32, #tpu.memory_space<vmem>>
      %dma_start3A_371 = tpu.memref_squeeze %dma_start3A_370 : memref<1x128x64xf32, #tpu.memory_space<vmem>> -> memref<128x64xf32, #tpu.memory_space<vmem>>
      %dma_start3A_372 = arith.constant 0 : i32
      %dma_start3A_373 = tpu.memref_slice %arg10[%add3A_354, %dma_start3A_372] : memref<40x128xi32, #tpu.memory_space<vmem>> -> memref<1x128xi32, #tpu.memory_space<vmem>>
      %dma_start3A_374 = tpu.memref_squeeze %dma_start3A_373 : memref<1x128xi32, #tpu.memory_space<vmem>> -> memref<128xi32, #tpu.memory_space<vmem>>
      %dma_start3A_375 = arith.constant 0 : i32
      %dma_start3A_376 = arith.constant 0 : i32
      %dma_start3A_377 = tpu.memref_slice %arg8[%dma_start3A_375, %dma_start3A_376] : memref<10112x64xf32, #tpu.memory_space<vmem_shared>> -> memref<10112x64xf32, #tpu.memory_space<vmem_shared>>
      tpu.enqueue_indirect_dma source(%dma_start3A_371 : memref<128x64xf32, #tpu.memory_space<vmem>>) target(%dma_start3A_377 : memref<10112x64xf32, #tpu.memory_space<vmem_shared>>) offsets(%dma_start3A_374 : memref<128xi32, #tpu.memory_space<vmem>>) semaphore(%arg13 : memref<!tpu.dma_semaphore, #tpu.memory_space<semaphore_mem>>) {add = true}
      %ge3A = arith.constant 2 : i32
      %ge3A_378 = arith.cmpi sge, %add3A_354, %ge3A : i32
      %convert_element_type3A = arith.extui %ge3A_378 : i1 to i32
      %cond3A = arith.constant 0 : i32
      %cond3A_379 = arith.cmpi ne, %convert_element_type3A, %cond3A : i32
      scf.if %cond3A_379 {
        %dma_wait3A_503 = arith.constant 2 : i32
        %dma_wait3A_504 = arith.constant 0 : i32
        %dma_wait3A_505 = arith.constant 0 : i32
        %dma_wait3A_506 = arith.constant 0 : i32
        %dma_wait3A_507 = tpu.memref_slice %arg11[%dma_wait3A_503, %dma_wait3A_505, %dma_wait3A_506] : memref<4x128x64xf32, #tpu.memory_space<vmem>> -> memref<1x128x64xf32, #tpu.memory_space<vmem>>
        %dma_wait3A_508 = tpu.memref_squeeze %dma_wait3A_507 : memref<1x128x64xf32, #tpu.memory_space<vmem>> -> memref<128x64xf32, #tpu.memory_space<vmem>>
        %dma_wait3A_509 = arith.constant 0 : i32
        %dma_wait3A_510 = tpu.memref_slice %arg10[%dma_wait3A_504, %dma_wait3A_509] : memref<40x128xi32, #tpu.memory_space<vmem>> -> memref<1x128xi32, #tpu.memory_space<vmem>>
        %dma_wait3A_511 = tpu.memref_squeeze %dma_wait3A_510 : memref<1x128xi32, #tpu.memory_space<vmem>> -> memref<128xi32, #tpu.memory_space<vmem>>
        %dma_wait3A_512 = arith.constant 0 : i32
        %dma_wait3A_513 = arith.constant 0 : i32
        %dma_wait3A_514 = tpu.memref_slice %arg8[%dma_wait3A_512, %dma_wait3A_513] : memref<10112x64xf32, #tpu.memory_space<vmem_shared>> -> memref<10112x64xf32, #tpu.memory_space<vmem_shared>>
        tpu.wait_indirect_dma semaphore(%arg13 : memref<!tpu.dma_semaphore, #tpu.memory_space<semaphore_mem>>) src(%dma_wait3A_508 : memref<128x64xf32, #tpu.memory_space<vmem>>) dst(%dma_wait3A_514 : memref<10112x64xf32, #tpu.memory_space<vmem_shared>>)
      } else {
      }
      %add3A_380 = arith.constant 2 : i32
      %add3A_381 = arith.addi %add3A_354, %add3A_380 : i32
      %lt3A = arith.constant 40 : i32
      %lt3A_382 = arith.cmpi slt, %add3A_381, %lt3A : i32
      %convert_element_type3A_383 = arith.extui %lt3A_382 : i1 to i32
      %cond3A_384 = arith.constant 0 : i32
      %cond3A_385 = arith.cmpi ne, %convert_element_type3A_383, %cond3A_384 : i32
      scf.if %cond3A_385 {
        %add3A_503 = arith.constant 2 : i32
        %add3A_504 = arith.addi %add3A_354, %add3A_503 : i32
        %dma_start3A_505 = arith.constant 2 : i32
        %dma_start3A_506 = arith.constant 0 : i32
        %dma_start3A_507 = arith.constant 0 : i32
        %dma_start3A_508 = tpu.memref_slice %arg11[%dma_start3A_505, %dma_start3A_506, %dma_start3A_507] : memref<4x128x64xf32, #tpu.memory_space<vmem>> -> memref<1x128x64xf32, #tpu.memory_space<vmem>>
        %dma_start3A_509 = tpu.memref_squeeze %dma_start3A_508 : memref<1x128x64xf32, #tpu.memory_space<vmem>> -> memref<128x64xf32, #tpu.memory_space<vmem>>
        %dma_start3A_510 = arith.constant 0 : i32
        %dma_start3A_511 = tpu.memref_slice %arg9[%add3A_504, %dma_start3A_510] : memref<40x128xi32, #tpu.memory_space<vmem>> -> memref<1x128xi32, #tpu.memory_space<vmem>>
        %dma_start3A_512 = tpu.memref_squeeze %dma_start3A_511 : memref<1x128xi32, #tpu.memory_space<vmem>> -> memref<128xi32, #tpu.memory_space<vmem>>
        %dma_start3A_513 = arith.constant 0 : i32
        %dma_start3A_514 = arith.constant 0 : i32
        %dma_start3A_515 = tpu.memref_slice %arg7[%dma_start3A_513, %dma_start3A_514] : memref<10112x64xf32, #tpu.memory_space<vmem_shared>> -> memref<10112x64xf32, #tpu.memory_space<vmem_shared>>
        tpu.enqueue_indirect_dma source(%dma_start3A_515 : memref<10112x64xf32, #tpu.memory_space<vmem_shared>>) target(%dma_start3A_509 : memref<128x64xf32, #tpu.memory_space<vmem>>) offsets(%dma_start3A_512 : memref<128xi32, #tpu.memory_space<vmem>>) semaphore(%arg12 : memref<!tpu.dma_semaphore, #tpu.memory_space<semaphore_mem>>)
      } else {
      }
      %mul3A_386 = arith.constant 4 : i32
      %mul3A_387 = arith.muli %scan3A_351, %mul3A_386 : i32
      %add3A_388 = arith.constant 1 : i32
      %add3A_389 = arith.addi %mul3A_387, %add3A_388 : i32
      %dma_wait3A_390 = arith.constant 0 : i32
      %dma_wait3A_391 = arith.constant 1 : i32
      %dma_wait3A_392 = arith.constant 0 : i32
      %dma_wait3A_393 = arith.constant 0 : i32
      %dma_wait3A_394 = tpu.memref_slice %arg11[%dma_wait3A_391, %dma_wait3A_392, %dma_wait3A_393] : memref<4x128x64xf32, #tpu.memory_space<vmem>> -> memref<1x128x64xf32, #tpu.memory_space<vmem>>
      %dma_wait3A_395 = tpu.memref_squeeze %dma_wait3A_394 : memref<1x128x64xf32, #tpu.memory_space<vmem>> -> memref<128x64xf32, #tpu.memory_space<vmem>>
      %dma_wait3A_396 = arith.constant 0 : i32
      %dma_wait3A_397 = tpu.memref_slice %arg9[%dma_wait3A_390, %dma_wait3A_396] : memref<40x128xi32, #tpu.memory_space<vmem>> -> memref<1x128xi32, #tpu.memory_space<vmem>>
      %dma_wait3A_398 = tpu.memref_squeeze %dma_wait3A_397 : memref<1x128xi32, #tpu.memory_space<vmem>> -> memref<128xi32, #tpu.memory_space<vmem>>
      %dma_wait3A_399 = arith.constant 0 : i32
      %dma_wait3A_400 = arith.constant 0 : i32
      %dma_wait3A_401 = tpu.memref_slice %arg7[%dma_wait3A_399, %dma_wait3A_400] : memref<10112x64xf32, #tpu.memory_space<vmem_shared>> -> memref<10112x64xf32, #tpu.memory_space<vmem_shared>>
      tpu.wait_indirect_dma semaphore(%arg12 : memref<!tpu.dma_semaphore, #tpu.memory_space<semaphore_mem>>) src(%dma_wait3A_401 : memref<10112x64xf32, #tpu.memory_space<vmem_shared>>) dst(%dma_wait3A_395 : memref<128x64xf32, #tpu.memory_space<vmem>>)
      %dma_start3A_402 = arith.constant 1 : i32
      %dma_start3A_403 = arith.constant 0 : i32
      %dma_start3A_404 = arith.constant 0 : i32
      %dma_start3A_405 = tpu.memref_slice %arg11[%dma_start3A_402, %dma_start3A_403, %dma_start3A_404] : memref<4x128x64xf32, #tpu.memory_space<vmem>> -> memref<1x128x64xf32, #tpu.memory_space<vmem>>
      %dma_start3A_406 = tpu.memref_squeeze %dma_start3A_405 : memref<1x128x64xf32, #tpu.memory_space<vmem>> -> memref<128x64xf32, #tpu.memory_space<vmem>>
      %dma_start3A_407 = arith.constant 0 : i32
      %dma_start3A_408 = tpu.memref_slice %arg10[%add3A_389, %dma_start3A_407] : memref<40x128xi32, #tpu.memory_space<vmem>> -> memref<1x128xi32, #tpu.memory_space<vmem>>
      %dma_start3A_409 = tpu.memref_squeeze %dma_start3A_408 : memref<1x128xi32, #tpu.memory_space<vmem>> -> memref<128xi32, #tpu.memory_space<vmem>>
      %dma_start3A_410 = arith.constant 0 : i32
      %dma_start3A_411 = arith.constant 0 : i32
      %dma_start3A_412 = tpu.memref_slice %arg8[%dma_start3A_410, %dma_start3A_411] : memref<10112x64xf32, #tpu.memory_space<vmem_shared>> -> memref<10112x64xf32, #tpu.memory_space<vmem_shared>>
      tpu.enqueue_indirect_dma source(%dma_start3A_406 : memref<128x64xf32, #tpu.memory_space<vmem>>) target(%dma_start3A_412 : memref<10112x64xf32, #tpu.memory_space<vmem_shared>>) offsets(%dma_start3A_409 : memref<128xi32, #tpu.memory_space<vmem>>) semaphore(%arg13 : memref<!tpu.dma_semaphore, #tpu.memory_space<semaphore_mem>>) {add = true}
      %ge3A_413 = arith.constant 2 : i32
      %ge3A_414 = arith.cmpi sge, %add3A_389, %ge3A_413 : i32
      %convert_element_type3A_415 = arith.extui %ge3A_414 : i1 to i32
      %cond3A_416 = arith.constant 0 : i32
      %cond3A_417 = arith.cmpi ne, %convert_element_type3A_415, %cond3A_416 : i32
      scf.if %cond3A_417 {
        %dma_wait3A_503 = arith.constant 3 : i32
        %dma_wait3A_504 = arith.constant 0 : i32
        %dma_wait3A_505 = arith.constant 0 : i32
        %dma_wait3A_506 = arith.constant 0 : i32
        %dma_wait3A_507 = tpu.memref_slice %arg11[%dma_wait3A_503, %dma_wait3A_505, %dma_wait3A_506] : memref<4x128x64xf32, #tpu.memory_space<vmem>> -> memref<1x128x64xf32, #tpu.memory_space<vmem>>
        %dma_wait3A_508 = tpu.memref_squeeze %dma_wait3A_507 : memref<1x128x64xf32, #tpu.memory_space<vmem>> -> memref<128x64xf32, #tpu.memory_space<vmem>>
        %dma_wait3A_509 = arith.constant 0 : i32
        %dma_wait3A_510 = tpu.memref_slice %arg10[%dma_wait3A_504, %dma_wait3A_509] : memref<40x128xi32, #tpu.memory_space<vmem>> -> memref<1x128xi32, #tpu.memory_space<vmem>>
        %dma_wait3A_511 = tpu.memref_squeeze %dma_wait3A_510 : memref<1x128xi32, #tpu.memory_space<vmem>> -> memref<128xi32, #tpu.memory_space<vmem>>
        %dma_wait3A_512 = arith.constant 0 : i32
        %dma_wait3A_513 = arith.constant 0 : i32
        %dma_wait3A_514 = tpu.memref_slice %arg8[%dma_wait3A_512, %dma_wait3A_513] : memref<10112x64xf32, #tpu.memory_space<vmem_shared>> -> memref<10112x64xf32, #tpu.memory_space<vmem_shared>>
        tpu.wait_indirect_dma semaphore(%arg13 : memref<!tpu.dma_semaphore, #tpu.memory_space<semaphore_mem>>) src(%dma_wait3A_508 : memref<128x64xf32, #tpu.memory_space<vmem>>) dst(%dma_wait3A_514 : memref<10112x64xf32, #tpu.memory_space<vmem_shared>>)
      } else {
      }
      %add3A_418 = arith.constant 2 : i32
      %add3A_419 = arith.addi %add3A_389, %add3A_418 : i32
      %lt3A_420 = arith.constant 40 : i32
      %lt3A_421 = arith.cmpi slt, %add3A_419, %lt3A_420 : i32
      %convert_element_type3A_422 = arith.extui %lt3A_421 : i1 to i32
      %cond3A_423 = arith.constant 0 : i32
      %cond3A_424 = arith.cmpi ne, %convert_element_type3A_422, %cond3A_423 : i32
      scf.if %cond3A_424 {
        %add3A_503 = arith.constant 2 : i32
        %add3A_504 = arith.addi %add3A_389, %add3A_503 : i32
        %dma_start3A_505 = arith.constant 3 : i32
        %dma_start3A_506 = arith.constant 0 : i32
        %dma_start3A_507 = arith.constant 0 : i32
        %dma_start3A_508 = tpu.memref_slice %arg11[%dma_start3A_505, %dma_start3A_506, %dma_start3A_507] : memref<4x128x64xf32, #tpu.memory_space<vmem>> -> memref<1x128x64xf32, #tpu.memory_space<vmem>>
        %dma_start3A_509 = tpu.memref_squeeze %dma_start3A_508 : memref<1x128x64xf32, #tpu.memory_space<vmem>> -> memref<128x64xf32, #tpu.memory_space<vmem>>
        %dma_start3A_510 = arith.constant 0 : i32
        %dma_start3A_511 = tpu.memref_slice %arg9[%add3A_504, %dma_start3A_510] : memref<40x128xi32, #tpu.memory_space<vmem>> -> memref<1x128xi32, #tpu.memory_space<vmem>>
        %dma_start3A_512 = tpu.memref_squeeze %dma_start3A_511 : memref<1x128xi32, #tpu.memory_space<vmem>> -> memref<128xi32, #tpu.memory_space<vmem>>
        %dma_start3A_513 = arith.constant 0 : i32
        %dma_start3A_514 = arith.constant 0 : i32
        %dma_start3A_515 = tpu.memref_slice %arg7[%dma_start3A_513, %dma_start3A_514] : memref<10112x64xf32, #tpu.memory_space<vmem_shared>> -> memref<10112x64xf32, #tpu.memory_space<vmem_shared>>
        tpu.enqueue_indirect_dma source(%dma_start3A_515 : memref<10112x64xf32, #tpu.memory_space<vmem_shared>>) target(%dma_start3A_509 : memref<128x64xf32, #tpu.memory_space<vmem>>) offsets(%dma_start3A_512 : memref<128xi32, #tpu.memory_space<vmem>>) semaphore(%arg12 : memref<!tpu.dma_semaphore, #tpu.memory_space<semaphore_mem>>)
      } else {
      }
      %mul3A_425 = arith.constant 4 : i32
      %mul3A_426 = arith.muli %scan3A_351, %mul3A_425 : i32
      %add3A_427 = arith.constant 2 : i32
      %add3A_428 = arith.addi %mul3A_426, %add3A_427 : i32
      %dma_wait3A_429 = arith.constant 0 : i32
      %dma_wait3A_430 = arith.constant 2 : i32
      %dma_wait3A_431 = arith.constant 0 : i32
      %dma_wait3A_432 = arith.constant 0 : i32
      %dma_wait3A_433 = tpu.memref_slice %arg11[%dma_wait3A_430, %dma_wait3A_431, %dma_wait3A_432] : memref<4x128x64xf32, #tpu.memory_space<vmem>> -> memref<1x128x64xf32, #tpu.memory_space<vmem>>
      %dma_wait3A_434 = tpu.memref_squeeze %dma_wait3A_433 : memref<1x128x64xf32, #tpu.memory_space<vmem>> -> memref<128x64xf32, #tpu.memory_space<vmem>>
      %dma_wait3A_435 = arith.constant 0 : i32
      %dma_wait3A_436 = tpu.memref_slice %arg9[%dma_wait3A_429, %dma_wait3A_435] : memref<40x128xi32, #tpu.memory_space<vmem>> -> memref<1x128xi32, #tpu.memory_space<vmem>>
      %dma_wait3A_437 = tpu.memref_squeeze %dma_wait3A_436 : memref<1x128xi32, #tpu.memory_space<vmem>> -> memref<128xi32, #tpu.memory_space<vmem>>
      %dma_wait3A_438 = arith.constant 0 : i32
      %dma_wait3A_439 = arith.constant 0 : i32
      %dma_wait3A_440 = tpu.memref_slice %arg7[%dma_wait3A_438, %dma_wait3A_439] : memref<10112x64xf32, #tpu.memory_space<vmem_shared>> -> memref<10112x64xf32, #tpu.memory_space<vmem_shared>>
      tpu.wait_indirect_dma semaphore(%arg12 : memref<!tpu.dma_semaphore, #tpu.memory_space<semaphore_mem>>) src(%dma_wait3A_440 : memref<10112x64xf32, #tpu.memory_space<vmem_shared>>) dst(%dma_wait3A_434 : memref<128x64xf32, #tpu.memory_space<vmem>>)
      %dma_start3A_441 = arith.constant 2 : i32
      %dma_start3A_442 = arith.constant 0 : i32
      %dma_start3A_443 = arith.constant 0 : i32
      %dma_start3A_444 = tpu.memref_slice %arg11[%dma_start3A_441, %dma_start3A_442, %dma_start3A_443] : memref<4x128x64xf32, #tpu.memory_space<vmem>> -> memref<1x128x64xf32, #tpu.memory_space<vmem>>
      %dma_start3A_445 = tpu.memref_squeeze %dma_start3A_444 : memref<1x128x64xf32, #tpu.memory_space<vmem>> -> memref<128x64xf32, #tpu.memory_space<vmem>>
      %dma_start3A_446 = arith.constant 0 : i32
      %dma_start3A_447 = tpu.memref_slice %arg10[%add3A_428, %dma_start3A_446] : memref<40x128xi32, #tpu.memory_space<vmem>> -> memref<1x128xi32, #tpu.memory_space<vmem>>
      %dma_start3A_448 = tpu.memref_squeeze %dma_start3A_447 : memref<1x128xi32, #tpu.memory_space<vmem>> -> memref<128xi32, #tpu.memory_space<vmem>>
      %dma_start3A_449 = arith.constant 0 : i32
      %dma_start3A_450 = arith.constant 0 : i32
      %dma_start3A_451 = tpu.memref_slice %arg8[%dma_start3A_449, %dma_start3A_450] : memref<10112x64xf32, #tpu.memory_space<vmem_shared>> -> memref<10112x64xf32, #tpu.memory_space<vmem_shared>>
      tpu.enqueue_indirect_dma source(%dma_start3A_445 : memref<128x64xf32, #tpu.memory_space<vmem>>) target(%dma_start3A_451 : memref<10112x64xf32, #tpu.memory_space<vmem_shared>>) offsets(%dma_start3A_448 : memref<128xi32, #tpu.memory_space<vmem>>) semaphore(%arg13 : memref<!tpu.dma_semaphore, #tpu.memory_space<semaphore_mem>>) {add = true}
      %ge3A_452 = arith.constant 2 : i32
      %ge3A_453 = arith.cmpi sge, %add3A_428, %ge3A_452 : i32
      %convert_element_type3A_454 = arith.extui %ge3A_453 : i1 to i32
      %cond3A_455 = arith.constant 0 : i32
      %cond3A_456 = arith.cmpi ne, %convert_element_type3A_454, %cond3A_455 : i32
      scf.if %cond3A_456 {
        %dma_wait3A_503 = arith.constant 0 : i32
        %dma_wait3A_504 = arith.constant 0 : i32
        %dma_wait3A_505 = arith.constant 0 : i32
        %dma_wait3A_506 = arith.constant 0 : i32
        %dma_wait3A_507 = tpu.memref_slice %arg11[%dma_wait3A_503, %dma_wait3A_505, %dma_wait3A_506] : memref<4x128x64xf32, #tpu.memory_space<vmem>> -> memref<1x128x64xf32, #tpu.memory_space<vmem>>
        %dma_wait3A_508 = tpu.memref_squeeze %dma_wait3A_507 : memref<1x128x64xf32, #tpu.memory_space<vmem>> -> memref<128x64xf32, #tpu.memory_space<vmem>>
        %dma_wait3A_509 = arith.constant 0 : i32
        %dma_wait3A_510 = tpu.memref_slice %arg10[%dma_wait3A_504, %dma_wait3A_509] : memref<40x128xi32, #tpu.memory_space<vmem>> -> memref<1x128xi32, #tpu.memory_space<vmem>>
        %dma_wait3A_511 = tpu.memref_squeeze %dma_wait3A_510 : memref<1x128xi32, #tpu.memory_space<vmem>> -> memref<128xi32, #tpu.memory_space<vmem>>
        %dma_wait3A_512 = arith.constant 0 : i32
        %dma_wait3A_513 = arith.constant 0 : i32
        %dma_wait3A_514 = tpu.memref_slice %arg8[%dma_wait3A_512, %dma_wait3A_513] : memref<10112x64xf32, #tpu.memory_space<vmem_shared>> -> memref<10112x64xf32, #tpu.memory_space<vmem_shared>>
        tpu.wait_indirect_dma semaphore(%arg13 : memref<!tpu.dma_semaphore, #tpu.memory_space<semaphore_mem>>) src(%dma_wait3A_508 : memref<128x64xf32, #tpu.memory_space<vmem>>) dst(%dma_wait3A_514 : memref<10112x64xf32, #tpu.memory_space<vmem_shared>>)
      } else {
      }
      %add3A_457 = arith.constant 2 : i32
      %add3A_458 = arith.addi %add3A_428, %add3A_457 : i32
      %lt3A_459 = arith.constant 40 : i32
      %lt3A_460 = arith.cmpi slt, %add3A_458, %lt3A_459 : i32
      %convert_element_type3A_461 = arith.extui %lt3A_460 : i1 to i32
      %cond3A_462 = arith.constant 0 : i32
      %cond3A_463 = arith.cmpi ne, %convert_element_type3A_461, %cond3A_462 : i32
      scf.if %cond3A_463 {
        %add3A_503 = arith.constant 2 : i32
        %add3A_504 = arith.addi %add3A_428, %add3A_503 : i32
        %dma_start3A_505 = arith.constant 0 : i32
        %dma_start3A_506 = arith.constant 0 : i32
        %dma_start3A_507 = arith.constant 0 : i32
        %dma_start3A_508 = tpu.memref_slice %arg11[%dma_start3A_505, %dma_start3A_506, %dma_start3A_507] : memref<4x128x64xf32, #tpu.memory_space<vmem>> -> memref<1x128x64xf32, #tpu.memory_space<vmem>>
        %dma_start3A_509 = tpu.memref_squeeze %dma_start3A_508 : memref<1x128x64xf32, #tpu.memory_space<vmem>> -> memref<128x64xf32, #tpu.memory_space<vmem>>
        %dma_start3A_510 = arith.constant 0 : i32
        %dma_start3A_511 = tpu.memref_slice %arg9[%add3A_504, %dma_start3A_510] : memref<40x128xi32, #tpu.memory_space<vmem>> -> memref<1x128xi32, #tpu.memory_space<vmem>>
        %dma_start3A_512 = tpu.memref_squeeze %dma_start3A_511 : memref<1x128xi32, #tpu.memory_space<vmem>> -> memref<128xi32, #tpu.memory_space<vmem>>
        %dma_start3A_513 = arith.constant 0 : i32
        %dma_start3A_514 = arith.constant 0 : i32
        %dma_start3A_515 = tpu.memref_slice %arg7[%dma_start3A_513, %dma_start3A_514] : memref<10112x64xf32, #tpu.memory_space<vmem_shared>> -> memref<10112x64xf32, #tpu.memory_space<vmem_shared>>
        tpu.enqueue_indirect_dma source(%dma_start3A_515 : memref<10112x64xf32, #tpu.memory_space<vmem_shared>>) target(%dma_start3A_509 : memref<128x64xf32, #tpu.memory_space<vmem>>) offsets(%dma_start3A_512 : memref<128xi32, #tpu.memory_space<vmem>>) semaphore(%arg12 : memref<!tpu.dma_semaphore, #tpu.memory_space<semaphore_mem>>)
      } else {
      }
      %mul3A_464 = arith.constant 4 : i32
      %mul3A_465 = arith.muli %scan3A_351, %mul3A_464 : i32
      %add3A_466 = arith.constant 3 : i32
      %add3A_467 = arith.addi %mul3A_465, %add3A_466 : i32
      %dma_wait3A_468 = arith.constant 0 : i32
      %dma_wait3A_469 = arith.constant 3 : i32
      %dma_wait3A_470 = arith.constant 0 : i32
      %dma_wait3A_471 = arith.constant 0 : i32
      %dma_wait3A_472 = tpu.memref_slice %arg11[%dma_wait3A_469, %dma_wait3A_470, %dma_wait3A_471] : memref<4x128x64xf32, #tpu.memory_space<vmem>> -> memref<1x128x64xf32, #tpu.memory_space<vmem>>
      %dma_wait3A_473 = tpu.memref_squeeze %dma_wait3A_472 : memref<1x128x64xf32, #tpu.memory_space<vmem>> -> memref<128x64xf32, #tpu.memory_space<vmem>>
      %dma_wait3A_474 = arith.constant 0 : i32
      %dma_wait3A_475 = tpu.memref_slice %arg9[%dma_wait3A_468, %dma_wait3A_474] : memref<40x128xi32, #tpu.memory_space<vmem>> -> memref<1x128xi32, #tpu.memory_space<vmem>>
      %dma_wait3A_476 = tpu.memref_squeeze %dma_wait3A_475 : memref<1x128xi32, #tpu.memory_space<vmem>> -> memref<128xi32, #tpu.memory_space<vmem>>
      %dma_wait3A_477 = arith.constant 0 : i32
      %dma_wait3A_478 = arith.constant 0 : i32
      %dma_wait3A_479 = tpu.memref_slice %arg7[%dma_wait3A_477, %dma_wait3A_478] : memref<10112x64xf32, #tpu.memory_space<vmem_shared>> -> memref<10112x64xf32, #tpu.memory_space<vmem_shared>>
      tpu.wait_indirect_dma semaphore(%arg12 : memref<!tpu.dma_semaphore, #tpu.memory_space<semaphore_mem>>) src(%dma_wait3A_479 : memref<10112x64xf32, #tpu.memory_space<vmem_shared>>) dst(%dma_wait3A_473 : memref<128x64xf32, #tpu.memory_space<vmem>>)
      %dma_start3A_480 = arith.constant 3 : i32
      %dma_start3A_481 = arith.constant 0 : i32
      %dma_start3A_482 = arith.constant 0 : i32
      %dma_start3A_483 = tpu.memref_slice %arg11[%dma_start3A_480, %dma_start3A_481, %dma_start3A_482] : memref<4x128x64xf32, #tpu.memory_space<vmem>> -> memref<1x128x64xf32, #tpu.memory_space<vmem>>
      %dma_start3A_484 = tpu.memref_squeeze %dma_start3A_483 : memref<1x128x64xf32, #tpu.memory_space<vmem>> -> memref<128x64xf32, #tpu.memory_space<vmem>>
      %dma_start3A_485 = arith.constant 0 : i32
      %dma_start3A_486 = tpu.memref_slice %arg10[%add3A_467, %dma_start3A_485] : memref<40x128xi32, #tpu.memory_space<vmem>> -> memref<1x128xi32, #tpu.memory_space<vmem>>
      %dma_start3A_487 = tpu.memref_squeeze %dma_start3A_486 : memref<1x128xi32, #tpu.memory_space<vmem>> -> memref<128xi32, #tpu.memory_space<vmem>>
      %dma_start3A_488 = arith.constant 0 : i32
      %dma_start3A_489 = arith.constant 0 : i32
      %dma_start3A_490 = tpu.memref_slice %arg8[%dma_start3A_488, %dma_start3A_489] : memref<10112x64xf32, #tpu.memory_space<vmem_shared>> -> memref<10112x64xf32, #tpu.memory_space<vmem_shared>>
      tpu.enqueue_indirect_dma source(%dma_start3A_484 : memref<128x64xf32, #tpu.memory_space<vmem>>) target(%dma_start3A_490 : memref<10112x64xf32, #tpu.memory_space<vmem_shared>>) offsets(%dma_start3A_487 : memref<128xi32, #tpu.memory_space<vmem>>) semaphore(%arg13 : memref<!tpu.dma_semaphore, #tpu.memory_space<semaphore_mem>>) {add = true}
      %ge3A_491 = arith.constant 2 : i32
      %ge3A_492 = arith.cmpi sge, %add3A_467, %ge3A_491 : i32
      %convert_element_type3A_493 = arith.extui %ge3A_492 : i1 to i32
      %cond3A_494 = arith.constant 0 : i32
      %cond3A_495 = arith.cmpi ne, %convert_element_type3A_493, %cond3A_494 : i32
      scf.if %cond3A_495 {
        %dma_wait3A_503 = arith.constant 1 : i32
        %dma_wait3A_504 = arith.constant 0 : i32
        %dma_wait3A_505 = arith.constant 0 : i32
        %dma_wait3A_506 = arith.constant 0 : i32
        %dma_wait3A_507 = tpu.memref_slice %arg11[%dma_wait3A_503, %dma_wait3A_505, %dma_wait3A_506] : memref<4x128x64xf32, #tpu.memory_space<vmem>> -> memref<1x128x64xf32, #tpu.memory_space<vmem>>
        %dma_wait3A_508 = tpu.memref_squeeze %dma_wait3A_507 : memref<1x128x64xf32, #tpu.memory_space<vmem>> -> memref<128x64xf32, #tpu.memory_space<vmem>>
        %dma_wait3A_509 = arith.constant 0 : i32
        %dma_wait3A_510 = tpu.memref_slice %arg10[%dma_wait3A_504, %dma_wait3A_509] : memref<40x128xi32, #tpu.memory_space<vmem>> -> memref<1x128xi32, #tpu.memory_space<vmem>>
        %dma_wait3A_511 = tpu.memref_squeeze %dma_wait3A_510 : memref<1x128xi32, #tpu.memory_space<vmem>> -> memref<128xi32, #tpu.memory_space<vmem>>
        %dma_wait3A_512 = arith.constant 0 : i32
        %dma_wait3A_513 = arith.constant 0 : i32
        %dma_wait3A_514 = tpu.memref_slice %arg8[%dma_wait3A_512, %dma_wait3A_513] : memref<10112x64xf32, #tpu.memory_space<vmem_shared>> -> memref<10112x64xf32, #tpu.memory_space<vmem_shared>>
        tpu.wait_indirect_dma semaphore(%arg13 : memref<!tpu.dma_semaphore, #tpu.memory_space<semaphore_mem>>) src(%dma_wait3A_508 : memref<128x64xf32, #tpu.memory_space<vmem>>) dst(%dma_wait3A_514 : memref<10112x64xf32, #tpu.memory_space<vmem_shared>>)
      } else {
      }
      %add3A_496 = arith.constant 2 : i32
      %add3A_497 = arith.addi %add3A_467, %add3A_496 : i32
      %lt3A_498 = arith.constant 40 : i32
      %lt3A_499 = arith.cmpi slt, %add3A_497, %lt3A_498 : i32
      %convert_element_type3A_500 = arith.extui %lt3A_499 : i1 to i32
      %cond3A_501 = arith.constant 0 : i32
      %cond3A_502 = arith.cmpi ne, %convert_element_type3A_500, %cond3A_501 : i32
      scf.if %cond3A_502 {
        %add3A_503 = arith.constant 2 : i32
        %add3A_504 = arith.addi %add3A_467, %add3A_503 : i32
        %dma_start3A_505 = arith.constant 1 : i32
        %dma_start3A_506 = arith.constant 0 : i32
        %dma_start3A_507 = arith.constant 0 : i32
        %dma_start3A_508 = tpu.memref_slice %arg11[%dma_start3A_505, %dma_start3A_506, %dma_start3A_507] : memref<4x128x64xf32, #tpu.memory_space<vmem>> -> memref<1x128x64xf32, #tpu.memory_space<vmem>>
        %dma_start3A_509 = tpu.memref_squeeze %dma_start3A_508 : memref<1x128x64xf32, #tpu.memory_space<vmem>> -> memref<128x64xf32, #tpu.memory_space<vmem>>
        %dma_start3A_510 = arith.constant 0 : i32
        %dma_start3A_511 = tpu.memref_slice %arg9[%add3A_504, %dma_start3A_510] : memref<40x128xi32, #tpu.memory_space<vmem>> -> memref<1x128xi32, #tpu.memory_space<vmem>>
        %dma_start3A_512 = tpu.memref_squeeze %dma_start3A_511 : memref<1x128xi32, #tpu.memory_space<vmem>> -> memref<128xi32, #tpu.memory_space<vmem>>
        %dma_start3A_513 = arith.constant 0 : i32
        %dma_start3A_514 = arith.constant 0 : i32
        %dma_start3A_515 = tpu.memref_slice %arg7[%dma_start3A_513, %dma_start3A_514] : memref<10112x64xf32, #tpu.memory_space<vmem_shared>> -> memref<10112x64xf32, #tpu.memory_space<vmem_shared>>
        tpu.enqueue_indirect_dma source(%dma_start3A_515 : memref<10112x64xf32, #tpu.memory_space<vmem_shared>>) target(%dma_start3A_509 : memref<128x64xf32, #tpu.memory_space<vmem>>) offsets(%dma_start3A_512 : memref<128xi32, #tpu.memory_space<vmem>>) semaphore(%arg12 : memref<!tpu.dma_semaphore, #tpu.memory_space<semaphore_mem>>)
      } else {
      }
    }
    %scan3A_235 = arith.constant 10 : i32
    %dma_wait3A_236 = arith.constant 0 : i32
    %dma_wait3A_237 = arith.constant 0 : i32
    %dma_wait3A_238 = arith.constant 0 : i32
    %dma_wait3A_239 = arith.constant 0 : i32
    %dma_wait3A_240 = tpu.memref_slice %arg11[%dma_wait3A_236, %dma_wait3A_238, %dma_wait3A_239] : memref<4x128x64xf32, #tpu.memory_space<vmem>> -> memref<1x128x64xf32, #tpu.memory_space<vmem>>
    %dma_wait3A_241 = tpu.memref_squeeze %dma_wait3A_240 : memref<1x128x64xf32, #tpu.memory_space<vmem>> -> memref<128x64xf32, #tpu.memory_space<vmem>>
    %dma_wait3A_242 = arith.constant 0 : i32
    %dma_wait3A_243 = tpu.memref_slice %arg10[%dma_wait3A_237, %dma_wait3A_242] : memref<40x128xi32, #tpu.memory_space<vmem>> -> memref<1x128xi32, #tpu.memory_space<vmem>>
    %dma_wait3A_244 = tpu.memref_squeeze %dma_wait3A_243 : memref<1x128xi32, #tpu.memory_space<vmem>> -> memref<128xi32, #tpu.memory_space<vmem>>
    %dma_wait3A_245 = arith.constant 0 : i32
    %dma_wait3A_246 = arith.constant 0 : i32
    %dma_wait3A_247 = tpu.memref_slice %arg8[%dma_wait3A_245, %dma_wait3A_246] : memref<10112x64xf32, #tpu.memory_space<vmem_shared>> -> memref<10112x64xf32, #tpu.memory_space<vmem_shared>>
    tpu.wait_indirect_dma semaphore(%arg13 : memref<!tpu.dma_semaphore, #tpu.memory_space<semaphore_mem>>) src(%dma_wait3A_241 : memref<128x64xf32, #tpu.memory_space<vmem>>) dst(%dma_wait3A_247 : memref<10112x64xf32, #tpu.memory_space<vmem_shared>>)
    %dma_wait3A_248 = arith.constant 1 : i32
    %dma_wait3A_249 = arith.constant 0 : i32
    %dma_wait3A_250 = arith.constant 0 : i32
    %dma_wait3A_251 = arith.constant 0 : i32
    %dma_wait3A_252 = tpu.memref_slice %arg11[%dma_wait3A_248, %dma_wait3A_250, %dma_wait3A_251] : memref<4x128x64xf32, #tpu.memory_space<vmem>> -> memref<1x128x64xf32, #tpu.memory_space<vmem>>
    %dma_wait3A_253 = tpu.memref_squeeze %dma_wait3A_252 : memref<1x128x64xf32, #tpu.memory_space<vmem>> -> memref<128x64xf32, #tpu.memory_space<vmem>>
    %dma_wait3A_254 = arith.constant 0 : i32
    %dma_wait3A_255 = tpu.memref_slice %arg10[%dma_wait3A_249, %dma_wait3A_254] : memref<40x128xi32, #tpu.memory_space<vmem>> -> memref<1x128xi32, #tpu.memory_space<vmem>>
    %dma_wait3A_256 = tpu.memref_squeeze %dma_wait3A_255 : memref<1x128xi32, #tpu.memory_space<vmem>> -> memref<128xi32, #tpu.memory_space<vmem>>
    %dma_wait3A_257 = arith.constant 0 : i32
    %dma_wait3A_258 = arith.constant 0 : i32
    %dma_wait3A_259 = tpu.memref_slice %arg8[%dma_wait3A_257, %dma_wait3A_258] : memref<10112x64xf32, #tpu.memory_space<vmem_shared>> -> memref<10112x64xf32, #tpu.memory_space<vmem_shared>>
    tpu.wait_indirect_dma semaphore(%arg13 : memref<!tpu.dma_semaphore, #tpu.memory_space<semaphore_mem>>) src(%dma_wait3A_253 : memref<128x64xf32, #tpu.memory_space<vmem>>) dst(%dma_wait3A_259 : memref<10112x64xf32, #tpu.memory_space<vmem_shared>>)
    %dma_start3A_260 = arith.constant 120 : i32
    %dma_start3A_261 = arith.constant 0 : i32
    %dma_start3A_262 = tpu.memref_slice %arg3[%arg1, %dma_start3A_260, %dma_start3A_261] : memref<16x160x128xi32, #tpu.memory_space<hbm>> -> memref<1x40x128xi32, #tpu.memory_space<hbm>>
    %dma_start3A_263 = tpu.memref_squeeze %dma_start3A_262 : memref<1x40x128xi32, #tpu.memory_space<hbm>> -> memref<40x128xi32, #tpu.memory_space<hbm>>
    %dma_start3A_264 = arith.constant 120 : i32
    %dma_start3A_265 = arith.constant 0 : i32
    %dma_start3A_266 = tpu.memref_slice %arg3[%arg1, %dma_start3A_264, %dma_start3A_265] : memref<16x160x128xi32, #tpu.memory_space<hbm>> -> memref<1x40x128xi32, #tpu.memory_space<hbm>>
    %dma_start3A_267 = tpu.memref_squeeze %dma_start3A_266 : memref<1x40x128xi32, #tpu.memory_space<hbm>> -> memref<40x128xi32, #tpu.memory_space<hbm>>
    tpu.enqueue_dma source(%dma_start3A_267 : memref<40x128xi32, #tpu.memory_space<hbm>>) target(%arg9 : memref<40x128xi32, #tpu.memory_space<vmem>>) target_semaphore(%arg12 : memref<!tpu.dma_semaphore, #tpu.memory_space<semaphore_mem>>)
    %dma_start3A_268 = arith.constant 120 : i32
    %dma_start3A_269 = arith.constant 0 : i32
    %dma_start3A_270 = tpu.memref_slice %arg4[%arg1, %dma_start3A_268, %dma_start3A_269] : memref<16x160x128xi32, #tpu.memory_space<hbm>> -> memref<1x40x128xi32, #tpu.memory_space<hbm>>
    %dma_start3A_271 = tpu.memref_squeeze %dma_start3A_270 : memref<1x40x128xi32, #tpu.memory_space<hbm>> -> memref<40x128xi32, #tpu.memory_space<hbm>>
    %dma_start3A_272 = arith.constant 120 : i32
    %dma_start3A_273 = arith.constant 0 : i32
    %dma_start3A_274 = tpu.memref_slice %arg4[%arg1, %dma_start3A_272, %dma_start3A_273] : memref<16x160x128xi32, #tpu.memory_space<hbm>> -> memref<1x40x128xi32, #tpu.memory_space<hbm>>
    %dma_start3A_275 = tpu.memref_squeeze %dma_start3A_274 : memref<1x40x128xi32, #tpu.memory_space<hbm>> -> memref<40x128xi32, #tpu.memory_space<hbm>>
    tpu.enqueue_dma source(%dma_start3A_275 : memref<40x128xi32, #tpu.memory_space<hbm>>) target(%arg10 : memref<40x128xi32, #tpu.memory_space<vmem>>) target_semaphore(%arg12 : memref<!tpu.dma_semaphore, #tpu.memory_space<semaphore_mem>>)
    %dma_wait3A_276 = arith.constant 0 : i32
    %dma_wait3A_277 = arith.constant 0 : i32
    %dma_wait3A_278 = tpu.memref_slice %arg3[%arg1, %dma_wait3A_276, %dma_wait3A_277] : memref<16x160x128xi32, #tpu.memory_space<hbm>> -> memref<1x40x128xi32, #tpu.memory_space<hbm>>
    %dma_wait3A_279 = tpu.memref_squeeze %dma_wait3A_278 : memref<1x40x128xi32, #tpu.memory_space<hbm>> -> memref<40x128xi32, #tpu.memory_space<hbm>>
    %dma_wait3A_280 = arith.constant 0 : i32
    %dma_wait3A_281 = arith.constant 0 : i32
    %dma_wait3A_282 = tpu.memref_slice %arg3[%arg1, %dma_wait3A_280, %dma_wait3A_281] : memref<16x160x128xi32, #tpu.memory_space<hbm>> -> memref<1x40x128xi32, #tpu.memory_space<hbm>>
    %dma_wait3A_283 = tpu.memref_squeeze %dma_wait3A_282 : memref<1x40x128xi32, #tpu.memory_space<hbm>> -> memref<40x128xi32, #tpu.memory_space<hbm>>
    tpu.wait_dma2 semaphore(%arg12 : memref<!tpu.dma_semaphore, #tpu.memory_space<semaphore_mem>>) src(%dma_wait3A_283 : memref<40x128xi32, #tpu.memory_space<hbm>>) dst(%arg9 : memref<40x128xi32, #tpu.memory_space<vmem>>)
    %dma_wait3A_284 = arith.constant 0 : i32
    %dma_wait3A_285 = arith.constant 0 : i32
    %dma_wait3A_286 = tpu.memref_slice %arg4[%arg1, %dma_wait3A_284, %dma_wait3A_285] : memref<16x160x128xi32, #tpu.memory_space<hbm>> -> memref<1x40x128xi32, #tpu.memory_space<hbm>>
    %dma_wait3A_287 = tpu.memref_squeeze %dma_wait3A_286 : memref<1x40x128xi32, #tpu.memory_space<hbm>> -> memref<40x128xi32, #tpu.memory_space<hbm>>
    %dma_wait3A_288 = arith.constant 0 : i32
    %dma_wait3A_289 = arith.constant 0 : i32
    %dma_wait3A_290 = tpu.memref_slice %arg4[%arg1, %dma_wait3A_288, %dma_wait3A_289] : memref<16x160x128xi32, #tpu.memory_space<hbm>> -> memref<1x40x128xi32, #tpu.memory_space<hbm>>
    %dma_wait3A_291 = tpu.memref_squeeze %dma_wait3A_290 : memref<1x40x128xi32, #tpu.memory_space<hbm>> -> memref<40x128xi32, #tpu.memory_space<hbm>>
    tpu.wait_dma2 semaphore(%arg12 : memref<!tpu.dma_semaphore, #tpu.memory_space<semaphore_mem>>) src(%dma_wait3A_291 : memref<40x128xi32, #tpu.memory_space<hbm>>) dst(%arg10 : memref<40x128xi32, #tpu.memory_space<vmem>>)
    %dma_start3A_292 = arith.constant 0 : i32
    %dma_start3A_293 = arith.constant 0 : i32
    %dma_start3A_294 = arith.constant 0 : i32
    %dma_start3A_295 = arith.constant 0 : i32
    %dma_start3A_296 = tpu.memref_slice %arg11[%dma_start3A_293, %dma_start3A_294, %dma_start3A_295] : memref<4x128x64xf32, #tpu.memory_space<vmem>> -> memref<1x128x64xf32, #tpu.memory_space<vmem>>
    %dma_start3A_297 = tpu.memref_squeeze %dma_start3A_296 : memref<1x128x64xf32, #tpu.memory_space<vmem>> -> memref<128x64xf32, #tpu.memory_space<vmem>>
    %dma_start3A_298 = arith.constant 0 : i32
    %dma_start3A_299 = tpu.memref_slice %arg9[%dma_start3A_292, %dma_start3A_298] : memref<40x128xi32, #tpu.memory_space<vmem>> -> memref<1x128xi32, #tpu.memory_space<vmem>>
    %dma_start3A_300 = tpu.memref_squeeze %dma_start3A_299 : memref<1x128xi32, #tpu.memory_space<vmem>> -> memref<128xi32, #tpu.memory_space<vmem>>
    %dma_start3A_301 = arith.constant 0 : i32
    %dma_start3A_302 = arith.constant 0 : i32
    %dma_start3A_303 = tpu.memref_slice %arg7[%dma_start3A_301, %dma_start3A_302] : memref<10112x64xf32, #tpu.memory_space<vmem_shared>> -> memref<10112x64xf32, #tpu.memory_space<vmem_shared>>
    tpu.enqueue_indirect_dma source(%dma_start3A_303 : memref<10112x64xf32, #tpu.memory_space<vmem_shared>>) target(%dma_start3A_297 : memref<128x64xf32, #tpu.memory_space<vmem>>) offsets(%dma_start3A_300 : memref<128xi32, #tpu.memory_space<vmem>>) semaphore(%arg12 : memref<!tpu.dma_semaphore, #tpu.memory_space<semaphore_mem>>)
    %dma_start3A_304 = arith.constant 1 : i32
    %dma_start3A_305 = arith.constant 1 : i32
    %dma_start3A_306 = arith.constant 0 : i32
    %dma_start3A_307 = arith.constant 0 : i32
    %dma_start3A_308 = tpu.memref_slice %arg11[%dma_start3A_305, %dma_start3A_306, %dma_start3A_307] : memref<4x128x64xf32, #tpu.memory_space<vmem>> -> memref<1x128x64xf32, #tpu.memory_space<vmem>>
    %dma_start3A_309 = tpu.memref_squeeze %dma_start3A_308 : memref<1x128x64xf32, #tpu.memory_space<vmem>> -> memref<128x64xf32, #tpu.memory_space<vmem>>
    %dma_start3A_310 = arith.constant 0 : i32
    %dma_start3A_311 = tpu.memref_slice %arg9[%dma_start3A_304, %dma_start3A_310] : memref<40x128xi32, #tpu.memory_space<vmem>> -> memref<1x128xi32, #tpu.memory_space<vmem>>
    %dma_start3A_312 = tpu.memref_squeeze %dma_start3A_311 : memref<1x128xi32, #tpu.memory_space<vmem>> -> memref<128xi32, #tpu.memory_space<vmem>>
    %dma_start3A_313 = arith.constant 0 : i32
    %dma_start3A_314 = arith.constant 0 : i32
    %dma_start3A_315 = tpu.memref_slice %arg7[%dma_start3A_313, %dma_start3A_314] : memref<10112x64xf32, #tpu.memory_space<vmem_shared>> -> memref<10112x64xf32, #tpu.memory_space<vmem_shared>>
    tpu.enqueue_indirect_dma source(%dma_start3A_315 : memref<10112x64xf32, #tpu.memory_space<vmem_shared>>) target(%dma_start3A_309 : memref<128x64xf32, #tpu.memory_space<vmem>>) offsets(%dma_start3A_312 : memref<128xi32, #tpu.memory_space<vmem>>) semaphore(%arg12 : memref<!tpu.dma_semaphore, #tpu.memory_space<semaphore_mem>>)
    %scan3A_316 = arith.constant 0 : i32
    %scan3A_317 = arith.constant 0 : i32
    %scan3A_318 = arith.constant 10 : i32
    %scan3A_319 = arith.addi %scan3A_317, %scan3A_318 : i32
    %scan3A_320 = arith.constant 1 : i32
    scf.for %scan3A_351 = %scan3A_317 to %scan3A_319 step %scan3A_320  : i32 {
      %mul3A_352 = arith.constant 4 : i32
      %mul3A_353 = arith.muli %scan3A_351, %mul3A_352 : i32
      %add3A = arith.constant 0 : i32
      %add3A_354 = arith.addi %mul3A_353, %add3A : i32
      %dma_wait3A_355 = arith.constant 0 : i32
      %dma_wait3A_356 = arith.constant 0 : i32
      %dma_wait3A_357 = arith.constant 0 : i32
      %dma_wait3A_358 = arith.constant 0 : i32
      %dma_wait3A_359 = tpu.memref_slice %arg11[%dma_wait3A_356, %dma_wait3A_357, %dma_wait3A_358] : memref<4x128x64xf32, #tpu.memory_space<vmem>> -> memref<1x128x64xf32, #tpu.memory_space<vmem>>
      %dma_wait3A_360 = tpu.memref_squeeze %dma_wait3A_359 : memref<1x128x64xf32, #tpu.memory_space<vmem>> -> memref<128x64xf32, #tpu.memory_space<vmem>>
      %dma_wait3A_361 = arith.constant 0 : i32
      %dma_wait3A_362 = tpu.memref_slice %arg9[%dma_wait3A_355, %dma_wait3A_361] : memref<40x128xi32, #tpu.memory_space<vmem>> -> memref<1x128xi32, #tpu.memory_space<vmem>>
      %dma_wait3A_363 = tpu.memref_squeeze %dma_wait3A_362 : memref<1x128xi32, #tpu.memory_space<vmem>> -> memref<128xi32, #tpu.memory_space<vmem>>
      %dma_wait3A_364 = arith.constant 0 : i32
      %dma_wait3A_365 = arith.constant 0 : i32
      %dma_wait3A_366 = tpu.memref_slice %arg7[%dma_wait3A_364, %dma_wait3A_365] : memref<10112x64xf32, #tpu.memory_space<vmem_shared>> -> memref<10112x64xf32, #tpu.memory_space<vmem_shared>>
      tpu.wait_indirect_dma semaphore(%arg12 : memref<!tpu.dma_semaphore, #tpu.memory_space<semaphore_mem>>) src(%dma_wait3A_366 : memref<10112x64xf32, #tpu.memory_space<vmem_shared>>) dst(%dma_wait3A_360 : memref<128x64xf32, #tpu.memory_space<vmem>>)
      %dma_start3A_367 = arith.constant 0 : i32
      %dma_start3A_368 = arith.constant 0 : i32
      %dma_start3A_369 = arith.constant 0 : i32
      %dma_start3A_370 = tpu.memref_slice %arg11[%dma_start3A_367, %dma_start3A_368, %dma_start3A_369] : memref<4x128x64xf32, #tpu.memory_space<vmem>> -> memref<1x128x64xf32, #tpu.memory_space<vmem>>
      %dma_start3A_371 = tpu.memref_squeeze %dma_start3A_370 : memref<1x128x64xf32, #tpu.memory_space<vmem>> -> memref<128x64xf32, #tpu.memory_space<vmem>>
      %dma_start3A_372 = arith.constant 0 : i32
      %dma_start3A_373 = tpu.memref_slice %arg10[%add3A_354, %dma_start3A_372] : memref<40x128xi32, #tpu.memory_space<vmem>> -> memref<1x128xi32, #tpu.memory_space<vmem>>
      %dma_start3A_374 = tpu.memref_squeeze %dma_start3A_373 : memref<1x128xi32, #tpu.memory_space<vmem>> -> memref<128xi32, #tpu.memory_space<vmem>>
      %dma_start3A_375 = arith.constant 0 : i32
      %dma_start3A_376 = arith.constant 0 : i32
      %dma_start3A_377 = tpu.memref_slice %arg8[%dma_start3A_375, %dma_start3A_376] : memref<10112x64xf32, #tpu.memory_space<vmem_shared>> -> memref<10112x64xf32, #tpu.memory_space<vmem_shared>>
      tpu.enqueue_indirect_dma source(%dma_start3A_371 : memref<128x64xf32, #tpu.memory_space<vmem>>) target(%dma_start3A_377 : memref<10112x64xf32, #tpu.memory_space<vmem_shared>>) offsets(%dma_start3A_374 : memref<128xi32, #tpu.memory_space<vmem>>) semaphore(%arg13 : memref<!tpu.dma_semaphore, #tpu.memory_space<semaphore_mem>>) {add = true}
      %ge3A = arith.constant 2 : i32
      %ge3A_378 = arith.cmpi sge, %add3A_354, %ge3A : i32
      %convert_element_type3A = arith.extui %ge3A_378 : i1 to i32
      %cond3A = arith.constant 0 : i32
      %cond3A_379 = arith.cmpi ne, %convert_element_type3A, %cond3A : i32
      scf.if %cond3A_379 {
        %dma_wait3A_503 = arith.constant 2 : i32
        %dma_wait3A_504 = arith.constant 0 : i32
        %dma_wait3A_505 = arith.constant 0 : i32
        %dma_wait3A_506 = arith.constant 0 : i32
        %dma_wait3A_507 = tpu.memref_slice %arg11[%dma_wait3A_503, %dma_wait3A_505, %dma_wait3A_506] : memref<4x128x64xf32, #tpu.memory_space<vmem>> -> memref<1x128x64xf32, #tpu.memory_space<vmem>>
        %dma_wait3A_508 = tpu.memref_squeeze %dma_wait3A_507 : memref<1x128x64xf32, #tpu.memory_space<vmem>> -> memref<128x64xf32, #tpu.memory_space<vmem>>
        %dma_wait3A_509 = arith.constant 0 : i32
        %dma_wait3A_510 = tpu.memref_slice %arg10[%dma_wait3A_504, %dma_wait3A_509] : memref<40x128xi32, #tpu.memory_space<vmem>> -> memref<1x128xi32, #tpu.memory_space<vmem>>
        %dma_wait3A_511 = tpu.memref_squeeze %dma_wait3A_510 : memref<1x128xi32, #tpu.memory_space<vmem>> -> memref<128xi32, #tpu.memory_space<vmem>>
        %dma_wait3A_512 = arith.constant 0 : i32
        %dma_wait3A_513 = arith.constant 0 : i32
        %dma_wait3A_514 = tpu.memref_slice %arg8[%dma_wait3A_512, %dma_wait3A_513] : memref<10112x64xf32, #tpu.memory_space<vmem_shared>> -> memref<10112x64xf32, #tpu.memory_space<vmem_shared>>
        tpu.wait_indirect_dma semaphore(%arg13 : memref<!tpu.dma_semaphore, #tpu.memory_space<semaphore_mem>>) src(%dma_wait3A_508 : memref<128x64xf32, #tpu.memory_space<vmem>>) dst(%dma_wait3A_514 : memref<10112x64xf32, #tpu.memory_space<vmem_shared>>)
      } else {
      }
      %add3A_380 = arith.constant 2 : i32
      %add3A_381 = arith.addi %add3A_354, %add3A_380 : i32
      %lt3A = arith.constant 40 : i32
      %lt3A_382 = arith.cmpi slt, %add3A_381, %lt3A : i32
      %convert_element_type3A_383 = arith.extui %lt3A_382 : i1 to i32
      %cond3A_384 = arith.constant 0 : i32
      %cond3A_385 = arith.cmpi ne, %convert_element_type3A_383, %cond3A_384 : i32
      scf.if %cond3A_385 {
        %add3A_503 = arith.constant 2 : i32
        %add3A_504 = arith.addi %add3A_354, %add3A_503 : i32
        %dma_start3A_505 = arith.constant 2 : i32
        %dma_start3A_506 = arith.constant 0 : i32
        %dma_start3A_507 = arith.constant 0 : i32
        %dma_start3A_508 = tpu.memref_slice %arg11[%dma_start3A_505, %dma_start3A_506, %dma_start3A_507] : memref<4x128x64xf32, #tpu.memory_space<vmem>> -> memref<1x128x64xf32, #tpu.memory_space<vmem>>
        %dma_start3A_509 = tpu.memref_squeeze %dma_start3A_508 : memref<1x128x64xf32, #tpu.memory_space<vmem>> -> memref<128x64xf32, #tpu.memory_space<vmem>>
        %dma_start3A_510 = arith.constant 0 : i32
        %dma_start3A_511 = tpu.memref_slice %arg9[%add3A_504, %dma_start3A_510] : memref<40x128xi32, #tpu.memory_space<vmem>> -> memref<1x128xi32, #tpu.memory_space<vmem>>
        %dma_start3A_512 = tpu.memref_squeeze %dma_start3A_511 : memref<1x128xi32, #tpu.memory_space<vmem>> -> memref<128xi32, #tpu.memory_space<vmem>>
        %dma_start3A_513 = arith.constant 0 : i32
        %dma_start3A_514 = arith.constant 0 : i32
        %dma_start3A_515 = tpu.memref_slice %arg7[%dma_start3A_513, %dma_start3A_514] : memref<10112x64xf32, #tpu.memory_space<vmem_shared>> -> memref<10112x64xf32, #tpu.memory_space<vmem_shared>>
        tpu.enqueue_indirect_dma source(%dma_start3A_515 : memref<10112x64xf32, #tpu.memory_space<vmem_shared>>) target(%dma_start3A_509 : memref<128x64xf32, #tpu.memory_space<vmem>>) offsets(%dma_start3A_512 : memref<128xi32, #tpu.memory_space<vmem>>) semaphore(%arg12 : memref<!tpu.dma_semaphore, #tpu.memory_space<semaphore_mem>>)
      } else {
      }
      %mul3A_386 = arith.constant 4 : i32
      %mul3A_387 = arith.muli %scan3A_351, %mul3A_386 : i32
      %add3A_388 = arith.constant 1 : i32
      %add3A_389 = arith.addi %mul3A_387, %add3A_388 : i32
      %dma_wait3A_390 = arith.constant 0 : i32
      %dma_wait3A_391 = arith.constant 1 : i32
      %dma_wait3A_392 = arith.constant 0 : i32
      %dma_wait3A_393 = arith.constant 0 : i32
      %dma_wait3A_394 = tpu.memref_slice %arg11[%dma_wait3A_391, %dma_wait3A_392, %dma_wait3A_393] : memref<4x128x64xf32, #tpu.memory_space<vmem>> -> memref<1x128x64xf32, #tpu.memory_space<vmem>>
      %dma_wait3A_395 = tpu.memref_squeeze %dma_wait3A_394 : memref<1x128x64xf32, #tpu.memory_space<vmem>> -> memref<128x64xf32, #tpu.memory_space<vmem>>
      %dma_wait3A_396 = arith.constant 0 : i32
      %dma_wait3A_397 = tpu.memref_slice %arg9[%dma_wait3A_390, %dma_wait3A_396] : memref<40x128xi32, #tpu.memory_space<vmem>> -> memref<1x128xi32, #tpu.memory_space<vmem>>
      %dma_wait3A_398 = tpu.memref_squeeze %dma_wait3A_397 : memref<1x128xi32, #tpu.memory_space<vmem>> -> memref<128xi32, #tpu.memory_space<vmem>>
      %dma_wait3A_399 = arith.constant 0 : i32
      %dma_wait3A_400 = arith.constant 0 : i32
      %dma_wait3A_401 = tpu.memref_slice %arg7[%dma_wait3A_399, %dma_wait3A_400] : memref<10112x64xf32, #tpu.memory_space<vmem_shared>> -> memref<10112x64xf32, #tpu.memory_space<vmem_shared>>
      tpu.wait_indirect_dma semaphore(%arg12 : memref<!tpu.dma_semaphore, #tpu.memory_space<semaphore_mem>>) src(%dma_wait3A_401 : memref<10112x64xf32, #tpu.memory_space<vmem_shared>>) dst(%dma_wait3A_395 : memref<128x64xf32, #tpu.memory_space<vmem>>)
      %dma_start3A_402 = arith.constant 1 : i32
      %dma_start3A_403 = arith.constant 0 : i32
      %dma_start3A_404 = arith.constant 0 : i32
      %dma_start3A_405 = tpu.memref_slice %arg11[%dma_start3A_402, %dma_start3A_403, %dma_start3A_404] : memref<4x128x64xf32, #tpu.memory_space<vmem>> -> memref<1x128x64xf32, #tpu.memory_space<vmem>>
      %dma_start3A_406 = tpu.memref_squeeze %dma_start3A_405 : memref<1x128x64xf32, #tpu.memory_space<vmem>> -> memref<128x64xf32, #tpu.memory_space<vmem>>
      %dma_start3A_407 = arith.constant 0 : i32
      %dma_start3A_408 = tpu.memref_slice %arg10[%add3A_389, %dma_start3A_407] : memref<40x128xi32, #tpu.memory_space<vmem>> -> memref<1x128xi32, #tpu.memory_space<vmem>>
      %dma_start3A_409 = tpu.memref_squeeze %dma_start3A_408 : memref<1x128xi32, #tpu.memory_space<vmem>> -> memref<128xi32, #tpu.memory_space<vmem>>
      %dma_start3A_410 = arith.constant 0 : i32
      %dma_start3A_411 = arith.constant 0 : i32
      %dma_start3A_412 = tpu.memref_slice %arg8[%dma_start3A_410, %dma_start3A_411] : memref<10112x64xf32, #tpu.memory_space<vmem_shared>> -> memref<10112x64xf32, #tpu.memory_space<vmem_shared>>
      tpu.enqueue_indirect_dma source(%dma_start3A_406 : memref<128x64xf32, #tpu.memory_space<vmem>>) target(%dma_start3A_412 : memref<10112x64xf32, #tpu.memory_space<vmem_shared>>) offsets(%dma_start3A_409 : memref<128xi32, #tpu.memory_space<vmem>>) semaphore(%arg13 : memref<!tpu.dma_semaphore, #tpu.memory_space<semaphore_mem>>) {add = true}
      %ge3A_413 = arith.constant 2 : i32
      %ge3A_414 = arith.cmpi sge, %add3A_389, %ge3A_413 : i32
      %convert_element_type3A_415 = arith.extui %ge3A_414 : i1 to i32
      %cond3A_416 = arith.constant 0 : i32
      %cond3A_417 = arith.cmpi ne, %convert_element_type3A_415, %cond3A_416 : i32
      scf.if %cond3A_417 {
        %dma_wait3A_503 = arith.constant 3 : i32
        %dma_wait3A_504 = arith.constant 0 : i32
        %dma_wait3A_505 = arith.constant 0 : i32
        %dma_wait3A_506 = arith.constant 0 : i32
        %dma_wait3A_507 = tpu.memref_slice %arg11[%dma_wait3A_503, %dma_wait3A_505, %dma_wait3A_506] : memref<4x128x64xf32, #tpu.memory_space<vmem>> -> memref<1x128x64xf32, #tpu.memory_space<vmem>>
        %dma_wait3A_508 = tpu.memref_squeeze %dma_wait3A_507 : memref<1x128x64xf32, #tpu.memory_space<vmem>> -> memref<128x64xf32, #tpu.memory_space<vmem>>
        %dma_wait3A_509 = arith.constant 0 : i32
        %dma_wait3A_510 = tpu.memref_slice %arg10[%dma_wait3A_504, %dma_wait3A_509] : memref<40x128xi32, #tpu.memory_space<vmem>> -> memref<1x128xi32, #tpu.memory_space<vmem>>
        %dma_wait3A_511 = tpu.memref_squeeze %dma_wait3A_510 : memref<1x128xi32, #tpu.memory_space<vmem>> -> memref<128xi32, #tpu.memory_space<vmem>>
        %dma_wait3A_512 = arith.constant 0 : i32
        %dma_wait3A_513 = arith.constant 0 : i32
        %dma_wait3A_514 = tpu.memref_slice %arg8[%dma_wait3A_512, %dma_wait3A_513] : memref<10112x64xf32, #tpu.memory_space<vmem_shared>> -> memref<10112x64xf32, #tpu.memory_space<vmem_shared>>
        tpu.wait_indirect_dma semaphore(%arg13 : memref<!tpu.dma_semaphore, #tpu.memory_space<semaphore_mem>>) src(%dma_wait3A_508 : memref<128x64xf32, #tpu.memory_space<vmem>>) dst(%dma_wait3A_514 : memref<10112x64xf32, #tpu.memory_space<vmem_shared>>)
      } else {
      }
      %add3A_418 = arith.constant 2 : i32
      %add3A_419 = arith.addi %add3A_389, %add3A_418 : i32
      %lt3A_420 = arith.constant 40 : i32
      %lt3A_421 = arith.cmpi slt, %add3A_419, %lt3A_420 : i32
      %convert_element_type3A_422 = arith.extui %lt3A_421 : i1 to i32
      %cond3A_423 = arith.constant 0 : i32
      %cond3A_424 = arith.cmpi ne, %convert_element_type3A_422, %cond3A_423 : i32
      scf.if %cond3A_424 {
        %add3A_503 = arith.constant 2 : i32
        %add3A_504 = arith.addi %add3A_389, %add3A_503 : i32
        %dma_start3A_505 = arith.constant 3 : i32
        %dma_start3A_506 = arith.constant 0 : i32
        %dma_start3A_507 = arith.constant 0 : i32
        %dma_start3A_508 = tpu.memref_slice %arg11[%dma_start3A_505, %dma_start3A_506, %dma_start3A_507] : memref<4x128x64xf32, #tpu.memory_space<vmem>> -> memref<1x128x64xf32, #tpu.memory_space<vmem>>
        %dma_start3A_509 = tpu.memref_squeeze %dma_start3A_508 : memref<1x128x64xf32, #tpu.memory_space<vmem>> -> memref<128x64xf32, #tpu.memory_space<vmem>>
        %dma_start3A_510 = arith.constant 0 : i32
        %dma_start3A_511 = tpu.memref_slice %arg9[%add3A_504, %dma_start3A_510] : memref<40x128xi32, #tpu.memory_space<vmem>> -> memref<1x128xi32, #tpu.memory_space<vmem>>
        %dma_start3A_512 = tpu.memref_squeeze %dma_start3A_511 : memref<1x128xi32, #tpu.memory_space<vmem>> -> memref<128xi32, #tpu.memory_space<vmem>>
        %dma_start3A_513 = arith.constant 0 : i32
        %dma_start3A_514 = arith.constant 0 : i32
        %dma_start3A_515 = tpu.memref_slice %arg7[%dma_start3A_513, %dma_start3A_514] : memref<10112x64xf32, #tpu.memory_space<vmem_shared>> -> memref<10112x64xf32, #tpu.memory_space<vmem_shared>>
        tpu.enqueue_indirect_dma source(%dma_start3A_515 : memref<10112x64xf32, #tpu.memory_space<vmem_shared>>) target(%dma_start3A_509 : memref<128x64xf32, #tpu.memory_space<vmem>>) offsets(%dma_start3A_512 : memref<128xi32, #tpu.memory_space<vmem>>) semaphore(%arg12 : memref<!tpu.dma_semaphore, #tpu.memory_space<semaphore_mem>>)
      } else {
      }
      %mul3A_425 = arith.constant 4 : i32
      %mul3A_426 = arith.muli %scan3A_351, %mul3A_425 : i32
      %add3A_427 = arith.constant 2 : i32
      %add3A_428 = arith.addi %mul3A_426, %add3A_427 : i32
      %dma_wait3A_429 = arith.constant 0 : i32
      %dma_wait3A_430 = arith.constant 2 : i32
      %dma_wait3A_431 = arith.constant 0 : i32
      %dma_wait3A_432 = arith.constant 0 : i32
      %dma_wait3A_433 = tpu.memref_slice %arg11[%dma_wait3A_430, %dma_wait3A_431, %dma_wait3A_432] : memref<4x128x64xf32, #tpu.memory_space<vmem>> -> memref<1x128x64xf32, #tpu.memory_space<vmem>>
      %dma_wait3A_434 = tpu.memref_squeeze %dma_wait3A_433 : memref<1x128x64xf32, #tpu.memory_space<vmem>> -> memref<128x64xf32, #tpu.memory_space<vmem>>
      %dma_wait3A_435 = arith.constant 0 : i32
      %dma_wait3A_436 = tpu.memref_slice %arg9[%dma_wait3A_429, %dma_wait3A_435] : memref<40x128xi32, #tpu.memory_space<vmem>> -> memref<1x128xi32, #tpu.memory_space<vmem>>
      %dma_wait3A_437 = tpu.memref_squeeze %dma_wait3A_436 : memref<1x128xi32, #tpu.memory_space<vmem>> -> memref<128xi32, #tpu.memory_space<vmem>>
      %dma_wait3A_438 = arith.constant 0 : i32
      %dma_wait3A_439 = arith.constant 0 : i32
      %dma_wait3A_440 = tpu.memref_slice %arg7[%dma_wait3A_438, %dma_wait3A_439] : memref<10112x64xf32, #tpu.memory_space<vmem_shared>> -> memref<10112x64xf32, #tpu.memory_space<vmem_shared>>
      tpu.wait_indirect_dma semaphore(%arg12 : memref<!tpu.dma_semaphore, #tpu.memory_space<semaphore_mem>>) src(%dma_wait3A_440 : memref<10112x64xf32, #tpu.memory_space<vmem_shared>>) dst(%dma_wait3A_434 : memref<128x64xf32, #tpu.memory_space<vmem>>)
      %dma_start3A_441 = arith.constant 2 : i32
      %dma_start3A_442 = arith.constant 0 : i32
      %dma_start3A_443 = arith.constant 0 : i32
      %dma_start3A_444 = tpu.memref_slice %arg11[%dma_start3A_441, %dma_start3A_442, %dma_start3A_443] : memref<4x128x64xf32, #tpu.memory_space<vmem>> -> memref<1x128x64xf32, #tpu.memory_space<vmem>>
      %dma_start3A_445 = tpu.memref_squeeze %dma_start3A_444 : memref<1x128x64xf32, #tpu.memory_space<vmem>> -> memref<128x64xf32, #tpu.memory_space<vmem>>
      %dma_start3A_446 = arith.constant 0 : i32
      %dma_start3A_447 = tpu.memref_slice %arg10[%add3A_428, %dma_start3A_446] : memref<40x128xi32, #tpu.memory_space<vmem>> -> memref<1x128xi32, #tpu.memory_space<vmem>>
      %dma_start3A_448 = tpu.memref_squeeze %dma_start3A_447 : memref<1x128xi32, #tpu.memory_space<vmem>> -> memref<128xi32, #tpu.memory_space<vmem>>
      %dma_start3A_449 = arith.constant 0 : i32
      %dma_start3A_450 = arith.constant 0 : i32
      %dma_start3A_451 = tpu.memref_slice %arg8[%dma_start3A_449, %dma_start3A_450] : memref<10112x64xf32, #tpu.memory_space<vmem_shared>> -> memref<10112x64xf32, #tpu.memory_space<vmem_shared>>
      tpu.enqueue_indirect_dma source(%dma_start3A_445 : memref<128x64xf32, #tpu.memory_space<vmem>>) target(%dma_start3A_451 : memref<10112x64xf32, #tpu.memory_space<vmem_shared>>) offsets(%dma_start3A_448 : memref<128xi32, #tpu.memory_space<vmem>>) semaphore(%arg13 : memref<!tpu.dma_semaphore, #tpu.memory_space<semaphore_mem>>) {add = true}
      %ge3A_452 = arith.constant 2 : i32
      %ge3A_453 = arith.cmpi sge, %add3A_428, %ge3A_452 : i32
      %convert_element_type3A_454 = arith.extui %ge3A_453 : i1 to i32
      %cond3A_455 = arith.constant 0 : i32
      %cond3A_456 = arith.cmpi ne, %convert_element_type3A_454, %cond3A_455 : i32
      scf.if %cond3A_456 {
        %dma_wait3A_503 = arith.constant 0 : i32
        %dma_wait3A_504 = arith.constant 0 : i32
        %dma_wait3A_505 = arith.constant 0 : i32
        %dma_wait3A_506 = arith.constant 0 : i32
        %dma_wait3A_507 = tpu.memref_slice %arg11[%dma_wait3A_503, %dma_wait3A_505, %dma_wait3A_506] : memref<4x128x64xf32, #tpu.memory_space<vmem>> -> memref<1x128x64xf32, #tpu.memory_space<vmem>>
        %dma_wait3A_508 = tpu.memref_squeeze %dma_wait3A_507 : memref<1x128x64xf32, #tpu.memory_space<vmem>> -> memref<128x64xf32, #tpu.memory_space<vmem>>
        %dma_wait3A_509 = arith.constant 0 : i32
        %dma_wait3A_510 = tpu.memref_slice %arg10[%dma_wait3A_504, %dma_wait3A_509] : memref<40x128xi32, #tpu.memory_space<vmem>> -> memref<1x128xi32, #tpu.memory_space<vmem>>
        %dma_wait3A_511 = tpu.memref_squeeze %dma_wait3A_510 : memref<1x128xi32, #tpu.memory_space<vmem>> -> memref<128xi32, #tpu.memory_space<vmem>>
        %dma_wait3A_512 = arith.constant 0 : i32
        %dma_wait3A_513 = arith.constant 0 : i32
        %dma_wait3A_514 = tpu.memref_slice %arg8[%dma_wait3A_512, %dma_wait3A_513] : memref<10112x64xf32, #tpu.memory_space<vmem_shared>> -> memref<10112x64xf32, #tpu.memory_space<vmem_shared>>
        tpu.wait_indirect_dma semaphore(%arg13 : memref<!tpu.dma_semaphore, #tpu.memory_space<semaphore_mem>>) src(%dma_wait3A_508 : memref<128x64xf32, #tpu.memory_space<vmem>>) dst(%dma_wait3A_514 : memref<10112x64xf32, #tpu.memory_space<vmem_shared>>)
      } else {
      }
      %add3A_457 = arith.constant 2 : i32
      %add3A_458 = arith.addi %add3A_428, %add3A_457 : i32
      %lt3A_459 = arith.constant 40 : i32
      %lt3A_460 = arith.cmpi slt, %add3A_458, %lt3A_459 : i32
      %convert_element_type3A_461 = arith.extui %lt3A_460 : i1 to i32
      %cond3A_462 = arith.constant 0 : i32
      %cond3A_463 = arith.cmpi ne, %convert_element_type3A_461, %cond3A_462 : i32
      scf.if %cond3A_463 {
        %add3A_503 = arith.constant 2 : i32
        %add3A_504 = arith.addi %add3A_428, %add3A_503 : i32
        %dma_start3A_505 = arith.constant 0 : i32
        %dma_start3A_506 = arith.constant 0 : i32
        %dma_start3A_507 = arith.constant 0 : i32
        %dma_start3A_508 = tpu.memref_slice %arg11[%dma_start3A_505, %dma_start3A_506, %dma_start3A_507] : memref<4x128x64xf32, #tpu.memory_space<vmem>> -> memref<1x128x64xf32, #tpu.memory_space<vmem>>
        %dma_start3A_509 = tpu.memref_squeeze %dma_start3A_508 : memref<1x128x64xf32, #tpu.memory_space<vmem>> -> memref<128x64xf32, #tpu.memory_space<vmem>>
        %dma_start3A_510 = arith.constant 0 : i32
        %dma_start3A_511 = tpu.memref_slice %arg9[%add3A_504, %dma_start3A_510] : memref<40x128xi32, #tpu.memory_space<vmem>> -> memref<1x128xi32, #tpu.memory_space<vmem>>
        %dma_start3A_512 = tpu.memref_squeeze %dma_start3A_511 : memref<1x128xi32, #tpu.memory_space<vmem>> -> memref<128xi32, #tpu.memory_space<vmem>>
        %dma_start3A_513 = arith.constant 0 : i32
        %dma_start3A_514 = arith.constant 0 : i32
        %dma_start3A_515 = tpu.memref_slice %arg7[%dma_start3A_513, %dma_start3A_514] : memref<10112x64xf32, #tpu.memory_space<vmem_shared>> -> memref<10112x64xf32, #tpu.memory_space<vmem_shared>>
        tpu.enqueue_indirect_dma source(%dma_start3A_515 : memref<10112x64xf32, #tpu.memory_space<vmem_shared>>) target(%dma_start3A_509 : memref<128x64xf32, #tpu.memory_space<vmem>>) offsets(%dma_start3A_512 : memref<128xi32, #tpu.memory_space<vmem>>) semaphore(%arg12 : memref<!tpu.dma_semaphore, #tpu.memory_space<semaphore_mem>>)
      } else {
      }
      %mul3A_464 = arith.constant 4 : i32
      %mul3A_465 = arith.muli %scan3A_351, %mul3A_464 : i32
      %add3A_466 = arith.constant 3 : i32
      %add3A_467 = arith.addi %mul3A_465, %add3A_466 : i32
      %dma_wait3A_468 = arith.constant 0 : i32
      %dma_wait3A_469 = arith.constant 3 : i32
      %dma_wait3A_470 = arith.constant 0 : i32
      %dma_wait3A_471 = arith.constant 0 : i32
      %dma_wait3A_472 = tpu.memref_slice %arg11[%dma_wait3A_469, %dma_wait3A_470, %dma_wait3A_471] : memref<4x128x64xf32, #tpu.memory_space<vmem>> -> memref<1x128x64xf32, #tpu.memory_space<vmem>>
      %dma_wait3A_473 = tpu.memref_squeeze %dma_wait3A_472 : memref<1x128x64xf32, #tpu.memory_space<vmem>> -> memref<128x64xf32, #tpu.memory_space<vmem>>
      %dma_wait3A_474 = arith.constant 0 : i32
      %dma_wait3A_475 = tpu.memref_slice %arg9[%dma_wait3A_468, %dma_wait3A_474] : memref<40x128xi32, #tpu.memory_space<vmem>> -> memref<1x128xi32, #tpu.memory_space<vmem>>
      %dma_wait3A_476 = tpu.memref_squeeze %dma_wait3A_475 : memref<1x128xi32, #tpu.memory_space<vmem>> -> memref<128xi32, #tpu.memory_space<vmem>>
      %dma_wait3A_477 = arith.constant 0 : i32
      %dma_wait3A_478 = arith.constant 0 : i32
      %dma_wait3A_479 = tpu.memref_slice %arg7[%dma_wait3A_477, %dma_wait3A_478] : memref<10112x64xf32, #tpu.memory_space<vmem_shared>> -> memref<10112x64xf32, #tpu.memory_space<vmem_shared>>
      tpu.wait_indirect_dma semaphore(%arg12 : memref<!tpu.dma_semaphore, #tpu.memory_space<semaphore_mem>>) src(%dma_wait3A_479 : memref<10112x64xf32, #tpu.memory_space<vmem_shared>>) dst(%dma_wait3A_473 : memref<128x64xf32, #tpu.memory_space<vmem>>)
      %dma_start3A_480 = arith.constant 3 : i32
      %dma_start3A_481 = arith.constant 0 : i32
      %dma_start3A_482 = arith.constant 0 : i32
      %dma_start3A_483 = tpu.memref_slice %arg11[%dma_start3A_480, %dma_start3A_481, %dma_start3A_482] : memref<4x128x64xf32, #tpu.memory_space<vmem>> -> memref<1x128x64xf32, #tpu.memory_space<vmem>>
      %dma_start3A_484 = tpu.memref_squeeze %dma_start3A_483 : memref<1x128x64xf32, #tpu.memory_space<vmem>> -> memref<128x64xf32, #tpu.memory_space<vmem>>
      %dma_start3A_485 = arith.constant 0 : i32
      %dma_start3A_486 = tpu.memref_slice %arg10[%add3A_467, %dma_start3A_485] : memref<40x128xi32, #tpu.memory_space<vmem>> -> memref<1x128xi32, #tpu.memory_space<vmem>>
      %dma_start3A_487 = tpu.memref_squeeze %dma_start3A_486 : memref<1x128xi32, #tpu.memory_space<vmem>> -> memref<128xi32, #tpu.memory_space<vmem>>
      %dma_start3A_488 = arith.constant 0 : i32
      %dma_start3A_489 = arith.constant 0 : i32
      %dma_start3A_490 = tpu.memref_slice %arg8[%dma_start3A_488, %dma_start3A_489] : memref<10112x64xf32, #tpu.memory_space<vmem_shared>> -> memref<10112x64xf32, #tpu.memory_space<vmem_shared>>
      tpu.enqueue_indirect_dma source(%dma_start3A_484 : memref<128x64xf32, #tpu.memory_space<vmem>>) target(%dma_start3A_490 : memref<10112x64xf32, #tpu.memory_space<vmem_shared>>) offsets(%dma_start3A_487 : memref<128xi32, #tpu.memory_space<vmem>>) semaphore(%arg13 : memref<!tpu.dma_semaphore, #tpu.memory_space<semaphore_mem>>) {add = true}
      %ge3A_491 = arith.constant 2 : i32
      %ge3A_492 = arith.cmpi sge, %add3A_467, %ge3A_491 : i32
      %convert_element_type3A_493 = arith.extui %ge3A_492 : i1 to i32
      %cond3A_494 = arith.constant 0 : i32
      %cond3A_495 = arith.cmpi ne, %convert_element_type3A_493, %cond3A_494 : i32
      scf.if %cond3A_495 {
        %dma_wait3A_503 = arith.constant 1 : i32
        %dma_wait3A_504 = arith.constant 0 : i32
        %dma_wait3A_505 = arith.constant 0 : i32
        %dma_wait3A_506 = arith.constant 0 : i32
        %dma_wait3A_507 = tpu.memref_slice %arg11[%dma_wait3A_503, %dma_wait3A_505, %dma_wait3A_506] : memref<4x128x64xf32, #tpu.memory_space<vmem>> -> memref<1x128x64xf32, #tpu.memory_space<vmem>>
        %dma_wait3A_508 = tpu.memref_squeeze %dma_wait3A_507 : memref<1x128x64xf32, #tpu.memory_space<vmem>> -> memref<128x64xf32, #tpu.memory_space<vmem>>
        %dma_wait3A_509 = arith.constant 0 : i32
        %dma_wait3A_510 = tpu.memref_slice %arg10[%dma_wait3A_504, %dma_wait3A_509] : memref<40x128xi32, #tpu.memory_space<vmem>> -> memref<1x128xi32, #tpu.memory_space<vmem>>
        %dma_wait3A_511 = tpu.memref_squeeze %dma_wait3A_510 : memref<1x128xi32, #tpu.memory_space<vmem>> -> memref<128xi32, #tpu.memory_space<vmem>>
        %dma_wait3A_512 = arith.constant 0 : i32
        %dma_wait3A_513 = arith.constant 0 : i32
        %dma_wait3A_514 = tpu.memref_slice %arg8[%dma_wait3A_512, %dma_wait3A_513] : memref<10112x64xf32, #tpu.memory_space<vmem_shared>> -> memref<10112x64xf32, #tpu.memory_space<vmem_shared>>
        tpu.wait_indirect_dma semaphore(%arg13 : memref<!tpu.dma_semaphore, #tpu.memory_space<semaphore_mem>>) src(%dma_wait3A_508 : memref<128x64xf32, #tpu.memory_space<vmem>>) dst(%dma_wait3A_514 : memref<10112x64xf32, #tpu.memory_space<vmem_shared>>)
      } else {
      }
      %add3A_496 = arith.constant 2 : i32
      %add3A_497 = arith.addi %add3A_467, %add3A_496 : i32
      %lt3A_498 = arith.constant 40 : i32
      %lt3A_499 = arith.cmpi slt, %add3A_497, %lt3A_498 : i32
      %convert_element_type3A_500 = arith.extui %lt3A_499 : i1 to i32
      %cond3A_501 = arith.constant 0 : i32
      %cond3A_502 = arith.cmpi ne, %convert_element_type3A_500, %cond3A_501 : i32
      scf.if %cond3A_502 {
        %add3A_503 = arith.constant 2 : i32
        %add3A_504 = arith.addi %add3A_467, %add3A_503 : i32
        %dma_start3A_505 = arith.constant 1 : i32
        %dma_start3A_506 = arith.constant 0 : i32
        %dma_start3A_507 = arith.constant 0 : i32
        %dma_start3A_508 = tpu.memref_slice %arg11[%dma_start3A_505, %dma_start3A_506, %dma_start3A_507] : memref<4x128x64xf32, #tpu.memory_space<vmem>> -> memref<1x128x64xf32, #tpu.memory_space<vmem>>
        %dma_start3A_509 = tpu.memref_squeeze %dma_start3A_508 : memref<1x128x64xf32, #tpu.memory_space<vmem>> -> memref<128x64xf32, #tpu.memory_space<vmem>>
        %dma_start3A_510 = arith.constant 0 : i32
        %dma_start3A_511 = tpu.memref_slice %arg9[%add3A_504, %dma_start3A_510] : memref<40x128xi32, #tpu.memory_space<vmem>> -> memref<1x128xi32, #tpu.memory_space<vmem>>
        %dma_start3A_512 = tpu.memref_squeeze %dma_start3A_511 : memref<1x128xi32, #tpu.memory_space<vmem>> -> memref<128xi32, #tpu.memory_space<vmem>>
        %dma_start3A_513 = arith.constant 0 : i32
        %dma_start3A_514 = arith.constant 0 : i32
        %dma_start3A_515 = tpu.memref_slice %arg7[%dma_start3A_513, %dma_start3A_514] : memref<10112x64xf32, #tpu.memory_space<vmem_shared>> -> memref<10112x64xf32, #tpu.memory_space<vmem_shared>>
        tpu.enqueue_indirect_dma source(%dma_start3A_515 : memref<10112x64xf32, #tpu.memory_space<vmem_shared>>) target(%dma_start3A_509 : memref<128x64xf32, #tpu.memory_space<vmem>>) offsets(%dma_start3A_512 : memref<128xi32, #tpu.memory_space<vmem>>) semaphore(%arg12 : memref<!tpu.dma_semaphore, #tpu.memory_space<semaphore_mem>>)
      } else {
      }
    }
    %scan3A_321 = arith.constant 10 : i32
    %dma_wait3A_322 = arith.constant 0 : i32
    %dma_wait3A_323 = arith.constant 0 : i32
    %dma_wait3A_324 = arith.constant 0 : i32
    %dma_wait3A_325 = arith.constant 0 : i32
    %dma_wait3A_326 = tpu.memref_slice %arg11[%dma_wait3A_322, %dma_wait3A_324, %dma_wait3A_325] : memref<4x128x64xf32, #tpu.memory_space<vmem>> -> memref<1x128x64xf32, #tpu.memory_space<vmem>>
    %dma_wait3A_327 = tpu.memref_squeeze %dma_wait3A_326 : memref<1x128x64xf32, #tpu.memory_space<vmem>> -> memref<128x64xf32, #tpu.memory_space<vmem>>
    %dma_wait3A_328 = arith.constant 0 : i32
    %dma_wait3A_329 = tpu.memref_slice %arg10[%dma_wait3A_323, %dma_wait3A_328] : memref<40x128xi32, #tpu.memory_space<vmem>> -> memref<1x128xi32, #tpu.memory_space<vmem>>
    %dma_wait3A_330 = tpu.memref_squeeze %dma_wait3A_329 : memref<1x128xi32, #tpu.memory_space<vmem>> -> memref<128xi32, #tpu.memory_space<vmem>>
    %dma_wait3A_331 = arith.constant 0 : i32
    %dma_wait3A_332 = arith.constant 0 : i32
    %dma_wait3A_333 = tpu.memref_slice %arg8[%dma_wait3A_331, %dma_wait3A_332] : memref<10112x64xf32, #tpu.memory_space<vmem_shared>> -> memref<10112x64xf32, #tpu.memory_space<vmem_shared>>
    tpu.wait_indirect_dma semaphore(%arg13 : memref<!tpu.dma_semaphore, #tpu.memory_space<semaphore_mem>>) src(%dma_wait3A_327 : memref<128x64xf32, #tpu.memory_space<vmem>>) dst(%dma_wait3A_333 : memref<10112x64xf32, #tpu.memory_space<vmem_shared>>)
    %dma_wait3A_334 = arith.constant 1 : i32
    %dma_wait3A_335 = arith.constant 0 : i32
    %dma_wait3A_336 = arith.constant 0 : i32
    %dma_wait3A_337 = arith.constant 0 : i32
    %dma_wait3A_338 = tpu.memref_slice %arg11[%dma_wait3A_334, %dma_wait3A_336, %dma_wait3A_337] : memref<4x128x64xf32, #tpu.memory_space<vmem>> -> memref<1x128x64xf32, #tpu.memory_space<vmem>>
    %dma_wait3A_339 = tpu.memref_squeeze %dma_wait3A_338 : memref<1x128x64xf32, #tpu.memory_space<vmem>> -> memref<128x64xf32, #tpu.memory_space<vmem>>
    %dma_wait3A_340 = arith.constant 0 : i32
    %dma_wait3A_341 = tpu.memref_slice %arg10[%dma_wait3A_335, %dma_wait3A_340] : memref<40x128xi32, #tpu.memory_space<vmem>> -> memref<1x128xi32, #tpu.memory_space<vmem>>
    %dma_wait3A_342 = tpu.memref_squeeze %dma_wait3A_341 : memref<1x128xi32, #tpu.memory_space<vmem>> -> memref<128xi32, #tpu.memory_space<vmem>>
    %dma_wait3A_343 = arith.constant 0 : i32
    %dma_wait3A_344 = arith.constant 0 : i32
    %dma_wait3A_345 = tpu.memref_slice %arg8[%dma_wait3A_343, %dma_wait3A_344] : memref<10112x64xf32, #tpu.memory_space<vmem_shared>> -> memref<10112x64xf32, #tpu.memory_space<vmem_shared>>
    tpu.wait_indirect_dma semaphore(%arg13 : memref<!tpu.dma_semaphore, #tpu.memory_space<semaphore_mem>>) src(%dma_wait3A_339 : memref<128x64xf32, #tpu.memory_space<vmem>>) dst(%dma_wait3A_345 : memref<10112x64xf32, #tpu.memory_space<vmem_shared>>)
    %barrier3A_346 = arith.constant 0 : index
    tpu.barrier barrier_id(%barrier3A_346)
    %mul3A_347 = arith.constant 632 : i32
    %mul3A_348 = arith.muli %arg1, %mul3A_347 : i32
    %mul3A_349 = arith.constant 632 : i32
    %mul3A_350 = arith.muli %arg1, %mul3A_349 : i32
    "tpu.region"() ({
      %run_scoped3A = tpu.sem_alloc : memref<!tpu.dma_semaphore, #tpu.memory_space<semaphore_mem>>
      %dma_start3A_351 = arith.constant 0 : i32
      %dma_start3A_352 = tpu.memref_slice %arg6[%arg0, %mul3A_350, %dma_start3A_351] : memref<2x10112x64xf32, #tpu.memory_space<hbm>> -> memref<1x632x64xf32, #tpu.memory_space<hbm>>
      %dma_start3A_353 = tpu.memref_squeeze %dma_start3A_352 : memref<1x632x64xf32, #tpu.memory_space<hbm>> -> memref<632x64xf32, #tpu.memory_space<hbm>>
      %dma_start3A_354 = arith.constant 0 : i32
      %dma_start3A_355 = tpu.memref_slice %arg8[%mul3A_348, %dma_start3A_354] : memref<10112x64xf32, #tpu.memory_space<vmem_shared>> -> memref<632x64xf32, #tpu.memory_space<vmem_shared>>
      tpu.enqueue_dma source(%dma_start3A_355 : memref<632x64xf32, #tpu.memory_space<vmem_shared>>) target(%dma_start3A_353 : memref<632x64xf32, #tpu.memory_space<hbm>>) target_semaphore(%run_scoped3A : memref<!tpu.dma_semaphore, #tpu.memory_space<semaphore_mem>>)
      %dma_wait3A_356 = arith.constant 0 : i32
      %dma_wait3A_357 = tpu.memref_slice %arg6[%arg0, %mul3A_350, %dma_wait3A_356] : memref<2x10112x64xf32, #tpu.memory_space<hbm>> -> memref<1x632x64xf32, #tpu.memory_space<hbm>>
      %dma_wait3A_358 = tpu.memref_squeeze %dma_wait3A_357 : memref<1x632x64xf32, #tpu.memory_space<hbm>> -> memref<632x64xf32, #tpu.memory_space<hbm>>
      %dma_wait3A_359 = arith.constant 0 : i32
      %dma_wait3A_360 = tpu.memref_slice %arg8[%mul3A_348, %dma_wait3A_359] : memref<10112x64xf32, #tpu.memory_space<vmem_shared>> -> memref<632x64xf32, #tpu.memory_space<vmem_shared>>
      tpu.wait_dma2 semaphore(%run_scoped3A : memref<!tpu.dma_semaphore, #tpu.memory_space<semaphore_mem>>) src(%dma_wait3A_360 : memref<632x64xf32, #tpu.memory_space<vmem_shared>>) dst(%dma_wait3A_358 : memref<632x64xf32, #tpu.memory_space<hbm>>)
      tpu.yield
    }) : () -> ()
    return
  }
}

#map = affine_map<(d0, d1) -> (0, 0, 0)>
#map1 = affine_map<(d0, d1) -> (0, 0)>
module attributes {stable_mosaic.version = 14 : i64} {
  func.func @body(%arg0: i32, %arg1: i32, %arg2: memref<2x10112x64xf32, #tpu.memory_space<hbm>>, %arg3: memref<16x160x128xi32, #tpu.memory_space<hbm>>, %arg4: memref<16x160x128xi32, #tpu.memory_space<hbm>>, %arg5: memref<632x64xf32, #tpu.memory_space<hbm>>, %arg6: memref<2x10112x64xf32, #tpu.memory_space<hbm>>, %arg7: memref<10112x64xf32, #tpu.memory_space<vmem_shared>>, %arg8: memref<10112x64xf32, #tpu.memory_space<vmem_shared>>, %arg9: memref<40x128xi32, #tpu.memory_space<vmem>>, %arg10: memref<40x128xi32, #tpu.memory_space<vmem>>, %arg11: memref<4x128x64xf32, #tpu.memory_space<vmem>>, %arg12: memref<!tpu.dma_semaphore, #tpu.memory_space<semaphore_mem>>, %arg13: memref<!tpu.dma_semaphore, #tpu.memory_space<semaphore_mem>>) attributes {dimension_semantics = [#tpu.dimension_semantics<core_parallel>, #tpu.dimension_semantics<subcore_parallel>], iteration_bounds = array<i64: 2, 16>, scalar_prefetch = 0 : i64, scratch_operands = 7 : i64, tpu.core_type = #tpu.core_type<sc_vector_subcore>, window_params = [{transform_indices = #map}, {transform_indices = #map}, {transform_indices = #map}, {transform_indices = #map1}, {transform_indices = #map}]} {
    %dma_start3A = arith.constant 0 : i32
    %dma_start3A_0 = arith.constant 0 : i32
    %dma_start3A_1 = tpu.memref_slice %arg3[%arg1, %dma_start3A, %dma_start3A_0] : memref<16x160x128xi32, #tpu.memory_space<hbm>> -> memref<1x40x128xi32, #tpu.memory_space<hbm>>
    %dma_start3A_2 = tpu.memref_squeeze %dma_start3A_1 : memref<1x40x128xi32, #tpu.memory_space<hbm>> -> memref<40x128xi32, #tpu.memory_space<hbm>>
    %dma_start3A_3 = arith.constant 0 : i32
    %dma_start3A_4 = arith.constant 0 : i32
    %dma_start3A_5 = tpu.memref_slice %arg3[%arg1, %dma_start3A_3, %dma_start3A_4] : memref<16x160x128xi32, #tpu.memory_space<hbm>> -> memref<1x40x128xi32, #tpu.memory_space<hbm>>
    %dma_start3A_6 = tpu.memref_squeeze %dma_start3A_5 : memref<1x40x128xi32, #tpu.memory_space<hbm>> -> memref<40x128xi32, #tpu.memory_space<hbm>>
    tpu.enqueue_dma source(%dma_start3A_6 : memref<40x128xi32, #tpu.memory_space<hbm>>) target(%arg9 : memref<40x128xi32, #tpu.memory_space<vmem>>) target_semaphore(%arg12 : memref<!tpu.dma_semaphore, #tpu.memory_space<semaphore_mem>>)
    %dma_start3A_7 = arith.constant 0 : i32
    %dma_start3A_8 = arith.constant 0 : i32
    %dma_start3A_9 = tpu.memref_slice %arg4[%arg1, %dma_start3A_7, %dma_start3A_8] : memref<16x160x128xi32, #tpu.memory_space<hbm>> -> memref<1x40x128xi32, #tpu.memory_space<hbm>>
    %dma_start3A_10 = tpu.memref_squeeze %dma_start3A_9 : memref<1x40x128xi32, #tpu.memory_space<hbm>> -> memref<40x128xi32, #tpu.memory_space<hbm>>
    %dma_start3A_11 = arith.constant 0 : i32
    %dma_start3A_12 = arith.constant 0 : i32
    %dma_start3A_13 = tpu.memref_slice %arg4[%arg1, %dma_start3A_11, %dma_start3A_12] : memref<16x160x128xi32, #tpu.memory_space<hbm>> -> memref<1x40x128xi32, #tpu.memory_space<hbm>>
    %dma_start3A_14 = tpu.memref_squeeze %dma_start3A_13 : memref<1x40x128xi32, #tpu.memory_space<hbm>> -> memref<40x128xi32, #tpu.memory_space<hbm>>
    tpu.enqueue_dma source(%dma_start3A_14 : memref<40x128xi32, #tpu.memory_space<hbm>>) target(%arg10 : memref<40x128xi32, #tpu.memory_space<vmem>>) target_semaphore(%arg12 : memref<!tpu.dma_semaphore, #tpu.memory_space<semaphore_mem>>)
    %mul3A = arith.constant 632 : i32
    %mul3A_15 = arith.muli %arg1, %mul3A : i32
    "tpu.region"() ({
      %run_scoped3A = tpu.sem_alloc : memref<!tpu.dma_semaphore, #tpu.memory_space<semaphore_mem>>
      %dma_start3A_351 = arith.constant 0 : i32
      %dma_start3A_352 = tpu.memref_slice %arg8[%mul3A_15, %dma_start3A_351] : memref<10112x64xf32, #tpu.memory_space<vmem_shared>> -> memref<632x64xf32, #tpu.memory_space<vmem_shared>>
      tpu.enqueue_dma source(%arg5 : memref<632x64xf32, #tpu.memory_space<hbm>>) target(%dma_start3A_352 : memref<632x64xf32, #tpu.memory_space<vmem_shared>>) target_semaphore(%run_scoped3A : memref<!tpu.dma_semaphore, #tpu.memory_space<semaphore_mem>>)
      %dma_wait3A_353 = arith.constant 0 : i32
      %dma_wait3A_354 = tpu.memref_slice %arg8[%mul3A_15, %dma_wait3A_353] : memref<10112x64xf32, #tpu.memory_space<vmem_shared>> -> memref<632x64xf32, #tpu.memory_space<vmem_shared>>
      tpu.wait_dma2 semaphore(%run_scoped3A : memref<!tpu.dma_semaphore, #tpu.memory_space<semaphore_mem>>) src(%arg5 : memref<632x64xf32, #tpu.memory_space<hbm>>) dst(%dma_wait3A_354 : memref<632x64xf32, #tpu.memory_space<vmem_shared>>)
      tpu.yield
    }) : () -> ()
    %mul3A_16 = arith.constant 632 : i32
    %mul3A_17 = arith.muli %arg1, %mul3A_16 : i32
    %mul3A_18 = arith.constant 632 : i32
    %mul3A_19 = arith.muli %arg1, %mul3A_18 : i32
    "tpu.region"() ({
      %run_scoped3A = tpu.sem_alloc : memref<!tpu.dma_semaphore, #tpu.memory_space<semaphore_mem>>
      %dma_start3A_351 = arith.constant 0 : i32
      %dma_start3A_352 = tpu.memref_slice %arg7[%mul3A_19, %dma_start3A_351] : memref<10112x64xf32, #tpu.memory_space<vmem_shared>> -> memref<632x64xf32, #tpu.memory_space<vmem_shared>>
      %dma_start3A_353 = arith.constant 0 : i32
      %dma_start3A_354 = tpu.memref_slice %arg2[%arg0, %mul3A_17, %dma_start3A_353] : memref<2x10112x64xf32, #tpu.memory_space<hbm>> -> memref<1x632x64xf32, #tpu.memory_space<hbm>>
      %dma_start3A_355 = tpu.memref_squeeze %dma_start3A_354 : memref<1x632x64xf32, #tpu.memory_space<hbm>> -> memref<632x64xf32, #tpu.memory_space<hbm>>
      tpu.enqueue_dma source(%dma_start3A_355 : memref<632x64xf32, #tpu.memory_space<hbm>>) target(%dma_start3A_352 : memref<632x64xf32, #tpu.memory_space<vmem_shared>>) target_semaphore(%run_scoped3A : memref<!tpu.dma_semaphore, #tpu.memory_space<semaphore_mem>>)
      %dma_wait3A_356 = arith.constant 0 : i32
      %dma_wait3A_357 = tpu.memref_slice %arg7[%mul3A_19, %dma_wait3A_356] : memref<10112x64xf32, #tpu.memory_space<vmem_shared>> -> memref<632x64xf32, #tpu.memory_space<vmem_shared>>
      %dma_wait3A_358 = arith.constant 0 : i32
      %dma_wait3A_359 = tpu.memref_slice %arg2[%arg0, %mul3A_17, %dma_wait3A_358] : memref<2x10112x64xf32, #tpu.memory_space<hbm>> -> memref<1x632x64xf32, #tpu.memory_space<hbm>>
      %dma_wait3A_360 = tpu.memref_squeeze %dma_wait3A_359 : memref<1x632x64xf32, #tpu.memory_space<hbm>> -> memref<632x64xf32, #tpu.memory_space<hbm>>
      tpu.wait_dma2 semaphore(%run_scoped3A : memref<!tpu.dma_semaphore, #tpu.memory_space<semaphore_mem>>) src(%dma_wait3A_360 : memref<632x64xf32, #tpu.memory_space<hbm>>) dst(%dma_wait3A_357 : memref<632x64xf32, #tpu.memory_space<vmem_shared>>)
      tpu.yield
    }) : () -> ()
    %barrier3A = arith.constant 0 : index
    tpu.barrier barrier_id(%barrier3A)
    %dma_wait3A = arith.constant 0 : i32
    %dma_wait3A_20 = arith.constant 0 : i32
    %dma_wait3A_21 = tpu.memref_slice %arg3[%arg1, %dma_wait3A, %dma_wait3A_20] : memref<16x160x128xi32, #tpu.memory_space<hbm>> -> memref<1x40x128xi32, #tpu.memory_space<hbm>>
    %dma_wait3A_22 = tpu.memref_squeeze %dma_wait3A_21 : memref<1x40x128xi32, #tpu.memory_space<hbm>> -> memref<40x128xi32, #tpu.memory_space<hbm>>
    %dma_wait3A_23 = arith.constant 0 : i32
    %dma_wait3A_24 = arith.constant 0 : i32
    %dma_wait3A_25 = tpu.memref_slice %arg3[%arg1, %dma_wait3A_23, %dma_wait3A_24] : memref<16x160x128xi32, #tpu.memory_space<hbm>> -> memref<1x40x128xi32, #tpu.memory_space<hbm>>
    %dma_wait3A_26 = tpu.memref_squeeze %dma_wait3A_25 : memref<1x40x128xi32, #tpu.memory_space<hbm>> -> memref<40x128xi32, #tpu.memory_space<hbm>>
    tpu.wait_dma2 semaphore(%arg12 : memref<!tpu.dma_semaphore, #tpu.memory_space<semaphore_mem>>) src(%dma_wait3A_26 : memref<40x128xi32, #tpu.memory_space<hbm>>) dst(%arg9 : memref<40x128xi32, #tpu.memory_space<vmem>>)
    %dma_wait3A_27 = arith.constant 0 : i32
    %dma_wait3A_28 = arith.constant 0 : i32
    %dma_wait3A_29 = tpu.memref_slice %arg4[%arg1, %dma_wait3A_27, %dma_wait3A_28] : memref<16x160x128xi32, #tpu.memory_space<hbm>> -> memref<1x40x128xi32, #tpu.memory_space<hbm>>
    %dma_wait3A_30 = tpu.memref_squeeze %dma_wait3A_29 : memref<1x40x128xi32, #tpu.memory_space<hbm>> -> memref<40x128xi32, #tpu.memory_space<hbm>>
    %dma_wait3A_31 = arith.constant 0 : i32
    %dma_wait3A_32 = arith.constant 0 : i32
    %dma_wait3A_33 = tpu.memref_slice %arg4[%arg1, %dma_wait3A_31, %dma_wait3A_32] : memref<16x160x128xi32, #tpu.memory_space<hbm>> -> memref<1x40x128xi32, #tpu.memory_space<hbm>>
    %dma_wait3A_34 = tpu.memref_squeeze %dma_wait3A_33 : memref<1x40x128xi32, #tpu.memory_space<hbm>> -> memref<40x128xi32, #tpu.memory_space<hbm>>
    tpu.wait_dma2 semaphore(%arg12 : memref<!tpu.dma_semaphore, #tpu.memory_space<semaphore_mem>>) src(%dma_wait3A_34 : memref<40x128xi32, #tpu.memory_space<hbm>>) dst(%arg10 : memref<40x128xi32, #tpu.memory_space<vmem>>)
    %dma_start3A_35 = arith.constant 0 : i32
    %dma_start3A_36 = arith.constant 0 : i32
    %dma_start3A_37 = arith.constant 0 : i32
    %dma_start3A_38 = arith.constant 0 : i32
    %dma_start3A_39 = tpu.memref_slice %arg11[%dma_start3A_36, %dma_start3A_37, %dma_start3A_38] : memref<4x128x64xf32, #tpu.memory_space<vmem>> -> memref<1x128x64xf32, #tpu.memory_space<vmem>>
    %dma_start3A_40 = tpu.memref_squeeze %dma_start3A_39 : memref<1x128x64xf32, #tpu.memory_space<vmem>> -> memref<128x64xf32, #tpu.memory_space<vmem>>
    %dma_start3A_41 = arith.constant 0 : i32
    %dma_start3A_42 = tpu.memref_slice %arg9[%dma_start3A_35, %dma_start3A_41] : memref<40x128xi32, #tpu.memory_space<vmem>> -> memref<1x128xi32, #tpu.memory_space<vmem>>
    %dma_start3A_43 = tpu.memref_squeeze %dma_start3A_42 : memref<1x128xi32, #tpu.memory_space<vmem>> -> memref<128xi32, #tpu.memory_space<vmem>>
    %dma_start3A_44 = arith.constant 0 : i32
    %dma_start3A_45 = arith.constant 0 : i32
    %dma_start3A_46 = tpu.memref_slice %arg7[%dma_start3A_44, %dma_start3A_45] : memref<10112x64xf32, #tpu.memory_space<vmem_shared>> -> memref<10112x64xf32, #tpu.memory_space<vmem_shared>>
    tpu.enqueue_indirect_dma source(%dma_start3A_46 : memref<10112x64xf32, #tpu.memory_space<vmem_shared>>) target(%dma_start3A_40 : memref<128x64xf32, #tpu.memory_space<vmem>>) offsets(%dma_start3A_43 : memref<128xi32, #tpu.memory_space<vmem>>) semaphore(%arg12 : memref<!tpu.dma_semaphore, #tpu.memory_space<semaphore_mem>>)
    %dma_start3A_47 = arith.constant 1 : i32
    %dma_start3A_48 = arith.constant 1 : i32
    %dma_start3A_49 = arith.constant 0 : i32
    %dma_start3A_50 = arith.constant 0 : i32
    %dma_start3A_51 = tpu.memref_slice %arg11[%dma_start3A_48, %dma_start3A_49, %dma_start3A_50] : memref<4x128x64xf32, #tpu.memory_space<vmem>> -> memref<1x128x64xf32, #tpu.memory_space<vmem>>
    %dma_start3A_52 = tpu.memref_squeeze %dma_start3A_51 : memref<1x128x64xf32, #tpu.memory_space<vmem>> -> memref<128x64xf32, #tpu.memory_space<vmem>>
    %dma_start3A_53 = arith.constant 0 : i32
    %dma_start3A_54 = tpu.memref_slice %arg9[%dma_start3A_47, %dma_start3A_53] : memref<40x128xi32, #tpu.memory_space<vmem>> -> memref<1x128xi32, #tpu.memory_space<vmem>>
    %dma_start3A_55 = tpu.memref_squeeze %dma_start3A_54 : memref<1x128xi32, #tpu.memory_space<vmem>> -> memref<128xi32, #tpu.memory_space<vmem>>
    %dma_start3A_56 = arith.constant 0 : i32
    %dma_start3A_57 = arith.constant 0 : i32
    %dma_start3A_58 = tpu.memref_slice %arg7[%dma_start3A_56, %dma_start3A_57] : memref<10112x64xf32, #tpu.memory_space<vmem_shared>> -> memref<10112x64xf32, #tpu.memory_space<vmem_shared>>
    tpu.enqueue_indirect_dma source(%dma_start3A_58 : memref<10112x64xf32, #tpu.memory_space<vmem_shared>>) target(%dma_start3A_52 : memref<128x64xf32, #tpu.memory_space<vmem>>) offsets(%dma_start3A_55 : memref<128xi32, #tpu.memory_space<vmem>>) semaphore(%arg12 : memref<!tpu.dma_semaphore, #tpu.memory_space<semaphore_mem>>)
    %scan3A = arith.constant 0 : i32
    %scan3A_59 = arith.constant 0 : i32
    %scan3A_60 = arith.constant 10 : i32
    %scan3A_61 = arith.addi %scan3A_59, %scan3A_60 : i32
    %scan3A_62 = arith.constant 1 : i32
    scf.for %scan3A_351 = %scan3A_59 to %scan3A_61 step %scan3A_62  : i32 {
      %mul3A_352 = arith.constant 4 : i32
      %mul3A_353 = arith.muli %scan3A_351, %mul3A_352 : i32
      %add3A = arith.constant 0 : i32
      %add3A_354 = arith.addi %mul3A_353, %add3A : i32
      %dma_wait3A_355 = arith.constant 0 : i32
      %dma_wait3A_356 = arith.constant 0 : i32
      %dma_wait3A_357 = arith.constant 0 : i32
      %dma_wait3A_358 = arith.constant 0 : i32
      %dma_wait3A_359 = tpu.memref_slice %arg11[%dma_wait3A_356, %dma_wait3A_357, %dma_wait3A_358] : memref<4x128x64xf32, #tpu.memory_space<vmem>> -> memref<1x128x64xf32, #tpu.memory_space<vmem>>
      %dma_wait3A_360 = tpu.memref_squeeze %dma_wait3A_359 : memref<1x128x64xf32, #tpu.memory_space<vmem>> -> memref<128x64xf32, #tpu.memory_space<vmem>>
      %dma_wait3A_361 = arith.constant 0 : i32
      %dma_wait3A_362 = tpu.memref_slice %arg9[%dma_wait3A_355, %dma_wait3A_361] : memref<40x128xi32, #tpu.memory_space<vmem>> -> memref<1x128xi32, #tpu.memory_space<vmem>>
      %dma_wait3A_363 = tpu.memref_squeeze %dma_wait3A_362 : memref<1x128xi32, #tpu.memory_space<vmem>> -> memref<128xi32, #tpu.memory_space<vmem>>
      %dma_wait3A_364 = arith.constant 0 : i32
      %dma_wait3A_365 = arith.constant 0 : i32
      %dma_wait3A_366 = tpu.memref_slice %arg7[%dma_wait3A_364, %dma_wait3A_365] : memref<10112x64xf32, #tpu.memory_space<vmem_shared>> -> memref<10112x64xf32, #tpu.memory_space<vmem_shared>>
      tpu.wait_indirect_dma semaphore(%arg12 : memref<!tpu.dma_semaphore, #tpu.memory_space<semaphore_mem>>) src(%dma_wait3A_366 : memref<10112x64xf32, #tpu.memory_space<vmem_shared>>) dst(%dma_wait3A_360 : memref<128x64xf32, #tpu.memory_space<vmem>>)
      %dma_start3A_367 = arith.constant 0 : i32
      %dma_start3A_368 = arith.constant 0 : i32
      %dma_start3A_369 = arith.constant 0 : i32
      %dma_start3A_370 = tpu.memref_slice %arg11[%dma_start3A_367, %dma_start3A_368, %dma_start3A_369] : memref<4x128x64xf32, #tpu.memory_space<vmem>> -> memref<1x128x64xf32, #tpu.memory_space<vmem>>
      %dma_start3A_371 = tpu.memref_squeeze %dma_start3A_370 : memref<1x128x64xf32, #tpu.memory_space<vmem>> -> memref<128x64xf32, #tpu.memory_space<vmem>>
      %dma_start3A_372 = arith.constant 0 : i32
      %dma_start3A_373 = tpu.memref_slice %arg10[%add3A_354, %dma_start3A_372] : memref<40x128xi32, #tpu.memory_space<vmem>> -> memref<1x128xi32, #tpu.memory_space<vmem>>
      %dma_start3A_374 = tpu.memref_squeeze %dma_start3A_373 : memref<1x128xi32, #tpu.memory_space<vmem>> -> memref<128xi32, #tpu.memory_space<vmem>>
      %dma_start3A_375 = arith.constant 0 : i32
      %dma_start3A_376 = arith.constant 0 : i32
      %dma_start3A_377 = tpu.memref_slice %arg8[%dma_start3A_375, %dma_start3A_376] : memref<10112x64xf32, #tpu.memory_space<vmem_shared>> -> memref<10112x64xf32, #tpu.memory_space<vmem_shared>>
      tpu.enqueue_indirect_dma source(%dma_start3A_371 : memref<128x64xf32, #tpu.memory_space<vmem>>) target(%dma_start3A_377 : memref<10112x64xf32, #tpu.memory_space<vmem_shared>>) offsets(%dma_start3A_374 : memref<128xi32, #tpu.memory_space<vmem>>) semaphore(%arg13 : memref<!tpu.dma_semaphore, #tpu.memory_space<semaphore_mem>>) {add = true}
      %ge3A = arith.constant 2 : i32
      %ge3A_378 = arith.cmpi sge, %add3A_354, %ge3A : i32
      %convert_element_type3A = arith.extui %ge3A_378 : i1 to i32
      %cond3A = arith.constant 0 : i32
      %cond3A_379 = arith.cmpi ne, %convert_element_type3A, %cond3A : i32
      scf.if %cond3A_379 {
        %dma_wait3A_503 = arith.constant 2 : i32
        %dma_wait3A_504 = arith.constant 0 : i32
        %dma_wait3A_505 = arith.constant 0 : i32
        %dma_wait3A_506 = arith.constant 0 : i32
        %dma_wait3A_507 = tpu.memref_slice %arg11[%dma_wait3A_503, %dma_wait3A_505, %dma_wait3A_506] : memref<4x128x64xf32, #tpu.memory_space<vmem>> -> memref<1x128x64xf32, #tpu.memory_space<vmem>>
        %dma_wait3A_508 = tpu.memref_squeeze %dma_wait3A_507 : memref<1x128x64xf32, #tpu.memory_space<vmem>> -> memref<128x64xf32, #tpu.memory_space<vmem>>
        %dma_wait3A_509 = arith.constant 0 : i32
        %dma_wait3A_510 = tpu.memref_slice %arg10[%dma_wait3A_504, %dma_wait3A_509] : memref<40x128xi32, #tpu.memory_space<vmem>> -> memref<1x128xi32, #tpu.memory_space<vmem>>
        %dma_wait3A_511 = tpu.memref_squeeze %dma_wait3A_510 : memref<1x128xi32, #tpu.memory_space<vmem>> -> memref<128xi32, #tpu.memory_space<vmem>>
        %dma_wait3A_512 = arith.constant 0 : i32
        %dma_wait3A_513 = arith.constant 0 : i32
        %dma_wait3A_514 = tpu.memref_slice %arg8[%dma_wait3A_512, %dma_wait3A_513] : memref<10112x64xf32, #tpu.memory_space<vmem_shared>> -> memref<10112x64xf32, #tpu.memory_space<vmem_shared>>
        tpu.wait_indirect_dma semaphore(%arg13 : memref<!tpu.dma_semaphore, #tpu.memory_space<semaphore_mem>>) src(%dma_wait3A_508 : memref<128x64xf32, #tpu.memory_space<vmem>>) dst(%dma_wait3A_514 : memref<10112x64xf32, #tpu.memory_space<vmem_shared>>)
      } else {
      }
      %add3A_380 = arith.constant 2 : i32
      %add3A_381 = arith.addi %add3A_354, %add3A_380 : i32
      %lt3A = arith.constant 40 : i32
      %lt3A_382 = arith.cmpi slt, %add3A_381, %lt3A : i32
      %convert_element_type3A_383 = arith.extui %lt3A_382 : i1 to i32
      %cond3A_384 = arith.constant 0 : i32
      %cond3A_385 = arith.cmpi ne, %convert_element_type3A_383, %cond3A_384 : i32
      scf.if %cond3A_385 {
        %add3A_503 = arith.constant 2 : i32
        %add3A_504 = arith.addi %add3A_354, %add3A_503 : i32
        %dma_start3A_505 = arith.constant 2 : i32
        %dma_start3A_506 = arith.constant 0 : i32
        %dma_start3A_507 = arith.constant 0 : i32
        %dma_start3A_508 = tpu.memref_slice %arg11[%dma_start3A_505, %dma_start3A_506, %dma_start3A_507] : memref<4x128x64xf32, #tpu.memory_space<vmem>> -> memref<1x128x64xf32, #tpu.memory_space<vmem>>
        %dma_start3A_509 = tpu.memref_squeeze %dma_start3A_508 : memref<1x128x64xf32, #tpu.memory_space<vmem>> -> memref<128x64xf32, #tpu.memory_space<vmem>>
        %dma_start3A_510 = arith.constant 0 : i32
        %dma_start3A_511 = tpu.memref_slice %arg9[%add3A_504, %dma_start3A_510] : memref<40x128xi32, #tpu.memory_space<vmem>> -> memref<1x128xi32, #tpu.memory_space<vmem>>
        %dma_start3A_512 = tpu.memref_squeeze %dma_start3A_511 : memref<1x128xi32, #tpu.memory_space<vmem>> -> memref<128xi32, #tpu.memory_space<vmem>>
        %dma_start3A_513 = arith.constant 0 : i32
        %dma_start3A_514 = arith.constant 0 : i32
        %dma_start3A_515 = tpu.memref_slice %arg7[%dma_start3A_513, %dma_start3A_514] : memref<10112x64xf32, #tpu.memory_space<vmem_shared>> -> memref<10112x64xf32, #tpu.memory_space<vmem_shared>>
        tpu.enqueue_indirect_dma source(%dma_start3A_515 : memref<10112x64xf32, #tpu.memory_space<vmem_shared>>) target(%dma_start3A_509 : memref<128x64xf32, #tpu.memory_space<vmem>>) offsets(%dma_start3A_512 : memref<128xi32, #tpu.memory_space<vmem>>) semaphore(%arg12 : memref<!tpu.dma_semaphore, #tpu.memory_space<semaphore_mem>>)
      } else {
      }
      %mul3A_386 = arith.constant 4 : i32
      %mul3A_387 = arith.muli %scan3A_351, %mul3A_386 : i32
      %add3A_388 = arith.constant 1 : i32
      %add3A_389 = arith.addi %mul3A_387, %add3A_388 : i32
      %dma_wait3A_390 = arith.constant 0 : i32
      %dma_wait3A_391 = arith.constant 1 : i32
      %dma_wait3A_392 = arith.constant 0 : i32
      %dma_wait3A_393 = arith.constant 0 : i32
      %dma_wait3A_394 = tpu.memref_slice %arg11[%dma_wait3A_391, %dma_wait3A_392, %dma_wait3A_393] : memref<4x128x64xf32, #tpu.memory_space<vmem>> -> memref<1x128x64xf32, #tpu.memory_space<vmem>>
      %dma_wait3A_395 = tpu.memref_squeeze %dma_wait3A_394 : memref<1x128x64xf32, #tpu.memory_space<vmem>> -> memref<128x64xf32, #tpu.memory_space<vmem>>
      %dma_wait3A_396 = arith.constant 0 : i32
      %dma_wait3A_397 = tpu.memref_slice %arg9[%dma_wait3A_390, %dma_wait3A_396] : memref<40x128xi32, #tpu.memory_space<vmem>> -> memref<1x128xi32, #tpu.memory_space<vmem>>
      %dma_wait3A_398 = tpu.memref_squeeze %dma_wait3A_397 : memref<1x128xi32, #tpu.memory_space<vmem>> -> memref<128xi32, #tpu.memory_space<vmem>>
      %dma_wait3A_399 = arith.constant 0 : i32
      %dma_wait3A_400 = arith.constant 0 : i32
      %dma_wait3A_401 = tpu.memref_slice %arg7[%dma_wait3A_399, %dma_wait3A_400] : memref<10112x64xf32, #tpu.memory_space<vmem_shared>> -> memref<10112x64xf32, #tpu.memory_space<vmem_shared>>
      tpu.wait_indirect_dma semaphore(%arg12 : memref<!tpu.dma_semaphore, #tpu.memory_space<semaphore_mem>>) src(%dma_wait3A_401 : memref<10112x64xf32, #tpu.memory_space<vmem_shared>>) dst(%dma_wait3A_395 : memref<128x64xf32, #tpu.memory_space<vmem>>)
      %dma_start3A_402 = arith.constant 1 : i32
      %dma_start3A_403 = arith.constant 0 : i32
      %dma_start3A_404 = arith.constant 0 : i32
      %dma_start3A_405 = tpu.memref_slice %arg11[%dma_start3A_402, %dma_start3A_403, %dma_start3A_404] : memref<4x128x64xf32, #tpu.memory_space<vmem>> -> memref<1x128x64xf32, #tpu.memory_space<vmem>>
      %dma_start3A_406 = tpu.memref_squeeze %dma_start3A_405 : memref<1x128x64xf32, #tpu.memory_space<vmem>> -> memref<128x64xf32, #tpu.memory_space<vmem>>
      %dma_start3A_407 = arith.constant 0 : i32
      %dma_start3A_408 = tpu.memref_slice %arg10[%add3A_389, %dma_start3A_407] : memref<40x128xi32, #tpu.memory_space<vmem>> -> memref<1x128xi32, #tpu.memory_space<vmem>>
      %dma_start3A_409 = tpu.memref_squeeze %dma_start3A_408 : memref<1x128xi32, #tpu.memory_space<vmem>> -> memref<128xi32, #tpu.memory_space<vmem>>
      %dma_start3A_410 = arith.constant 0 : i32
      %dma_start3A_411 = arith.constant 0 : i32
      %dma_start3A_412 = tpu.memref_slice %arg8[%dma_start3A_410, %dma_start3A_411] : memref<10112x64xf32, #tpu.memory_space<vmem_shared>> -> memref<10112x64xf32, #tpu.memory_space<vmem_shared>>
      tpu.enqueue_indirect_dma source(%dma_start3A_406 : memref<128x64xf32, #tpu.memory_space<vmem>>) target(%dma_start3A_412 : memref<10112x64xf32, #tpu.memory_space<vmem_shared>>) offsets(%dma_start3A_409 : memref<128xi32, #tpu.memory_space<vmem>>) semaphore(%arg13 : memref<!tpu.dma_semaphore, #tpu.memory_space<semaphore_mem>>) {add = true}
      %ge3A_413 = arith.constant 2 : i32
      %ge3A_414 = arith.cmpi sge, %add3A_389, %ge3A_413 : i32
      %convert_element_type3A_415 = arith.extui %ge3A_414 : i1 to i32
      %cond3A_416 = arith.constant 0 : i32
      %cond3A_417 = arith.cmpi ne, %convert_element_type3A_415, %cond3A_416 : i32
      scf.if %cond3A_417 {
        %dma_wait3A_503 = arith.constant 3 : i32
        %dma_wait3A_504 = arith.constant 0 : i32
        %dma_wait3A_505 = arith.constant 0 : i32
        %dma_wait3A_506 = arith.constant 0 : i32
        %dma_wait3A_507 = tpu.memref_slice %arg11[%dma_wait3A_503, %dma_wait3A_505, %dma_wait3A_506] : memref<4x128x64xf32, #tpu.memory_space<vmem>> -> memref<1x128x64xf32, #tpu.memory_space<vmem>>
        %dma_wait3A_508 = tpu.memref_squeeze %dma_wait3A_507 : memref<1x128x64xf32, #tpu.memory_space<vmem>> -> memref<128x64xf32, #tpu.memory_space<vmem>>
        %dma_wait3A_509 = arith.constant 0 : i32
        %dma_wait3A_510 = tpu.memref_slice %arg10[%dma_wait3A_504, %dma_wait3A_509] : memref<40x128xi32, #tpu.memory_space<vmem>> -> memref<1x128xi32, #tpu.memory_space<vmem>>
        %dma_wait3A_511 = tpu.memref_squeeze %dma_wait3A_510 : memref<1x128xi32, #tpu.memory_space<vmem>> -> memref<128xi32, #tpu.memory_space<vmem>>
        %dma_wait3A_512 = arith.constant 0 : i32
        %dma_wait3A_513 = arith.constant 0 : i32
        %dma_wait3A_514 = tpu.memref_slice %arg8[%dma_wait3A_512, %dma_wait3A_513] : memref<10112x64xf32, #tpu.memory_space<vmem_shared>> -> memref<10112x64xf32, #tpu.memory_space<vmem_shared>>
        tpu.wait_indirect_dma semaphore(%arg13 : memref<!tpu.dma_semaphore, #tpu.memory_space<semaphore_mem>>) src(%dma_wait3A_508 : memref<128x64xf32, #tpu.memory_space<vmem>>) dst(%dma_wait3A_514 : memref<10112x64xf32, #tpu.memory_space<vmem_shared>>)
      } else {
      }
      %add3A_418 = arith.constant 2 : i32
      %add3A_419 = arith.addi %add3A_389, %add3A_418 : i32
      %lt3A_420 = arith.constant 40 : i32
      %lt3A_421 = arith.cmpi slt, %add3A_419, %lt3A_420 : i32
      %convert_element_type3A_422 = arith.extui %lt3A_421 : i1 to i32
      %cond3A_423 = arith.constant 0 : i32
      %cond3A_424 = arith.cmpi ne, %convert_element_type3A_422, %cond3A_423 : i32
      scf.if %cond3A_424 {
        %add3A_503 = arith.constant 2 : i32
        %add3A_504 = arith.addi %add3A_389, %add3A_503 : i32
        %dma_start3A_505 = arith.constant 3 : i32
        %dma_start3A_506 = arith.constant 0 : i32
        %dma_start3A_507 = arith.constant 0 : i32
        %dma_start3A_508 = tpu.memref_slice %arg11[%dma_start3A_505, %dma_start3A_506, %dma_start3A_507] : memref<4x128x64xf32, #tpu.memory_space<vmem>> -> memref<1x128x64xf32, #tpu.memory_space<vmem>>
        %dma_start3A_509 = tpu.memref_squeeze %dma_start3A_508 : memref<1x128x64xf32, #tpu.memory_space<vmem>> -> memref<128x64xf32, #tpu.memory_space<vmem>>
        %dma_start3A_510 = arith.constant 0 : i32
        %dma_start3A_511 = tpu.memref_slice %arg9[%add3A_504, %dma_start3A_510] : memref<40x128xi32, #tpu.memory_space<vmem>> -> memref<1x128xi32, #tpu.memory_space<vmem>>
        %dma_start3A_512 = tpu.memref_squeeze %dma_start3A_511 : memref<1x128xi32, #tpu.memory_space<vmem>> -> memref<128xi32, #tpu.memory_space<vmem>>
        %dma_start3A_513 = arith.constant 0 : i32
        %dma_start3A_514 = arith.constant 0 : i32
        %dma_start3A_515 = tpu.memref_slice %arg7[%dma_start3A_513, %dma_start3A_514] : memref<10112x64xf32, #tpu.memory_space<vmem_shared>> -> memref<10112x64xf32, #tpu.memory_space<vmem_shared>>
        tpu.enqueue_indirect_dma source(%dma_start3A_515 : memref<10112x64xf32, #tpu.memory_space<vmem_shared>>) target(%dma_start3A_509 : memref<128x64xf32, #tpu.memory_space<vmem>>) offsets(%dma_start3A_512 : memref<128xi32, #tpu.memory_space<vmem>>) semaphore(%arg12 : memref<!tpu.dma_semaphore, #tpu.memory_space<semaphore_mem>>)
      } else {
      }
      %mul3A_425 = arith.constant 4 : i32
      %mul3A_426 = arith.muli %scan3A_351, %mul3A_425 : i32
      %add3A_427 = arith.constant 2 : i32
      %add3A_428 = arith.addi %mul3A_426, %add3A_427 : i32
      %dma_wait3A_429 = arith.constant 0 : i32
      %dma_wait3A_430 = arith.constant 2 : i32
      %dma_wait3A_431 = arith.constant 0 : i32
      %dma_wait3A_432 = arith.constant 0 : i32
      %dma_wait3A_433 = tpu.memref_slice %arg11[%dma_wait3A_430, %dma_wait3A_431, %dma_wait3A_432] : memref<4x128x64xf32, #tpu.memory_space<vmem>> -> memref<1x128x64xf32, #tpu.memory_space<vmem>>
      %dma_wait3A_434 = tpu.memref_squeeze %dma_wait3A_433 : memref<1x128x64xf32, #tpu.memory_space<vmem>> -> memref<128x64xf32, #tpu.memory_space<vmem>>
      %dma_wait3A_435 = arith.constant 0 : i32
      %dma_wait3A_436 = tpu.memref_slice %arg9[%dma_wait3A_429, %dma_wait3A_435] : memref<40x128xi32, #tpu.memory_space<vmem>> -> memref<1x128xi32, #tpu.memory_space<vmem>>
      %dma_wait3A_437 = tpu.memref_squeeze %dma_wait3A_436 : memref<1x128xi32, #tpu.memory_space<vmem>> -> memref<128xi32, #tpu.memory_space<vmem>>
      %dma_wait3A_438 = arith.constant 0 : i32
      %dma_wait3A_439 = arith.constant 0 : i32
      %dma_wait3A_440 = tpu.memref_slice %arg7[%dma_wait3A_438, %dma_wait3A_439] : memref<10112x64xf32, #tpu.memory_space<vmem_shared>> -> memref<10112x64xf32, #tpu.memory_space<vmem_shared>>
      tpu.wait_indirect_dma semaphore(%arg12 : memref<!tpu.dma_semaphore, #tpu.memory_space<semaphore_mem>>) src(%dma_wait3A_440 : memref<10112x64xf32, #tpu.memory_space<vmem_shared>>) dst(%dma_wait3A_434 : memref<128x64xf32, #tpu.memory_space<vmem>>)
      %dma_start3A_441 = arith.constant 2 : i32
      %dma_start3A_442 = arith.constant 0 : i32
      %dma_start3A_443 = arith.constant 0 : i32
      %dma_start3A_444 = tpu.memref_slice %arg11[%dma_start3A_441, %dma_start3A_442, %dma_start3A_443] : memref<4x128x64xf32, #tpu.memory_space<vmem>> -> memref<1x128x64xf32, #tpu.memory_space<vmem>>
      %dma_start3A_445 = tpu.memref_squeeze %dma_start3A_444 : memref<1x128x64xf32, #tpu.memory_space<vmem>> -> memref<128x64xf32, #tpu.memory_space<vmem>>
      %dma_start3A_446 = arith.constant 0 : i32
      %dma_start3A_447 = tpu.memref_slice %arg10[%add3A_428, %dma_start3A_446] : memref<40x128xi32, #tpu.memory_space<vmem>> -> memref<1x128xi32, #tpu.memory_space<vmem>>
      %dma_start3A_448 = tpu.memref_squeeze %dma_start3A_447 : memref<1x128xi32, #tpu.memory_space<vmem>> -> memref<128xi32, #tpu.memory_space<vmem>>
      %dma_start3A_449 = arith.constant 0 : i32
      %dma_start3A_450 = arith.constant 0 : i32
      %dma_start3A_451 = tpu.memref_slice %arg8[%dma_start3A_449, %dma_start3A_450] : memref<10112x64xf32, #tpu.memory_space<vmem_shared>> -> memref<10112x64xf32, #tpu.memory_space<vmem_shared>>
      tpu.enqueue_indirect_dma source(%dma_start3A_445 : memref<128x64xf32, #tpu.memory_space<vmem>>) target(%dma_start3A_451 : memref<10112x64xf32, #tpu.memory_space<vmem_shared>>) offsets(%dma_start3A_448 : memref<128xi32, #tpu.memory_space<vmem>>) semaphore(%arg13 : memref<!tpu.dma_semaphore, #tpu.memory_space<semaphore_mem>>) {add = true}
      %ge3A_452 = arith.constant 2 : i32
      %ge3A_453 = arith.cmpi sge, %add3A_428, %ge3A_452 : i32
      %convert_element_type3A_454 = arith.extui %ge3A_453 : i1 to i32
      %cond3A_455 = arith.constant 0 : i32
      %cond3A_456 = arith.cmpi ne, %convert_element_type3A_454, %cond3A_455 : i32
      scf.if %cond3A_456 {
        %dma_wait3A_503 = arith.constant 0 : i32
        %dma_wait3A_504 = arith.constant 0 : i32
        %dma_wait3A_505 = arith.constant 0 : i32
        %dma_wait3A_506 = arith.constant 0 : i32
        %dma_wait3A_507 = tpu.memref_slice %arg11[%dma_wait3A_503, %dma_wait3A_505, %dma_wait3A_506] : memref<4x128x64xf32, #tpu.memory_space<vmem>> -> memref<1x128x64xf32, #tpu.memory_space<vmem>>
        %dma_wait3A_508 = tpu.memref_squeeze %dma_wait3A_507 : memref<1x128x64xf32, #tpu.memory_space<vmem>> -> memref<128x64xf32, #tpu.memory_space<vmem>>
        %dma_wait3A_509 = arith.constant 0 : i32
        %dma_wait3A_510 = tpu.memref_slice %arg10[%dma_wait3A_504, %dma_wait3A_509] : memref<40x128xi32, #tpu.memory_space<vmem>> -> memref<1x128xi32, #tpu.memory_space<vmem>>
        %dma_wait3A_511 = tpu.memref_squeeze %dma_wait3A_510 : memref<1x128xi32, #tpu.memory_space<vmem>> -> memref<128xi32, #tpu.memory_space<vmem>>
        %dma_wait3A_512 = arith.constant 0 : i32
        %dma_wait3A_513 = arith.constant 0 : i32
        %dma_wait3A_514 = tpu.memref_slice %arg8[%dma_wait3A_512, %dma_wait3A_513] : memref<10112x64xf32, #tpu.memory_space<vmem_shared>> -> memref<10112x64xf32, #tpu.memory_space<vmem_shared>>
        tpu.wait_indirect_dma semaphore(%arg13 : memref<!tpu.dma_semaphore, #tpu.memory_space<semaphore_mem>>) src(%dma_wait3A_508 : memref<128x64xf32, #tpu.memory_space<vmem>>) dst(%dma_wait3A_514 : memref<10112x64xf32, #tpu.memory_space<vmem_shared>>)
      } else {
      }
      %add3A_457 = arith.constant 2 : i32
      %add3A_458 = arith.addi %add3A_428, %add3A_457 : i32
      %lt3A_459 = arith.constant 40 : i32
      %lt3A_460 = arith.cmpi slt, %add3A_458, %lt3A_459 : i32
      %convert_element_type3A_461 = arith.extui %lt3A_460 : i1 to i32
      %cond3A_462 = arith.constant 0 : i32
      %cond3A_463 = arith.cmpi ne, %convert_element_type3A_461, %cond3A_462 : i32
      scf.if %cond3A_463 {
        %add3A_503 = arith.constant 2 : i32
        %add3A_504 = arith.addi %add3A_428, %add3A_503 : i32
        %dma_start3A_505 = arith.constant 0 : i32
        %dma_start3A_506 = arith.constant 0 : i32
        %dma_start3A_507 = arith.constant 0 : i32
        %dma_start3A_508 = tpu.memref_slice %arg11[%dma_start3A_505, %dma_start3A_506, %dma_start3A_507] : memref<4x128x64xf32, #tpu.memory_space<vmem>> -> memref<1x128x64xf32, #tpu.memory_space<vmem>>
        %dma_start3A_509 = tpu.memref_squeeze %dma_start3A_508 : memref<1x128x64xf32, #tpu.memory_space<vmem>> -> memref<128x64xf32, #tpu.memory_space<vmem>>
        %dma_start3A_510 = arith.constant 0 : i32
        %dma_start3A_511 = tpu.memref_slice %arg9[%add3A_504, %dma_start3A_510] : memref<40x128xi32, #tpu.memory_space<vmem>> -> memref<1x128xi32, #tpu.memory_space<vmem>>
        %dma_start3A_512 = tpu.memref_squeeze %dma_start3A_511 : memref<1x128xi32, #tpu.memory_space<vmem>> -> memref<128xi32, #tpu.memory_space<vmem>>
        %dma_start3A_513 = arith.constant 0 : i32
        %dma_start3A_514 = arith.constant 0 : i32
        %dma_start3A_515 = tpu.memref_slice %arg7[%dma_start3A_513, %dma_start3A_514] : memref<10112x64xf32, #tpu.memory_space<vmem_shared>> -> memref<10112x64xf32, #tpu.memory_space<vmem_shared>>
        tpu.enqueue_indirect_dma source(%dma_start3A_515 : memref<10112x64xf32, #tpu.memory_space<vmem_shared>>) target(%dma_start3A_509 : memref<128x64xf32, #tpu.memory_space<vmem>>) offsets(%dma_start3A_512 : memref<128xi32, #tpu.memory_space<vmem>>) semaphore(%arg12 : memref<!tpu.dma_semaphore, #tpu.memory_space<semaphore_mem>>)
      } else {
      }
      %mul3A_464 = arith.constant 4 : i32
      %mul3A_465 = arith.muli %scan3A_351, %mul3A_464 : i32
      %add3A_466 = arith.constant 3 : i32
      %add3A_467 = arith.addi %mul3A_465, %add3A_466 : i32
      %dma_wait3A_468 = arith.constant 0 : i32
      %dma_wait3A_469 = arith.constant 3 : i32
      %dma_wait3A_470 = arith.constant 0 : i32
      %dma_wait3A_471 = arith.constant 0 : i32
      %dma_wait3A_472 = tpu.memref_slice %arg11[%dma_wait3A_469, %dma_wait3A_470, %dma_wait3A_471] : memref<4x128x64xf32, #tpu.memory_space<vmem>> -> memref<1x128x64xf32, #tpu.memory_space<vmem>>
      %dma_wait3A_473 = tpu.memref_squeeze %dma_wait3A_472 : memref<1x128x64xf32, #tpu.memory_space<vmem>> -> memref<128x64xf32, #tpu.memory_space<vmem>>
      %dma_wait3A_474 = arith.constant 0 : i32
      %dma_wait3A_475 = tpu.memref_slice %arg9[%dma_wait3A_468, %dma_wait3A_474] : memref<40x128xi32, #tpu.memory_space<vmem>> -> memref<1x128xi32, #tpu.memory_space<vmem>>
      %dma_wait3A_476 = tpu.memref_squeeze %dma_wait3A_475 : memref<1x128xi32, #tpu.memory_space<vmem>> -> memref<128xi32, #tpu.memory_space<vmem>>
      %dma_wait3A_477 = arith.constant 0 : i32
      %dma_wait3A_478 = arith.constant 0 : i32
      %dma_wait3A_479 = tpu.memref_slice %arg7[%dma_wait3A_477, %dma_wait3A_478] : memref<10112x64xf32, #tpu.memory_space<vmem_shared>> -> memref<10112x64xf32, #tpu.memory_space<vmem_shared>>
      tpu.wait_indirect_dma semaphore(%arg12 : memref<!tpu.dma_semaphore, #tpu.memory_space<semaphore_mem>>) src(%dma_wait3A_479 : memref<10112x64xf32, #tpu.memory_space<vmem_shared>>) dst(%dma_wait3A_473 : memref<128x64xf32, #tpu.memory_space<vmem>>)
      %dma_start3A_480 = arith.constant 3 : i32
      %dma_start3A_481 = arith.constant 0 : i32
      %dma_start3A_482 = arith.constant 0 : i32
      %dma_start3A_483 = tpu.memref_slice %arg11[%dma_start3A_480, %dma_start3A_481, %dma_start3A_482] : memref<4x128x64xf32, #tpu.memory_space<vmem>> -> memref<1x128x64xf32, #tpu.memory_space<vmem>>
      %dma_start3A_484 = tpu.memref_squeeze %dma_start3A_483 : memref<1x128x64xf32, #tpu.memory_space<vmem>> -> memref<128x64xf32, #tpu.memory_space<vmem>>
      %dma_start3A_485 = arith.constant 0 : i32
      %dma_start3A_486 = tpu.memref_slice %arg10[%add3A_467, %dma_start3A_485] : memref<40x128xi32, #tpu.memory_space<vmem>> -> memref<1x128xi32, #tpu.memory_space<vmem>>
      %dma_start3A_487 = tpu.memref_squeeze %dma_start3A_486 : memref<1x128xi32, #tpu.memory_space<vmem>> -> memref<128xi32, #tpu.memory_space<vmem>>
      %dma_start3A_488 = arith.constant 0 : i32
      %dma_start3A_489 = arith.constant 0 : i32
      %dma_start3A_490 = tpu.memref_slice %arg8[%dma_start3A_488, %dma_start3A_489] : memref<10112x64xf32, #tpu.memory_space<vmem_shared>> -> memref<10112x64xf32, #tpu.memory_space<vmem_shared>>
      tpu.enqueue_indirect_dma source(%dma_start3A_484 : memref<128x64xf32, #tpu.memory_space<vmem>>) target(%dma_start3A_490 : memref<10112x64xf32, #tpu.memory_space<vmem_shared>>) offsets(%dma_start3A_487 : memref<128xi32, #tpu.memory_space<vmem>>) semaphore(%arg13 : memref<!tpu.dma_semaphore, #tpu.memory_space<semaphore_mem>>) {add = true}
      %ge3A_491 = arith.constant 2 : i32
      %ge3A_492 = arith.cmpi sge, %add3A_467, %ge3A_491 : i32
      %convert_element_type3A_493 = arith.extui %ge3A_492 : i1 to i32
      %cond3A_494 = arith.constant 0 : i32
      %cond3A_495 = arith.cmpi ne, %convert_element_type3A_493, %cond3A_494 : i32
      scf.if %cond3A_495 {
        %dma_wait3A_503 = arith.constant 1 : i32
        %dma_wait3A_504 = arith.constant 0 : i32
        %dma_wait3A_505 = arith.constant 0 : i32
        %dma_wait3A_506 = arith.constant 0 : i32
        %dma_wait3A_507 = tpu.memref_slice %arg11[%dma_wait3A_503, %dma_wait3A_505, %dma_wait3A_506] : memref<4x128x64xf32, #tpu.memory_space<vmem>> -> memref<1x128x64xf32, #tpu.memory_space<vmem>>
        %dma_wait3A_508 = tpu.memref_squeeze %dma_wait3A_507 : memref<1x128x64xf32, #tpu.memory_space<vmem>> -> memref<128x64xf32, #tpu.memory_space<vmem>>
        %dma_wait3A_509 = arith.constant 0 : i32
        %dma_wait3A_510 = tpu.memref_slice %arg10[%dma_wait3A_504, %dma_wait3A_509] : memref<40x128xi32, #tpu.memory_space<vmem>> -> memref<1x128xi32, #tpu.memory_space<vmem>>
        %dma_wait3A_511 = tpu.memref_squeeze %dma_wait3A_510 : memref<1x128xi32, #tpu.memory_space<vmem>> -> memref<128xi32, #tpu.memory_space<vmem>>
        %dma_wait3A_512 = arith.constant 0 : i32
        %dma_wait3A_513 = arith.constant 0 : i32
        %dma_wait3A_514 = tpu.memref_slice %arg8[%dma_wait3A_512, %dma_wait3A_513] : memref<10112x64xf32, #tpu.memory_space<vmem_shared>> -> memref<10112x64xf32, #tpu.memory_space<vmem_shared>>
        tpu.wait_indirect_dma semaphore(%arg13 : memref<!tpu.dma_semaphore, #tpu.memory_space<semaphore_mem>>) src(%dma_wait3A_508 : memref<128x64xf32, #tpu.memory_space<vmem>>) dst(%dma_wait3A_514 : memref<10112x64xf32, #tpu.memory_space<vmem_shared>>)
      } else {
      }
      %add3A_496 = arith.constant 2 : i32
      %add3A_497 = arith.addi %add3A_467, %add3A_496 : i32
      %lt3A_498 = arith.constant 40 : i32
      %lt3A_499 = arith.cmpi slt, %add3A_497, %lt3A_498 : i32
      %convert_element_type3A_500 = arith.extui %lt3A_499 : i1 to i32
      %cond3A_501 = arith.constant 0 : i32
      %cond3A_502 = arith.cmpi ne, %convert_element_type3A_500, %cond3A_501 : i32
      scf.if %cond3A_502 {
        %add3A_503 = arith.constant 2 : i32
        %add3A_504 = arith.addi %add3A_467, %add3A_503 : i32
        %dma_start3A_505 = arith.constant 1 : i32
        %dma_start3A_506 = arith.constant 0 : i32
        %dma_start3A_507 = arith.constant 0 : i32
        %dma_start3A_508 = tpu.memref_slice %arg11[%dma_start3A_505, %dma_start3A_506, %dma_start3A_507] : memref<4x128x64xf32, #tpu.memory_space<vmem>> -> memref<1x128x64xf32, #tpu.memory_space<vmem>>
        %dma_start3A_509 = tpu.memref_squeeze %dma_start3A_508 : memref<1x128x64xf32, #tpu.memory_space<vmem>> -> memref<128x64xf32, #tpu.memory_space<vmem>>
        %dma_start3A_510 = arith.constant 0 : i32
        %dma_start3A_511 = tpu.memref_slice %arg9[%add3A_504, %dma_start3A_510] : memref<40x128xi32, #tpu.memory_space<vmem>> -> memref<1x128xi32, #tpu.memory_space<vmem>>
        %dma_start3A_512 = tpu.memref_squeeze %dma_start3A_511 : memref<1x128xi32, #tpu.memory_space<vmem>> -> memref<128xi32, #tpu.memory_space<vmem>>
        %dma_start3A_513 = arith.constant 0 : i32
        %dma_start3A_514 = arith.constant 0 : i32
        %dma_start3A_515 = tpu.memref_slice %arg7[%dma_start3A_513, %dma_start3A_514] : memref<10112x64xf32, #tpu.memory_space<vmem_shared>> -> memref<10112x64xf32, #tpu.memory_space<vmem_shared>>
        tpu.enqueue_indirect_dma source(%dma_start3A_515 : memref<10112x64xf32, #tpu.memory_space<vmem_shared>>) target(%dma_start3A_509 : memref<128x64xf32, #tpu.memory_space<vmem>>) offsets(%dma_start3A_512 : memref<128xi32, #tpu.memory_space<vmem>>) semaphore(%arg12 : memref<!tpu.dma_semaphore, #tpu.memory_space<semaphore_mem>>)
      } else {
      }
    }
    %scan3A_63 = arith.constant 10 : i32
    %dma_wait3A_64 = arith.constant 0 : i32
    %dma_wait3A_65 = arith.constant 0 : i32
    %dma_wait3A_66 = arith.constant 0 : i32
    %dma_wait3A_67 = arith.constant 0 : i32
    %dma_wait3A_68 = tpu.memref_slice %arg11[%dma_wait3A_64, %dma_wait3A_66, %dma_wait3A_67] : memref<4x128x64xf32, #tpu.memory_space<vmem>> -> memref<1x128x64xf32, #tpu.memory_space<vmem>>
    %dma_wait3A_69 = tpu.memref_squeeze %dma_wait3A_68 : memref<1x128x64xf32, #tpu.memory_space<vmem>> -> memref<128x64xf32, #tpu.memory_space<vmem>>
    %dma_wait3A_70 = arith.constant 0 : i32
    %dma_wait3A_71 = tpu.memref_slice %arg10[%dma_wait3A_65, %dma_wait3A_70] : memref<40x128xi32, #tpu.memory_space<vmem>> -> memref<1x128xi32, #tpu.memory_space<vmem>>
    %dma_wait3A_72 = tpu.memref_squeeze %dma_wait3A_71 : memref<1x128xi32, #tpu.memory_space<vmem>> -> memref<128xi32, #tpu.memory_space<vmem>>
    %dma_wait3A_73 = arith.constant 0 : i32
    %dma_wait3A_74 = arith.constant 0 : i32
    %dma_wait3A_75 = tpu.memref_slice %arg8[%dma_wait3A_73, %dma_wait3A_74] : memref<10112x64xf32, #tpu.memory_space<vmem_shared>> -> memref<10112x64xf32, #tpu.memory_space<vmem_shared>>
    tpu.wait_indirect_dma semaphore(%arg13 : memref<!tpu.dma_semaphore, #tpu.memory_space<semaphore_mem>>) src(%dma_wait3A_69 : memref<128x64xf32, #tpu.memory_space<vmem>>) dst(%dma_wait3A_75 : memref<10112x64xf32, #tpu.memory_space<vmem_shared>>)
    %dma_wait3A_76 = arith.constant 1 : i32
    %dma_wait3A_77 = arith.constant 0 : i32
    %dma_wait3A_78 = arith.constant 0 : i32
    %dma_wait3A_79 = arith.constant 0 : i32
    %dma_wait3A_80 = tpu.memref_slice %arg11[%dma_wait3A_76, %dma_wait3A_78, %dma_wait3A_79] : memref<4x128x64xf32, #tpu.memory_space<vmem>> -> memref<1x128x64xf32, #tpu.memory_space<vmem>>
    %dma_wait3A_81 = tpu.memref_squeeze %dma_wait3A_80 : memref<1x128x64xf32, #tpu.memory_space<vmem>> -> memref<128x64xf32, #tpu.memory_space<vmem>>
    %dma_wait3A_82 = arith.constant 0 : i32
    %dma_wait3A_83 = tpu.memref_slice %arg10[%dma_wait3A_77, %dma_wait3A_82] : memref<40x128xi32, #tpu.memory_space<vmem>> -> memref<1x128xi32, #tpu.memory_space<vmem>>
    %dma_wait3A_84 = tpu.memref_squeeze %dma_wait3A_83 : memref<1x128xi32, #tpu.memory_space<vmem>> -> memref<128xi32, #tpu.memory_space<vmem>>
    %dma_wait3A_85 = arith.constant 0 : i32
    %dma_wait3A_86 = arith.constant 0 : i32
    %dma_wait3A_87 = tpu.memref_slice %arg8[%dma_wait3A_85, %dma_wait3A_86] : memref<10112x64xf32, #tpu.memory_space<vmem_shared>> -> memref<10112x64xf32, #tpu.memory_space<vmem_shared>>
    tpu.wait_indirect_dma semaphore(%arg13 : memref<!tpu.dma_semaphore, #tpu.memory_space<semaphore_mem>>) src(%dma_wait3A_81 : memref<128x64xf32, #tpu.memory_space<vmem>>) dst(%dma_wait3A_87 : memref<10112x64xf32, #tpu.memory_space<vmem_shared>>)
    %dma_start3A_88 = arith.constant 40 : i32
    %dma_start3A_89 = arith.constant 0 : i32
    %dma_start3A_90 = tpu.memref_slice %arg3[%arg1, %dma_start3A_88, %dma_start3A_89] : memref<16x160x128xi32, #tpu.memory_space<hbm>> -> memref<1x40x128xi32, #tpu.memory_space<hbm>>
    %dma_start3A_91 = tpu.memref_squeeze %dma_start3A_90 : memref<1x40x128xi32, #tpu.memory_space<hbm>> -> memref<40x128xi32, #tpu.memory_space<hbm>>
    %dma_start3A_92 = arith.constant 40 : i32
    %dma_start3A_93 = arith.constant 0 : i32
    %dma_start3A_94 = tpu.memref_slice %arg3[%arg1, %dma_start3A_92, %dma_start3A_93] : memref<16x160x128xi32, #tpu.memory_space<hbm>> -> memref<1x40x128xi32, #tpu.memory_space<hbm>>
    %dma_start3A_95 = tpu.memref_squeeze %dma_start3A_94 : memref<1x40x128xi32, #tpu.memory_space<hbm>> -> memref<40x128xi32, #tpu.memory_space<hbm>>
    tpu.enqueue_dma source(%dma_start3A_95 : memref<40x128xi32, #tpu.memory_space<hbm>>) target(%arg9 : memref<40x128xi32, #tpu.memory_space<vmem>>) target_semaphore(%arg12 : memref<!tpu.dma_semaphore, #tpu.memory_space<semaphore_mem>>)
    %dma_start3A_96 = arith.constant 40 : i32
    %dma_start3A_97 = arith.constant 0 : i32
    %dma_start3A_98 = tpu.memref_slice %arg4[%arg1, %dma_start3A_96, %dma_start3A_97] : memref<16x160x128xi32, #tpu.memory_space<hbm>> -> memref<1x40x128xi32, #tpu.memory_space<hbm>>
    %dma_start3A_99 = tpu.memref_squeeze %dma_start3A_98 : memref<1x40x128xi32, #tpu.memory_space<hbm>> -> memref<40x128xi32, #tpu.memory_space<hbm>>
    %dma_start3A_100 = arith.constant 40 : i32
    %dma_start3A_101 = arith.constant 0 : i32
    %dma_start3A_102 = tpu.memref_slice %arg4[%arg1, %dma_start3A_100, %dma_start3A_101] : memref<16x160x128xi32, #tpu.memory_space<hbm>> -> memref<1x40x128xi32, #tpu.memory_space<hbm>>
    %dma_start3A_103 = tpu.memref_squeeze %dma_start3A_102 : memref<1x40x128xi32, #tpu.memory_space<hbm>> -> memref<40x128xi32, #tpu.memory_space<hbm>>
    tpu.enqueue_dma source(%dma_start3A_103 : memref<40x128xi32, #tpu.memory_space<hbm>>) target(%arg10 : memref<40x128xi32, #tpu.memory_space<vmem>>) target_semaphore(%arg12 : memref<!tpu.dma_semaphore, #tpu.memory_space<semaphore_mem>>)
    %dma_wait3A_104 = arith.constant 0 : i32
    %dma_wait3A_105 = arith.constant 0 : i32
    %dma_wait3A_106 = tpu.memref_slice %arg3[%arg1, %dma_wait3A_104, %dma_wait3A_105] : memref<16x160x128xi32, #tpu.memory_space<hbm>> -> memref<1x40x128xi32, #tpu.memory_space<hbm>>
    %dma_wait3A_107 = tpu.memref_squeeze %dma_wait3A_106 : memref<1x40x128xi32, #tpu.memory_space<hbm>> -> memref<40x128xi32, #tpu.memory_space<hbm>>
    %dma_wait3A_108 = arith.constant 0 : i32
    %dma_wait3A_109 = arith.constant 0 : i32
    %dma_wait3A_110 = tpu.memref_slice %arg3[%arg1, %dma_wait3A_108, %dma_wait3A_109] : memref<16x160x128xi32, #tpu.memory_space<hbm>> -> memref<1x40x128xi32, #tpu.memory_space<hbm>>
    %dma_wait3A_111 = tpu.memref_squeeze %dma_wait3A_110 : memref<1x40x128xi32, #tpu.memory_space<hbm>> -> memref<40x128xi32, #tpu.memory_space<hbm>>
    tpu.wait_dma2 semaphore(%arg12 : memref<!tpu.dma_semaphore, #tpu.memory_space<semaphore_mem>>) src(%dma_wait3A_111 : memref<40x128xi32, #tpu.memory_space<hbm>>) dst(%arg9 : memref<40x128xi32, #tpu.memory_space<vmem>>)
    %dma_wait3A_112 = arith.constant 0 : i32
    %dma_wait3A_113 = arith.constant 0 : i32
    %dma_wait3A_114 = tpu.memref_slice %arg4[%arg1, %dma_wait3A_112, %dma_wait3A_113] : memref<16x160x128xi32, #tpu.memory_space<hbm>> -> memref<1x40x128xi32, #tpu.memory_space<hbm>>
    %dma_wait3A_115 = tpu.memref_squeeze %dma_wait3A_114 : memref<1x40x128xi32, #tpu.memory_space<hbm>> -> memref<40x128xi32, #tpu.memory_space<hbm>>
    %dma_wait3A_116 = arith.constant 0 : i32
    %dma_wait3A_117 = arith.constant 0 : i32
    %dma_wait3A_118 = tpu.memref_slice %arg4[%arg1, %dma_wait3A_116, %dma_wait3A_117] : memref<16x160x128xi32, #tpu.memory_space<hbm>> -> memref<1x40x128xi32, #tpu.memory_space<hbm>>
    %dma_wait3A_119 = tpu.memref_squeeze %dma_wait3A_118 : memref<1x40x128xi32, #tpu.memory_space<hbm>> -> memref<40x128xi32, #tpu.memory_space<hbm>>
    tpu.wait_dma2 semaphore(%arg12 : memref<!tpu.dma_semaphore, #tpu.memory_space<semaphore_mem>>) src(%dma_wait3A_119 : memref<40x128xi32, #tpu.memory_space<hbm>>) dst(%arg10 : memref<40x128xi32, #tpu.memory_space<vmem>>)
    %dma_start3A_120 = arith.constant 0 : i32
    %dma_start3A_121 = arith.constant 0 : i32
    %dma_start3A_122 = arith.constant 0 : i32
    %dma_start3A_123 = arith.constant 0 : i32
    %dma_start3A_124 = tpu.memref_slice %arg11[%dma_start3A_121, %dma_start3A_122, %dma_start3A_123] : memref<4x128x64xf32, #tpu.memory_space<vmem>> -> memref<1x128x64xf32, #tpu.memory_space<vmem>>
    %dma_start3A_125 = tpu.memref_squeeze %dma_start3A_124 : memref<1x128x64xf32, #tpu.memory_space<vmem>> -> memref<128x64xf32, #tpu.memory_space<vmem>>
    %dma_start3A_126 = arith.constant 0 : i32
    %dma_start3A_127 = tpu.memref_slice %arg9[%dma_start3A_120, %dma_start3A_126] : memref<40x128xi32, #tpu.memory_space<vmem>> -> memref<1x128xi32, #tpu.memory_space<vmem>>
    %dma_start3A_128 = tpu.memref_squeeze %dma_start3A_127 : memref<1x128xi32, #tpu.memory_space<vmem>> -> memref<128xi32, #tpu.memory_space<vmem>>
    %dma_start3A_129 = arith.constant 0 : i32
    %dma_start3A_130 = arith.constant 0 : i32
    %dma_start3A_131 = tpu.memref_slice %arg7[%dma_start3A_129, %dma_start3A_130] : memref<10112x64xf32, #tpu.memory_space<vmem_shared>> -> memref<10112x64xf32, #tpu.memory_space<vmem_shared>>
    tpu.enqueue_indirect_dma source(%dma_start3A_131 : memref<10112x64xf32, #tpu.memory_space<vmem_shared>>) target(%dma_start3A_125 : memref<128x64xf32, #tpu.memory_space<vmem>>) offsets(%dma_start3A_128 : memref<128xi32, #tpu.memory_space<vmem>>) semaphore(%arg12 : memref<!tpu.dma_semaphore, #tpu.memory_space<semaphore_mem>>)
    %dma_start3A_132 = arith.constant 1 : i32
    %dma_start3A_133 = arith.constant 1 : i32
    %dma_start3A_134 = arith.constant 0 : i32
    %dma_start3A_135 = arith.constant 0 : i32
    %dma_start3A_136 = tpu.memref_slice %arg11[%dma_start3A_133, %dma_start3A_134, %dma_start3A_135] : memref<4x128x64xf32, #tpu.memory_space<vmem>> -> memref<1x128x64xf32, #tpu.memory_space<vmem>>
    %dma_start3A_137 = tpu.memref_squeeze %dma_start3A_136 : memref<1x128x64xf32, #tpu.memory_space<vmem>> -> memref<128x64xf32, #tpu.memory_space<vmem>>
    %dma_start3A_138 = arith.constant 0 : i32
    %dma_start3A_139 = tpu.memref_slice %arg9[%dma_start3A_132, %dma_start3A_138] : memref<40x128xi32, #tpu.memory_space<vmem>> -> memref<1x128xi32, #tpu.memory_space<vmem>>
    %dma_start3A_140 = tpu.memref_squeeze %dma_start3A_139 : memref<1x128xi32, #tpu.memory_space<vmem>> -> memref<128xi32, #tpu.memory_space<vmem>>
    %dma_start3A_141 = arith.constant 0 : i32
    %dma_start3A_142 = arith.constant 0 : i32
    %dma_start3A_143 = tpu.memref_slice %arg7[%dma_start3A_141, %dma_start3A_142] : memref<10112x64xf32, #tpu.memory_space<vmem_shared>> -> memref<10112x64xf32, #tpu.memory_space<vmem_shared>>
    tpu.enqueue_indirect_dma source(%dma_start3A_143 : memref<10112x64xf32, #tpu.memory_space<vmem_shared>>) target(%dma_start3A_137 : memref<128x64xf32, #tpu.memory_space<vmem>>) offsets(%dma_start3A_140 : memref<128xi32, #tpu.memory_space<vmem>>) semaphore(%arg12 : memref<!tpu.dma_semaphore, #tpu.memory_space<semaphore_mem>>)
    %scan3A_144 = arith.constant 0 : i32
    %scan3A_145 = arith.constant 0 : i32
    %scan3A_146 = arith.constant 10 : i32
    %scan3A_147 = arith.addi %scan3A_145, %scan3A_146 : i32
    %scan3A_148 = arith.constant 1 : i32
    scf.for %scan3A_351 = %scan3A_145 to %scan3A_147 step %scan3A_148  : i32 {
      %mul3A_352 = arith.constant 4 : i32
      %mul3A_353 = arith.muli %scan3A_351, %mul3A_352 : i32
      %add3A = arith.constant 0 : i32
      %add3A_354 = arith.addi %mul3A_353, %add3A : i32
      %dma_wait3A_355 = arith.constant 0 : i32
      %dma_wait3A_356 = arith.constant 0 : i32
      %dma_wait3A_357 = arith.constant 0 : i32
      %dma_wait3A_358 = arith.constant 0 : i32
      %dma_wait3A_359 = tpu.memref_slice %arg11[%dma_wait3A_356, %dma_wait3A_357, %dma_wait3A_358] : memref<4x128x64xf32, #tpu.memory_space<vmem>> -> memref<1x128x64xf32, #tpu.memory_space<vmem>>
      %dma_wait3A_360 = tpu.memref_squeeze %dma_wait3A_359 : memref<1x128x64xf32, #tpu.memory_space<vmem>> -> memref<128x64xf32, #tpu.memory_space<vmem>>
      %dma_wait3A_361 = arith.constant 0 : i32
      %dma_wait3A_362 = tpu.memref_slice %arg9[%dma_wait3A_355, %dma_wait3A_361] : memref<40x128xi32, #tpu.memory_space<vmem>> -> memref<1x128xi32, #tpu.memory_space<vmem>>
      %dma_wait3A_363 = tpu.memref_squeeze %dma_wait3A_362 : memref<1x128xi32, #tpu.memory_space<vmem>> -> memref<128xi32, #tpu.memory_space<vmem>>
      %dma_wait3A_364 = arith.constant 0 : i32
      %dma_wait3A_365 = arith.constant 0 : i32
      %dma_wait3A_366 = tpu.memref_slice %arg7[%dma_wait3A_364, %dma_wait3A_365] : memref<10112x64xf32, #tpu.memory_space<vmem_shared>> -> memref<10112x64xf32, #tpu.memory_space<vmem_shared>>
      tpu.wait_indirect_dma semaphore(%arg12 : memref<!tpu.dma_semaphore, #tpu.memory_space<semaphore_mem>>) src(%dma_wait3A_366 : memref<10112x64xf32, #tpu.memory_space<vmem_shared>>) dst(%dma_wait3A_360 : memref<128x64xf32, #tpu.memory_space<vmem>>)
      %dma_start3A_367 = arith.constant 0 : i32
      %dma_start3A_368 = arith.constant 0 : i32
      %dma_start3A_369 = arith.constant 0 : i32
      %dma_start3A_370 = tpu.memref_slice %arg11[%dma_start3A_367, %dma_start3A_368, %dma_start3A_369] : memref<4x128x64xf32, #tpu.memory_space<vmem>> -> memref<1x128x64xf32, #tpu.memory_space<vmem>>
      %dma_start3A_371 = tpu.memref_squeeze %dma_start3A_370 : memref<1x128x64xf32, #tpu.memory_space<vmem>> -> memref<128x64xf32, #tpu.memory_space<vmem>>
      %dma_start3A_372 = arith.constant 0 : i32
      %dma_start3A_373 = tpu.memref_slice %arg10[%add3A_354, %dma_start3A_372] : memref<40x128xi32, #tpu.memory_space<vmem>> -> memref<1x128xi32, #tpu.memory_space<vmem>>
      %dma_start3A_374 = tpu.memref_squeeze %dma_start3A_373 : memref<1x128xi32, #tpu.memory_space<vmem>> -> memref<128xi32, #tpu.memory_space<vmem>>
      %dma_start3A_375 = arith.constant 0 : i32
      %dma_start3A_376 = arith.constant 0 : i32
      %dma_start3A_377 = tpu.memref_slice %arg8[%dma_start3A_375, %dma_start3A_376] : memref<10112x64xf32, #tpu.memory_space<vmem_shared>> -> memref<10112x64xf32, #tpu.memory_space<vmem_shared>>
      tpu.enqueue_indirect_dma source(%dma_start3A_371 : memref<128x64xf32, #tpu.memory_space<vmem>>) target(%dma_start3A_377 : memref<10112x64xf32, #tpu.memory_space<vmem_shared>>) offsets(%dma_start3A_374 : memref<128xi32, #tpu.memory_space<vmem>>) semaphore(%arg13 : memref<!tpu.dma_semaphore, #tpu.memory_space<semaphore_mem>>) {add = true}
      %ge3A = arith.constant 2 : i32
      %ge3A_378 = arith.cmpi sge, %add3A_354, %ge3A : i32
      %convert_element_type3A = arith.extui %ge3A_378 : i1 to i32
      %cond3A = arith.constant 0 : i32
      %cond3A_379 = arith.cmpi ne, %convert_element_type3A, %cond3A : i32
      scf.if %cond3A_379 {
        %dma_wait3A_503 = arith.constant 2 : i32
        %dma_wait3A_504 = arith.constant 0 : i32
        %dma_wait3A_505 = arith.constant 0 : i32
        %dma_wait3A_506 = arith.constant 0 : i32
        %dma_wait3A_507 = tpu.memref_slice %arg11[%dma_wait3A_503, %dma_wait3A_505, %dma_wait3A_506] : memref<4x128x64xf32, #tpu.memory_space<vmem>> -> memref<1x128x64xf32, #tpu.memory_space<vmem>>
        %dma_wait3A_508 = tpu.memref_squeeze %dma_wait3A_507 : memref<1x128x64xf32, #tpu.memory_space<vmem>> -> memref<128x64xf32, #tpu.memory_space<vmem>>
        %dma_wait3A_509 = arith.constant 0 : i32
        %dma_wait3A_510 = tpu.memref_slice %arg10[%dma_wait3A_504, %dma_wait3A_509] : memref<40x128xi32, #tpu.memory_space<vmem>> -> memref<1x128xi32, #tpu.memory_space<vmem>>
        %dma_wait3A_511 = tpu.memref_squeeze %dma_wait3A_510 : memref<1x128xi32, #tpu.memory_space<vmem>> -> memref<128xi32, #tpu.memory_space<vmem>>
        %dma_wait3A_512 = arith.constant 0 : i32
        %dma_wait3A_513 = arith.constant 0 : i32
        %dma_wait3A_514 = tpu.memref_slice %arg8[%dma_wait3A_512, %dma_wait3A_513] : memref<10112x64xf32, #tpu.memory_space<vmem_shared>> -> memref<10112x64xf32, #tpu.memory_space<vmem_shared>>
        tpu.wait_indirect_dma semaphore(%arg13 : memref<!tpu.dma_semaphore, #tpu.memory_space<semaphore_mem>>) src(%dma_wait3A_508 : memref<128x64xf32, #tpu.memory_space<vmem>>) dst(%dma_wait3A_514 : memref<10112x64xf32, #tpu.memory_space<vmem_shared>>)
      } else {
      }
      %add3A_380 = arith.constant 2 : i32
      %add3A_381 = arith.addi %add3A_354, %add3A_380 : i32
      %lt3A = arith.constant 40 : i32
      %lt3A_382 = arith.cmpi slt, %add3A_381, %lt3A : i32
      %convert_element_type3A_383 = arith.extui %lt3A_382 : i1 to i32
      %cond3A_384 = arith.constant 0 : i32
      %cond3A_385 = arith.cmpi ne, %convert_element_type3A_383, %cond3A_384 : i32
      scf.if %cond3A_385 {
        %add3A_503 = arith.constant 2 : i32
        %add3A_504 = arith.addi %add3A_354, %add3A_503 : i32
        %dma_start3A_505 = arith.constant 2 : i32
        %dma_start3A_506 = arith.constant 0 : i32
        %dma_start3A_507 = arith.constant 0 : i32
        %dma_start3A_508 = tpu.memref_slice %arg11[%dma_start3A_505, %dma_start3A_506, %dma_start3A_507] : memref<4x128x64xf32, #tpu.memory_space<vmem>> -> memref<1x128x64xf32, #tpu.memory_space<vmem>>
        %dma_start3A_509 = tpu.memref_squeeze %dma_start3A_508 : memref<1x128x64xf32, #tpu.memory_space<vmem>> -> memref<128x64xf32, #tpu.memory_space<vmem>>
        %dma_start3A_510 = arith.constant 0 : i32
        %dma_start3A_511 = tpu.memref_slice %arg9[%add3A_504, %dma_start3A_510] : memref<40x128xi32, #tpu.memory_space<vmem>> -> memref<1x128xi32, #tpu.memory_space<vmem>>
        %dma_start3A_512 = tpu.memref_squeeze %dma_start3A_511 : memref<1x128xi32, #tpu.memory_space<vmem>> -> memref<128xi32, #tpu.memory_space<vmem>>
        %dma_start3A_513 = arith.constant 0 : i32
        %dma_start3A_514 = arith.constant 0 : i32
        %dma_start3A_515 = tpu.memref_slice %arg7[%dma_start3A_513, %dma_start3A_514] : memref<10112x64xf32, #tpu.memory_space<vmem_shared>> -> memref<10112x64xf32, #tpu.memory_space<vmem_shared>>
        tpu.enqueue_indirect_dma source(%dma_start3A_515 : memref<10112x64xf32, #tpu.memory_space<vmem_shared>>) target(%dma_start3A_509 : memref<128x64xf32, #tpu.memory_space<vmem>>) offsets(%dma_start3A_512 : memref<128xi32, #tpu.memory_space<vmem>>) semaphore(%arg12 : memref<!tpu.dma_semaphore, #tpu.memory_space<semaphore_mem>>)
      } else {
      }
      %mul3A_386 = arith.constant 4 : i32
      %mul3A_387 = arith.muli %scan3A_351, %mul3A_386 : i32
      %add3A_388 = arith.constant 1 : i32
      %add3A_389 = arith.addi %mul3A_387, %add3A_388 : i32
      %dma_wait3A_390 = arith.constant 0 : i32
      %dma_wait3A_391 = arith.constant 1 : i32
      %dma_wait3A_392 = arith.constant 0 : i32
      %dma_wait3A_393 = arith.constant 0 : i32
      %dma_wait3A_394 = tpu.memref_slice %arg11[%dma_wait3A_391, %dma_wait3A_392, %dma_wait3A_393] : memref<4x128x64xf32, #tpu.memory_space<vmem>> -> memref<1x128x64xf32, #tpu.memory_space<vmem>>
      %dma_wait3A_395 = tpu.memref_squeeze %dma_wait3A_394 : memref<1x128x64xf32, #tpu.memory_space<vmem>> -> memref<128x64xf32, #tpu.memory_space<vmem>>
      %dma_wait3A_396 = arith.constant 0 : i32
      %dma_wait3A_397 = tpu.memref_slice %arg9[%dma_wait3A_390, %dma_wait3A_396] : memref<40x128xi32, #tpu.memory_space<vmem>> -> memref<1x128xi32, #tpu.memory_space<vmem>>
      %dma_wait3A_398 = tpu.memref_squeeze %dma_wait3A_397 : memref<1x128xi32, #tpu.memory_space<vmem>> -> memref<128xi32, #tpu.memory_space<vmem>>
      %dma_wait3A_399 = arith.constant 0 : i32
      %dma_wait3A_400 = arith.constant 0 : i32
      %dma_wait3A_401 = tpu.memref_slice %arg7[%dma_wait3A_399, %dma_wait3A_400] : memref<10112x64xf32, #tpu.memory_space<vmem_shared>> -> memref<10112x64xf32, #tpu.memory_space<vmem_shared>>
      tpu.wait_indirect_dma semaphore(%arg12 : memref<!tpu.dma_semaphore, #tpu.memory_space<semaphore_mem>>) src(%dma_wait3A_401 : memref<10112x64xf32, #tpu.memory_space<vmem_shared>>) dst(%dma_wait3A_395 : memref<128x64xf32, #tpu.memory_space<vmem>>)
      %dma_start3A_402 = arith.constant 1 : i32
      %dma_start3A_403 = arith.constant 0 : i32
      %dma_start3A_404 = arith.constant 0 : i32
      %dma_start3A_405 = tpu.memref_slice %arg11[%dma_start3A_402, %dma_start3A_403, %dma_start3A_404] : memref<4x128x64xf32, #tpu.memory_space<vmem>> -> memref<1x128x64xf32, #tpu.memory_space<vmem>>
      %dma_start3A_406 = tpu.memref_squeeze %dma_start3A_405 : memref<1x128x64xf32, #tpu.memory_space<vmem>> -> memref<128x64xf32, #tpu.memory_space<vmem>>
      %dma_start3A_407 = arith.constant 0 : i32
      %dma_start3A_408 = tpu.memref_slice %arg10[%add3A_389, %dma_start3A_407] : memref<40x128xi32, #tpu.memory_space<vmem>> -> memref<1x128xi32, #tpu.memory_space<vmem>>
      %dma_start3A_409 = tpu.memref_squeeze %dma_start3A_408 : memref<1x128xi32, #tpu.memory_space<vmem>> -> memref<128xi32, #tpu.memory_space<vmem>>
      %dma_start3A_410 = arith.constant 0 : i32
      %dma_start3A_411 = arith.constant 0 : i32
      %dma_start3A_412 = tpu.memref_slice %arg8[%dma_start3A_410, %dma_start3A_411] : memref<10112x64xf32, #tpu.memory_space<vmem_shared>> -> memref<10112x64xf32, #tpu.memory_space<vmem_shared>>
      tpu.enqueue_indirect_dma source(%dma_start3A_406 : memref<128x64xf32, #tpu.memory_space<vmem>>) target(%dma_start3A_412 : memref<10112x64xf32, #tpu.memory_space<vmem_shared>>) offsets(%dma_start3A_409 : memref<128xi32, #tpu.memory_space<vmem>>) semaphore(%arg13 : memref<!tpu.dma_semaphore, #tpu.memory_space<semaphore_mem>>) {add = true}
      %ge3A_413 = arith.constant 2 : i32
      %ge3A_414 = arith.cmpi sge, %add3A_389, %ge3A_413 : i32
      %convert_element_type3A_415 = arith.extui %ge3A_414 : i1 to i32
      %cond3A_416 = arith.constant 0 : i32
      %cond3A_417 = arith.cmpi ne, %convert_element_type3A_415, %cond3A_416 : i32
      scf.if %cond3A_417 {
        %dma_wait3A_503 = arith.constant 3 : i32
        %dma_wait3A_504 = arith.constant 0 : i32
        %dma_wait3A_505 = arith.constant 0 : i32
        %dma_wait3A_506 = arith.constant 0 : i32
        %dma_wait3A_507 = tpu.memref_slice %arg11[%dma_wait3A_503, %dma_wait3A_505, %dma_wait3A_506] : memref<4x128x64xf32, #tpu.memory_space<vmem>> -> memref<1x128x64xf32, #tpu.memory_space<vmem>>
        %dma_wait3A_508 = tpu.memref_squeeze %dma_wait3A_507 : memref<1x128x64xf32, #tpu.memory_space<vmem>> -> memref<128x64xf32, #tpu.memory_space<vmem>>
        %dma_wait3A_509 = arith.constant 0 : i32
        %dma_wait3A_510 = tpu.memref_slice %arg10[%dma_wait3A_504, %dma_wait3A_509] : memref<40x128xi32, #tpu.memory_space<vmem>> -> memref<1x128xi32, #tpu.memory_space<vmem>>
        %dma_wait3A_511 = tpu.memref_squeeze %dma_wait3A_510 : memref<1x128xi32, #tpu.memory_space<vmem>> -> memref<128xi32, #tpu.memory_space<vmem>>
        %dma_wait3A_512 = arith.constant 0 : i32
        %dma_wait3A_513 = arith.constant 0 : i32
        %dma_wait3A_514 = tpu.memref_slice %arg8[%dma_wait3A_512, %dma_wait3A_513] : memref<10112x64xf32, #tpu.memory_space<vmem_shared>> -> memref<10112x64xf32, #tpu.memory_space<vmem_shared>>
        tpu.wait_indirect_dma semaphore(%arg13 : memref<!tpu.dma_semaphore, #tpu.memory_space<semaphore_mem>>) src(%dma_wait3A_508 : memref<128x64xf32, #tpu.memory_space<vmem>>) dst(%dma_wait3A_514 : memref<10112x64xf32, #tpu.memory_space<vmem_shared>>)
      } else {
      }
      %add3A_418 = arith.constant 2 : i32
      %add3A_419 = arith.addi %add3A_389, %add3A_418 : i32
      %lt3A_420 = arith.constant 40 : i32
      %lt3A_421 = arith.cmpi slt, %add3A_419, %lt3A_420 : i32
      %convert_element_type3A_422 = arith.extui %lt3A_421 : i1 to i32
      %cond3A_423 = arith.constant 0 : i32
      %cond3A_424 = arith.cmpi ne, %convert_element_type3A_422, %cond3A_423 : i32
      scf.if %cond3A_424 {
        %add3A_503 = arith.constant 2 : i32
        %add3A_504 = arith.addi %add3A_389, %add3A_503 : i32
        %dma_start3A_505 = arith.constant 3 : i32
        %dma_start3A_506 = arith.constant 0 : i32
        %dma_start3A_507 = arith.constant 0 : i32
        %dma_start3A_508 = tpu.memref_slice %arg11[%dma_start3A_505, %dma_start3A_506, %dma_start3A_507] : memref<4x128x64xf32, #tpu.memory_space<vmem>> -> memref<1x128x64xf32, #tpu.memory_space<vmem>>
        %dma_start3A_509 = tpu.memref_squeeze %dma_start3A_508 : memref<1x128x64xf32, #tpu.memory_space<vmem>> -> memref<128x64xf32, #tpu.memory_space<vmem>>
        %dma_start3A_510 = arith.constant 0 : i32
        %dma_start3A_511 = tpu.memref_slice %arg9[%add3A_504, %dma_start3A_510] : memref<40x128xi32, #tpu.memory_space<vmem>> -> memref<1x128xi32, #tpu.memory_space<vmem>>
        %dma_start3A_512 = tpu.memref_squeeze %dma_start3A_511 : memref<1x128xi32, #tpu.memory_space<vmem>> -> memref<128xi32, #tpu.memory_space<vmem>>
        %dma_start3A_513 = arith.constant 0 : i32
        %dma_start3A_514 = arith.constant 0 : i32
        %dma_start3A_515 = tpu.memref_slice %arg7[%dma_start3A_513, %dma_start3A_514] : memref<10112x64xf32, #tpu.memory_space<vmem_shared>> -> memref<10112x64xf32, #tpu.memory_space<vmem_shared>>
        tpu.enqueue_indirect_dma source(%dma_start3A_515 : memref<10112x64xf32, #tpu.memory_space<vmem_shared>>) target(%dma_start3A_509 : memref<128x64xf32, #tpu.memory_space<vmem>>) offsets(%dma_start3A_512 : memref<128xi32, #tpu.memory_space<vmem>>) semaphore(%arg12 : memref<!tpu.dma_semaphore, #tpu.memory_space<semaphore_mem>>)
      } else {
      }
      %mul3A_425 = arith.constant 4 : i32
      %mul3A_426 = arith.muli %scan3A_351, %mul3A_425 : i32
      %add3A_427 = arith.constant 2 : i32
      %add3A_428 = arith.addi %mul3A_426, %add3A_427 : i32
      %dma_wait3A_429 = arith.constant 0 : i32
      %dma_wait3A_430 = arith.constant 2 : i32
      %dma_wait3A_431 = arith.constant 0 : i32
      %dma_wait3A_432 = arith.constant 0 : i32
      %dma_wait3A_433 = tpu.memref_slice %arg11[%dma_wait3A_430, %dma_wait3A_431, %dma_wait3A_432] : memref<4x128x64xf32, #tpu.memory_space<vmem>> -> memref<1x128x64xf32, #tpu.memory_space<vmem>>
      %dma_wait3A_434 = tpu.memref_squeeze %dma_wait3A_433 : memref<1x128x64xf32, #tpu.memory_space<vmem>> -> memref<128x64xf32, #tpu.memory_space<vmem>>
      %dma_wait3A_435 = arith.constant 0 : i32
      %dma_wait3A_436 = tpu.memref_slice %arg9[%dma_wait3A_429, %dma_wait3A_435] : memref<40x128xi32, #tpu.memory_space<vmem>> -> memref<1x128xi32, #tpu.memory_space<vmem>>
      %dma_wait3A_437 = tpu.memref_squeeze %dma_wait3A_436 : memref<1x128xi32, #tpu.memory_space<vmem>> -> memref<128xi32, #tpu.memory_space<vmem>>
      %dma_wait3A_438 = arith.constant 0 : i32
      %dma_wait3A_439 = arith.constant 0 : i32
      %dma_wait3A_440 = tpu.memref_slice %arg7[%dma_wait3A_438, %dma_wait3A_439] : memref<10112x64xf32, #tpu.memory_space<vmem_shared>> -> memref<10112x64xf32, #tpu.memory_space<vmem_shared>>
      tpu.wait_indirect_dma semaphore(%arg12 : memref<!tpu.dma_semaphore, #tpu.memory_space<semaphore_mem>>) src(%dma_wait3A_440 : memref<10112x64xf32, #tpu.memory_space<vmem_shared>>) dst(%dma_wait3A_434 : memref<128x64xf32, #tpu.memory_space<vmem>>)
      %dma_start3A_441 = arith.constant 2 : i32
      %dma_start3A_442 = arith.constant 0 : i32
      %dma_start3A_443 = arith.constant 0 : i32
      %dma_start3A_444 = tpu.memref_slice %arg11[%dma_start3A_441, %dma_start3A_442, %dma_start3A_443] : memref<4x128x64xf32, #tpu.memory_space<vmem>> -> memref<1x128x64xf32, #tpu.memory_space<vmem>>
      %dma_start3A_445 = tpu.memref_squeeze %dma_start3A_444 : memref<1x128x64xf32, #tpu.memory_space<vmem>> -> memref<128x64xf32, #tpu.memory_space<vmem>>
      %dma_start3A_446 = arith.constant 0 : i32
      %dma_start3A_447 = tpu.memref_slice %arg10[%add3A_428, %dma_start3A_446] : memref<40x128xi32, #tpu.memory_space<vmem>> -> memref<1x128xi32, #tpu.memory_space<vmem>>
      %dma_start3A_448 = tpu.memref_squeeze %dma_start3A_447 : memref<1x128xi32, #tpu.memory_space<vmem>> -> memref<128xi32, #tpu.memory_space<vmem>>
      %dma_start3A_449 = arith.constant 0 : i32
      %dma_start3A_450 = arith.constant 0 : i32
      %dma_start3A_451 = tpu.memref_slice %arg8[%dma_start3A_449, %dma_start3A_450] : memref<10112x64xf32, #tpu.memory_space<vmem_shared>> -> memref<10112x64xf32, #tpu.memory_space<vmem_shared>>
      tpu.enqueue_indirect_dma source(%dma_start3A_445 : memref<128x64xf32, #tpu.memory_space<vmem>>) target(%dma_start3A_451 : memref<10112x64xf32, #tpu.memory_space<vmem_shared>>) offsets(%dma_start3A_448 : memref<128xi32, #tpu.memory_space<vmem>>) semaphore(%arg13 : memref<!tpu.dma_semaphore, #tpu.memory_space<semaphore_mem>>) {add = true}
      %ge3A_452 = arith.constant 2 : i32
      %ge3A_453 = arith.cmpi sge, %add3A_428, %ge3A_452 : i32
      %convert_element_type3A_454 = arith.extui %ge3A_453 : i1 to i32
      %cond3A_455 = arith.constant 0 : i32
      %cond3A_456 = arith.cmpi ne, %convert_element_type3A_454, %cond3A_455 : i32
      scf.if %cond3A_456 {
        %dma_wait3A_503 = arith.constant 0 : i32
        %dma_wait3A_504 = arith.constant 0 : i32
        %dma_wait3A_505 = arith.constant 0 : i32
        %dma_wait3A_506 = arith.constant 0 : i32
        %dma_wait3A_507 = tpu.memref_slice %arg11[%dma_wait3A_503, %dma_wait3A_505, %dma_wait3A_506] : memref<4x128x64xf32, #tpu.memory_space<vmem>> -> memref<1x128x64xf32, #tpu.memory_space<vmem>>
        %dma_wait3A_508 = tpu.memref_squeeze %dma_wait3A_507 : memref<1x128x64xf32, #tpu.memory_space<vmem>> -> memref<128x64xf32, #tpu.memory_space<vmem>>
        %dma_wait3A_509 = arith.constant 0 : i32
        %dma_wait3A_510 = tpu.memref_slice %arg10[%dma_wait3A_504, %dma_wait3A_509] : memref<40x128xi32, #tpu.memory_space<vmem>> -> memref<1x128xi32, #tpu.memory_space<vmem>>
        %dma_wait3A_511 = tpu.memref_squeeze %dma_wait3A_510 : memref<1x128xi32, #tpu.memory_space<vmem>> -> memref<128xi32, #tpu.memory_space<vmem>>
        %dma_wait3A_512 = arith.constant 0 : i32
        %dma_wait3A_513 = arith.constant 0 : i32
        %dma_wait3A_514 = tpu.memref_slice %arg8[%dma_wait3A_512, %dma_wait3A_513] : memref<10112x64xf32, #tpu.memory_space<vmem_shared>> -> memref<10112x64xf32, #tpu.memory_space<vmem_shared>>
        tpu.wait_indirect_dma semaphore(%arg13 : memref<!tpu.dma_semaphore, #tpu.memory_space<semaphore_mem>>) src(%dma_wait3A_508 : memref<128x64xf32, #tpu.memory_space<vmem>>) dst(%dma_wait3A_514 : memref<10112x64xf32, #tpu.memory_space<vmem_shared>>)
      } else {
      }
      %add3A_457 = arith.constant 2 : i32
      %add3A_458 = arith.addi %add3A_428, %add3A_457 : i32
      %lt3A_459 = arith.constant 40 : i32
      %lt3A_460 = arith.cmpi slt, %add3A_458, %lt3A_459 : i32
      %convert_element_type3A_461 = arith.extui %lt3A_460 : i1 to i32
      %cond3A_462 = arith.constant 0 : i32
      %cond3A_463 = arith.cmpi ne, %convert_element_type3A_461, %cond3A_462 : i32
      scf.if %cond3A_463 {
        %add3A_503 = arith.constant 2 : i32
        %add3A_504 = arith.addi %add3A_428, %add3A_503 : i32
        %dma_start3A_505 = arith.constant 0 : i32
        %dma_start3A_506 = arith.constant 0 : i32
        %dma_start3A_507 = arith.constant 0 : i32
        %dma_start3A_508 = tpu.memref_slice %arg11[%dma_start3A_505, %dma_start3A_506, %dma_start3A_507] : memref<4x128x64xf32, #tpu.memory_space<vmem>> -> memref<1x128x64xf32, #tpu.memory_space<vmem>>
        %dma_start3A_509 = tpu.memref_squeeze %dma_start3A_508 : memref<1x128x64xf32, #tpu.memory_space<vmem>> -> memref<128x64xf32, #tpu.memory_space<vmem>>
        %dma_start3A_510 = arith.constant 0 : i32
        %dma_start3A_511 = tpu.memref_slice %arg9[%add3A_504, %dma_start3A_510] : memref<40x128xi32, #tpu.memory_space<vmem>> -> memref<1x128xi32, #tpu.memory_space<vmem>>
        %dma_start3A_512 = tpu.memref_squeeze %dma_start3A_511 : memref<1x128xi32, #tpu.memory_space<vmem>> -> memref<128xi32, #tpu.memory_space<vmem>>
        %dma_start3A_513 = arith.constant 0 : i32
        %dma_start3A_514 = arith.constant 0 : i32
        %dma_start3A_515 = tpu.memref_slice %arg7[%dma_start3A_513, %dma_start3A_514] : memref<10112x64xf32, #tpu.memory_space<vmem_shared>> -> memref<10112x64xf32, #tpu.memory_space<vmem_shared>>
        tpu.enqueue_indirect_dma source(%dma_start3A_515 : memref<10112x64xf32, #tpu.memory_space<vmem_shared>>) target(%dma_start3A_509 : memref<128x64xf32, #tpu.memory_space<vmem>>) offsets(%dma_start3A_512 : memref<128xi32, #tpu.memory_space<vmem>>) semaphore(%arg12 : memref<!tpu.dma_semaphore, #tpu.memory_space<semaphore_mem>>)
      } else {
      }
      %mul3A_464 = arith.constant 4 : i32
      %mul3A_465 = arith.muli %scan3A_351, %mul3A_464 : i32
      %add3A_466 = arith.constant 3 : i32
      %add3A_467 = arith.addi %mul3A_465, %add3A_466 : i32
      %dma_wait3A_468 = arith.constant 0 : i32
      %dma_wait3A_469 = arith.constant 3 : i32
      %dma_wait3A_470 = arith.constant 0 : i32
      %dma_wait3A_471 = arith.constant 0 : i32
      %dma_wait3A_472 = tpu.memref_slice %arg11[%dma_wait3A_469, %dma_wait3A_470, %dma_wait3A_471] : memref<4x128x64xf32, #tpu.memory_space<vmem>> -> memref<1x128x64xf32, #tpu.memory_space<vmem>>
      %dma_wait3A_473 = tpu.memref_squeeze %dma_wait3A_472 : memref<1x128x64xf32, #tpu.memory_space<vmem>> -> memref<128x64xf32, #tpu.memory_space<vmem>>
      %dma_wait3A_474 = arith.constant 0 : i32
      %dma_wait3A_475 = tpu.memref_slice %arg9[%dma_wait3A_468, %dma_wait3A_474] : memref<40x128xi32, #tpu.memory_space<vmem>> -> memref<1x128xi32, #tpu.memory_space<vmem>>
      %dma_wait3A_476 = tpu.memref_squeeze %dma_wait3A_475 : memref<1x128xi32, #tpu.memory_space<vmem>> -> memref<128xi32, #tpu.memory_space<vmem>>
      %dma_wait3A_477 = arith.constant 0 : i32
      %dma_wait3A_478 = arith.constant 0 : i32
      %dma_wait3A_479 = tpu.memref_slice %arg7[%dma_wait3A_477, %dma_wait3A_478] : memref<10112x64xf32, #tpu.memory_space<vmem_shared>> -> memref<10112x64xf32, #tpu.memory_space<vmem_shared>>
      tpu.wait_indirect_dma semaphore(%arg12 : memref<!tpu.dma_semaphore, #tpu.memory_space<semaphore_mem>>) src(%dma_wait3A_479 : memref<10112x64xf32, #tpu.memory_space<vmem_shared>>) dst(%dma_wait3A_473 : memref<128x64xf32, #tpu.memory_space<vmem>>)
      %dma_start3A_480 = arith.constant 3 : i32
      %dma_start3A_481 = arith.constant 0 : i32
      %dma_start3A_482 = arith.constant 0 : i32
      %dma_start3A_483 = tpu.memref_slice %arg11[%dma_start3A_480, %dma_start3A_481, %dma_start3A_482] : memref<4x128x64xf32, #tpu.memory_space<vmem>> -> memref<1x128x64xf32, #tpu.memory_space<vmem>>
      %dma_start3A_484 = tpu.memref_squeeze %dma_start3A_483 : memref<1x128x64xf32, #tpu.memory_space<vmem>> -> memref<128x64xf32, #tpu.memory_space<vmem>>
      %dma_start3A_485 = arith.constant 0 : i32
      %dma_start3A_486 = tpu.memref_slice %arg10[%add3A_467, %dma_start3A_485] : memref<40x128xi32, #tpu.memory_space<vmem>> -> memref<1x128xi32, #tpu.memory_space<vmem>>
      %dma_start3A_487 = tpu.memref_squeeze %dma_start3A_486 : memref<1x128xi32, #tpu.memory_space<vmem>> -> memref<128xi32, #tpu.memory_space<vmem>>
      %dma_start3A_488 = arith.constant 0 : i32
      %dma_start3A_489 = arith.constant 0 : i32
      %dma_start3A_490 = tpu.memref_slice %arg8[%dma_start3A_488, %dma_start3A_489] : memref<10112x64xf32, #tpu.memory_space<vmem_shared>> -> memref<10112x64xf32, #tpu.memory_space<vmem_shared>>
      tpu.enqueue_indirect_dma source(%dma_start3A_484 : memref<128x64xf32, #tpu.memory_space<vmem>>) target(%dma_start3A_490 : memref<10112x64xf32, #tpu.memory_space<vmem_shared>>) offsets(%dma_start3A_487 : memref<128xi32, #tpu.memory_space<vmem>>) semaphore(%arg13 : memref<!tpu.dma_semaphore, #tpu.memory_space<semaphore_mem>>) {add = true}
      %ge3A_491 = arith.constant 2 : i32
      %ge3A_492 = arith.cmpi sge, %add3A_467, %ge3A_491 : i32
      %convert_element_type3A_493 = arith.extui %ge3A_492 : i1 to i32
      %cond3A_494 = arith.constant 0 : i32
      %cond3A_495 = arith.cmpi ne, %convert_element_type3A_493, %cond3A_494 : i32
      scf.if %cond3A_495 {
        %dma_wait3A_503 = arith.constant 1 : i32
        %dma_wait3A_504 = arith.constant 0 : i32
        %dma_wait3A_505 = arith.constant 0 : i32
        %dma_wait3A_506 = arith.constant 0 : i32
        %dma_wait3A_507 = tpu.memref_slice %arg11[%dma_wait3A_503, %dma_wait3A_505, %dma_wait3A_506] : memref<4x128x64xf32, #tpu.memory_space<vmem>> -> memref<1x128x64xf32, #tpu.memory_space<vmem>>
        %dma_wait3A_508 = tpu.memref_squeeze %dma_wait3A_507 : memref<1x128x64xf32, #tpu.memory_space<vmem>> -> memref<128x64xf32, #tpu.memory_space<vmem>>
        %dma_wait3A_509 = arith.constant 0 : i32
        %dma_wait3A_510 = tpu.memref_slice %arg10[%dma_wait3A_504, %dma_wait3A_509] : memref<40x128xi32, #tpu.memory_space<vmem>> -> memref<1x128xi32, #tpu.memory_space<vmem>>
        %dma_wait3A_511 = tpu.memref_squeeze %dma_wait3A_510 : memref<1x128xi32, #tpu.memory_space<vmem>> -> memref<128xi32, #tpu.memory_space<vmem>>
        %dma_wait3A_512 = arith.constant 0 : i32
        %dma_wait3A_513 = arith.constant 0 : i32
        %dma_wait3A_514 = tpu.memref_slice %arg8[%dma_wait3A_512, %dma_wait3A_513] : memref<10112x64xf32, #tpu.memory_space<vmem_shared>> -> memref<10112x64xf32, #tpu.memory_space<vmem_shared>>
        tpu.wait_indirect_dma semaphore(%arg13 : memref<!tpu.dma_semaphore, #tpu.memory_space<semaphore_mem>>) src(%dma_wait3A_508 : memref<128x64xf32, #tpu.memory_space<vmem>>) dst(%dma_wait3A_514 : memref<10112x64xf32, #tpu.memory_space<vmem_shared>>)
      } else {
      }
      %add3A_496 = arith.constant 2 : i32
      %add3A_497 = arith.addi %add3A_467, %add3A_496 : i32
      %lt3A_498 = arith.constant 40 : i32
      %lt3A_499 = arith.cmpi slt, %add3A_497, %lt3A_498 : i32
      %convert_element_type3A_500 = arith.extui %lt3A_499 : i1 to i32
      %cond3A_501 = arith.constant 0 : i32
      %cond3A_502 = arith.cmpi ne, %convert_element_type3A_500, %cond3A_501 : i32
      scf.if %cond3A_502 {
        %add3A_503 = arith.constant 2 : i32
        %add3A_504 = arith.addi %add3A_467, %add3A_503 : i32
        %dma_start3A_505 = arith.constant 1 : i32
        %dma_start3A_506 = arith.constant 0 : i32
        %dma_start3A_507 = arith.constant 0 : i32
        %dma_start3A_508 = tpu.memref_slice %arg11[%dma_start3A_505, %dma_start3A_506, %dma_start3A_507] : memref<4x128x64xf32, #tpu.memory_space<vmem>> -> memref<1x128x64xf32, #tpu.memory_space<vmem>>
        %dma_start3A_509 = tpu.memref_squeeze %dma_start3A_508 : memref<1x128x64xf32, #tpu.memory_space<vmem>> -> memref<128x64xf32, #tpu.memory_space<vmem>>
        %dma_start3A_510 = arith.constant 0 : i32
        %dma_start3A_511 = tpu.memref_slice %arg9[%add3A_504, %dma_start3A_510] : memref<40x128xi32, #tpu.memory_space<vmem>> -> memref<1x128xi32, #tpu.memory_space<vmem>>
        %dma_start3A_512 = tpu.memref_squeeze %dma_start3A_511 : memref<1x128xi32, #tpu.memory_space<vmem>> -> memref<128xi32, #tpu.memory_space<vmem>>
        %dma_start3A_513 = arith.constant 0 : i32
        %dma_start3A_514 = arith.constant 0 : i32
        %dma_start3A_515 = tpu.memref_slice %arg7[%dma_start3A_513, %dma_start3A_514] : memref<10112x64xf32, #tpu.memory_space<vmem_shared>> -> memref<10112x64xf32, #tpu.memory_space<vmem_shared>>
        tpu.enqueue_indirect_dma source(%dma_start3A_515 : memref<10112x64xf32, #tpu.memory_space<vmem_shared>>) target(%dma_start3A_509 : memref<128x64xf32, #tpu.memory_space<vmem>>) offsets(%dma_start3A_512 : memref<128xi32, #tpu.memory_space<vmem>>) semaphore(%arg12 : memref<!tpu.dma_semaphore, #tpu.memory_space<semaphore_mem>>)
      } else {
      }
    }
    %scan3A_149 = arith.constant 10 : i32
    %dma_wait3A_150 = arith.constant 0 : i32
    %dma_wait3A_151 = arith.constant 0 : i32
    %dma_wait3A_152 = arith.constant 0 : i32
    %dma_wait3A_153 = arith.constant 0 : i32
    %dma_wait3A_154 = tpu.memref_slice %arg11[%dma_wait3A_150, %dma_wait3A_152, %dma_wait3A_153] : memref<4x128x64xf32, #tpu.memory_space<vmem>> -> memref<1x128x64xf32, #tpu.memory_space<vmem>>
    %dma_wait3A_155 = tpu.memref_squeeze %dma_wait3A_154 : memref<1x128x64xf32, #tpu.memory_space<vmem>> -> memref<128x64xf32, #tpu.memory_space<vmem>>
    %dma_wait3A_156 = arith.constant 0 : i32
    %dma_wait3A_157 = tpu.memref_slice %arg10[%dma_wait3A_151, %dma_wait3A_156] : memref<40x128xi32, #tpu.memory_space<vmem>> -> memref<1x128xi32, #tpu.memory_space<vmem>>
    %dma_wait3A_158 = tpu.memref_squeeze %dma_wait3A_157 : memref<1x128xi32, #tpu.memory_space<vmem>> -> memref<128xi32, #tpu.memory_space<vmem>>
    %dma_wait3A_159 = arith.constant 0 : i32
    %dma_wait3A_160 = arith.constant 0 : i32
    %dma_wait3A_161 = tpu.memref_slice %arg8[%dma_wait3A_159, %dma_wait3A_160] : memref<10112x64xf32, #tpu.memory_space<vmem_shared>> -> memref<10112x64xf32, #tpu.memory_space<vmem_shared>>
    tpu.wait_indirect_dma semaphore(%arg13 : memref<!tpu.dma_semaphore, #tpu.memory_space<semaphore_mem>>) src(%dma_wait3A_155 : memref<128x64xf32, #tpu.memory_space<vmem>>) dst(%dma_wait3A_161 : memref<10112x64xf32, #tpu.memory_space<vmem_shared>>)
    %dma_wait3A_162 = arith.constant 1 : i32
    %dma_wait3A_163 = arith.constant 0 : i32
    %dma_wait3A_164 = arith.constant 0 : i32
    %dma_wait3A_165 = arith.constant 0 : i32
    %dma_wait3A_166 = tpu.memref_slice %arg11[%dma_wait3A_162, %dma_wait3A_164, %dma_wait3A_165] : memref<4x128x64xf32, #tpu.memory_space<vmem>> -> memref<1x128x64xf32, #tpu.memory_space<vmem>>
    %dma_wait3A_167 = tpu.memref_squeeze %dma_wait3A_166 : memref<1x128x64xf32, #tpu.memory_space<vmem>> -> memref<128x64xf32, #tpu.memory_space<vmem>>
    %dma_wait3A_168 = arith.constant 0 : i32
    %dma_wait3A_169 = tpu.memref_slice %arg10[%dma_wait3A_163, %dma_wait3A_168] : memref<40x128xi32, #tpu.memory_space<vmem>> -> memref<1x128xi32, #tpu.memory_space<vmem>>
    %dma_wait3A_170 = tpu.memref_squeeze %dma_wait3A_169 : memref<1x128xi32, #tpu.memory_space<vmem>> -> memref<128xi32, #tpu.memory_space<vmem>>
    %dma_wait3A_171 = arith.constant 0 : i32
    %dma_wait3A_172 = arith.constant 0 : i32
    %dma_wait3A_173 = tpu.memref_slice %arg8[%dma_wait3A_171, %dma_wait3A_172] : memref<10112x64xf32, #tpu.memory_space<vmem_shared>> -> memref<10112x64xf32, #tpu.memory_space<vmem_shared>>
    tpu.wait_indirect_dma semaphore(%arg13 : memref<!tpu.dma_semaphore, #tpu.memory_space<semaphore_mem>>) src(%dma_wait3A_167 : memref<128x64xf32, #tpu.memory_space<vmem>>) dst(%dma_wait3A_173 : memref<10112x64xf32, #tpu.memory_space<vmem_shared>>)
    %dma_start3A_174 = arith.constant 80 : i32
    %dma_start3A_175 = arith.constant 0 : i32
    %dma_start3A_176 = tpu.memref_slice %arg3[%arg1, %dma_start3A_174, %dma_start3A_175] : memref<16x160x128xi32, #tpu.memory_space<hbm>> -> memref<1x40x128xi32, #tpu.memory_space<hbm>>
    %dma_start3A_177 = tpu.memref_squeeze %dma_start3A_176 : memref<1x40x128xi32, #tpu.memory_space<hbm>> -> memref<40x128xi32, #tpu.memory_space<hbm>>
    %dma_start3A_178 = arith.constant 80 : i32
    %dma_start3A_179 = arith.constant 0 : i32
    %dma_start3A_180 = tpu.memref_slice %arg3[%arg1, %dma_start3A_178, %dma_start3A_179] : memref<16x160x128xi32, #tpu.memory_space<hbm>> -> memref<1x40x128xi32, #tpu.memory_space<hbm>>
    %dma_start3A_181 = tpu.memref_squeeze %dma_start3A_180 : memref<1x40x128xi32, #tpu.memory_space<hbm>> -> memref<40x128xi32, #tpu.memory_space<hbm>>
    tpu.enqueue_dma source(%dma_start3A_181 : memref<40x128xi32, #tpu.memory_space<hbm>>) target(%arg9 : memref<40x128xi32, #tpu.memory_space<vmem>>) target_semaphore(%arg12 : memref<!tpu.dma_semaphore, #tpu.memory_space<semaphore_mem>>)
    %dma_start3A_182 = arith.constant 80 : i32
    %dma_start3A_183 = arith.constant 0 : i32
    %dma_start3A_184 = tpu.memref_slice %arg4[%arg1, %dma_start3A_182, %dma_start3A_183] : memref<16x160x128xi32, #tpu.memory_space<hbm>> -> memref<1x40x128xi32, #tpu.memory_space<hbm>>
    %dma_start3A_185 = tpu.memref_squeeze %dma_start3A_184 : memref<1x40x128xi32, #tpu.memory_space<hbm>> -> memref<40x128xi32, #tpu.memory_space<hbm>>
    %dma_start3A_186 = arith.constant 80 : i32
    %dma_start3A_187 = arith.constant 0 : i32
    %dma_start3A_188 = tpu.memref_slice %arg4[%arg1, %dma_start3A_186, %dma_start3A_187] : memref<16x160x128xi32, #tpu.memory_space<hbm>> -> memref<1x40x128xi32, #tpu.memory_space<hbm>>
    %dma_start3A_189 = tpu.memref_squeeze %dma_start3A_188 : memref<1x40x128xi32, #tpu.memory_space<hbm>> -> memref<40x128xi32, #tpu.memory_space<hbm>>
    tpu.enqueue_dma source(%dma_start3A_189 : memref<40x128xi32, #tpu.memory_space<hbm>>) target(%arg10 : memref<40x128xi32, #tpu.memory_space<vmem>>) target_semaphore(%arg12 : memref<!tpu.dma_semaphore, #tpu.memory_space<semaphore_mem>>)
    %dma_wait3A_190 = arith.constant 0 : i32
    %dma_wait3A_191 = arith.constant 0 : i32
    %dma_wait3A_192 = tpu.memref_slice %arg3[%arg1, %dma_wait3A_190, %dma_wait3A_191] : memref<16x160x128xi32, #tpu.memory_space<hbm>> -> memref<1x40x128xi32, #tpu.memory_space<hbm>>
    %dma_wait3A_193 = tpu.memref_squeeze %dma_wait3A_192 : memref<1x40x128xi32, #tpu.memory_space<hbm>> -> memref<40x128xi32, #tpu.memory_space<hbm>>
    %dma_wait3A_194 = arith.constant 0 : i32
    %dma_wait3A_195 = arith.constant 0 : i32
    %dma_wait3A_196 = tpu.memref_slice %arg3[%arg1, %dma_wait3A_194, %dma_wait3A_195] : memref<16x160x128xi32, #tpu.memory_space<hbm>> -> memref<1x40x128xi32, #tpu.memory_space<hbm>>
    %dma_wait3A_197 = tpu.memref_squeeze %dma_wait3A_196 : memref<1x40x128xi32, #tpu.memory_space<hbm>> -> memref<40x128xi32, #tpu.memory_space<hbm>>
    tpu.wait_dma2 semaphore(%arg12 : memref<!tpu.dma_semaphore, #tpu.memory_space<semaphore_mem>>) src(%dma_wait3A_197 : memref<40x128xi32, #tpu.memory_space<hbm>>) dst(%arg9 : memref<40x128xi32, #tpu.memory_space<vmem>>)
    %dma_wait3A_198 = arith.constant 0 : i32
    %dma_wait3A_199 = arith.constant 0 : i32
    %dma_wait3A_200 = tpu.memref_slice %arg4[%arg1, %dma_wait3A_198, %dma_wait3A_199] : memref<16x160x128xi32, #tpu.memory_space<hbm>> -> memref<1x40x128xi32, #tpu.memory_space<hbm>>
    %dma_wait3A_201 = tpu.memref_squeeze %dma_wait3A_200 : memref<1x40x128xi32, #tpu.memory_space<hbm>> -> memref<40x128xi32, #tpu.memory_space<hbm>>
    %dma_wait3A_202 = arith.constant 0 : i32
    %dma_wait3A_203 = arith.constant 0 : i32
    %dma_wait3A_204 = tpu.memref_slice %arg4[%arg1, %dma_wait3A_202, %dma_wait3A_203] : memref<16x160x128xi32, #tpu.memory_space<hbm>> -> memref<1x40x128xi32, #tpu.memory_space<hbm>>
    %dma_wait3A_205 = tpu.memref_squeeze %dma_wait3A_204 : memref<1x40x128xi32, #tpu.memory_space<hbm>> -> memref<40x128xi32, #tpu.memory_space<hbm>>
    tpu.wait_dma2 semaphore(%arg12 : memref<!tpu.dma_semaphore, #tpu.memory_space<semaphore_mem>>) src(%dma_wait3A_205 : memref<40x128xi32, #tpu.memory_space<hbm>>) dst(%arg10 : memref<40x128xi32, #tpu.memory_space<vmem>>)
    %dma_start3A_206 = arith.constant 0 : i32
    %dma_start3A_207 = arith.constant 0 : i32
    %dma_start3A_208 = arith.constant 0 : i32
    %dma_start3A_209 = arith.constant 0 : i32
    %dma_start3A_210 = tpu.memref_slice %arg11[%dma_start3A_207, %dma_start3A_208, %dma_start3A_209] : memref<4x128x64xf32, #tpu.memory_space<vmem>> -> memref<1x128x64xf32, #tpu.memory_space<vmem>>
    %dma_start3A_211 = tpu.memref_squeeze %dma_start3A_210 : memref<1x128x64xf32, #tpu.memory_space<vmem>> -> memref<128x64xf32, #tpu.memory_space<vmem>>
    %dma_start3A_212 = arith.constant 0 : i32
    %dma_start3A_213 = tpu.memref_slice %arg9[%dma_start3A_206, %dma_start3A_212] : memref<40x128xi32, #tpu.memory_space<vmem>> -> memref<1x128xi32, #tpu.memory_space<vmem>>
    %dma_start3A_214 = tpu.memref_squeeze %dma_start3A_213 : memref<1x128xi32, #tpu.memory_space<vmem>> -> memref<128xi32, #tpu.memory_space<vmem>>
    %dma_start3A_215 = arith.constant 0 : i32
    %dma_start3A_216 = arith.constant 0 : i32
    %dma_start3A_217 = tpu.memref_slice %arg7[%dma_start3A_215, %dma_start3A_216] : memref<10112x64xf32, #tpu.memory_space<vmem_shared>> -> memref<10112x64xf32, #tpu.memory_space<vmem_shared>>
    tpu.enqueue_indirect_dma source(%dma_start3A_217 : memref<10112x64xf32, #tpu.memory_space<vmem_shared>>) target(%dma_start3A_211 : memref<128x64xf32, #tpu.memory_space<vmem>>) offsets(%dma_start3A_214 : memref<128xi32, #tpu.memory_space<vmem>>) semaphore(%arg12 : memref<!tpu.dma_semaphore, #tpu.memory_space<semaphore_mem>>)
    %dma_start3A_218 = arith.constant 1 : i32
    %dma_start3A_219 = arith.constant 1 : i32
    %dma_start3A_220 = arith.constant 0 : i32
    %dma_start3A_221 = arith.constant 0 : i32
    %dma_start3A_222 = tpu.memref_slice %arg11[%dma_start3A_219, %dma_start3A_220, %dma_start3A_221] : memref<4x128x64xf32, #tpu.memory_space<vmem>> -> memref<1x128x64xf32, #tpu.memory_space<vmem>>
    %dma_start3A_223 = tpu.memref_squeeze %dma_start3A_222 : memref<1x128x64xf32, #tpu.memory_space<vmem>> -> memref<128x64xf32, #tpu.memory_space<vmem>>
    %dma_start3A_224 = arith.constant 0 : i32
    %dma_start3A_225 = tpu.memref_slice %arg9[%dma_start3A_218, %dma_start3A_224] : memref<40x128xi32, #tpu.memory_space<vmem>> -> memref<1x128xi32, #tpu.memory_space<vmem>>
    %dma_start3A_226 = tpu.memref_squeeze %dma_start3A_225 : memref<1x128xi32, #tpu.memory_space<vmem>> -> memref<128xi32, #tpu.memory_space<vmem>>
    %dma_start3A_227 = arith.constant 0 : i32
    %dma_start3A_228 = arith.constant 0 : i32
    %dma_start3A_229 = tpu.memref_slice %arg7[%dma_start3A_227, %dma_start3A_228] : memref<10112x64xf32, #tpu.memory_space<vmem_shared>> -> memref<10112x64xf32, #tpu.memory_space<vmem_shared>>
    tpu.enqueue_indirect_dma source(%dma_start3A_229 : memref<10112x64xf32, #tpu.memory_space<vmem_shared>>) target(%dma_start3A_223 : memref<128x64xf32, #tpu.memory_space<vmem>>) offsets(%dma_start3A_226 : memref<128xi32, #tpu.memory_space<vmem>>) semaphore(%arg12 : memref<!tpu.dma_semaphore, #tpu.memory_space<semaphore_mem>>)
    %scan3A_230 = arith.constant 0 : i32
    %scan3A_231 = arith.constant 0 : i32
    %scan3A_232 = arith.constant 10 : i32
    %scan3A_233 = arith.addi %scan3A_231, %scan3A_232 : i32
    %scan3A_234 = arith.constant 1 : i32
    scf.for %scan3A_351 = %scan3A_231 to %scan3A_233 step %scan3A_234  : i32 {
      %mul3A_352 = arith.constant 4 : i32
      %mul3A_353 = arith.muli %scan3A_351, %mul3A_352 : i32
      %add3A = arith.constant 0 : i32
      %add3A_354 = arith.addi %mul3A_353, %add3A : i32
      %dma_wait3A_355 = arith.constant 0 : i32
      %dma_wait3A_356 = arith.constant 0 : i32
      %dma_wait3A_357 = arith.constant 0 : i32
      %dma_wait3A_358 = arith.constant 0 : i32
      %dma_wait3A_359 = tpu.memref_slice %arg11[%dma_wait3A_356, %dma_wait3A_357, %dma_wait3A_358] : memref<4x128x64xf32, #tpu.memory_space<vmem>> -> memref<1x128x64xf32, #tpu.memory_space<vmem>>
      %dma_wait3A_360 = tpu.memref_squeeze %dma_wait3A_359 : memref<1x128x64xf32, #tpu.memory_space<vmem>> -> memref<128x64xf32, #tpu.memory_space<vmem>>
      %dma_wait3A_361 = arith.constant 0 : i32
      %dma_wait3A_362 = tpu.memref_slice %arg9[%dma_wait3A_355, %dma_wait3A_361] : memref<40x128xi32, #tpu.memory_space<vmem>> -> memref<1x128xi32, #tpu.memory_space<vmem>>
      %dma_wait3A_363 = tpu.memref_squeeze %dma_wait3A_362 : memref<1x128xi32, #tpu.memory_space<vmem>> -> memref<128xi32, #tpu.memory_space<vmem>>
      %dma_wait3A_364 = arith.constant 0 : i32
      %dma_wait3A_365 = arith.constant 0 : i32
      %dma_wait3A_366 = tpu.memref_slice %arg7[%dma_wait3A_364, %dma_wait3A_365] : memref<10112x64xf32, #tpu.memory_space<vmem_shared>> -> memref<10112x64xf32, #tpu.memory_space<vmem_shared>>
      tpu.wait_indirect_dma semaphore(%arg12 : memref<!tpu.dma_semaphore, #tpu.memory_space<semaphore_mem>>) src(%dma_wait3A_366 : memref<10112x64xf32, #tpu.memory_space<vmem_shared>>) dst(%dma_wait3A_360 : memref<128x64xf32, #tpu.memory_space<vmem>>)
      %dma_start3A_367 = arith.constant 0 : i32
      %dma_start3A_368 = arith.constant 0 : i32
      %dma_start3A_369 = arith.constant 0 : i32
      %dma_start3A_370 = tpu.memref_slice %arg11[%dma_start3A_367, %dma_start3A_368, %dma_start3A_369] : memref<4x128x64xf32, #tpu.memory_space<vmem>> -> memref<1x128x64xf32, #tpu.memory_space<vmem>>
      %dma_start3A_371 = tpu.memref_squeeze %dma_start3A_370 : memref<1x128x64xf32, #tpu.memory_space<vmem>> -> memref<128x64xf32, #tpu.memory_space<vmem>>
      %dma_start3A_372 = arith.constant 0 : i32
      %dma_start3A_373 = tpu.memref_slice %arg10[%add3A_354, %dma_start3A_372] : memref<40x128xi32, #tpu.memory_space<vmem>> -> memref<1x128xi32, #tpu.memory_space<vmem>>
      %dma_start3A_374 = tpu.memref_squeeze %dma_start3A_373 : memref<1x128xi32, #tpu.memory_space<vmem>> -> memref<128xi32, #tpu.memory_space<vmem>>
      %dma_start3A_375 = arith.constant 0 : i32
      %dma_start3A_376 = arith.constant 0 : i32
      %dma_start3A_377 = tpu.memref_slice %arg8[%dma_start3A_375, %dma_start3A_376] : memref<10112x64xf32, #tpu.memory_space<vmem_shared>> -> memref<10112x64xf32, #tpu.memory_space<vmem_shared>>
      tpu.enqueue_indirect_dma source(%dma_start3A_371 : memref<128x64xf32, #tpu.memory_space<vmem>>) target(%dma_start3A_377 : memref<10112x64xf32, #tpu.memory_space<vmem_shared>>) offsets(%dma_start3A_374 : memref<128xi32, #tpu.memory_space<vmem>>) semaphore(%arg13 : memref<!tpu.dma_semaphore, #tpu.memory_space<semaphore_mem>>) {add = true}
      %ge3A = arith.constant 2 : i32
      %ge3A_378 = arith.cmpi sge, %add3A_354, %ge3A : i32
      %convert_element_type3A = arith.extui %ge3A_378 : i1 to i32
      %cond3A = arith.constant 0 : i32
      %cond3A_379 = arith.cmpi ne, %convert_element_type3A, %cond3A : i32
      scf.if %cond3A_379 {
        %dma_wait3A_503 = arith.constant 2 : i32
        %dma_wait3A_504 = arith.constant 0 : i32
        %dma_wait3A_505 = arith.constant 0 : i32
        %dma_wait3A_506 = arith.constant 0 : i32
        %dma_wait3A_507 = tpu.memref_slice %arg11[%dma_wait3A_503, %dma_wait3A_505, %dma_wait3A_506] : memref<4x128x64xf32, #tpu.memory_space<vmem>> -> memref<1x128x64xf32, #tpu.memory_space<vmem>>
        %dma_wait3A_508 = tpu.memref_squeeze %dma_wait3A_507 : memref<1x128x64xf32, #tpu.memory_space<vmem>> -> memref<128x64xf32, #tpu.memory_space<vmem>>
        %dma_wait3A_509 = arith.constant 0 : i32
        %dma_wait3A_510 = tpu.memref_slice %arg10[%dma_wait3A_504, %dma_wait3A_509] : memref<40x128xi32, #tpu.memory_space<vmem>> -> memref<1x128xi32, #tpu.memory_space<vmem>>
        %dma_wait3A_511 = tpu.memref_squeeze %dma_wait3A_510 : memref<1x128xi32, #tpu.memory_space<vmem>> -> memref<128xi32, #tpu.memory_space<vmem>>
        %dma_wait3A_512 = arith.constant 0 : i32
        %dma_wait3A_513 = arith.constant 0 : i32
        %dma_wait3A_514 = tpu.memref_slice %arg8[%dma_wait3A_512, %dma_wait3A_513] : memref<10112x64xf32, #tpu.memory_space<vmem_shared>> -> memref<10112x64xf32, #tpu.memory_space<vmem_shared>>
        tpu.wait_indirect_dma semaphore(%arg13 : memref<!tpu.dma_semaphore, #tpu.memory_space<semaphore_mem>>) src(%dma_wait3A_508 : memref<128x64xf32, #tpu.memory_space<vmem>>) dst(%dma_wait3A_514 : memref<10112x64xf32, #tpu.memory_space<vmem_shared>>)
      } else {
      }
      %add3A_380 = arith.constant 2 : i32
      %add3A_381 = arith.addi %add3A_354, %add3A_380 : i32
      %lt3A = arith.constant 40 : i32
      %lt3A_382 = arith.cmpi slt, %add3A_381, %lt3A : i32
      %convert_element_type3A_383 = arith.extui %lt3A_382 : i1 to i32
      %cond3A_384 = arith.constant 0 : i32
      %cond3A_385 = arith.cmpi ne, %convert_element_type3A_383, %cond3A_384 : i32
      scf.if %cond3A_385 {
        %add3A_503 = arith.constant 2 : i32
        %add3A_504 = arith.addi %add3A_354, %add3A_503 : i32
        %dma_start3A_505 = arith.constant 2 : i32
        %dma_start3A_506 = arith.constant 0 : i32
        %dma_start3A_507 = arith.constant 0 : i32
        %dma_start3A_508 = tpu.memref_slice %arg11[%dma_start3A_505, %dma_start3A_506, %dma_start3A_507] : memref<4x128x64xf32, #tpu.memory_space<vmem>> -> memref<1x128x64xf32, #tpu.memory_space<vmem>>
        %dma_start3A_509 = tpu.memref_squeeze %dma_start3A_508 : memref<1x128x64xf32, #tpu.memory_space<vmem>> -> memref<128x64xf32, #tpu.memory_space<vmem>>
        %dma_start3A_510 = arith.constant 0 : i32
        %dma_start3A_511 = tpu.memref_slice %arg9[%add3A_504, %dma_start3A_510] : memref<40x128xi32, #tpu.memory_space<vmem>> -> memref<1x128xi32, #tpu.memory_space<vmem>>
        %dma_start3A_512 = tpu.memref_squeeze %dma_start3A_511 : memref<1x128xi32, #tpu.memory_space<vmem>> -> memref<128xi32, #tpu.memory_space<vmem>>
        %dma_start3A_513 = arith.constant 0 : i32
        %dma_start3A_514 = arith.constant 0 : i32
        %dma_start3A_515 = tpu.memref_slice %arg7[%dma_start3A_513, %dma_start3A_514] : memref<10112x64xf32, #tpu.memory_space<vmem_shared>> -> memref<10112x64xf32, #tpu.memory_space<vmem_shared>>
        tpu.enqueue_indirect_dma source(%dma_start3A_515 : memref<10112x64xf32, #tpu.memory_space<vmem_shared>>) target(%dma_start3A_509 : memref<128x64xf32, #tpu.memory_space<vmem>>) offsets(%dma_start3A_512 : memref<128xi32, #tpu.memory_space<vmem>>) semaphore(%arg12 : memref<!tpu.dma_semaphore, #tpu.memory_space<semaphore_mem>>)
      } else {
      }
      %mul3A_386 = arith.constant 4 : i32
      %mul3A_387 = arith.muli %scan3A_351, %mul3A_386 : i32
      %add3A_388 = arith.constant 1 : i32
      %add3A_389 = arith.addi %mul3A_387, %add3A_388 : i32
      %dma_wait3A_390 = arith.constant 0 : i32
      %dma_wait3A_391 = arith.constant 1 : i32
      %dma_wait3A_392 = arith.constant 0 : i32
      %dma_wait3A_393 = arith.constant 0 : i32
      %dma_wait3A_394 = tpu.memref_slice %arg11[%dma_wait3A_391, %dma_wait3A_392, %dma_wait3A_393] : memref<4x128x64xf32, #tpu.memory_space<vmem>> -> memref<1x128x64xf32, #tpu.memory_space<vmem>>
      %dma_wait3A_395 = tpu.memref_squeeze %dma_wait3A_394 : memref<1x128x64xf32, #tpu.memory_space<vmem>> -> memref<128x64xf32, #tpu.memory_space<vmem>>
      %dma_wait3A_396 = arith.constant 0 : i32
      %dma_wait3A_397 = tpu.memref_slice %arg9[%dma_wait3A_390, %dma_wait3A_396] : memref<40x128xi32, #tpu.memory_space<vmem>> -> memref<1x128xi32, #tpu.memory_space<vmem>>
      %dma_wait3A_398 = tpu.memref_squeeze %dma_wait3A_397 : memref<1x128xi32, #tpu.memory_space<vmem>> -> memref<128xi32, #tpu.memory_space<vmem>>
      %dma_wait3A_399 = arith.constant 0 : i32
      %dma_wait3A_400 = arith.constant 0 : i32
      %dma_wait3A_401 = tpu.memref_slice %arg7[%dma_wait3A_399, %dma_wait3A_400] : memref<10112x64xf32, #tpu.memory_space<vmem_shared>> -> memref<10112x64xf32, #tpu.memory_space<vmem_shared>>
      tpu.wait_indirect_dma semaphore(%arg12 : memref<!tpu.dma_semaphore, #tpu.memory_space<semaphore_mem>>) src(%dma_wait3A_401 : memref<10112x64xf32, #tpu.memory_space<vmem_shared>>) dst(%dma_wait3A_395 : memref<128x64xf32, #tpu.memory_space<vmem>>)
      %dma_start3A_402 = arith.constant 1 : i32
      %dma_start3A_403 = arith.constant 0 : i32
      %dma_start3A_404 = arith.constant 0 : i32
      %dma_start3A_405 = tpu.memref_slice %arg11[%dma_start3A_402, %dma_start3A_403, %dma_start3A_404] : memref<4x128x64xf32, #tpu.memory_space<vmem>> -> memref<1x128x64xf32, #tpu.memory_space<vmem>>
      %dma_start3A_406 = tpu.memref_squeeze %dma_start3A_405 : memref<1x128x64xf32, #tpu.memory_space<vmem>> -> memref<128x64xf32, #tpu.memory_space<vmem>>
      %dma_start3A_407 = arith.constant 0 : i32
      %dma_start3A_408 = tpu.memref_slice %arg10[%add3A_389, %dma_start3A_407] : memref<40x128xi32, #tpu.memory_space<vmem>> -> memref<1x128xi32, #tpu.memory_space<vmem>>
      %dma_start3A_409 = tpu.memref_squeeze %dma_start3A_408 : memref<1x128xi32, #tpu.memory_space<vmem>> -> memref<128xi32, #tpu.memory_space<vmem>>
      %dma_start3A_410 = arith.constant 0 : i32
      %dma_start3A_411 = arith.constant 0 : i32
      %dma_start3A_412 = tpu.memref_slice %arg8[%dma_start3A_410, %dma_start3A_411] : memref<10112x64xf32, #tpu.memory_space<vmem_shared>> -> memref<10112x64xf32, #tpu.memory_space<vmem_shared>>
      tpu.enqueue_indirect_dma source(%dma_start3A_406 : memref<128x64xf32, #tpu.memory_space<vmem>>) target(%dma_start3A_412 : memref<10112x64xf32, #tpu.memory_space<vmem_shared>>) offsets(%dma_start3A_409 : memref<128xi32, #tpu.memory_space<vmem>>) semaphore(%arg13 : memref<!tpu.dma_semaphore, #tpu.memory_space<semaphore_mem>>) {add = true}
      %ge3A_413 = arith.constant 2 : i32
      %ge3A_414 = arith.cmpi sge, %add3A_389, %ge3A_413 : i32
      %convert_element_type3A_415 = arith.extui %ge3A_414 : i1 to i32
      %cond3A_416 = arith.constant 0 : i32
      %cond3A_417 = arith.cmpi ne, %convert_element_type3A_415, %cond3A_416 : i32
      scf.if %cond3A_417 {
        %dma_wait3A_503 = arith.constant 3 : i32
        %dma_wait3A_504 = arith.constant 0 : i32
        %dma_wait3A_505 = arith.constant 0 : i32
        %dma_wait3A_506 = arith.constant 0 : i32
        %dma_wait3A_507 = tpu.memref_slice %arg11[%dma_wait3A_503, %dma_wait3A_505, %dma_wait3A_506] : memref<4x128x64xf32, #tpu.memory_space<vmem>> -> memref<1x128x64xf32, #tpu.memory_space<vmem>>
        %dma_wait3A_508 = tpu.memref_squeeze %dma_wait3A_507 : memref<1x128x64xf32, #tpu.memory_space<vmem>> -> memref<128x64xf32, #tpu.memory_space<vmem>>
        %dma_wait3A_509 = arith.constant 0 : i32
        %dma_wait3A_510 = tpu.memref_slice %arg10[%dma_wait3A_504, %dma_wait3A_509] : memref<40x128xi32, #tpu.memory_space<vmem>> -> memref<1x128xi32, #tpu.memory_space<vmem>>
        %dma_wait3A_511 = tpu.memref_squeeze %dma_wait3A_510 : memref<1x128xi32, #tpu.memory_space<vmem>> -> memref<128xi32, #tpu.memory_space<vmem>>
        %dma_wait3A_512 = arith.constant 0 : i32
        %dma_wait3A_513 = arith.constant 0 : i32
        %dma_wait3A_514 = tpu.memref_slice %arg8[%dma_wait3A_512, %dma_wait3A_513] : memref<10112x64xf32, #tpu.memory_space<vmem_shared>> -> memref<10112x64xf32, #tpu.memory_space<vmem_shared>>
        tpu.wait_indirect_dma semaphore(%arg13 : memref<!tpu.dma_semaphore, #tpu.memory_space<semaphore_mem>>) src(%dma_wait3A_508 : memref<128x64xf32, #tpu.memory_space<vmem>>) dst(%dma_wait3A_514 : memref<10112x64xf32, #tpu.memory_space<vmem_shared>>)
      } else {
      }
      %add3A_418 = arith.constant 2 : i32
      %add3A_419 = arith.addi %add3A_389, %add3A_418 : i32
      %lt3A_420 = arith.constant 40 : i32
      %lt3A_421 = arith.cmpi slt, %add3A_419, %lt3A_420 : i32
      %convert_element_type3A_422 = arith.extui %lt3A_421 : i1 to i32
      %cond3A_423 = arith.constant 0 : i32
      %cond3A_424 = arith.cmpi ne, %convert_element_type3A_422, %cond3A_423 : i32
      scf.if %cond3A_424 {
        %add3A_503 = arith.constant 2 : i32
        %add3A_504 = arith.addi %add3A_389, %add3A_503 : i32
        %dma_start3A_505 = arith.constant 3 : i32
        %dma_start3A_506 = arith.constant 0 : i32
        %dma_start3A_507 = arith.constant 0 : i32
        %dma_start3A_508 = tpu.memref_slice %arg11[%dma_start3A_505, %dma_start3A_506, %dma_start3A_507] : memref<4x128x64xf32, #tpu.memory_space<vmem>> -> memref<1x128x64xf32, #tpu.memory_space<vmem>>
        %dma_start3A_509 = tpu.memref_squeeze %dma_start3A_508 : memref<1x128x64xf32, #tpu.memory_space<vmem>> -> memref<128x64xf32, #tpu.memory_space<vmem>>
        %dma_start3A_510 = arith.constant 0 : i32
        %dma_start3A_511 = tpu.memref_slice %arg9[%add3A_504, %dma_start3A_510] : memref<40x128xi32, #tpu.memory_space<vmem>> -> memref<1x128xi32, #tpu.memory_space<vmem>>
        %dma_start3A_512 = tpu.memref_squeeze %dma_start3A_511 : memref<1x128xi32, #tpu.memory_space<vmem>> -> memref<128xi32, #tpu.memory_space<vmem>>
        %dma_start3A_513 = arith.constant 0 : i32
        %dma_start3A_514 = arith.constant 0 : i32
        %dma_start3A_515 = tpu.memref_slice %arg7[%dma_start3A_513, %dma_start3A_514] : memref<10112x64xf32, #tpu.memory_space<vmem_shared>> -> memref<10112x64xf32, #tpu.memory_space<vmem_shared>>
        tpu.enqueue_indirect_dma source(%dma_start3A_515 : memref<10112x64xf32, #tpu.memory_space<vmem_shared>>) target(%dma_start3A_509 : memref<128x64xf32, #tpu.memory_space<vmem>>) offsets(%dma_start3A_512 : memref<128xi32, #tpu.memory_space<vmem>>) semaphore(%arg12 : memref<!tpu.dma_semaphore, #tpu.memory_space<semaphore_mem>>)
      } else {
      }
      %mul3A_425 = arith.constant 4 : i32
      %mul3A_426 = arith.muli %scan3A_351, %mul3A_425 : i32
      %add3A_427 = arith.constant 2 : i32
      %add3A_428 = arith.addi %mul3A_426, %add3A_427 : i32
      %dma_wait3A_429 = arith.constant 0 : i32
      %dma_wait3A_430 = arith.constant 2 : i32
      %dma_wait3A_431 = arith.constant 0 : i32
      %dma_wait3A_432 = arith.constant 0 : i32
      %dma_wait3A_433 = tpu.memref_slice %arg11[%dma_wait3A_430, %dma_wait3A_431, %dma_wait3A_432] : memref<4x128x64xf32, #tpu.memory_space<vmem>> -> memref<1x128x64xf32, #tpu.memory_space<vmem>>
      %dma_wait3A_434 = tpu.memref_squeeze %dma_wait3A_433 : memref<1x128x64xf32, #tpu.memory_space<vmem>> -> memref<128x64xf32, #tpu.memory_space<vmem>>
      %dma_wait3A_435 = arith.constant 0 : i32
      %dma_wait3A_436 = tpu.memref_slice %arg9[%dma_wait3A_429, %dma_wait3A_435] : memref<40x128xi32, #tpu.memory_space<vmem>> -> memref<1x128xi32, #tpu.memory_space<vmem>>
      %dma_wait3A_437 = tpu.memref_squeeze %dma_wait3A_436 : memref<1x128xi32, #tpu.memory_space<vmem>> -> memref<128xi32, #tpu.memory_space<vmem>>
      %dma_wait3A_438 = arith.constant 0 : i32
      %dma_wait3A_439 = arith.constant 0 : i32
      %dma_wait3A_440 = tpu.memref_slice %arg7[%dma_wait3A_438, %dma_wait3A_439] : memref<10112x64xf32, #tpu.memory_space<vmem_shared>> -> memref<10112x64xf32, #tpu.memory_space<vmem_shared>>
      tpu.wait_indirect_dma semaphore(%arg12 : memref<!tpu.dma_semaphore, #tpu.memory_space<semaphore_mem>>) src(%dma_wait3A_440 : memref<10112x64xf32, #tpu.memory_space<vmem_shared>>) dst(%dma_wait3A_434 : memref<128x64xf32, #tpu.memory_space<vmem>>)
      %dma_start3A_441 = arith.constant 2 : i32
      %dma_start3A_442 = arith.constant 0 : i32
      %dma_start3A_443 = arith.constant 0 : i32
      %dma_start3A_444 = tpu.memref_slice %arg11[%dma_start3A_441, %dma_start3A_442, %dma_start3A_443] : memref<4x128x64xf32, #tpu.memory_space<vmem>> -> memref<1x128x64xf32, #tpu.memory_space<vmem>>
      %dma_start3A_445 = tpu.memref_squeeze %dma_start3A_444 : memref<1x128x64xf32, #tpu.memory_space<vmem>> -> memref<128x64xf32, #tpu.memory_space<vmem>>
      %dma_start3A_446 = arith.constant 0 : i32
      %dma_start3A_447 = tpu.memref_slice %arg10[%add3A_428, %dma_start3A_446] : memref<40x128xi32, #tpu.memory_space<vmem>> -> memref<1x128xi32, #tpu.memory_space<vmem>>
      %dma_start3A_448 = tpu.memref_squeeze %dma_start3A_447 : memref<1x128xi32, #tpu.memory_space<vmem>> -> memref<128xi32, #tpu.memory_space<vmem>>
      %dma_start3A_449 = arith.constant 0 : i32
      %dma_start3A_450 = arith.constant 0 : i32
      %dma_start3A_451 = tpu.memref_slice %arg8[%dma_start3A_449, %dma_start3A_450] : memref<10112x64xf32, #tpu.memory_space<vmem_shared>> -> memref<10112x64xf32, #tpu.memory_space<vmem_shared>>
      tpu.enqueue_indirect_dma source(%dma_start3A_445 : memref<128x64xf32, #tpu.memory_space<vmem>>) target(%dma_start3A_451 : memref<10112x64xf32, #tpu.memory_space<vmem_shared>>) offsets(%dma_start3A_448 : memref<128xi32, #tpu.memory_space<vmem>>) semaphore(%arg13 : memref<!tpu.dma_semaphore, #tpu.memory_space<semaphore_mem>>) {add = true}
      %ge3A_452 = arith.constant 2 : i32
      %ge3A_453 = arith.cmpi sge, %add3A_428, %ge3A_452 : i32
      %convert_element_type3A_454 = arith.extui %ge3A_453 : i1 to i32
      %cond3A_455 = arith.constant 0 : i32
      %cond3A_456 = arith.cmpi ne, %convert_element_type3A_454, %cond3A_455 : i32
      scf.if %cond3A_456 {
        %dma_wait3A_503 = arith.constant 0 : i32
        %dma_wait3A_504 = arith.constant 0 : i32
        %dma_wait3A_505 = arith.constant 0 : i32
        %dma_wait3A_506 = arith.constant 0 : i32
        %dma_wait3A_507 = tpu.memref_slice %arg11[%dma_wait3A_503, %dma_wait3A_505, %dma_wait3A_506] : memref<4x128x64xf32, #tpu.memory_space<vmem>> -> memref<1x128x64xf32, #tpu.memory_space<vmem>>
        %dma_wait3A_508 = tpu.memref_squeeze %dma_wait3A_507 : memref<1x128x64xf32, #tpu.memory_space<vmem>> -> memref<128x64xf32, #tpu.memory_space<vmem>>
        %dma_wait3A_509 = arith.constant 0 : i32
        %dma_wait3A_510 = tpu.memref_slice %arg10[%dma_wait3A_504, %dma_wait3A_509] : memref<40x128xi32, #tpu.memory_space<vmem>> -> memref<1x128xi32, #tpu.memory_space<vmem>>
        %dma_wait3A_511 = tpu.memref_squeeze %dma_wait3A_510 : memref<1x128xi32, #tpu.memory_space<vmem>> -> memref<128xi32, #tpu.memory_space<vmem>>
        %dma_wait3A_512 = arith.constant 0 : i32
        %dma_wait3A_513 = arith.constant 0 : i32
        %dma_wait3A_514 = tpu.memref_slice %arg8[%dma_wait3A_512, %dma_wait3A_513] : memref<10112x64xf32, #tpu.memory_space<vmem_shared>> -> memref<10112x64xf32, #tpu.memory_space<vmem_shared>>
        tpu.wait_indirect_dma semaphore(%arg13 : memref<!tpu.dma_semaphore, #tpu.memory_space<semaphore_mem>>) src(%dma_wait3A_508 : memref<128x64xf32, #tpu.memory_space<vmem>>) dst(%dma_wait3A_514 : memref<10112x64xf32, #tpu.memory_space<vmem_shared>>)
      } else {
      }
      %add3A_457 = arith.constant 2 : i32
      %add3A_458 = arith.addi %add3A_428, %add3A_457 : i32
      %lt3A_459 = arith.constant 40 : i32
      %lt3A_460 = arith.cmpi slt, %add3A_458, %lt3A_459 : i32
      %convert_element_type3A_461 = arith.extui %lt3A_460 : i1 to i32
      %cond3A_462 = arith.constant 0 : i32
      %cond3A_463 = arith.cmpi ne, %convert_element_type3A_461, %cond3A_462 : i32
      scf.if %cond3A_463 {
        %add3A_503 = arith.constant 2 : i32
        %add3A_504 = arith.addi %add3A_428, %add3A_503 : i32
        %dma_start3A_505 = arith.constant 0 : i32
        %dma_start3A_506 = arith.constant 0 : i32
        %dma_start3A_507 = arith.constant 0 : i32
        %dma_start3A_508 = tpu.memref_slice %arg11[%dma_start3A_505, %dma_start3A_506, %dma_start3A_507] : memref<4x128x64xf32, #tpu.memory_space<vmem>> -> memref<1x128x64xf32, #tpu.memory_space<vmem>>
        %dma_start3A_509 = tpu.memref_squeeze %dma_start3A_508 : memref<1x128x64xf32, #tpu.memory_space<vmem>> -> memref<128x64xf32, #tpu.memory_space<vmem>>
        %dma_start3A_510 = arith.constant 0 : i32
        %dma_start3A_511 = tpu.memref_slice %arg9[%add3A_504, %dma_start3A_510] : memref<40x128xi32, #tpu.memory_space<vmem>> -> memref<1x128xi32, #tpu.memory_space<vmem>>
        %dma_start3A_512 = tpu.memref_squeeze %dma_start3A_511 : memref<1x128xi32, #tpu.memory_space<vmem>> -> memref<128xi32, #tpu.memory_space<vmem>>
        %dma_start3A_513 = arith.constant 0 : i32
        %dma_start3A_514 = arith.constant 0 : i32
        %dma_start3A_515 = tpu.memref_slice %arg7[%dma_start3A_513, %dma_start3A_514] : memref<10112x64xf32, #tpu.memory_space<vmem_shared>> -> memref<10112x64xf32, #tpu.memory_space<vmem_shared>>
        tpu.enqueue_indirect_dma source(%dma_start3A_515 : memref<10112x64xf32, #tpu.memory_space<vmem_shared>>) target(%dma_start3A_509 : memref<128x64xf32, #tpu.memory_space<vmem>>) offsets(%dma_start3A_512 : memref<128xi32, #tpu.memory_space<vmem>>) semaphore(%arg12 : memref<!tpu.dma_semaphore, #tpu.memory_space<semaphore_mem>>)
      } else {
      }
      %mul3A_464 = arith.constant 4 : i32
      %mul3A_465 = arith.muli %scan3A_351, %mul3A_464 : i32
      %add3A_466 = arith.constant 3 : i32
      %add3A_467 = arith.addi %mul3A_465, %add3A_466 : i32
      %dma_wait3A_468 = arith.constant 0 : i32
      %dma_wait3A_469 = arith.constant 3 : i32
      %dma_wait3A_470 = arith.constant 0 : i32
      %dma_wait3A_471 = arith.constant 0 : i32
      %dma_wait3A_472 = tpu.memref_slice %arg11[%dma_wait3A_469, %dma_wait3A_470, %dma_wait3A_471] : memref<4x128x64xf32, #tpu.memory_space<vmem>> -> memref<1x128x64xf32, #tpu.memory_space<vmem>>
      %dma_wait3A_473 = tpu.memref_squeeze %dma_wait3A_472 : memref<1x128x64xf32, #tpu.memory_space<vmem>> -> memref<128x64xf32, #tpu.memory_space<vmem>>
      %dma_wait3A_474 = arith.constant 0 : i32
      %dma_wait3A_475 = tpu.memref_slice %arg9[%dma_wait3A_468, %dma_wait3A_474] : memref<40x128xi32, #tpu.memory_space<vmem>> -> memref<1x128xi32, #tpu.memory_space<vmem>>
      %dma_wait3A_476 = tpu.memref_squeeze %dma_wait3A_475 : memref<1x128xi32, #tpu.memory_space<vmem>> -> memref<128xi32, #tpu.memory_space<vmem>>
      %dma_wait3A_477 = arith.constant 0 : i32
      %dma_wait3A_478 = arith.constant 0 : i32
      %dma_wait3A_479 = tpu.memref_slice %arg7[%dma_wait3A_477, %dma_wait3A_478] : memref<10112x64xf32, #tpu.memory_space<vmem_shared>> -> memref<10112x64xf32, #tpu.memory_space<vmem_shared>>
      tpu.wait_indirect_dma semaphore(%arg12 : memref<!tpu.dma_semaphore, #tpu.memory_space<semaphore_mem>>) src(%dma_wait3A_479 : memref<10112x64xf32, #tpu.memory_space<vmem_shared>>) dst(%dma_wait3A_473 : memref<128x64xf32, #tpu.memory_space<vmem>>)
      %dma_start3A_480 = arith.constant 3 : i32
      %dma_start3A_481 = arith.constant 0 : i32
      %dma_start3A_482 = arith.constant 0 : i32
      %dma_start3A_483 = tpu.memref_slice %arg11[%dma_start3A_480, %dma_start3A_481, %dma_start3A_482] : memref<4x128x64xf32, #tpu.memory_space<vmem>> -> memref<1x128x64xf32, #tpu.memory_space<vmem>>
      %dma_start3A_484 = tpu.memref_squeeze %dma_start3A_483 : memref<1x128x64xf32, #tpu.memory_space<vmem>> -> memref<128x64xf32, #tpu.memory_space<vmem>>
      %dma_start3A_485 = arith.constant 0 : i32
      %dma_start3A_486 = tpu.memref_slice %arg10[%add3A_467, %dma_start3A_485] : memref<40x128xi32, #tpu.memory_space<vmem>> -> memref<1x128xi32, #tpu.memory_space<vmem>>
      %dma_start3A_487 = tpu.memref_squeeze %dma_start3A_486 : memref<1x128xi32, #tpu.memory_space<vmem>> -> memref<128xi32, #tpu.memory_space<vmem>>
      %dma_start3A_488 = arith.constant 0 : i32
      %dma_start3A_489 = arith.constant 0 : i32
      %dma_start3A_490 = tpu.memref_slice %arg8[%dma_start3A_488, %dma_start3A_489] : memref<10112x64xf32, #tpu.memory_space<vmem_shared>> -> memref<10112x64xf32, #tpu.memory_space<vmem_shared>>
      tpu.enqueue_indirect_dma source(%dma_start3A_484 : memref<128x64xf32, #tpu.memory_space<vmem>>) target(%dma_start3A_490 : memref<10112x64xf32, #tpu.memory_space<vmem_shared>>) offsets(%dma_start3A_487 : memref<128xi32, #tpu.memory_space<vmem>>) semaphore(%arg13 : memref<!tpu.dma_semaphore, #tpu.memory_space<semaphore_mem>>) {add = true}
      %ge3A_491 = arith.constant 2 : i32
      %ge3A_492 = arith.cmpi sge, %add3A_467, %ge3A_491 : i32
      %convert_element_type3A_493 = arith.extui %ge3A_492 : i1 to i32
      %cond3A_494 = arith.constant 0 : i32
      %cond3A_495 = arith.cmpi ne, %convert_element_type3A_493, %cond3A_494 : i32
      scf.if %cond3A_495 {
        %dma_wait3A_503 = arith.constant 1 : i32
        %dma_wait3A_504 = arith.constant 0 : i32
        %dma_wait3A_505 = arith.constant 0 : i32
        %dma_wait3A_506 = arith.constant 0 : i32
        %dma_wait3A_507 = tpu.memref_slice %arg11[%dma_wait3A_503, %dma_wait3A_505, %dma_wait3A_506] : memref<4x128x64xf32, #tpu.memory_space<vmem>> -> memref<1x128x64xf32, #tpu.memory_space<vmem>>
        %dma_wait3A_508 = tpu.memref_squeeze %dma_wait3A_507 : memref<1x128x64xf32, #tpu.memory_space<vmem>> -> memref<128x64xf32, #tpu.memory_space<vmem>>
        %dma_wait3A_509 = arith.constant 0 : i32
        %dma_wait3A_510 = tpu.memref_slice %arg10[%dma_wait3A_504, %dma_wait3A_509] : memref<40x128xi32, #tpu.memory_space<vmem>> -> memref<1x128xi32, #tpu.memory_space<vmem>>
        %dma_wait3A_511 = tpu.memref_squeeze %dma_wait3A_510 : memref<1x128xi32, #tpu.memory_space<vmem>> -> memref<128xi32, #tpu.memory_space<vmem>>
        %dma_wait3A_512 = arith.constant 0 : i32
        %dma_wait3A_513 = arith.constant 0 : i32
        %dma_wait3A_514 = tpu.memref_slice %arg8[%dma_wait3A_512, %dma_wait3A_513] : memref<10112x64xf32, #tpu.memory_space<vmem_shared>> -> memref<10112x64xf32, #tpu.memory_space<vmem_shared>>
        tpu.wait_indirect_dma semaphore(%arg13 : memref<!tpu.dma_semaphore, #tpu.memory_space<semaphore_mem>>) src(%dma_wait3A_508 : memref<128x64xf32, #tpu.memory_space<vmem>>) dst(%dma_wait3A_514 : memref<10112x64xf32, #tpu.memory_space<vmem_shared>>)
      } else {
      }
      %add3A_496 = arith.constant 2 : i32
      %add3A_497 = arith.addi %add3A_467, %add3A_496 : i32
      %lt3A_498 = arith.constant 40 : i32
      %lt3A_499 = arith.cmpi slt, %add3A_497, %lt3A_498 : i32
      %convert_element_type3A_500 = arith.extui %lt3A_499 : i1 to i32
      %cond3A_501 = arith.constant 0 : i32
      %cond3A_502 = arith.cmpi ne, %convert_element_type3A_500, %cond3A_501 : i32
      scf.if %cond3A_502 {
        %add3A_503 = arith.constant 2 : i32
        %add3A_504 = arith.addi %add3A_467, %add3A_503 : i32
        %dma_start3A_505 = arith.constant 1 : i32
        %dma_start3A_506 = arith.constant 0 : i32
        %dma_start3A_507 = arith.constant 0 : i32
        %dma_start3A_508 = tpu.memref_slice %arg11[%dma_start3A_505, %dma_start3A_506, %dma_start3A_507] : memref<4x128x64xf32, #tpu.memory_space<vmem>> -> memref<1x128x64xf32, #tpu.memory_space<vmem>>
        %dma_start3A_509 = tpu.memref_squeeze %dma_start3A_508 : memref<1x128x64xf32, #tpu.memory_space<vmem>> -> memref<128x64xf32, #tpu.memory_space<vmem>>
        %dma_start3A_510 = arith.constant 0 : i32
        %dma_start3A_511 = tpu.memref_slice %arg9[%add3A_504, %dma_start3A_510] : memref<40x128xi32, #tpu.memory_space<vmem>> -> memref<1x128xi32, #tpu.memory_space<vmem>>
        %dma_start3A_512 = tpu.memref_squeeze %dma_start3A_511 : memref<1x128xi32, #tpu.memory_space<vmem>> -> memref<128xi32, #tpu.memory_space<vmem>>
        %dma_start3A_513 = arith.constant 0 : i32
        %dma_start3A_514 = arith.constant 0 : i32
        %dma_start3A_515 = tpu.memref_slice %arg7[%dma_start3A_513, %dma_start3A_514] : memref<10112x64xf32, #tpu.memory_space<vmem_shared>> -> memref<10112x64xf32, #tpu.memory_space<vmem_shared>>
        tpu.enqueue_indirect_dma source(%dma_start3A_515 : memref<10112x64xf32, #tpu.memory_space<vmem_shared>>) target(%dma_start3A_509 : memref<128x64xf32, #tpu.memory_space<vmem>>) offsets(%dma_start3A_512 : memref<128xi32, #tpu.memory_space<vmem>>) semaphore(%arg12 : memref<!tpu.dma_semaphore, #tpu.memory_space<semaphore_mem>>)
      } else {
      }
    }
    %scan3A_235 = arith.constant 10 : i32
    %dma_wait3A_236 = arith.constant 0 : i32
    %dma_wait3A_237 = arith.constant 0 : i32
    %dma_wait3A_238 = arith.constant 0 : i32
    %dma_wait3A_239 = arith.constant 0 : i32
    %dma_wait3A_240 = tpu.memref_slice %arg11[%dma_wait3A_236, %dma_wait3A_238, %dma_wait3A_239] : memref<4x128x64xf32, #tpu.memory_space<vmem>> -> memref<1x128x64xf32, #tpu.memory_space<vmem>>
    %dma_wait3A_241 = tpu.memref_squeeze %dma_wait3A_240 : memref<1x128x64xf32, #tpu.memory_space<vmem>> -> memref<128x64xf32, #tpu.memory_space<vmem>>
    %dma_wait3A_242 = arith.constant 0 : i32
    %dma_wait3A_243 = tpu.memref_slice %arg10[%dma_wait3A_237, %dma_wait3A_242] : memref<40x128xi32, #tpu.memory_space<vmem>> -> memref<1x128xi32, #tpu.memory_space<vmem>>
    %dma_wait3A_244 = tpu.memref_squeeze %dma_wait3A_243 : memref<1x128xi32, #tpu.memory_space<vmem>> -> memref<128xi32, #tpu.memory_space<vmem>>
    %dma_wait3A_245 = arith.constant 0 : i32
    %dma_wait3A_246 = arith.constant 0 : i32
    %dma_wait3A_247 = tpu.memref_slice %arg8[%dma_wait3A_245, %dma_wait3A_246] : memref<10112x64xf32, #tpu.memory_space<vmem_shared>> -> memref<10112x64xf32, #tpu.memory_space<vmem_shared>>
    tpu.wait_indirect_dma semaphore(%arg13 : memref<!tpu.dma_semaphore, #tpu.memory_space<semaphore_mem>>) src(%dma_wait3A_241 : memref<128x64xf32, #tpu.memory_space<vmem>>) dst(%dma_wait3A_247 : memref<10112x64xf32, #tpu.memory_space<vmem_shared>>)
    %dma_wait3A_248 = arith.constant 1 : i32
    %dma_wait3A_249 = arith.constant 0 : i32
    %dma_wait3A_250 = arith.constant 0 : i32
    %dma_wait3A_251 = arith.constant 0 : i32
    %dma_wait3A_252 = tpu.memref_slice %arg11[%dma_wait3A_248, %dma_wait3A_250, %dma_wait3A_251] : memref<4x128x64xf32, #tpu.memory_space<vmem>> -> memref<1x128x64xf32, #tpu.memory_space<vmem>>
    %dma_wait3A_253 = tpu.memref_squeeze %dma_wait3A_252 : memref<1x128x64xf32, #tpu.memory_space<vmem>> -> memref<128x64xf32, #tpu.memory_space<vmem>>
    %dma_wait3A_254 = arith.constant 0 : i32
    %dma_wait3A_255 = tpu.memref_slice %arg10[%dma_wait3A_249, %dma_wait3A_254] : memref<40x128xi32, #tpu.memory_space<vmem>> -> memref<1x128xi32, #tpu.memory_space<vmem>>
    %dma_wait3A_256 = tpu.memref_squeeze %dma_wait3A_255 : memref<1x128xi32, #tpu.memory_space<vmem>> -> memref<128xi32, #tpu.memory_space<vmem>>
    %dma_wait3A_257 = arith.constant 0 : i32
    %dma_wait3A_258 = arith.constant 0 : i32
    %dma_wait3A_259 = tpu.memref_slice %arg8[%dma_wait3A_257, %dma_wait3A_258] : memref<10112x64xf32, #tpu.memory_space<vmem_shared>> -> memref<10112x64xf32, #tpu.memory_space<vmem_shared>>
    tpu.wait_indirect_dma semaphore(%arg13 : memref<!tpu.dma_semaphore, #tpu.memory_space<semaphore_mem>>) src(%dma_wait3A_253 : memref<128x64xf32, #tpu.memory_space<vmem>>) dst(%dma_wait3A_259 : memref<10112x64xf32, #tpu.memory_space<vmem_shared>>)
    %dma_start3A_260 = arith.constant 120 : i32
    %dma_start3A_261 = arith.constant 0 : i32
    %dma_start3A_262 = tpu.memref_slice %arg3[%arg1, %dma_start3A_260, %dma_start3A_261] : memref<16x160x128xi32, #tpu.memory_space<hbm>> -> memref<1x40x128xi32, #tpu.memory_space<hbm>>
    %dma_start3A_263 = tpu.memref_squeeze %dma_start3A_262 : memref<1x40x128xi32, #tpu.memory_space<hbm>> -> memref<40x128xi32, #tpu.memory_space<hbm>>
    %dma_start3A_264 = arith.constant 120 : i32
    %dma_start3A_265 = arith.constant 0 : i32
    %dma_start3A_266 = tpu.memref_slice %arg3[%arg1, %dma_start3A_264, %dma_start3A_265] : memref<16x160x128xi32, #tpu.memory_space<hbm>> -> memref<1x40x128xi32, #tpu.memory_space<hbm>>
    %dma_start3A_267 = tpu.memref_squeeze %dma_start3A_266 : memref<1x40x128xi32, #tpu.memory_space<hbm>> -> memref<40x128xi32, #tpu.memory_space<hbm>>
    tpu.enqueue_dma source(%dma_start3A_267 : memref<40x128xi32, #tpu.memory_space<hbm>>) target(%arg9 : memref<40x128xi32, #tpu.memory_space<vmem>>) target_semaphore(%arg12 : memref<!tpu.dma_semaphore, #tpu.memory_space<semaphore_mem>>)
    %dma_start3A_268 = arith.constant 120 : i32
    %dma_start3A_269 = arith.constant 0 : i32
    %dma_start3A_270 = tpu.memref_slice %arg4[%arg1, %dma_start3A_268, %dma_start3A_269] : memref<16x160x128xi32, #tpu.memory_space<hbm>> -> memref<1x40x128xi32, #tpu.memory_space<hbm>>
    %dma_start3A_271 = tpu.memref_squeeze %dma_start3A_270 : memref<1x40x128xi32, #tpu.memory_space<hbm>> -> memref<40x128xi32, #tpu.memory_space<hbm>>
    %dma_start3A_272 = arith.constant 120 : i32
    %dma_start3A_273 = arith.constant 0 : i32
    %dma_start3A_274 = tpu.memref_slice %arg4[%arg1, %dma_start3A_272, %dma_start3A_273] : memref<16x160x128xi32, #tpu.memory_space<hbm>> -> memref<1x40x128xi32, #tpu.memory_space<hbm>>
    %dma_start3A_275 = tpu.memref_squeeze %dma_start3A_274 : memref<1x40x128xi32, #tpu.memory_space<hbm>> -> memref<40x128xi32, #tpu.memory_space<hbm>>
    tpu.enqueue_dma source(%dma_start3A_275 : memref<40x128xi32, #tpu.memory_space<hbm>>) target(%arg10 : memref<40x128xi32, #tpu.memory_space<vmem>>) target_semaphore(%arg12 : memref<!tpu.dma_semaphore, #tpu.memory_space<semaphore_mem>>)
    %dma_wait3A_276 = arith.constant 0 : i32
    %dma_wait3A_277 = arith.constant 0 : i32
    %dma_wait3A_278 = tpu.memref_slice %arg3[%arg1, %dma_wait3A_276, %dma_wait3A_277] : memref<16x160x128xi32, #tpu.memory_space<hbm>> -> memref<1x40x128xi32, #tpu.memory_space<hbm>>
    %dma_wait3A_279 = tpu.memref_squeeze %dma_wait3A_278 : memref<1x40x128xi32, #tpu.memory_space<hbm>> -> memref<40x128xi32, #tpu.memory_space<hbm>>
    %dma_wait3A_280 = arith.constant 0 : i32
    %dma_wait3A_281 = arith.constant 0 : i32
    %dma_wait3A_282 = tpu.memref_slice %arg3[%arg1, %dma_wait3A_280, %dma_wait3A_281] : memref<16x160x128xi32, #tpu.memory_space<hbm>> -> memref<1x40x128xi32, #tpu.memory_space<hbm>>
    %dma_wait3A_283 = tpu.memref_squeeze %dma_wait3A_282 : memref<1x40x128xi32, #tpu.memory_space<hbm>> -> memref<40x128xi32, #tpu.memory_space<hbm>>
    tpu.wait_dma2 semaphore(%arg12 : memref<!tpu.dma_semaphore, #tpu.memory_space<semaphore_mem>>) src(%dma_wait3A_283 : memref<40x128xi32, #tpu.memory_space<hbm>>) dst(%arg9 : memref<40x128xi32, #tpu.memory_space<vmem>>)
    %dma_wait3A_284 = arith.constant 0 : i32
    %dma_wait3A_285 = arith.constant 0 : i32
    %dma_wait3A_286 = tpu.memref_slice %arg4[%arg1, %dma_wait3A_284, %dma_wait3A_285] : memref<16x160x128xi32, #tpu.memory_space<hbm>> -> memref<1x40x128xi32, #tpu.memory_space<hbm>>
    %dma_wait3A_287 = tpu.memref_squeeze %dma_wait3A_286 : memref<1x40x128xi32, #tpu.memory_space<hbm>> -> memref<40x128xi32, #tpu.memory_space<hbm>>
    %dma_wait3A_288 = arith.constant 0 : i32
    %dma_wait3A_289 = arith.constant 0 : i32
    %dma_wait3A_290 = tpu.memref_slice %arg4[%arg1, %dma_wait3A_288, %dma_wait3A_289] : memref<16x160x128xi32, #tpu.memory_space<hbm>> -> memref<1x40x128xi32, #tpu.memory_space<hbm>>
    %dma_wait3A_291 = tpu.memref_squeeze %dma_wait3A_290 : memref<1x40x128xi32, #tpu.memory_space<hbm>> -> memref<40x128xi32, #tpu.memory_space<hbm>>
    tpu.wait_dma2 semaphore(%arg12 : memref<!tpu.dma_semaphore, #tpu.memory_space<semaphore_mem>>) src(%dma_wait3A_291 : memref<40x128xi32, #tpu.memory_space<hbm>>) dst(%arg10 : memref<40x128xi32, #tpu.memory_space<vmem>>)
    %dma_start3A_292 = arith.constant 0 : i32
    %dma_start3A_293 = arith.constant 0 : i32
    %dma_start3A_294 = arith.constant 0 : i32
    %dma_start3A_295 = arith.constant 0 : i32
    %dma_start3A_296 = tpu.memref_slice %arg11[%dma_start3A_293, %dma_start3A_294, %dma_start3A_295] : memref<4x128x64xf32, #tpu.memory_space<vmem>> -> memref<1x128x64xf32, #tpu.memory_space<vmem>>
    %dma_start3A_297 = tpu.memref_squeeze %dma_start3A_296 : memref<1x128x64xf32, #tpu.memory_space<vmem>> -> memref<128x64xf32, #tpu.memory_space<vmem>>
    %dma_start3A_298 = arith.constant 0 : i32
    %dma_start3A_299 = tpu.memref_slice %arg9[%dma_start3A_292, %dma_start3A_298] : memref<40x128xi32, #tpu.memory_space<vmem>> -> memref<1x128xi32, #tpu.memory_space<vmem>>
    %dma_start3A_300 = tpu.memref_squeeze %dma_start3A_299 : memref<1x128xi32, #tpu.memory_space<vmem>> -> memref<128xi32, #tpu.memory_space<vmem>>
    %dma_start3A_301 = arith.constant 0 : i32
    %dma_start3A_302 = arith.constant 0 : i32
    %dma_start3A_303 = tpu.memref_slice %arg7[%dma_start3A_301, %dma_start3A_302] : memref<10112x64xf32, #tpu.memory_space<vmem_shared>> -> memref<10112x64xf32, #tpu.memory_space<vmem_shared>>
    tpu.enqueue_indirect_dma source(%dma_start3A_303 : memref<10112x64xf32, #tpu.memory_space<vmem_shared>>) target(%dma_start3A_297 : memref<128x64xf32, #tpu.memory_space<vmem>>) offsets(%dma_start3A_300 : memref<128xi32, #tpu.memory_space<vmem>>) semaphore(%arg12 : memref<!tpu.dma_semaphore, #tpu.memory_space<semaphore_mem>>)
    %dma_start3A_304 = arith.constant 1 : i32
    %dma_start3A_305 = arith.constant 1 : i32
    %dma_start3A_306 = arith.constant 0 : i32
    %dma_start3A_307 = arith.constant 0 : i32
    %dma_start3A_308 = tpu.memref_slice %arg11[%dma_start3A_305, %dma_start3A_306, %dma_start3A_307] : memref<4x128x64xf32, #tpu.memory_space<vmem>> -> memref<1x128x64xf32, #tpu.memory_space<vmem>>
    %dma_start3A_309 = tpu.memref_squeeze %dma_start3A_308 : memref<1x128x64xf32, #tpu.memory_space<vmem>> -> memref<128x64xf32, #tpu.memory_space<vmem>>
    %dma_start3A_310 = arith.constant 0 : i32
    %dma_start3A_311 = tpu.memref_slice %arg9[%dma_start3A_304, %dma_start3A_310] : memref<40x128xi32, #tpu.memory_space<vmem>> -> memref<1x128xi32, #tpu.memory_space<vmem>>
    %dma_start3A_312 = tpu.memref_squeeze %dma_start3A_311 : memref<1x128xi32, #tpu.memory_space<vmem>> -> memref<128xi32, #tpu.memory_space<vmem>>
    %dma_start3A_313 = arith.constant 0 : i32
    %dma_start3A_314 = arith.constant 0 : i32
    %dma_start3A_315 = tpu.memref_slice %arg7[%dma_start3A_313, %dma_start3A_314] : memref<10112x64xf32, #tpu.memory_space<vmem_shared>> -> memref<10112x64xf32, #tpu.memory_space<vmem_shared>>
    tpu.enqueue_indirect_dma source(%dma_start3A_315 : memref<10112x64xf32, #tpu.memory_space<vmem_shared>>) target(%dma_start3A_309 : memref<128x64xf32, #tpu.memory_space<vmem>>) offsets(%dma_start3A_312 : memref<128xi32, #tpu.memory_space<vmem>>) semaphore(%arg12 : memref<!tpu.dma_semaphore, #tpu.memory_space<semaphore_mem>>)
    %scan3A_316 = arith.constant 0 : i32
    %scan3A_317 = arith.constant 0 : i32
    %scan3A_318 = arith.constant 10 : i32
    %scan3A_319 = arith.addi %scan3A_317, %scan3A_318 : i32
    %scan3A_320 = arith.constant 1 : i32
    scf.for %scan3A_351 = %scan3A_317 to %scan3A_319 step %scan3A_320  : i32 {
      %mul3A_352 = arith.constant 4 : i32
      %mul3A_353 = arith.muli %scan3A_351, %mul3A_352 : i32
      %add3A = arith.constant 0 : i32
      %add3A_354 = arith.addi %mul3A_353, %add3A : i32
      %dma_wait3A_355 = arith.constant 0 : i32
      %dma_wait3A_356 = arith.constant 0 : i32
      %dma_wait3A_357 = arith.constant 0 : i32
      %dma_wait3A_358 = arith.constant 0 : i32
      %dma_wait3A_359 = tpu.memref_slice %arg11[%dma_wait3A_356, %dma_wait3A_357, %dma_wait3A_358] : memref<4x128x64xf32, #tpu.memory_space<vmem>> -> memref<1x128x64xf32, #tpu.memory_space<vmem>>
      %dma_wait3A_360 = tpu.memref_squeeze %dma_wait3A_359 : memref<1x128x64xf32, #tpu.memory_space<vmem>> -> memref<128x64xf32, #tpu.memory_space<vmem>>
      %dma_wait3A_361 = arith.constant 0 : i32
      %dma_wait3A_362 = tpu.memref_slice %arg9[%dma_wait3A_355, %dma_wait3A_361] : memref<40x128xi32, #tpu.memory_space<vmem>> -> memref<1x128xi32, #tpu.memory_space<vmem>>
      %dma_wait3A_363 = tpu.memref_squeeze %dma_wait3A_362 : memref<1x128xi32, #tpu.memory_space<vmem>> -> memref<128xi32, #tpu.memory_space<vmem>>
      %dma_wait3A_364 = arith.constant 0 : i32
      %dma_wait3A_365 = arith.constant 0 : i32
      %dma_wait3A_366 = tpu.memref_slice %arg7[%dma_wait3A_364, %dma_wait3A_365] : memref<10112x64xf32, #tpu.memory_space<vmem_shared>> -> memref<10112x64xf32, #tpu.memory_space<vmem_shared>>
      tpu.wait_indirect_dma semaphore(%arg12 : memref<!tpu.dma_semaphore, #tpu.memory_space<semaphore_mem>>) src(%dma_wait3A_366 : memref<10112x64xf32, #tpu.memory_space<vmem_shared>>) dst(%dma_wait3A_360 : memref<128x64xf32, #tpu.memory_space<vmem>>)
      %dma_start3A_367 = arith.constant 0 : i32
      %dma_start3A_368 = arith.constant 0 : i32
      %dma_start3A_369 = arith.constant 0 : i32
      %dma_start3A_370 = tpu.memref_slice %arg11[%dma_start3A_367, %dma_start3A_368, %dma_start3A_369] : memref<4x128x64xf32, #tpu.memory_space<vmem>> -> memref<1x128x64xf32, #tpu.memory_space<vmem>>
      %dma_start3A_371 = tpu.memref_squeeze %dma_start3A_370 : memref<1x128x64xf32, #tpu.memory_space<vmem>> -> memref<128x64xf32, #tpu.memory_space<vmem>>
      %dma_start3A_372 = arith.constant 0 : i32
      %dma_start3A_373 = tpu.memref_slice %arg10[%add3A_354, %dma_start3A_372] : memref<40x128xi32, #tpu.memory_space<vmem>> -> memref<1x128xi32, #tpu.memory_space<vmem>>
      %dma_start3A_374 = tpu.memref_squeeze %dma_start3A_373 : memref<1x128xi32, #tpu.memory_space<vmem>> -> memref<128xi32, #tpu.memory_space<vmem>>
      %dma_start3A_375 = arith.constant 0 : i32
      %dma_start3A_376 = arith.constant 0 : i32
      %dma_start3A_377 = tpu.memref_slice %arg8[%dma_start3A_375, %dma_start3A_376] : memref<10112x64xf32, #tpu.memory_space<vmem_shared>> -> memref<10112x64xf32, #tpu.memory_space<vmem_shared>>
      tpu.enqueue_indirect_dma source(%dma_start3A_371 : memref<128x64xf32, #tpu.memory_space<vmem>>) target(%dma_start3A_377 : memref<10112x64xf32, #tpu.memory_space<vmem_shared>>) offsets(%dma_start3A_374 : memref<128xi32, #tpu.memory_space<vmem>>) semaphore(%arg13 : memref<!tpu.dma_semaphore, #tpu.memory_space<semaphore_mem>>) {add = true}
      %ge3A = arith.constant 2 : i32
      %ge3A_378 = arith.cmpi sge, %add3A_354, %ge3A : i32
      %convert_element_type3A = arith.extui %ge3A_378 : i1 to i32
      %cond3A = arith.constant 0 : i32
      %cond3A_379 = arith.cmpi ne, %convert_element_type3A, %cond3A : i32
      scf.if %cond3A_379 {
        %dma_wait3A_503 = arith.constant 2 : i32
        %dma_wait3A_504 = arith.constant 0 : i32
        %dma_wait3A_505 = arith.constant 0 : i32
        %dma_wait3A_506 = arith.constant 0 : i32
        %dma_wait3A_507 = tpu.memref_slice %arg11[%dma_wait3A_503, %dma_wait3A_505, %dma_wait3A_506] : memref<4x128x64xf32, #tpu.memory_space<vmem>> -> memref<1x128x64xf32, #tpu.memory_space<vmem>>
        %dma_wait3A_508 = tpu.memref_squeeze %dma_wait3A_507 : memref<1x128x64xf32, #tpu.memory_space<vmem>> -> memref<128x64xf32, #tpu.memory_space<vmem>>
        %dma_wait3A_509 = arith.constant 0 : i32
        %dma_wait3A_510 = tpu.memref_slice %arg10[%dma_wait3A_504, %dma_wait3A_509] : memref<40x128xi32, #tpu.memory_space<vmem>> -> memref<1x128xi32, #tpu.memory_space<vmem>>
        %dma_wait3A_511 = tpu.memref_squeeze %dma_wait3A_510 : memref<1x128xi32, #tpu.memory_space<vmem>> -> memref<128xi32, #tpu.memory_space<vmem>>
        %dma_wait3A_512 = arith.constant 0 : i32
        %dma_wait3A_513 = arith.constant 0 : i32
        %dma_wait3A_514 = tpu.memref_slice %arg8[%dma_wait3A_512, %dma_wait3A_513] : memref<10112x64xf32, #tpu.memory_space<vmem_shared>> -> memref<10112x64xf32, #tpu.memory_space<vmem_shared>>
        tpu.wait_indirect_dma semaphore(%arg13 : memref<!tpu.dma_semaphore, #tpu.memory_space<semaphore_mem>>) src(%dma_wait3A_508 : memref<128x64xf32, #tpu.memory_space<vmem>>) dst(%dma_wait3A_514 : memref<10112x64xf32, #tpu.memory_space<vmem_shared>>)
      } else {
      }
      %add3A_380 = arith.constant 2 : i32
      %add3A_381 = arith.addi %add3A_354, %add3A_380 : i32
      %lt3A = arith.constant 40 : i32
      %lt3A_382 = arith.cmpi slt, %add3A_381, %lt3A : i32
      %convert_element_type3A_383 = arith.extui %lt3A_382 : i1 to i32
      %cond3A_384 = arith.constant 0 : i32
      %cond3A_385 = arith.cmpi ne, %convert_element_type3A_383, %cond3A_384 : i32
      scf.if %cond3A_385 {
        %add3A_503 = arith.constant 2 : i32
        %add3A_504 = arith.addi %add3A_354, %add3A_503 : i32
        %dma_start3A_505 = arith.constant 2 : i32
        %dma_start3A_506 = arith.constant 0 : i32
        %dma_start3A_507 = arith.constant 0 : i32
        %dma_start3A_508 = tpu.memref_slice %arg11[%dma_start3A_505, %dma_start3A_506, %dma_start3A_507] : memref<4x128x64xf32, #tpu.memory_space<vmem>> -> memref<1x128x64xf32, #tpu.memory_space<vmem>>
        %dma_start3A_509 = tpu.memref_squeeze %dma_start3A_508 : memref<1x128x64xf32, #tpu.memory_space<vmem>> -> memref<128x64xf32, #tpu.memory_space<vmem>>
        %dma_start3A_510 = arith.constant 0 : i32
        %dma_start3A_511 = tpu.memref_slice %arg9[%add3A_504, %dma_start3A_510] : memref<40x128xi32, #tpu.memory_space<vmem>> -> memref<1x128xi32, #tpu.memory_space<vmem>>
        %dma_start3A_512 = tpu.memref_squeeze %dma_start3A_511 : memref<1x128xi32, #tpu.memory_space<vmem>> -> memref<128xi32, #tpu.memory_space<vmem>>
        %dma_start3A_513 = arith.constant 0 : i32
        %dma_start3A_514 = arith.constant 0 : i32
        %dma_start3A_515 = tpu.memref_slice %arg7[%dma_start3A_513, %dma_start3A_514] : memref<10112x64xf32, #tpu.memory_space<vmem_shared>> -> memref<10112x64xf32, #tpu.memory_space<vmem_shared>>
        tpu.enqueue_indirect_dma source(%dma_start3A_515 : memref<10112x64xf32, #tpu.memory_space<vmem_shared>>) target(%dma_start3A_509 : memref<128x64xf32, #tpu.memory_space<vmem>>) offsets(%dma_start3A_512 : memref<128xi32, #tpu.memory_space<vmem>>) semaphore(%arg12 : memref<!tpu.dma_semaphore, #tpu.memory_space<semaphore_mem>>)
      } else {
      }
      %mul3A_386 = arith.constant 4 : i32
      %mul3A_387 = arith.muli %scan3A_351, %mul3A_386 : i32
      %add3A_388 = arith.constant 1 : i32
      %add3A_389 = arith.addi %mul3A_387, %add3A_388 : i32
      %dma_wait3A_390 = arith.constant 0 : i32
      %dma_wait3A_391 = arith.constant 1 : i32
      %dma_wait3A_392 = arith.constant 0 : i32
      %dma_wait3A_393 = arith.constant 0 : i32
      %dma_wait3A_394 = tpu.memref_slice %arg11[%dma_wait3A_391, %dma_wait3A_392, %dma_wait3A_393] : memref<4x128x64xf32, #tpu.memory_space<vmem>> -> memref<1x128x64xf32, #tpu.memory_space<vmem>>
      %dma_wait3A_395 = tpu.memref_squeeze %dma_wait3A_394 : memref<1x128x64xf32, #tpu.memory_space<vmem>> -> memref<128x64xf32, #tpu.memory_space<vmem>>
      %dma_wait3A_396 = arith.constant 0 : i32
      %dma_wait3A_397 = tpu.memref_slice %arg9[%dma_wait3A_390, %dma_wait3A_396] : memref<40x128xi32, #tpu.memory_space<vmem>> -> memref<1x128xi32, #tpu.memory_space<vmem>>
      %dma_wait3A_398 = tpu.memref_squeeze %dma_wait3A_397 : memref<1x128xi32, #tpu.memory_space<vmem>> -> memref<128xi32, #tpu.memory_space<vmem>>
      %dma_wait3A_399 = arith.constant 0 : i32
      %dma_wait3A_400 = arith.constant 0 : i32
      %dma_wait3A_401 = tpu.memref_slice %arg7[%dma_wait3A_399, %dma_wait3A_400] : memref<10112x64xf32, #tpu.memory_space<vmem_shared>> -> memref<10112x64xf32, #tpu.memory_space<vmem_shared>>
      tpu.wait_indirect_dma semaphore(%arg12 : memref<!tpu.dma_semaphore, #tpu.memory_space<semaphore_mem>>) src(%dma_wait3A_401 : memref<10112x64xf32, #tpu.memory_space<vmem_shared>>) dst(%dma_wait3A_395 : memref<128x64xf32, #tpu.memory_space<vmem>>)
      %dma_start3A_402 = arith.constant 1 : i32
      %dma_start3A_403 = arith.constant 0 : i32
      %dma_start3A_404 = arith.constant 0 : i32
      %dma_start3A_405 = tpu.memref_slice %arg11[%dma_start3A_402, %dma_start3A_403, %dma_start3A_404] : memref<4x128x64xf32, #tpu.memory_space<vmem>> -> memref<1x128x64xf32, #tpu.memory_space<vmem>>
      %dma_start3A_406 = tpu.memref_squeeze %dma_start3A_405 : memref<1x128x64xf32, #tpu.memory_space<vmem>> -> memref<128x64xf32, #tpu.memory_space<vmem>>
      %dma_start3A_407 = arith.constant 0 : i32
      %dma_start3A_408 = tpu.memref_slice %arg10[%add3A_389, %dma_start3A_407] : memref<40x128xi32, #tpu.memory_space<vmem>> -> memref<1x128xi32, #tpu.memory_space<vmem>>
      %dma_start3A_409 = tpu.memref_squeeze %dma_start3A_408 : memref<1x128xi32, #tpu.memory_space<vmem>> -> memref<128xi32, #tpu.memory_space<vmem>>
      %dma_start3A_410 = arith.constant 0 : i32
      %dma_start3A_411 = arith.constant 0 : i32
      %dma_start3A_412 = tpu.memref_slice %arg8[%dma_start3A_410, %dma_start3A_411] : memref<10112x64xf32, #tpu.memory_space<vmem_shared>> -> memref<10112x64xf32, #tpu.memory_space<vmem_shared>>
      tpu.enqueue_indirect_dma source(%dma_start3A_406 : memref<128x64xf32, #tpu.memory_space<vmem>>) target(%dma_start3A_412 : memref<10112x64xf32, #tpu.memory_space<vmem_shared>>) offsets(%dma_start3A_409 : memref<128xi32, #tpu.memory_space<vmem>>) semaphore(%arg13 : memref<!tpu.dma_semaphore, #tpu.memory_space<semaphore_mem>>) {add = true}
      %ge3A_413 = arith.constant 2 : i32
      %ge3A_414 = arith.cmpi sge, %add3A_389, %ge3A_413 : i32
      %convert_element_type3A_415 = arith.extui %ge3A_414 : i1 to i32
      %cond3A_416 = arith.constant 0 : i32
      %cond3A_417 = arith.cmpi ne, %convert_element_type3A_415, %cond3A_416 : i32
      scf.if %cond3A_417 {
        %dma_wait3A_503 = arith.constant 3 : i32
        %dma_wait3A_504 = arith.constant 0 : i32
        %dma_wait3A_505 = arith.constant 0 : i32
        %dma_wait3A_506 = arith.constant 0 : i32
        %dma_wait3A_507 = tpu.memref_slice %arg11[%dma_wait3A_503, %dma_wait3A_505, %dma_wait3A_506] : memref<4x128x64xf32, #tpu.memory_space<vmem>> -> memref<1x128x64xf32, #tpu.memory_space<vmem>>
        %dma_wait3A_508 = tpu.memref_squeeze %dma_wait3A_507 : memref<1x128x64xf32, #tpu.memory_space<vmem>> -> memref<128x64xf32, #tpu.memory_space<vmem>>
        %dma_wait3A_509 = arith.constant 0 : i32
        %dma_wait3A_510 = tpu.memref_slice %arg10[%dma_wait3A_504, %dma_wait3A_509] : memref<40x128xi32, #tpu.memory_space<vmem>> -> memref<1x128xi32, #tpu.memory_space<vmem>>
        %dma_wait3A_511 = tpu.memref_squeeze %dma_wait3A_510 : memref<1x128xi32, #tpu.memory_space<vmem>> -> memref<128xi32, #tpu.memory_space<vmem>>
        %dma_wait3A_512 = arith.constant 0 : i32
        %dma_wait3A_513 = arith.constant 0 : i32
        %dma_wait3A_514 = tpu.memref_slice %arg8[%dma_wait3A_512, %dma_wait3A_513] : memref<10112x64xf32, #tpu.memory_space<vmem_shared>> -> memref<10112x64xf32, #tpu.memory_space<vmem_shared>>
        tpu.wait_indirect_dma semaphore(%arg13 : memref<!tpu.dma_semaphore, #tpu.memory_space<semaphore_mem>>) src(%dma_wait3A_508 : memref<128x64xf32, #tpu.memory_space<vmem>>) dst(%dma_wait3A_514 : memref<10112x64xf32, #tpu.memory_space<vmem_shared>>)
      } else {
      }
      %add3A_418 = arith.constant 2 : i32
      %add3A_419 = arith.addi %add3A_389, %add3A_418 : i32
      %lt3A_420 = arith.constant 40 : i32
      %lt3A_421 = arith.cmpi slt, %add3A_419, %lt3A_420 : i32
      %convert_element_type3A_422 = arith.extui %lt3A_421 : i1 to i32
      %cond3A_423 = arith.constant 0 : i32
      %cond3A_424 = arith.cmpi ne, %convert_element_type3A_422, %cond3A_423 : i32
      scf.if %cond3A_424 {
        %add3A_503 = arith.constant 2 : i32
        %add3A_504 = arith.addi %add3A_389, %add3A_503 : i32
        %dma_start3A_505 = arith.constant 3 : i32
        %dma_start3A_506 = arith.constant 0 : i32
        %dma_start3A_507 = arith.constant 0 : i32
        %dma_start3A_508 = tpu.memref_slice %arg11[%dma_start3A_505, %dma_start3A_506, %dma_start3A_507] : memref<4x128x64xf32, #tpu.memory_space<vmem>> -> memref<1x128x64xf32, #tpu.memory_space<vmem>>
        %dma_start3A_509 = tpu.memref_squeeze %dma_start3A_508 : memref<1x128x64xf32, #tpu.memory_space<vmem>> -> memref<128x64xf32, #tpu.memory_space<vmem>>
        %dma_start3A_510 = arith.constant 0 : i32
        %dma_start3A_511 = tpu.memref_slice %arg9[%add3A_504, %dma_start3A_510] : memref<40x128xi32, #tpu.memory_space<vmem>> -> memref<1x128xi32, #tpu.memory_space<vmem>>
        %dma_start3A_512 = tpu.memref_squeeze %dma_start3A_511 : memref<1x128xi32, #tpu.memory_space<vmem>> -> memref<128xi32, #tpu.memory_space<vmem>>
        %dma_start3A_513 = arith.constant 0 : i32
        %dma_start3A_514 = arith.constant 0 : i32
        %dma_start3A_515 = tpu.memref_slice %arg7[%dma_start3A_513, %dma_start3A_514] : memref<10112x64xf32, #tpu.memory_space<vmem_shared>> -> memref<10112x64xf32, #tpu.memory_space<vmem_shared>>
        tpu.enqueue_indirect_dma source(%dma_start3A_515 : memref<10112x64xf32, #tpu.memory_space<vmem_shared>>) target(%dma_start3A_509 : memref<128x64xf32, #tpu.memory_space<vmem>>) offsets(%dma_start3A_512 : memref<128xi32, #tpu.memory_space<vmem>>) semaphore(%arg12 : memref<!tpu.dma_semaphore, #tpu.memory_space<semaphore_mem>>)
      } else {
      }
      %mul3A_425 = arith.constant 4 : i32
      %mul3A_426 = arith.muli %scan3A_351, %mul3A_425 : i32
      %add3A_427 = arith.constant 2 : i32
      %add3A_428 = arith.addi %mul3A_426, %add3A_427 : i32
      %dma_wait3A_429 = arith.constant 0 : i32
      %dma_wait3A_430 = arith.constant 2 : i32
      %dma_wait3A_431 = arith.constant 0 : i32
      %dma_wait3A_432 = arith.constant 0 : i32
      %dma_wait3A_433 = tpu.memref_slice %arg11[%dma_wait3A_430, %dma_wait3A_431, %dma_wait3A_432] : memref<4x128x64xf32, #tpu.memory_space<vmem>> -> memref<1x128x64xf32, #tpu.memory_space<vmem>>
      %dma_wait3A_434 = tpu.memref_squeeze %dma_wait3A_433 : memref<1x128x64xf32, #tpu.memory_space<vmem>> -> memref<128x64xf32, #tpu.memory_space<vmem>>
      %dma_wait3A_435 = arith.constant 0 : i32
      %dma_wait3A_436 = tpu.memref_slice %arg9[%dma_wait3A_429, %dma_wait3A_435] : memref<40x128xi32, #tpu.memory_space<vmem>> -> memref<1x128xi32, #tpu.memory_space<vmem>>
      %dma_wait3A_437 = tpu.memref_squeeze %dma_wait3A_436 : memref<1x128xi32, #tpu.memory_space<vmem>> -> memref<128xi32, #tpu.memory_space<vmem>>
      %dma_wait3A_438 = arith.constant 0 : i32
      %dma_wait3A_439 = arith.constant 0 : i32
      %dma_wait3A_440 = tpu.memref_slice %arg7[%dma_wait3A_438, %dma_wait3A_439] : memref<10112x64xf32, #tpu.memory_space<vmem_shared>> -> memref<10112x64xf32, #tpu.memory_space<vmem_shared>>
      tpu.wait_indirect_dma semaphore(%arg12 : memref<!tpu.dma_semaphore, #tpu.memory_space<semaphore_mem>>) src(%dma_wait3A_440 : memref<10112x64xf32, #tpu.memory_space<vmem_shared>>) dst(%dma_wait3A_434 : memref<128x64xf32, #tpu.memory_space<vmem>>)
      %dma_start3A_441 = arith.constant 2 : i32
      %dma_start3A_442 = arith.constant 0 : i32
      %dma_start3A_443 = arith.constant 0 : i32
      %dma_start3A_444 = tpu.memref_slice %arg11[%dma_start3A_441, %dma_start3A_442, %dma_start3A_443] : memref<4x128x64xf32, #tpu.memory_space<vmem>> -> memref<1x128x64xf32, #tpu.memory_space<vmem>>
      %dma_start3A_445 = tpu.memref_squeeze %dma_start3A_444 : memref<1x128x64xf32, #tpu.memory_space<vmem>> -> memref<128x64xf32, #tpu.memory_space<vmem>>
      %dma_start3A_446 = arith.constant 0 : i32
      %dma_start3A_447 = tpu.memref_slice %arg10[%add3A_428, %dma_start3A_446] : memref<40x128xi32, #tpu.memory_space<vmem>> -> memref<1x128xi32, #tpu.memory_space<vmem>>
      %dma_start3A_448 = tpu.memref_squeeze %dma_start3A_447 : memref<1x128xi32, #tpu.memory_space<vmem>> -> memref<128xi32, #tpu.memory_space<vmem>>
      %dma_start3A_449 = arith.constant 0 : i32
      %dma_start3A_450 = arith.constant 0 : i32
      %dma_start3A_451 = tpu.memref_slice %arg8[%dma_start3A_449, %dma_start3A_450] : memref<10112x64xf32, #tpu.memory_space<vmem_shared>> -> memref<10112x64xf32, #tpu.memory_space<vmem_shared>>
      tpu.enqueue_indirect_dma source(%dma_start3A_445 : memref<128x64xf32, #tpu.memory_space<vmem>>) target(%dma_start3A_451 : memref<10112x64xf32, #tpu.memory_space<vmem_shared>>) offsets(%dma_start3A_448 : memref<128xi32, #tpu.memory_space<vmem>>) semaphore(%arg13 : memref<!tpu.dma_semaphore, #tpu.memory_space<semaphore_mem>>) {add = true}
      %ge3A_452 = arith.constant 2 : i32
      %ge3A_453 = arith.cmpi sge, %add3A_428, %ge3A_452 : i32
      %convert_element_type3A_454 = arith.extui %ge3A_453 : i1 to i32
      %cond3A_455 = arith.constant 0 : i32
      %cond3A_456 = arith.cmpi ne, %convert_element_type3A_454, %cond3A_455 : i32
      scf.if %cond3A_456 {
        %dma_wait3A_503 = arith.constant 0 : i32
        %dma_wait3A_504 = arith.constant 0 : i32
        %dma_wait3A_505 = arith.constant 0 : i32
        %dma_wait3A_506 = arith.constant 0 : i32
        %dma_wait3A_507 = tpu.memref_slice %arg11[%dma_wait3A_503, %dma_wait3A_505, %dma_wait3A_506] : memref<4x128x64xf32, #tpu.memory_space<vmem>> -> memref<1x128x64xf32, #tpu.memory_space<vmem>>
        %dma_wait3A_508 = tpu.memref_squeeze %dma_wait3A_507 : memref<1x128x64xf32, #tpu.memory_space<vmem>> -> memref<128x64xf32, #tpu.memory_space<vmem>>
        %dma_wait3A_509 = arith.constant 0 : i32
        %dma_wait3A_510 = tpu.memref_slice %arg10[%dma_wait3A_504, %dma_wait3A_509] : memref<40x128xi32, #tpu.memory_space<vmem>> -> memref<1x128xi32, #tpu.memory_space<vmem>>
        %dma_wait3A_511 = tpu.memref_squeeze %dma_wait3A_510 : memref<1x128xi32, #tpu.memory_space<vmem>> -> memref<128xi32, #tpu.memory_space<vmem>>
        %dma_wait3A_512 = arith.constant 0 : i32
        %dma_wait3A_513 = arith.constant 0 : i32
        %dma_wait3A_514 = tpu.memref_slice %arg8[%dma_wait3A_512, %dma_wait3A_513] : memref<10112x64xf32, #tpu.memory_space<vmem_shared>> -> memref<10112x64xf32, #tpu.memory_space<vmem_shared>>
        tpu.wait_indirect_dma semaphore(%arg13 : memref<!tpu.dma_semaphore, #tpu.memory_space<semaphore_mem>>) src(%dma_wait3A_508 : memref<128x64xf32, #tpu.memory_space<vmem>>) dst(%dma_wait3A_514 : memref<10112x64xf32, #tpu.memory_space<vmem_shared>>)
      } else {
      }
      %add3A_457 = arith.constant 2 : i32
      %add3A_458 = arith.addi %add3A_428, %add3A_457 : i32
      %lt3A_459 = arith.constant 40 : i32
      %lt3A_460 = arith.cmpi slt, %add3A_458, %lt3A_459 : i32
      %convert_element_type3A_461 = arith.extui %lt3A_460 : i1 to i32
      %cond3A_462 = arith.constant 0 : i32
      %cond3A_463 = arith.cmpi ne, %convert_element_type3A_461, %cond3A_462 : i32
      scf.if %cond3A_463 {
        %add3A_503 = arith.constant 2 : i32
        %add3A_504 = arith.addi %add3A_428, %add3A_503 : i32
        %dma_start3A_505 = arith.constant 0 : i32
        %dma_start3A_506 = arith.constant 0 : i32
        %dma_start3A_507 = arith.constant 0 : i32
        %dma_start3A_508 = tpu.memref_slice %arg11[%dma_start3A_505, %dma_start3A_506, %dma_start3A_507] : memref<4x128x64xf32, #tpu.memory_space<vmem>> -> memref<1x128x64xf32, #tpu.memory_space<vmem>>
        %dma_start3A_509 = tpu.memref_squeeze %dma_start3A_508 : memref<1x128x64xf32, #tpu.memory_space<vmem>> -> memref<128x64xf32, #tpu.memory_space<vmem>>
        %dma_start3A_510 = arith.constant 0 : i32
        %dma_start3A_511 = tpu.memref_slice %arg9[%add3A_504, %dma_start3A_510] : memref<40x128xi32, #tpu.memory_space<vmem>> -> memref<1x128xi32, #tpu.memory_space<vmem>>
        %dma_start3A_512 = tpu.memref_squeeze %dma_start3A_511 : memref<1x128xi32, #tpu.memory_space<vmem>> -> memref<128xi32, #tpu.memory_space<vmem>>
        %dma_start3A_513 = arith.constant 0 : i32
        %dma_start3A_514 = arith.constant 0 : i32
        %dma_start3A_515 = tpu.memref_slice %arg7[%dma_start3A_513, %dma_start3A_514] : memref<10112x64xf32, #tpu.memory_space<vmem_shared>> -> memref<10112x64xf32, #tpu.memory_space<vmem_shared>>
        tpu.enqueue_indirect_dma source(%dma_start3A_515 : memref<10112x64xf32, #tpu.memory_space<vmem_shared>>) target(%dma_start3A_509 : memref<128x64xf32, #tpu.memory_space<vmem>>) offsets(%dma_start3A_512 : memref<128xi32, #tpu.memory_space<vmem>>) semaphore(%arg12 : memref<!tpu.dma_semaphore, #tpu.memory_space<semaphore_mem>>)
      } else {
      }
      %mul3A_464 = arith.constant 4 : i32
      %mul3A_465 = arith.muli %scan3A_351, %mul3A_464 : i32
      %add3A_466 = arith.constant 3 : i32
      %add3A_467 = arith.addi %mul3A_465, %add3A_466 : i32
      %dma_wait3A_468 = arith.constant 0 : i32
      %dma_wait3A_469 = arith.constant 3 : i32
      %dma_wait3A_470 = arith.constant 0 : i32
      %dma_wait3A_471 = arith.constant 0 : i32
      %dma_wait3A_472 = tpu.memref_slice %arg11[%dma_wait3A_469, %dma_wait3A_470, %dma_wait3A_471] : memref<4x128x64xf32, #tpu.memory_space<vmem>> -> memref<1x128x64xf32, #tpu.memory_space<vmem>>
      %dma_wait3A_473 = tpu.memref_squeeze %dma_wait3A_472 : memref<1x128x64xf32, #tpu.memory_space<vmem>> -> memref<128x64xf32, #tpu.memory_space<vmem>>
      %dma_wait3A_474 = arith.constant 0 : i32
      %dma_wait3A_475 = tpu.memref_slice %arg9[%dma_wait3A_468, %dma_wait3A_474] : memref<40x128xi32, #tpu.memory_space<vmem>> -> memref<1x128xi32, #tpu.memory_space<vmem>>
      %dma_wait3A_476 = tpu.memref_squeeze %dma_wait3A_475 : memref<1x128xi32, #tpu.memory_space<vmem>> -> memref<128xi32, #tpu.memory_space<vmem>>
      %dma_wait3A_477 = arith.constant 0 : i32
      %dma_wait3A_478 = arith.constant 0 : i32
      %dma_wait3A_479 = tpu.memref_slice %arg7[%dma_wait3A_477, %dma_wait3A_478] : memref<10112x64xf32, #tpu.memory_space<vmem_shared>> -> memref<10112x64xf32, #tpu.memory_space<vmem_shared>>
      tpu.wait_indirect_dma semaphore(%arg12 : memref<!tpu.dma_semaphore, #tpu.memory_space<semaphore_mem>>) src(%dma_wait3A_479 : memref<10112x64xf32, #tpu.memory_space<vmem_shared>>) dst(%dma_wait3A_473 : memref<128x64xf32, #tpu.memory_space<vmem>>)
      %dma_start3A_480 = arith.constant 3 : i32
      %dma_start3A_481 = arith.constant 0 : i32
      %dma_start3A_482 = arith.constant 0 : i32
      %dma_start3A_483 = tpu.memref_slice %arg11[%dma_start3A_480, %dma_start3A_481, %dma_start3A_482] : memref<4x128x64xf32, #tpu.memory_space<vmem>> -> memref<1x128x64xf32, #tpu.memory_space<vmem>>
      %dma_start3A_484 = tpu.memref_squeeze %dma_start3A_483 : memref<1x128x64xf32, #tpu.memory_space<vmem>> -> memref<128x64xf32, #tpu.memory_space<vmem>>
      %dma_start3A_485 = arith.constant 0 : i32
      %dma_start3A_486 = tpu.memref_slice %arg10[%add3A_467, %dma_start3A_485] : memref<40x128xi32, #tpu.memory_space<vmem>> -> memref<1x128xi32, #tpu.memory_space<vmem>>
      %dma_start3A_487 = tpu.memref_squeeze %dma_start3A_486 : memref<1x128xi32, #tpu.memory_space<vmem>> -> memref<128xi32, #tpu.memory_space<vmem>>
      %dma_start3A_488 = arith.constant 0 : i32
      %dma_start3A_489 = arith.constant 0 : i32
      %dma_start3A_490 = tpu.memref_slice %arg8[%dma_start3A_488, %dma_start3A_489] : memref<10112x64xf32, #tpu.memory_space<vmem_shared>> -> memref<10112x64xf32, #tpu.memory_space<vmem_shared>>
      tpu.enqueue_indirect_dma source(%dma_start3A_484 : memref<128x64xf32, #tpu.memory_space<vmem>>) target(%dma_start3A_490 : memref<10112x64xf32, #tpu.memory_space<vmem_shared>>) offsets(%dma_start3A_487 : memref<128xi32, #tpu.memory_space<vmem>>) semaphore(%arg13 : memref<!tpu.dma_semaphore, #tpu.memory_space<semaphore_mem>>) {add = true}
      %ge3A_491 = arith.constant 2 : i32
      %ge3A_492 = arith.cmpi sge, %add3A_467, %ge3A_491 : i32
      %convert_element_type3A_493 = arith.extui %ge3A_492 : i1 to i32
      %cond3A_494 = arith.constant 0 : i32
      %cond3A_495 = arith.cmpi ne, %convert_element_type3A_493, %cond3A_494 : i32
      scf.if %cond3A_495 {
        %dma_wait3A_503 = arith.constant 1 : i32
        %dma_wait3A_504 = arith.constant 0 : i32
        %dma_wait3A_505 = arith.constant 0 : i32
        %dma_wait3A_506 = arith.constant 0 : i32
        %dma_wait3A_507 = tpu.memref_slice %arg11[%dma_wait3A_503, %dma_wait3A_505, %dma_wait3A_506] : memref<4x128x64xf32, #tpu.memory_space<vmem>> -> memref<1x128x64xf32, #tpu.memory_space<vmem>>
        %dma_wait3A_508 = tpu.memref_squeeze %dma_wait3A_507 : memref<1x128x64xf32, #tpu.memory_space<vmem>> -> memref<128x64xf32, #tpu.memory_space<vmem>>
        %dma_wait3A_509 = arith.constant 0 : i32
        %dma_wait3A_510 = tpu.memref_slice %arg10[%dma_wait3A_504, %dma_wait3A_509] : memref<40x128xi32, #tpu.memory_space<vmem>> -> memref<1x128xi32, #tpu.memory_space<vmem>>
        %dma_wait3A_511 = tpu.memref_squeeze %dma_wait3A_510 : memref<1x128xi32, #tpu.memory_space<vmem>> -> memref<128xi32, #tpu.memory_space<vmem>>
        %dma_wait3A_512 = arith.constant 0 : i32
        %dma_wait3A_513 = arith.constant 0 : i32
        %dma_wait3A_514 = tpu.memref_slice %arg8[%dma_wait3A_512, %dma_wait3A_513] : memref<10112x64xf32, #tpu.memory_space<vmem_shared>> -> memref<10112x64xf32, #tpu.memory_space<vmem_shared>>
        tpu.wait_indirect_dma semaphore(%arg13 : memref<!tpu.dma_semaphore, #tpu.memory_space<semaphore_mem>>) src(%dma_wait3A_508 : memref<128x64xf32, #tpu.memory_space<vmem>>) dst(%dma_wait3A_514 : memref<10112x64xf32, #tpu.memory_space<vmem_shared>>)
      } else {
      }
      %add3A_496 = arith.constant 2 : i32
      %add3A_497 = arith.addi %add3A_467, %add3A_496 : i32
      %lt3A_498 = arith.constant 40 : i32
      %lt3A_499 = arith.cmpi slt, %add3A_497, %lt3A_498 : i32
      %convert_element_type3A_500 = arith.extui %lt3A_499 : i1 to i32
      %cond3A_501 = arith.constant 0 : i32
      %cond3A_502 = arith.cmpi ne, %convert_element_type3A_500, %cond3A_501 : i32
      scf.if %cond3A_502 {
        %add3A_503 = arith.constant 2 : i32
        %add3A_504 = arith.addi %add3A_467, %add3A_503 : i32
        %dma_start3A_505 = arith.constant 1 : i32
        %dma_start3A_506 = arith.constant 0 : i32
        %dma_start3A_507 = arith.constant 0 : i32
        %dma_start3A_508 = tpu.memref_slice %arg11[%dma_start3A_505, %dma_start3A_506, %dma_start3A_507] : memref<4x128x64xf32, #tpu.memory_space<vmem>> -> memref<1x128x64xf32, #tpu.memory_space<vmem>>
        %dma_start3A_509 = tpu.memref_squeeze %dma_start3A_508 : memref<1x128x64xf32, #tpu.memory_space<vmem>> -> memref<128x64xf32, #tpu.memory_space<vmem>>
        %dma_start3A_510 = arith.constant 0 : i32
        %dma_start3A_511 = tpu.memref_slice %arg9[%add3A_504, %dma_start3A_510] : memref<40x128xi32, #tpu.memory_space<vmem>> -> memref<1x128xi32, #tpu.memory_space<vmem>>
        %dma_start3A_512 = tpu.memref_squeeze %dma_start3A_511 : memref<1x128xi32, #tpu.memory_space<vmem>> -> memref<128xi32, #tpu.memory_space<vmem>>
        %dma_start3A_513 = arith.constant 0 : i32
        %dma_start3A_514 = arith.constant 0 : i32
        %dma_start3A_515 = tpu.memref_slice %arg7[%dma_start3A_513, %dma_start3A_514] : memref<10112x64xf32, #tpu.memory_space<vmem_shared>> -> memref<10112x64xf32, #tpu.memory_space<vmem_shared>>
        tpu.enqueue_indirect_dma source(%dma_start3A_515 : memref<10112x64xf32, #tpu.memory_space<vmem_shared>>) target(%dma_start3A_509 : memref<128x64xf32, #tpu.memory_space<vmem>>) offsets(%dma_start3A_512 : memref<128xi32, #tpu.memory_space<vmem>>) semaphore(%arg12 : memref<!tpu.dma_semaphore, #tpu.memory_space<semaphore_mem>>)
      } else {
      }
    }
    %scan3A_321 = arith.constant 10 : i32
    %dma_wait3A_322 = arith.constant 0 : i32
    %dma_wait3A_323 = arith.constant 0 : i32
    %dma_wait3A_324 = arith.constant 0 : i32
    %dma_wait3A_325 = arith.constant 0 : i32
    %dma_wait3A_326 = tpu.memref_slice %arg11[%dma_wait3A_322, %dma_wait3A_324, %dma_wait3A_325] : memref<4x128x64xf32, #tpu.memory_space<vmem>> -> memref<1x128x64xf32, #tpu.memory_space<vmem>>
    %dma_wait3A_327 = tpu.memref_squeeze %dma_wait3A_326 : memref<1x128x64xf32, #tpu.memory_space<vmem>> -> memref<128x64xf32, #tpu.memory_space<vmem>>
    %dma_wait3A_328 = arith.constant 0 : i32
    %dma_wait3A_329 = tpu.memref_slice %arg10[%dma_wait3A_323, %dma_wait3A_328] : memref<40x128xi32, #tpu.memory_space<vmem>> -> memref<1x128xi32, #tpu.memory_space<vmem>>
    %dma_wait3A_330 = tpu.memref_squeeze %dma_wait3A_329 : memref<1x128xi32, #tpu.memory_space<vmem>> -> memref<128xi32, #tpu.memory_space<vmem>>
    %dma_wait3A_331 = arith.constant 0 : i32
    %dma_wait3A_332 = arith.constant 0 : i32
    %dma_wait3A_333 = tpu.memref_slice %arg8[%dma_wait3A_331, %dma_wait3A_332] : memref<10112x64xf32, #tpu.memory_space<vmem_shared>> -> memref<10112x64xf32, #tpu.memory_space<vmem_shared>>
    tpu.wait_indirect_dma semaphore(%arg13 : memref<!tpu.dma_semaphore, #tpu.memory_space<semaphore_mem>>) src(%dma_wait3A_327 : memref<128x64xf32, #tpu.memory_space<vmem>>) dst(%dma_wait3A_333 : memref<10112x64xf32, #tpu.memory_space<vmem_shared>>)
    %dma_wait3A_334 = arith.constant 1 : i32
    %dma_wait3A_335 = arith.constant 0 : i32
    %dma_wait3A_336 = arith.constant 0 : i32
    %dma_wait3A_337 = arith.constant 0 : i32
    %dma_wait3A_338 = tpu.memref_slice %arg11[%dma_wait3A_334, %dma_wait3A_336, %dma_wait3A_337] : memref<4x128x64xf32, #tpu.memory_space<vmem>> -> memref<1x128x64xf32, #tpu.memory_space<vmem>>
    %dma_wait3A_339 = tpu.memref_squeeze %dma_wait3A_338 : memref<1x128x64xf32, #tpu.memory_space<vmem>> -> memref<128x64xf32, #tpu.memory_space<vmem>>
    %dma_wait3A_340 = arith.constant 0 : i32
    %dma_wait3A_341 = tpu.memref_slice %arg10[%dma_wait3A_335, %dma_wait3A_340] : memref<40x128xi32, #tpu.memory_space<vmem>> -> memref<1x128xi32, #tpu.memory_space<vmem>>
    %dma_wait3A_342 = tpu.memref_squeeze %dma_wait3A_341 : memref<1x128xi32, #tpu.memory_space<vmem>> -> memref<128xi32, #tpu.memory_space<vmem>>
    %dma_wait3A_343 = arith.constant 0 : i32
    %dma_wait3A_344 = arith.constant 0 : i32
    %dma_wait3A_345 = tpu.memref_slice %arg8[%dma_wait3A_343, %dma_wait3A_344] : memref<10112x64xf32, #tpu.memory_space<vmem_shared>> -> memref<10112x64xf32, #tpu.memory_space<vmem_shared>>
    tpu.wait_indirect_dma semaphore(%arg13 : memref<!tpu.dma_semaphore, #tpu.memory_space<semaphore_mem>>) src(%dma_wait3A_339 : memref<128x64xf32, #tpu.memory_space<vmem>>) dst(%dma_wait3A_345 : memref<10112x64xf32, #tpu.memory_space<vmem_shared>>)
    %barrier3A_346 = arith.constant 0 : index
    tpu.barrier barrier_id(%barrier3A_346)
    %mul3A_347 = arith.constant 632 : i32
    %mul3A_348 = arith.muli %arg1, %mul3A_347 : i32
    %mul3A_349 = arith.constant 632 : i32
    %mul3A_350 = arith.muli %arg1, %mul3A_349 : i32
    "tpu.region"() ({
      %run_scoped3A = tpu.sem_alloc : memref<!tpu.dma_semaphore, #tpu.memory_space<semaphore_mem>>
      %dma_start3A_351 = arith.constant 0 : i32
      %dma_start3A_352 = tpu.memref_slice %arg6[%arg0, %mul3A_350, %dma_start3A_351] : memref<2x10112x64xf32, #tpu.memory_space<hbm>> -> memref<1x632x64xf32, #tpu.memory_space<hbm>>
      %dma_start3A_353 = tpu.memref_squeeze %dma_start3A_352 : memref<1x632x64xf32, #tpu.memory_space<hbm>> -> memref<632x64xf32, #tpu.memory_space<hbm>>
      %dma_start3A_354 = arith.constant 0 : i32
      %dma_start3A_355 = tpu.memref_slice %arg8[%mul3A_348, %dma_start3A_354] : memref<10112x64xf32, #tpu.memory_space<vmem_shared>> -> memref<632x64xf32, #tpu.memory_space<vmem_shared>>
      tpu.enqueue_dma source(%dma_start3A_355 : memref<632x64xf32, #tpu.memory_space<vmem_shared>>) target(%dma_start3A_353 : memref<632x64xf32, #tpu.memory_space<hbm>>) target_semaphore(%run_scoped3A : memref<!tpu.dma_semaphore, #tpu.memory_space<semaphore_mem>>)
      %dma_wait3A_356 = arith.constant 0 : i32
      %dma_wait3A_357 = tpu.memref_slice %arg6[%arg0, %mul3A_350, %dma_wait3A_356] : memref<2x10112x64xf32, #tpu.memory_space<hbm>> -> memref<1x632x64xf32, #tpu.memory_space<hbm>>
      %dma_wait3A_358 = tpu.memref_squeeze %dma_wait3A_357 : memref<1x632x64xf32, #tpu.memory_space<hbm>> -> memref<632x64xf32, #tpu.memory_space<hbm>>
      %dma_wait3A_359 = arith.constant 0 : i32
      %dma_wait3A_360 = tpu.memref_slice %arg8[%mul3A_348, %dma_wait3A_359] : memref<10112x64xf32, #tpu.memory_space<vmem_shared>> -> memref<632x64xf32, #tpu.memory_space<vmem_shared>>
      tpu.wait_dma2 semaphore(%run_scoped3A : memref<!tpu.dma_semaphore, #tpu.memory_space<semaphore_mem>>) src(%dma_wait3A_360 : memref<632x64xf32, #tpu.memory_space<vmem_shared>>) dst(%dma_wait3A_358 : memref<632x64xf32, #tpu.memory_space<hbm>>)
      tpu.yield
    }) : () -> ()
    return
  }
}

module attributes {stable_mosaic.version = 14 : i64} {
  func.func @_mlp1_body(%arg0: i32, %arg1: memref<2000x128xf32, #tpu.memory_space<vmem>>, %arg2: memref<128x128xf32, #tpu.memory_space<vmem>>, %arg3: memref<1x128xf32, #tpu.memory_space<vmem>>, %arg4: memref<128x128xf32, #tpu.memory_space<vmem>>, %arg5: memref<1x128xf32, #tpu.memory_space<vmem>>, %arg6: memref<2x2000x64xf32, #tpu.memory_space<vmem>>) attributes {dimension_semantics = [#tpu.dimension_semantics<arbitrary>], iteration_bounds = array<i64: 5>, scalar_prefetch = 0 : i64, scratch_operands = 0 : i64, tpu.core_type = #tpu.core_type<tc>, window_params = [{transform_indices = @transform_0, window_bounds = array<i64: 2000, 128>}, {pipeline_mode = #tpu.pipeline_mode<synchronous>, transform_indices = @transform_1, window_bounds = array<i64: 128, 128>}, {pipeline_mode = #tpu.pipeline_mode<synchronous>, transform_indices = @transform_2, window_bounds = array<i64: 1, 128>}, {pipeline_mode = #tpu.pipeline_mode<synchronous>, transform_indices = @transform_3, window_bounds = array<i64: 128, 128>}, {pipeline_mode = #tpu.pipeline_mode<synchronous>, transform_indices = @transform_4, window_bounds = array<i64: 1, 128>}, {transform_indices = @transform_5, window_bounds = array<i64: 2, 2000, 64>}]} {
    %get3A = arith.constant 0 : index
    %get3A_0 = arith.constant 0 : index
    %get3A_1 = vector.load %arg1[%get3A, %get3A_0] : memref<2000x128xf32, #tpu.memory_space<vmem>>, vector<2000x128xf32>
    %get3A_2 = arith.constant 0 : index
    %get3A_3 = arith.constant 0 : index
    %get3A_4 = vector.load %arg2[%get3A_2, %get3A_3] : memref<128x128xf32, #tpu.memory_space<vmem>>, vector<128x128xf32>
    %dot_general3A = arith.constant dense<0.000000e+00> : vector<2000x128xf32>
    %dot_general3A_5 = tpu.matmul %get3A_1, %get3A_4, %dot_general3A {dimension_numbers = #tpu.dot_dimension_numbers<[1], [0], [0], [1], [0, 0, 1, 1], [], []>, transpose_lhs_hint = false} : vector<2000x128xf32>, vector<128x128xf32>, vector<2000x128xf32> -> vector<2000x128xf32>
    %get3A_6 = arith.constant 0 : index
    %get3A_7 = arith.constant 0 : index
    %get3A_8 = vector.load %arg3[%get3A_6, %get3A_7] : memref<1x128xf32, #tpu.memory_space<vmem>>, vector<1x128xf32>
    %add3A = vector.broadcast %get3A_8 : vector<1x128xf32> to vector<2000x128xf32>
    %add3A_9 = arith.addf %dot_general3A_5, %add3A : vector<2000x128xf32>
    %max3A = arith.constant 0.000000e+00 : f32
    %max3A_10 = vector.broadcast %max3A : f32 to vector<2000x128xf32>
    %max3A_11 = arith.maximumf %add3A_9, %max3A_10 : vector<2000x128xf32>
    %get3A_12 = arith.constant 0 : index
    %get3A_13 = arith.constant 0 : index
    %get3A_14 = vector.load %arg4[%get3A_12, %get3A_13] : memref<128x128xf32, #tpu.memory_space<vmem>>, vector<128x128xf32>
    %dot_general3A_15 = arith.constant dense<0.000000e+00> : vector<2000x128xf32>
    %dot_general3A_16 = tpu.matmul %max3A_11, %get3A_14, %dot_general3A_15 {dimension_numbers = #tpu.dot_dimension_numbers<[1], [0], [0], [1], [0, 0, 1, 1], [], []>, transpose_lhs_hint = false} : vector<2000x128xf32>, vector<128x128xf32>, vector<2000x128xf32> -> vector<2000x128xf32>
    %get3A_17 = arith.constant 0 : index
    %get3A_18 = arith.constant 0 : index
    %get3A_19 = vector.load %arg5[%get3A_17, %get3A_18] : memref<1x128xf32, #tpu.memory_space<vmem>>, vector<1x128xf32>
    %add3A_20 = vector.broadcast %get3A_19 : vector<1x128xf32> to vector<2000x128xf32>
    %add3A_21 = arith.addf %dot_general3A_16, %add3A_20 : vector<2000x128xf32>
    %slice3A = vector.extract_strided_slice %add3A_21 {offsets = [0, 0], sizes = [2000, 64], strides = [1, 1]} : vector<2000x128xf32> to vector<2000x64xf32>
    %swap3A = arith.constant 0 : index
    %swap3A_22 = arith.constant 0 : index
    %swap3A_23 = arith.constant 0 : index
    %swap3A_24 = vector.load %arg6[%swap3A, %swap3A_22, %swap3A_23] : memref<2x2000x64xf32, #tpu.memory_space<vmem>>, vector<1x2000x64xf32>
    %swap3A_25 = vector.shape_cast %swap3A_24 : vector<1x2000x64xf32> to vector<2000x64xf32>
    %swap3A_26 = vector.shape_cast %slice3A : vector<2000x64xf32> to vector<1x2000x64xf32>
    tpu.vector_store %arg6[%swap3A, %swap3A_22, %swap3A_23], %swap3A_26 {strides = array<i32>} : memref<2x2000x64xf32, #tpu.memory_space<vmem>>, vector<1x2000x64xf32>,
    %slice3A_27 = vector.extract_strided_slice %add3A_21 {offsets = [0, 64], sizes = [2000, 64], strides = [1, 1]} : vector<2000x128xf32> to vector<2000x64xf32>
    %swap3A_28 = arith.constant 1 : index
    %swap3A_29 = arith.constant 0 : index
    %swap3A_30 = arith.constant 0 : index
    %swap3A_31 = vector.load %arg6[%swap3A_28, %swap3A_29, %swap3A_30] : memref<2x2000x64xf32, #tpu.memory_space<vmem>>, vector<1x2000x64xf32>
    %swap3A_32 = vector.shape_cast %swap3A_31 : vector<1x2000x64xf32> to vector<2000x64xf32>
    %swap3A_33 = vector.shape_cast %slice3A_27 : vector<2000x64xf32> to vector<1x2000x64xf32>
    tpu.vector_store %arg6[%swap3A_28, %swap3A_29, %swap3A_30], %swap3A_33 {strides = array<i32>} : memref<2x2000x64xf32, #tpu.memory_space<vmem>>, vector<1x2000x64xf32>,
    return
  }
  func.func @transform_0(%arg0: i32) -> (i32, i32) {
    %c0_i32 = arith.constant 0 : i32
    %c0_i32_0 = arith.constant 0 : i32
    return %arg0, %c0_i32 : i32, i32
  }
  func.func @transform_1(%arg0: i32) -> (i32, i32) {
    %c0_i32 = arith.constant 0 : i32
    %c0_i32_0 = arith.constant 0 : i32
    %c0_i32_1 = arith.constant 0 : i32
    return %c0_i32, %c0_i32_0 : i32, i32
  }
  func.func @transform_2(%arg0: i32) -> (i32, i32) {
    %c0_i32 = arith.constant 0 : i32
    %c0_i32_0 = arith.constant 0 : i32
    %c0_i32_1 = arith.constant 0 : i32
    return %c0_i32, %c0_i32_0 : i32, i32
  }
  func.func @transform_3(%arg0: i32) -> (i32, i32) {
    %c0_i32 = arith.constant 0 : i32
    %c0_i32_0 = arith.constant 0 : i32
    %c0_i32_1 = arith.constant 0 : i32
    return %c0_i32, %c0_i32_0 : i32, i32
  }
  func.func @transform_4(%arg0: i32) -> (i32, i32) {
    %c0_i32 = arith.constant 0 : i32
    %c0_i32_0 = arith.constant 0 : i32
    %c0_i32_1 = arith.constant 0 : i32
    return %c0_i32, %c0_i32_0 : i32, i32
  }
  func.func @transform_5(%arg0: i32) -> (i32, i32, i32) {
    %c0_i32 = arith.constant 0 : i32
    %c0_i32_0 = arith.constant 0 : i32
    %c0_i32_1 = arith.constant 0 : i32
    return %c0_i32, %arg0, %c0_i32_0 : i32, i32, i32
  }
}

module attributes {stable_mosaic.version = 14 : i64} {
  func.func @_mlp2_body(%arg0: i32, %arg1: memref<2x2000x64xf32, #tpu.memory_space<vmem>>, %arg2: memref<2000x16xf32, #tpu.memory_space<vmem>>, %arg3: memref<128x128xf32, #tpu.memory_space<vmem>>, %arg4: memref<16x128xf32, #tpu.memory_space<vmem>>, %arg5: memref<1x128xf32, #tpu.memory_space<vmem>>, %arg6: memref<128x128xf32, #tpu.memory_space<vmem>>, %arg7: memref<1x128xf32, #tpu.memory_space<vmem>>, %arg8: memref<2x2000x64xf32, #tpu.memory_space<vmem>>) attributes {dimension_semantics = [#tpu.dimension_semantics<arbitrary>], iteration_bounds = array<i64: 5>, scalar_prefetch = 0 : i64, scratch_operands = 0 : i64, tpu.core_type = #tpu.core_type<tc>, window_params = [{transform_indices = @transform_0, window_bounds = array<i64: 2, 2000, 64>}, {transform_indices = @transform_1, window_bounds = array<i64: 2000, 16>}, {pipeline_mode = #tpu.pipeline_mode<synchronous>, transform_indices = @transform_2, window_bounds = array<i64: 128, 128>}, {pipeline_mode = #tpu.pipeline_mode<synchronous>, transform_indices = @transform_3, window_bounds = array<i64: 16, 128>}, {pipeline_mode = #tpu.pipeline_mode<synchronous>, transform_indices = @transform_4, window_bounds = array<i64: 1, 128>}, {pipeline_mode = #tpu.pipeline_mode<synchronous>, transform_indices = @transform_5, window_bounds = array<i64: 128, 128>}, {pipeline_mode = #tpu.pipeline_mode<synchronous>, transform_indices = @transform_6, window_bounds = array<i64: 1, 128>}, {transform_indices = @transform_7, window_bounds = array<i64: 2, 2000, 64>}]} {
    %get3A = arith.constant 0 : index
    %get3A_0 = arith.constant 0 : index
    %get3A_1 = arith.constant 0 : index
    %get3A_2 = vector.load %arg1[%get3A, %get3A_0, %get3A_1] : memref<2x2000x64xf32, #tpu.memory_space<vmem>>, vector<1x2000x64xf32>
    %get3A_3 = vector.shape_cast %get3A_2 : vector<1x2000x64xf32> to vector<2000x64xf32>
    %max3A = arith.constant 0.000000e+00 : f32
    %max3A_4 = vector.broadcast %max3A : f32 to vector<2000x64xf32>
    %max3A_5 = arith.maximumf %get3A_3, %max3A_4 : vector<2000x64xf32>
    %get3A_6 = arith.constant 1 : index
    %get3A_7 = arith.constant 0 : index
    %get3A_8 = arith.constant 0 : index
    %get3A_9 = vector.load %arg1[%get3A_6, %get3A_7, %get3A_8] : memref<2x2000x64xf32, #tpu.memory_space<vmem>>, vector<1x2000x64xf32>
    %get3A_10 = vector.shape_cast %get3A_9 : vector<1x2000x64xf32> to vector<2000x64xf32>
    %max3A_11 = arith.constant 0.000000e+00 : f32
    %max3A_12 = vector.broadcast %max3A_11 : f32 to vector<2000x64xf32>
    %max3A_13 = arith.maximumf %get3A_10, %max3A_12 : vector<2000x64xf32>
    %concatenate3A = tpu.concatenate %max3A_5, %max3A_13 in 1 : vector<2000x64xf32>, vector<2000x64xf32> -> vector<2000x128xf32>
    %get3A_14 = arith.constant 0 : index
    %get3A_15 = arith.constant 0 : index
    %get3A_16 = vector.load %arg3[%get3A_14, %get3A_15] : memref<128x128xf32, #tpu.memory_space<vmem>>, vector<128x128xf32>
    %dot_general3A = arith.constant dense<0.000000e+00> : vector<2000x128xf32>
    %dot_general3A_17 = tpu.matmul %concatenate3A, %get3A_16, %dot_general3A {dimension_numbers = #tpu.dot_dimension_numbers<[1], [0], [0], [1], [0, 0, 1, 1], [], []>, transpose_lhs_hint = false} : vector<2000x128xf32>, vector<128x128xf32>, vector<2000x128xf32> -> vector<2000x128xf32>
    %get3A_18 = arith.constant 0 : index
    %get3A_19 = arith.constant 0 : index
    %get3A_20 = vector.load %arg2[%get3A_18, %get3A_19] : memref<2000x16xf32, #tpu.memory_space<vmem>>, vector<2000x16xf32>
    %get3A_21 = arith.constant 0 : index
    %get3A_22 = arith.constant 0 : index
    %get3A_23 = vector.load %arg4[%get3A_21, %get3A_22] : memref<16x128xf32, #tpu.memory_space<vmem>>, vector<16x128xf32>
    %dot_general3A_24 = arith.constant dense<0.000000e+00> : vector<2000x128xf32>
    %dot_general3A_25 = tpu.matmul %get3A_20, %get3A_23, %dot_general3A_24 {dimension_numbers = #tpu.dot_dimension_numbers<[1], [0], [0], [1], [0, 0, 1, 1], [], []>, transpose_lhs_hint = false} : vector<2000x16xf32>, vector<16x128xf32>, vector<2000x128xf32> -> vector<2000x128xf32>
    %add3A = arith.addf %dot_general3A_17, %dot_general3A_25 : vector<2000x128xf32>
    %get3A_26 = arith.constant 0 : index
    %get3A_27 = arith.constant 0 : index
    %get3A_28 = vector.load %arg5[%get3A_26, %get3A_27] : memref<1x128xf32, #tpu.memory_space<vmem>>, vector<1x128xf32>
    %add3A_29 = vector.broadcast %get3A_28 : vector<1x128xf32> to vector<2000x128xf32>
    %add3A_30 = arith.addf %add3A, %add3A_29 : vector<2000x128xf32>
    %max3A_31 = arith.constant 0.000000e+00 : f32
    %max3A_32 = vector.broadcast %max3A_31 : f32 to vector<2000x128xf32>
    %max3A_33 = arith.maximumf %add3A_30, %max3A_32 : vector<2000x128xf32>
    %get3A_34 = arith.constant 0 : index
    %get3A_35 = arith.constant 0 : index
    %get3A_36 = vector.load %arg6[%get3A_34, %get3A_35] : memref<128x128xf32, #tpu.memory_space<vmem>>, vector<128x128xf32>
    %dot_general3A_37 = arith.constant dense<0.000000e+00> : vector<2000x128xf32>
    %dot_general3A_38 = tpu.matmul %max3A_33, %get3A_36, %dot_general3A_37 {dimension_numbers = #tpu.dot_dimension_numbers<[1], [0], [0], [1], [0, 0, 1, 1], [], []>, transpose_lhs_hint = false} : vector<2000x128xf32>, vector<128x128xf32>, vector<2000x128xf32> -> vector<2000x128xf32>
    %get3A_39 = arith.constant 0 : index
    %get3A_40 = arith.constant 0 : index
    %get3A_41 = vector.load %arg7[%get3A_39, %get3A_40] : memref<1x128xf32, #tpu.memory_space<vmem>>, vector<1x128xf32>
    %add3A_42 = vector.broadcast %get3A_41 : vector<1x128xf32> to vector<2000x128xf32>
    %add3A_43 = arith.addf %dot_general3A_38, %add3A_42 : vector<2000x128xf32>
    %slice3A = vector.extract_strided_slice %add3A_43 {offsets = [0, 0], sizes = [2000, 64], strides = [1, 1]} : vector<2000x128xf32> to vector<2000x64xf32>
    %swap3A = arith.constant 0 : index
    %swap3A_44 = arith.constant 0 : index
    %swap3A_45 = arith.constant 0 : index
    %swap3A_46 = vector.load %arg8[%swap3A, %swap3A_44, %swap3A_45] : memref<2x2000x64xf32, #tpu.memory_space<vmem>>, vector<1x2000x64xf32>
    %swap3A_47 = vector.shape_cast %swap3A_46 : vector<1x2000x64xf32> to vector<2000x64xf32>
    %swap3A_48 = vector.shape_cast %slice3A : vector<2000x64xf32> to vector<1x2000x64xf32>
    tpu.vector_store %arg8[%swap3A, %swap3A_44, %swap3A_45], %swap3A_48 {strides = array<i32>} : memref<2x2000x64xf32, #tpu.memory_space<vmem>>, vector<1x2000x64xf32>,
    %slice3A_49 = vector.extract_strided_slice %add3A_43 {offsets = [0, 64], sizes = [2000, 64], strides = [1, 1]} : vector<2000x128xf32> to vector<2000x64xf32>
    %swap3A_50 = arith.constant 1 : index
    %swap3A_51 = arith.constant 0 : index
    %swap3A_52 = arith.constant 0 : index
    %swap3A_53 = vector.load %arg8[%swap3A_50, %swap3A_51, %swap3A_52] : memref<2x2000x64xf32, #tpu.memory_space<vmem>>, vector<1x2000x64xf32>
    %swap3A_54 = vector.shape_cast %swap3A_53 : vector<1x2000x64xf32> to vector<2000x64xf32>
    %swap3A_55 = vector.shape_cast %slice3A_49 : vector<2000x64xf32> to vector<1x2000x64xf32>
    tpu.vector_store %arg8[%swap3A_50, %swap3A_51, %swap3A_52], %swap3A_55 {strides = array<i32>} : memref<2x2000x64xf32, #tpu.memory_space<vmem>>, vector<1x2000x64xf32>,
    return
  }
  func.func @transform_0(%arg0: i32) -> (i32, i32, i32) {
    %c0_i32 = arith.constant 0 : i32
    %c0_i32_0 = arith.constant 0 : i32
    %c0_i32_1 = arith.constant 0 : i32
    return %c0_i32, %arg0, %c0_i32_0 : i32, i32, i32
  }
  func.func @transform_1(%arg0: i32) -> (i32, i32) {
    %c0_i32 = arith.constant 0 : i32
    %c0_i32_0 = arith.constant 0 : i32
    return %arg0, %c0_i32 : i32, i32
  }
  func.func @transform_2(%arg0: i32) -> (i32, i32) {
    %c0_i32 = arith.constant 0 : i32
    %c0_i32_0 = arith.constant 0 : i32
    %c0_i32_1 = arith.constant 0 : i32
    return %c0_i32, %c0_i32_0 : i32, i32
  }
  func.func @transform_3(%arg0: i32) -> (i32, i32) {
    %c0_i32 = arith.constant 0 : i32
    %c0_i32_0 = arith.constant 0 : i32
    %c0_i32_1 = arith.constant 0 : i32
    return %c0_i32, %c0_i32_0 : i32, i32
  }
  func.func @transform_4(%arg0: i32) -> (i32, i32) {
    %c0_i32 = arith.constant 0 : i32
    %c0_i32_0 = arith.constant 0 : i32
    %c0_i32_1 = arith.constant 0 : i32
    return %c0_i32, %c0_i32_0 : i32, i32
  }
  func.func @transform_5(%arg0: i32) -> (i32, i32) {
    %c0_i32 = arith.constant 0 : i32
    %c0_i32_0 = arith.constant 0 : i32
    %c0_i32_1 = arith.constant 0 : i32
    return %c0_i32, %c0_i32_0 : i32, i32
  }
  func.func @transform_6(%arg0: i32) -> (i32, i32) {
    %c0_i32 = arith.constant 0 : i32
    %c0_i32_0 = arith.constant 0 : i32
    %c0_i32_1 = arith.constant 0 : i32
    return %c0_i32, %c0_i32_0 : i32, i32
  }
  func.func @transform_7(%arg0: i32) -> (i32, i32, i32) {
    %c0_i32 = arith.constant 0 : i32
    %c0_i32_0 = arith.constant 0 : i32
    %c0_i32_1 = arith.constant 0 : i32
    return %c0_i32, %arg0, %c0_i32_0 : i32, i32, i32
  }
}

module attributes {stable_mosaic.version = 14 : i64} {
  func.func @_relu_halves_body(%arg0: i32, %arg1: memref<2x2000x64xf32, #tpu.memory_space<vmem>>, %arg2: memref<2000x128xf32, #tpu.memory_space<vmem>>) attributes {dimension_semantics = [#tpu.dimension_semantics<arbitrary>], iteration_bounds = array<i64: 5>, scalar_prefetch = 0 : i64, scratch_operands = 0 : i64, tpu.core_type = #tpu.core_type<tc>, window_params = [{transform_indices = @transform_0, window_bounds = array<i64: 2, 2000, 64>}, {transform_indices = @transform_1, window_bounds = array<i64: 2000, 128>}]} {
    %get3A = arith.constant 0 : index
    %get3A_0 = arith.constant 0 : index
    %get3A_1 = arith.constant 0 : index
    %get3A_2 = vector.load %arg1[%get3A, %get3A_0, %get3A_1] : memref<2x2000x64xf32, #tpu.memory_space<vmem>>, vector<1x2000x64xf32>
    %get3A_3 = vector.shape_cast %get3A_2 : vector<1x2000x64xf32> to vector<2000x64xf32>
    %max3A = arith.constant 0.000000e+00 : f32
    %max3A_4 = vector.broadcast %max3A : f32 to vector<2000x64xf32>
    %max3A_5 = arith.maximumf %get3A_3, %max3A_4 : vector<2000x64xf32>
    %swap3A = arith.constant 0 : index
    %swap3A_6 = arith.constant 0 : index
    %swap3A_7 = vector.load %arg2[%swap3A, %swap3A_6] : memref<2000x128xf32, #tpu.memory_space<vmem>>, vector<2000x64xf32>
    tpu.vector_store %arg2[%swap3A, %swap3A_6], %max3A_5 {strides = array<i32>} : memref<2000x128xf32, #tpu.memory_space<vmem>>, vector<2000x64xf32>,
    %get3A_8 = arith.constant 1 : index
    %get3A_9 = arith.constant 0 : index
    %get3A_10 = arith.constant 0 : index
    %get3A_11 = vector.load %arg1[%get3A_8, %get3A_9, %get3A_10] : memref<2x2000x64xf32, #tpu.memory_space<vmem>>, vector<1x2000x64xf32>
    %get3A_12 = vector.shape_cast %get3A_11 : vector<1x2000x64xf32> to vector<2000x64xf32>
    %max3A_13 = arith.constant 0.000000e+00 : f32
    %max3A_14 = vector.broadcast %max3A_13 : f32 to vector<2000x64xf32>
    %max3A_15 = arith.maximumf %get3A_12, %max3A_14 : vector<2000x64xf32>
    %swap3A_16 = arith.constant 0 : index
    %swap3A_17 = arith.constant 64 : index
    %swap3A_18 = vector.load %arg2[%swap3A_16, %swap3A_17] : memref<2000x128xf32, #tpu.memory_space<vmem>>, vector<2000x64xf32>
    tpu.vector_store %arg2[%swap3A_16, %swap3A_17], %max3A_15 {strides = array<i32>} : memref<2000x128xf32, #tpu.memory_space<vmem>>, vector<2000x64xf32>,
    return
  }
  func.func @transform_0(%arg0: i32) -> (i32, i32, i32) {
    %c0_i32 = arith.constant 0 : i32
    %c0_i32_0 = arith.constant 0 : i32
    %c0_i32_1 = arith.constant 0 : i32
    return %c0_i32, %arg0, %c0_i32_0 : i32, i32, i32
  }
  func.func @transform_1(%arg0: i32) -> (i32, i32) {
    %c0_i32 = arith.constant 0 : i32
    %c0_i32_0 = arith.constant 0 : i32
    return %arg0, %c0_i32 : i32, i32
  }
}

</mosaic_0001>

<sc_bundles>
// kernel: kernel.10.cloned.1.call-start
scs
__scs_entry_jumppad:
0x0: {  	(pc) =	sbr.rel $0x88, $3  }
0x1: {  	(tag) =	ssettag $0x0;
	lr =	simm.s32 $0x1  }
0x2: {  	[smem:$0x3F96] =	sst lr;
	_ =	strace $0xD0000000  }
0x3: {  	_ = 	snop  }
0x4: {  	_ = 	snop  }
0x5: {  	_ = 	snop  }
0x6: {  	_ = 	snop  }
0x7: {  	_ = 	snop  }
__scs_overlays_trampoline_lowered:
0x8: {  	[smem:$0x3FA5] =	sst s0  }
0x9: {  	[smem:$0x3FA6] =	sst s1  }
0xa: {  	[smem:$0x3FA7] =	sst s2  }
0xb: {  	[smem:$0x3FA8] =	sst s3  }
0xc: {  	[smem:$0x3FA9] =	sst s4  }
0xd: {  	[smem:$0x3FAA] =	sst s5  }
0xe: {  	[smem:$0x3FAB] =	sst s6  }
0xf: {  	[smem:$0x3FAC] =	sst s7  }
0x10: {  	[smem:$0x3FAD] =	sst s8  }
0x11: {  	[smem:$0x3FAE] =	sst s9;
	s0 =	simm.s32 @!p0 $0x0  }
0x12: {  	s1 =	sld [smem:$0x3F94];
	s0 =	simm.s32 @p0 $0x1  }
0x13: {  	[smem:$0x3FAF] =	sst s0;
	s0 =	simm.s32 @!p1 $0x0  }
0x14: {  	s2 =	sld [smem:$0x3F93];
	s0 =	simm.s32 @p1 $0x1  }
0x15: {  	[smem:$0x3FB0] =	sst s0;
	s0 =	simm.s32 @!p2 $0x0  }
0x16: {  	s3 =	sld [smem:$0x3FDB];
	s0 =	simm.s32 @p2 $0x1  }
0x17: {  	s4 =	simm.s32 $0x1BF5;
	[smem:$0x3FB2] =	sst s0  }
0x18: {  	s0 =	sld [smem:$0x3F95];
	_ =	swait.ge [sflag:s4], $0x0  }
0x19: {  	s7 =	sld [smem:$0x3F96]  }
0x1a: {  	s8 =	sadd.s32 $0xFFFFE003, lr  }
0x1b: {  	s9 =	sadd.s32 $0xFFFFFEF7, lr;
	s5 =	simm.s32 $0xFFFFFFFF;
	p2 =	slt.u32 s8, $0xFFFFF086  }
0x1c: {  	p1 =	slt.u32 s9, $0xF7A;
	s5 =	simm.s32 @!p2 $0x0  }
0x1d: {  	s5 =	simm.s32 @p1 $0x1;
	p0 =	seq.s32 s7, s2  }
0x1e: {  	s7 =	smul.u32 @!p0 $0xF7A, s2;
	p2 =	seq.s32 @!p0 s5, $0x0  }
0x1f: {  	s9 =	smul.u32 $0xF7A, s1;
	s8 =	simm.s32 @!p0 $0x1BF5;
	p2 =	por !p2, p0  }
0x20: {  	[sflag:s8] =	ssyncset.s32 @!p0 $0xFFFFF086;
	s6 =	sadd.s32 @!p0 s3, s7;
	s7 =	simm.s32 @!p0 $0x108  }
0x21: {  	s3 =	sadd.s32 s3, s9;
	s6 =	sadd.s32 @!p0 $0x88, s6;
	s7 =	simm.s32 @p2 $0x1082  }
0x22: {  	[simem:s7], [sflag:s8] =	dma.local @!p0 [hbm:s6], $0xF7A  }
0x23: {  	s9 =	sor.u32 $0xD0000000, s2;
	s6 =	simm.s32 $0x108;
	_ =	swait.ge @!p0 [sflag:s8], $0x0  }
0x24: {  	s3 =	sadd.s32 $0x88, s3;
	s6 =	simm.s32 @!p1 $0x1082;
	[sflag:s4] =	ssyncset.s32 $0xFFFFF086  }
0x25: {  	[simem:s6], [sflag:s4] =	dma.local [hbm:s3], $0xF7A  }
0x26: {  	[smem:$0x3F96] =	sst s1;
	(tag) =	ssettag s2;
	_ =	strace s9  }
0x27: {  	s1 =	sld [smem:$0x3FA6]  }
0x28: {  	s2 =	sld [smem:$0x3FA7]  }
0x29: {  	s4 =	sld [smem:$0x3FA9]  }
0x2a: {  	p0 =	seq.s32 s5, $0x0;
	s5 =	sld [smem:$0x3FAA]  }
0x2b: {  	s6 =	sld [smem:$0x3FAB]  }
0x2c: {  	s7 =	sld [smem:$0x3FAC]  }
0x2d: {  	s3 =	simm.s32 $0x108;
	s8 =	sld [smem:$0x3FAD]  }
0x2e: {  	s3 =	simm.s32 @!p0 $0x1082;
	s9 =	sld [smem:$0x3FAE]  }
0x2f: {  	lr =	sadd.s32 s0, s3;
	s0 =	sld [smem:$0x3FA5]  }
0x30: {  	s3 =	sld [smem:$0x3FA8]  }
0x31: {  	[smem:$0x3FB1] =	sst s10  }
0x32: {  	s10 =	sld [smem:$0x3FAF];
	_ =	sdelay $0x3  }
0x33: {  	p0 =	seq.s32 s10, $0x1;
	s10 =	sld [smem:$0x3FB1];
	_ =	sdelay $0x3  }
0x34: {  	[smem:$0x3FB1] =	sst s10  }
0x35: {  	s10 =	sld [smem:$0x3FB0];
	_ =	sdelay $0x3  }
0x36: {  	p1 =	seq.s32 s10, $0x1;
	s10 =	sld [smem:$0x3FB1];
	_ =	sdelay $0x3  }
0x37: {  	[smem:$0x3FB1] =	sst s10  }
0x38: {  	s10 =	sld [smem:$0x3FB2]  }
0x39: {  	_ = 	snop;
	(pc) =	sbr.ind lr, $3  }
0x3a: {  	_ = 	snop  }
0x3b: {  	_ = 	snop  }
0x3c: {  	p2 =	seq.s32 s10, $0x1;
	s10 =	sld [smem:$0x3FB1]  }
0x3d: {  	_ =	shalt  }
0x3e: {  	_ =	shalt  }
0x3f: {  	_ =	shalt  }
0x40: {  	_ =	shalt  }
0x41: {  	_ =	shalt  }
0x42: {  	_ =	shalt  }
0x43: {  	_ =	shalt  }
0x44: {  	_ =	shalt  }
0x45: {  	_ =	shalt  }
0x46: {  	_ =	shalt  }
0x47: {  	_ =	shalt  }
0x48: {  	_ =	shalt  }
0x49: {  	_ =	shalt  }
0x4a: {  	_ =	shalt  }
0x4b: {  	_ =	shalt  }
0x4c: {  	_ =	shalt  }
0x4d: {  	_ =	shalt  }
0x4e: {  	_ =	shalt  }
0x4f: {  	_ =	shalt  }
0x50: {  	_ =	shalt  }
0x51: {  	_ =	shalt  }
0x52: {  	_ =	shalt  }
0x53: {  	_ =	shalt  }
0x54: {  	_ =	shalt  }
0x55: {  	_ =	shalt  }
0x56: {  	_ =	shalt  }
0x57: {  	_ =	shalt  }
0x58: {  	_ =	shalt  }
0x59: {  	_ =	shalt  }
0x5a: {  	_ =	shalt  }
0x5b: {  	_ =	shalt  }
0x5c: {  	_ =	shalt  }
0x5d: {  	_ =	shalt  }
0x5e: {  	_ =	shalt  }
0x5f: {  	_ =	shalt  }
0x60: {  	_ =	shalt  }
0x61: {  	_ =	shalt  }
0x62: {  	_ =	shalt  }
0x63: {  	_ =	shalt  }
0x64: {  	_ =	shalt  }
0x65: {  	_ =	shalt  }
0x66: {  	_ =	shalt  }
0x67: {  	_ =	shalt  }
0x68: {  	_ =	shalt  }
0x69: {  	_ =	shalt  }
0x6a: {  	_ =	shalt  }
0x6b: {  	_ =	shalt  }
0x6c: {  	_ =	shalt  }
0x6d: {  	_ =	shalt  }
0x6e: {  	_ =	shalt  }
0x6f: {  	_ =	shalt  }
0x70: {  	_ =	shalt  }
0x71: {  	_ =	shalt  }
0x72: {  	_ =	shalt  }
0x73: {  	_ =	shalt  }
0x74: {  	_ =	shalt  }
0x75: {  	_ =	shalt  }
0x76: {  	_ =	shalt  }
0x77: {  	_ =	shalt  }
0x78: {  	_ =	shalt  }
0x79: {  	_ =	shalt  }
0x7a: {  	_ =	shalt  }
0x7b: {  	_ =	shalt  }
0x7c: {  	_ =	shalt  }
0x7d: {  	_ =	shalt  }
0x7e: {  	_ =	shalt  }
0x7f: {  	_ =	shalt  }
0x80: {  	_ =	shalt  }
0x81: {  	_ =	shalt  }
0x82: {  	_ =	shalt  }
0x83: {  	_ =	shalt  }
0x84: {  	_ =	shalt  }
0x85: {  	_ =	shalt  }
0x86: {  	_ =	shalt  }
0x87: {  	_ =	shalt  }
.Lfunc_end0:
.L_simem_size_0:
called_computation.1_lowered:
.L_overlay_start_0:
0x88: {  	s2 =	sld [smem:$0x3FD9]  }
0x89: {  	s3 =	sld [smem:$0x3FFE];
	_ =	sdelay $0x1  }
0x8a: {  	s1 =	srdreg.scid  }
0x8b: {  	s0 =	sand.u32 $0x1, s1  }
0x8c: {  	s17 =	sshll.u32 s0, $0xA;
	s2 =	sadd.s32 s3, s2  }
0x8d: {  	s2 =	sadd.s32 s2, s17  }
0x8e: {  	[smem:$0x3FBD] =	sst s2  }
0x8f: {  	_ = 	snop  }
0x90: {  	s2 =	sld [smem:$0x3FD0];
	(tm) =	ssettm $0x1  }
0x91: {  	s18 =	sld [smem:$0x3FFB];
	_ =	sdelay $0x3  }
0x92: {  	_ =	strace s18  }
0x93: {  	s3 =	sld [smem:$0x3FFC];
	_ =	sdelay $0x3  }
0x94: {  	_ =	strace s3  }
0x95: {  	s3 =	sld [smem:$0x3FFD];
	_ =	sdelay $0x3  }
0x96: {  	_ =	strace s3  }
0x97: {  	_ =	strace $0x8FFFFFFF  }
0x98: {  	s19 =	sld [smem:$0x3FDB];
	_ =	sdelay $0x1  }
0x99: {  	s4 =	simm.s32 $_scs_section_size  }
0x9a: {  	s5 =	simm.s32 $_size__tile_overlayer_lowered;
	s6 =	simm.s32 $_tile_overlayer_lowered  }
0x9b: {  	s22 =	simm.s32 $0x1BFF;
	s21 =	sshll.u32 s6, $0x1;
	s3 =	sadd.s32 s4, s19  }
0x9c: {  	s7 =	simm.s32 $0x0;
	s20 =	sshll.u32 s5, $0x1;
	s5 =	sadd.s32 s21, s3  }
0x9d: {  	[timem:s7], [sflag:s22] =	dma.local [hbm:s5], s20  }
0x9e: {  	_ =	swait.ge [sflag:s22], s20  }
0x9f: {  	s4 =	ssub.s32 $0x0, s20;
	[sflag:s22] =	ssyncset.done $0x0  }
0xa0: {  	[sflag:s22] =	ssyncadd.s32 s4;
	_ =	sdelay $0x1  }
0xa1: {  	s23 =	simm.s32 $0x1B8B  }
0xa2: {  	_ =	swait.ge [sflag:s23], $0x1  }
0xa3: {  	[sflag:s23] =	ssyncset.done $0x0  }
0xa4: {  	s25 =	simm.s32 $0x1B8E;
	s24 =	sld [smem:$0x3FFE];
	[sflag:s23] =	ssyncadd.s32 $0xFFFFFFFF  }
0xa5: {  	s26 =	simm.s32 $execute0_lowered;
	[smem:$0x3FD2] =	sst s25  }
0xa6: {  	s5 =	sshll.u32 s26, $0x1;
	_ =	strace $0x80000049;
	[dreg:$0x1] =	wrdreg $0xFFFFFFFF  }
0xa7: {  	s28 =	simm.s32 $_size_execute0_lowered;
	s3 =	sadd.s32 s3, s5;
	[dreg:$0x0] =	wrdreg $0x0  }
0xa8: {  	s5 =	sshll.u32 s28, $0x1;
	[dreg:$0x2] =	wrdreg s3  }
0xa9: {  	[dreg:$0x3] =	wrdreg s5  }
0xaa: {  	[dreg:$0x4] =	wrdreg $0xC0  }
0xab: {  	_ =	task [dreg:s7], $0x5FFFF  }
0xac: {  	[dreg:$0x1] =	wrdreg $0xFFFFFFFF  }
0xad: {  	[dreg:$0x0] =	wrdreg $0x60  }
0xae: {  	[dreg:$0x2] =	wrdreg s24  }
0xaf: {  	[dreg:$0x3] =	wrdreg s2  }
0xb0: {  	[dreg:$0x4] =	wrdreg $0x9E000  }
0xb1: {  	[dreg:$0x5] =	wrdreg $0x0  }
0xb2: {  	[dreg:$0x6] =	wrdreg $0x9  }
0xb3: {  	_ =	task.clear_ibuf [dreg:s7], $0x7FFFF;
	_ =	strace $0x90000049  }
0xb4: {  	s29 =	simm.s32 $0x9;
	_ =	strace $0x8000004B  }
0xb5: {  	_ =	swait.ge [sflag:s29], $0x1  }
0xb6: {  	[sflag:s29] =	ssyncadd.s32 $0xFFFFFFFF  }
0xb7: {  	_ =	strace $0x9000004B  }
0xb8: {  	_ =	sfence  }
0xb9: {  	s30 =	sld [smem:$0x0];
	_ =	sdelay $0x2  }
0xba: {  	s31 =	sshll.u32 s1, $0xD;
	s1 =	sshrl.u32 s1, $0x2  }
0xbb: {  	s3 =	sand.u32 $0x4000, s31;
	s1 =	sadd.s32 s1, s30  }
0xbc: {  	s0 =	sor.u32 s3, s0;
	s1 =	sshll.u32 s1, $0x11  }
0xbd: {  	s0 =	sor.u32 s1, s0  }
0xbe: {  	s0 =	sadd.s32 $0x8F2B, s0  }
0xbf: {  	[sflag:s0] =	ssyncadd.remote.s32 $0x1  }
0xc0: {  	_ =	sfence.sel $0xFFFF  }
0xc1: {  	[dreg:$0x0] =	wrdreg $0xFFFFFFFF;
	(pc) =	sbr.abs _section_cstart, $3  }
0xc2: {  	[dreg:$0x1] =	wrdreg $0xFFFFFFFF  }
0xc3: {  	_ =	task.clear_ibuf [dreg:s7], $0x2FFFF;
	_ =	strace $0x9FFFFFFF  }
0xc4: {  	(tm) =	ssettm $0x7FFFFFFF  }
0xc5: {  	_ =	shalt  }
tec
execute0_lowered:
.L_overlay_start_1:
0x0: {  	(tag) =	ssettag $0x1  }
0x1: {  	s0 =	rddreg [dreg:$0x0]  }
0x2: {  	s1 =	rddreg [dreg:$0x1]  }
0x3: {  	s2 =	rddreg [dreg:$0x2]  }
0x4: {  	s3 =	rddreg [dreg:$0x3];
	s4 =	srdreg.scid  }
0x5: {  	s9 =	stileid.u32;
	s6 =	simm.s32 $0x0;
	s28 =	simm.s32 $0x18400  }
0x6: {  	s29 =	simm.s32 $0x13D00;
	s30 =	simm.s32 $0x1A400;
	s31 =	simm.s32 $0x15080  }
0x7: {  	s4 =	sand.u32 $0x1, s4;
	s5 =	smul.u32 $0x9E00, s9;
	[smem:$0x7FF] =	sst s6  }
0x8: {  	s7 =	sadd.s32 $0x1400, s0;
	s8 =	smul.u32 $0x5000, s9;
	s10 =	sadd.s32 $0x32C00, s0  }
0x9: {  	s18 =	sshll.u32 s9, $0x6;
	s15 =	smul.u32 $0x9E000, s4;
	_ =	strace $0x8000004A  }
0xa: {  	[dreg:$0x5] =	wrdreg s10;
	s4 =	ssub.s32 $0x2, s4;
	s9 =	sor.u32 $0x1C03, s18  }
0xb: {  	s10 =	simm.s32 $0x0;
	s16 =	sshrl.u32 s4, $0x1;
	s8 =	sshrl.u32 s8, $0x3  }
0xc: {  	s20 =	sadd.s32 s5, s2;
	s6 =	sadd.s32 s5, s15;
	s4 =	ssub.s32 s4, s16  }
0xd: {  	s17 =	sadd.s32 s7, s8;
	s19 =	sadd.s32 s1, s8;
	[dreg:$0x8] =	wrdreg s20  }
0xe: {  	s5 =	sadd.s32 s5, s3;
	s22 =	sadd.s32 $0x280, s8;
	s24 =	sadd.s32 $0x500, s8  }
0xf: {  	s26 =	sadd.s32 $0x780, s8;
	s20 =	simm.s32 $0x15000;
	[dreg:$0x6] =	wrdreg s17  }
0x10: {  	s8 =	simm.s32 $0x13E80;
	s6 =	sshrl.u32 s6, $0x3;
	[dreg:$0x7] =	wrdreg s19  }
0x11: {  	s23 =	sadd.s32 s7, s22;
	s25 =	sadd.s32 s7, s24;
	s7 =	sadd.s32 s7, s26  }
0x12: {  	s16 =	sadd.s32 s1, s26;
	s18 =	smax.u32 s4, $0x1;
	s19 =	simm.s32 $0x13C00  }
0x13: {  	s26 =	simm.s32 $0x13C80;
	s4 =	simm.s32 $0x15100;
	[dreg:$0xa] =	wrdreg s23  }
0x14: {  	s0 =	sadd.s32 s6, s0;
	s6 =	sadd.s32 s1, s22;
	[dreg:$0xc] =	wrdreg s25  }
0x15: {  	[dreg:$0xe] =	wrdreg s7;
	s22 =	sshrl.u32 s5, $0x3;
	s23 =	simm.s32 $0x1  }
.Ltmp0:
0x16: {  	s25 =	simm.s32 $0x16400;
	s5 =	simm.s32 $0x2;
	(pc) =	sbr.rel .LBB2_1-.Ltmp0, $4  }
0x17: {  	s7 =	simm.s32 $0x15180;
	s21 =	sadd.s32 $0xB400, s0;
	[dreg:$0xb] =	wrdreg s6  }
0x18: {  	s6 =	sadd.s32 s1, s24;
	s17 =	sadd.s32 $0x34000, s0;
	s24 =	simm.s32 $0x80  }
0x19: {  	s0 =	simm.s32 $0x13D80;
	s1 =	simm.s32 $0x1C400;
	[dreg:$0x9] =	wrdreg s21  }
0x1a: {  	[dreg:$0xd] =	wrdreg s6;
	s21 =	simm.s32 $0x3;
	s6 =	simm.s32 $0x13E00  }
.LBB2_13:
0x1b: {  	_ =	swait.ge [sflag:s23], $0x2000  }
0x1c: {  	[sflag:s23] =	ssyncset.done $0x0  }
0x1d: {  	[sflag:s23] =	ssyncadd.s32 $0xFFFFE000  }
0x1e: {  	[spmem:s2] =	stream.indirect.scatter.add.f32 [tilespmem:s1], [sflag:$0x2], $0x40, s14, s24, $0xb8;
	[tilespmem:$0x1E400] =	vst v63  }
0x1f: {  	_ =	swait.ge [sflag:s5], $0x2000  }
0x20: {  	[sflag:s5] =	ssyncset.done $0x0  }
0x21: {  	[sflag:s5] =	ssyncadd.s32 $0xFFFFE000  }
0x22: {  	_ =	swait.ge [sflag:s5], $0x2000  }
0x23: {  	[sflag:s5] =	ssyncset.done $0x0  }
0x24: {  	[sflag:s5] =	ssyncadd.s32 $0xFFFFE000  }
0x25: {  	_ =	swait.ge [sflag:s5], $0x2000  }
0x26: {  	s10 =	sadd.s32 $0x1, s10;
	[sflag:s5] =	ssyncset.done $0x0  }
0x27: {  	p0 =	sne.s32 s10, s18;
	[sflag:s5] =	ssyncadd.s32 $0xFFFFE000  }
.Ltmp1:
0x28: {  	[bflag:$0x0] =	sbarrier.arrive $0xFFFF;
	(pc) =	sbr.rel @!p0 .LBB2_14-.Ltmp1, $4  }
0x29: {  	[hbm:s17], [sflag:s9] =	dma.local [spmem:s11], $0x13C0  }
0x2a: {  	_ =	swait.ge [sflag:s21], $0x13C0  }
0x2b: {  	[sflag:s21] =	ssyncset.done $0x0  }
0x2c: {  	[sflag:s21] =	ssyncadd.s32 $0xFFFFEC40  }
.LBB2_1:
0x2d: {  	s12 =	rddreg [dreg:$0x6]  }
0x2e: {  	s11 =	simm.s32 $0x0;
	s15 =	rddreg [dreg:$0x7]  }
0x2f: {  	[tilespmem:s19], [sflag:$0x1] =	stream.linear.gather [hbm4b:s12+s11], $0x1400, $0x38;
	[tilespmem:$0x1E400] =	vst v63  }
0x30: {  	s13 =	rddreg [dreg:$0x8]  }
0x31: {  	[tilespmem:s20], [sflag:$0x1] =	stream.linear.gather [hbm4b:s15+s11], $0x1400, $0x38;
	[tilespmem:$0x1E400] =	vst v63  }
0x32: {  	s14 =	rddreg [dreg:$0x5];
	s11 =	sshrl.u32 s13, $0x3  }
0x33: {  	[spmem:s11], [sflag:s9] =	dma.local [hbm:s14], $0x13C0  }
0x34: {  	_ =	swait.ge [sflag:s21], $0x13C0  }
0x35: {  	[sflag:s21] =	ssyncset.done $0x0  }
0x36: {  	s15 =	rddreg [dreg:$0x9];
	[sflag:s21] =	ssyncadd.s32 $0xFFFFEC40  }
0x37: {  	[spmem:s22], [sflag:s9] =	dma.local [hbm:s15], $0x13C0  }
0x38: {  	_ =	swait.ge [sflag:s21], $0x13C0  }
0x39: {  	[sflag:s21] =	ssyncset.done $0x0  }
0x3a: {  	[sflag:s21] =	ssyncadd.s32 $0xFFFFEC40  }
0x3b: {  	[bflag:$0x0] =	sbarrier.arrive $0xFFFF  }
0x3c: {  	_ =	swait.ge [sflag:s23], $0x1400  }
0x3d: {  	[sflag:s23] =	ssyncset.done $0x0  }
0x3e: {  	[sflag:s23] =	ssyncadd.s32 $0xFFFFEC00  }
0x3f: {  	_ =	swait.ge [sflag:s23], $0x1400  }
0x40: {  	[sflag:s23] =	ssyncset.done $0x0  }
0x41: {  	[sflag:s23] =	ssyncadd.s32 $0xFFFFEC00  }
0x42: {  	[tilespmem:s25], [sflag:$0x1] =	stream.indirect.gather [spmem:s3], $0x40, s19, s24, $0xb8;
	[tilespmem:$0x1E400] =	vst v63  }
0x43: {  	_ = 	snop  }
0x44: {  	[tilespmem:s28], [sflag:$0x1] =	stream.indirect.gather [spmem:s3], $0x40, s26, s24, $0xb8;
	[tilespmem:$0x1E400] =	vst v63  }
0x45: {  	_ =	swait.ge [sflag:s23], $0x2000  }
0x46: {  	[sflag:s23] =	ssyncset.done $0x0  }
0x47: {  	[sflag:s23] =	ssyncadd.s32 $0xFFFFE000  }
0x48: {  	[spmem:s2] =	stream.indirect.scatter.add.f32 [tilespmem:s25], [sflag:$0x2], $0x40, s20, s24, $0xb8;
	[tilespmem:$0x1E400] =	vst v63  }
0x49: {  	_ = 	snop  }
0x4a: {  	[tilespmem:s30], [sflag:$0x1] =	stream.indirect.gather [spmem:s3], $0x40, s29, s24, $0xb8;
	[tilespmem:$0x1E400] =	vst v63  }
0x4b: {  	_ =	swait.ge [sflag:s23], $0x2000  }
0x4c: {  	[sflag:s23] =	ssyncset.done $0x0  }
0x4d: {  	[sflag:s23] =	ssyncadd.s32 $0xFFFFE000  }
0x4e: {  	[spmem:s2] =	stream.indirect.scatter.add.f32 [tilespmem:s28], [sflag:$0x2], $0x40, s31, s24, $0xb8;
	[tilespmem:$0x1E400] =	vst v63  }
0x4f: {  	_ = 	snop  }
0x50: {  	[tilespmem:s1], [sflag:$0x1] =	stream.indirect.gather [spmem:s3], $0x40, s0, s24, $0xb8;
	[tilespmem:$0x1E400] =	vst v63  }
0x51: {  	_ =	swait.ge [sflag:s23], $0x2000  }
0x52: {  	[sflag:s23] =	ssyncset.done $0x0  }
0x53: {  	[sflag:s23] =	ssyncadd.s32 $0xFFFFE000  }
0x54: {  	[spmem:s2] =	stream.indirect.scatter.add.f32 [tilespmem:s30], [sflag:$0x2], $0x40, s4, s24, $0xb8;
	[tilespmem:$0x1E400] =	vst v63  }
0x55: {  	_ =	swait.ge [sflag:s5], $0x2000  }
0x56: {  	[sflag:s5] =	ssyncset.done $0x0  }
0x57: {  	[sflag:s5] =	ssyncadd.s32 $0xFFFFE000  }
0x58: {  	[tilespmem:s25], [sflag:$0x1] =	stream.indirect.gather [spmem:s3], $0x40, s6, s24, $0xb8;
	[tilespmem:$0x1E400] =	vst v63  }
0x59: {  	_ =	swait.ge [sflag:s23], $0x2000  }
0x5a: {  	[sflag:s23] =	ssyncset.done $0x0  }
0x5b: {  	[sflag:s23] =	ssyncadd.s32 $0xFFFFE000  }
0x5c: {  	[spmem:s2] =	stream.indirect.scatter.add.f32 [tilespmem:s1], [sflag:$0x2], $0x40, s7, s24, $0xb8;
	[tilespmem:$0x1E400] =	vst v63  }
0x5d: {  	_ =	swait.ge [sflag:s5], $0x2000  }
0x5e: {  	[sflag:s5] =	ssyncset.done $0x0  }
0x5f: {  	s12 =	simm.s32 $0x0;
	[sflag:s5] =	ssyncadd.s32 $0xFFFFE000  }
0x60: {  	[tilespmem:s28], [sflag:$0x1] =	stream.indirect.gather [spmem:s3], $0x40, s8, s24, $0xb8;
	[tilespmem:$0x1E400] =	vst v63  }
.LBB2_2:
0x61: {  	_ =	swait.ge [sflag:s23], $0x2000  }
0x62: {  	s13 =	sshra.s32 s12, $0x2;
	[sflag:s23] =	ssyncset.done $0x0  }
0x63: {  	s14 =	sadd.s32 $0x15200, s13;
	[sflag:s23] =	ssyncadd.s32 $0xFFFFE000  }
0x64: {  	[spmem:s2] =	stream.indirect.scatter.add.f32 [tilespmem:s25], [sflag:$0x2], $0x40, s14, s24, $0xb8;
	[tilespmem:$0x1E400] =	vst v63  }
0x65: {  	_ =	swait.ge [sflag:s5], $0x2000  }
0x66: {  	[sflag:s5] =	ssyncset.done $0x0  }
0x67: {  	s15 =	sadd.s32 $0x13F00, s13;
	[sflag:s5] =	ssyncadd.s32 $0xFFFFE000  }
0x68: {  	[tilespmem:s30], [sflag:$0x1] =	stream.indirect.gather [spmem:s3], $0x40, s15, s24, $0xb8;
	[tilespmem:$0x1E400] =	vst v63  }
0x69: {  	_ =	swait.ge [sflag:s23], $0x2000  }
0x6a: {  	[sflag:s23] =	ssyncset.done $0x0  }
0x6b: {  	s15 =	sadd.s32 $0x15280, s13;
	[sflag:s23] =	ssyncadd.s32 $0xFFFFE000  }
0x6c: {  	[spmem:s2] =	stream.indirect.scatter.add.f32 [tilespmem:s28], [sflag:$0x2], $0x40, s15, s24, $0xb8;
	[tilespmem:$0x1E400] =	vst v63  }
0x6d: {  	_ =	swait.ge [sflag:s5], $0x2000  }
0x6e: {  	[sflag:s5] =	ssyncset.done $0x0  }
0x6f: {  	s15 =	sadd.s32 $0x13F80, s13;
	[sflag:s5] =	ssyncadd.s32 $0xFFFFE000  }
0x70: {  	[tilespmem:s1], [sflag:$0x1] =	stream.indirect.gather [spmem:s3], $0x40, s15, s24, $0xb8;
	[tilespmem:$0x1E400] =	vst v63  }
0x71: {  	_ =	swait.ge [sflag:s23], $0x2000  }
0x72: {  	p0 =	seq.s32 s12, $0x4000;
	[sflag:s23] =	ssyncset.done $0x0  }
.Ltmp2:
0x73: {  	s15 =	sadd.s32 $0x15300, s13;
	[sflag:s23] =	ssyncadd.s32 $0xFFFFE000;
	(pc) =	sbr.rel @p0 .LBB2_4-.Ltmp2, $4  }
0x74: {  	[spmem:s2] =	stream.indirect.scatter.add.f32 [tilespmem:s30], [sflag:$0x2], $0x40, s15, s24, $0xb8;
	[tilespmem:$0x1E400] =	vst v63  }
0x75: {  	_ =	swait.ge [sflag:s5], $0x2000  }
0x76: {  	[sflag:s5] =	ssyncset.done $0x0  }
0x77: {  	s14 =	sadd.s32 $0x15380, s13;
	[sflag:s5] =	ssyncadd.s32 $0xFFFFE000  }
0x78: {  	s15 =	sadd.s32 $0x14000, s13  }
0x79: {  	[tilespmem:s25], [sflag:$0x1] =	stream.indirect.gather [spmem:s3], $0x40, s15, s24, $0xb8;
	[tilespmem:$0x1E400] =	vst v63  }
0x7a: {  	_ =	swait.ge [sflag:s23], $0x2000  }
0x7b: {  	[sflag:s23] =	ssyncset.done $0x0  }
0x7c: {  	[sflag:s23] =	ssyncadd.s32 $0xFFFFE000  }
0x7d: {  	[spmem:s2] =	stream.indirect.scatter.add.f32 [tilespmem:s1], [sflag:$0x2], $0x40, s14, s24, $0xb8;
	[tilespmem:$0x1E400] =	vst v63  }
.Ltmp3:
0x7e: {  	_ = 	snop;
	(pc) =	sbr.rel .LBB2_2-.Ltmp3, $4  }
0x7f: {  	_ =	swait.ge [sflag:s5], $0x2000  }
0x80: {  	[sflag:s5] =	ssyncset.done $0x0  }
0x81: {  	s12 =	sadd.s32 $0x800, s12;
	s15 =	sadd.s32 $0x14080, s13;
	[sflag:s5] =	ssyncadd.s32 $0xFFFFE000  }
0x82: {  	[tilespmem:s28], [sflag:$0x1] =	stream.indirect.gather [spmem:s3], $0x40, s15, s24, $0xb8;
	[tilespmem:$0x1E400] =	vst v63  }
.LBB2_4:
0x83: {  	_ =	swait.ge [sflag:s23], $0x2000  }
0x84: {  	[sflag:s23] =	ssyncset.done $0x0  }
0x85: {  	[sflag:s23] =	ssyncadd.s32 $0xFFFFE000  }
0x86: {  	[spmem:s2] =	stream.indirect.scatter.add.f32 [tilespmem:s1], [sflag:$0x2], $0x40, s14, s24, $0xb8;
	[tilespmem:$0x1E400] =	vst v63  }
0x87: {  	_ =	swait.ge [sflag:s5], $0x2000  }
0x88: {  	[sflag:s5] =	ssyncset.done $0x0  }
0x89: {  	[sflag:s5] =	ssyncadd.s32 $0xFFFFE000  }
0x8a: {  	_ =	swait.ge [sflag:s5], $0x2000  }
0x8b: {  	[sflag:s5] =	ssyncset.done $0x0  }
0x8c: {  	[sflag:s5] =	ssyncadd.s32 $0xFFFFE000  }
0x8d: {  	_ =	swait.ge [sflag:s5], $0x2000  }
0x8e: {  	[sflag:s5] =	ssyncset.done $0x0  }
0x8f: {  	s12 =	simm.s32 $0x0;
	s13 =	rddreg [dreg:$0xa];
	[sflag:s5] =	ssyncadd.s32 $0xFFFFE000  }
0x90: {  	[tilespmem:s19], [sflag:$0x1] =	stream.linear.gather [hbm4b:s13+s12], $0x1400, $0x38;
	[tilespmem:$0x1E400] =	vst v63  }
0x91: {  	s15 =	rddreg [dreg:$0xb]  }
0x92: {  	[tilespmem:s20], [sflag:$0x1] =	stream.linear.gather [hbm4b:s15+s12], $0x1400, $0x38;
	[tilespmem:$0x1E400] =	vst v63  }
0x93: {  	_ =	swait.ge [sflag:s23], $0x1400  }
0x94: {  	[sflag:s23] =	ssyncset.done $0x0  }
0x95: {  	[sflag:s23] =	ssyncadd.s32 $0xFFFFEC00  }
0x96: {  	_ =	swait.ge [sflag:s23], $0x1400  }
0x97: {  	[sflag:s23] =	ssyncset.done $0x0  }
0x98: {  	[sflag:s23] =	ssyncadd.s32 $0xFFFFEC00  }
0x99: {  	[tilespmem:s25], [sflag:$0x1] =	stream.indirect.gather [spmem:s3], $0x40, s19, s24, $0xb8;
	[tilespmem:$0x1E400] =	vst v63  }
0x9a: {  	_ = 	snop  }
0x9b: {  	[tilespmem:s28], [sflag:$0x1] =	stream.indirect.gather [spmem:s3], $0x40, s26, s24, $0xb8;
	[tilespmem:$0x1E400] =	vst v63  }
0x9c: {  	_ =	swait.ge [sflag:s23], $0x2000  }
0x9d: {  	[sflag:s23] =	ssyncset.done $0x0  }
0x9e: {  	[sflag:s23] =	ssyncadd.s32 $0xFFFFE000  }
0x9f: {  	[spmem:s2] =	stream.indirect.scatter.add.f32 [tilespmem:s25], [sflag:$0x2], $0x40, s20, s24, $0xb8;
	[tilespmem:$0x1E400] =	vst v63  }
0xa0: {  	_ = 	snop  }
0xa1: {  	[tilespmem:s30], [sflag:$0x1] =	stream.indirect.gather [spmem:s3], $0x40, s29, s24, $0xb8;
	[tilespmem:$0x1E400] =	vst v63  }
0xa2: {  	_ =	swait.ge [sflag:s23], $0x2000  }
0xa3: {  	[sflag:s23] =	ssyncset.done $0x0  }
0xa4: {  	[sflag:s23] =	ssyncadd.s32 $0xFFFFE000  }
0xa5: {  	[spmem:s2] =	stream.indirect.scatter.add.f32 [tilespmem:s28], [sflag:$0x2], $0x40, s31, s24, $0xb8;
	[tilespmem:$0x1E400] =	vst v63  }
0xa6: {  	_ = 	snop  }
0xa7: {  	[tilespmem:s1], [sflag:$0x1] =	stream.indirect.gather [spmem:s3], $0x40, s0, s24, $0xb8;
	[tilespmem:$0x1E400] =	vst v63  }
0xa8: {  	_ =	swait.ge [sflag:s23], $0x2000  }
0xa9: {  	[sflag:s23] =	ssyncset.done $0x0  }
0xaa: {  	[sflag:s23] =	ssyncadd.s32 $0xFFFFE000  }
0xab: {  	[spmem:s2] =	stream.indirect.scatter.add.f32 [tilespmem:s30], [sflag:$0x2], $0x40, s4, s24, $0xb8;
	[tilespmem:$0x1E400] =	vst v63  }
0xac: {  	_ =	swait.ge [sflag:s5], $0x2000  }
0xad: {  	[sflag:s5] =	ssyncset.done $0x0  }
0xae: {  	[sflag:s5] =	ssyncadd.s32 $0xFFFFE000  }
0xaf: {  	[tilespmem:s25], [sflag:$0x1] =	stream.indirect.gather [spmem:s3], $0x40, s6, s24, $0xb8;
	[tilespmem:$0x1E400] =	vst v63  }
0xb0: {  	_ =	swait.ge [sflag:s23], $0x2000  }
0xb1: {  	[sflag:s23] =	ssyncset.done $0x0  }
0xb2: {  	[sflag:s23] =	ssyncadd.s32 $0xFFFFE000  }
0xb3: {  	[spmem:s2] =	stream.indirect.scatter.add.f32 [tilespmem:s1], [sflag:$0x2], $0x40, s7, s24, $0xb8;
	[tilespmem:$0x1E400] =	vst v63  }
0xb4: {  	_ =	swait.ge [sflag:s5], $0x2000  }
0xb5: {  	[sflag:s5] =	ssyncset.done $0x0  }
0xb6: {  	[sflag:s5] =	ssyncadd.s32 $0xFFFFE000  }
0xb7: {  	[tilespmem:s28], [sflag:$0x1] =	stream.indirect.gather [spmem:s3], $0x40, s8, s24, $0xb8;
	[tilespmem:$0x1E400] =	vst v63  }
.LBB2_5:
0xb8: {  	_ =	swait.ge [sflag:s23], $0x2000  }
0xb9: {  	s13 =	sshra.s32 s12, $0x2;
	[sflag:s23] =	ssyncset.done $0x0  }
0xba: {  	s14 =	sadd.s32 $0x15200, s13;
	[sflag:s23] =	ssyncadd.s32 $0xFFFFE000  }
0xbb: {  	[spmem:s2] =	stream.indirect.scatter.add.f32 [tilespmem:s25], [sflag:$0x2], $0x40, s14, s24, $0xb8;
	[tilespmem:$0x1E400] =	vst v63  }
0xbc: {  	_ =	swait.ge [sflag:s5], $0x2000  }
0xbd: {  	[sflag:s5] =	ssyncset.done $0x0  }
0xbe: {  	s15 =	sadd.s32 $0x13F00, s13;
	[sflag:s5] =	ssyncadd.s32 $0xFFFFE000  }
0xbf: {  	[tilespmem:s30], [sflag:$0x1] =	stream.indirect.gather [spmem:s3], $0x40, s15, s24, $0xb8;
	[tilespmem:$0x1E400] =	vst v63  }
0xc0: {  	_ =	swait.ge [sflag:s23], $0x2000  }
0xc1: {  	[sflag:s23] =	ssyncset.done $0x0  }
0xc2: {  	s15 =	sadd.s32 $0x15280, s13;
	[sflag:s23] =	ssyncadd.s32 $0xFFFFE000  }
0xc3: {  	[spmem:s2] =	stream.indirect.scatter.add.f32 [tilespmem:s28], [sflag:$0x2], $0x40, s15, s24, $0xb8;
	[tilespmem:$0x1E400] =	vst v63  }
0xc4: {  	_ =	swait.ge [sflag:s5], $0x2000  }
0xc5: {  	[sflag:s5] =	ssyncset.done $0x0  }
0xc6: {  	s15 =	sadd.s32 $0x13F80, s13;
	[sflag:s5] =	ssyncadd.s32 $0xFFFFE000  }
0xc7: {  	[tilespmem:s1], [sflag:$0x1] =	stream.indirect.gather [spmem:s3], $0x40, s15, s24, $0xb8;
	[tilespmem:$0x1E400] =	vst v63  }
0xc8: {  	_ =	swait.ge [sflag:s23], $0x2000  }
0xc9: {  	p0 =	seq.s32 s12, $0x4000;
	[sflag:s23] =	ssyncset.done $0x0  }
.Ltmp4:
0xca: {  	s15 =	sadd.s32 $0x15300, s13;
	[sflag:s23] =	ssyncadd.s32 $0xFFFFE000;
	(pc) =	sbr.rel @p0 .LBB2_7-.Ltmp4, $4  }
0xcb: {  	[spmem:s2] =	stream.indirect.scatter.add.f32 [tilespmem:s30], [sflag:$0x2], $0x40, s15, s24, $0xb8;
	[tilespmem:$0x1E400] =	vst v63  }
0xcc: {  	_ =	swait.ge [sflag:s5], $0x2000  }
0xcd: {  	[sflag:s5] =	ssyncset.done $0x0  }
0xce: {  	s14 =	sadd.s32 $0x15380, s13;
	[sflag:s5] =	ssyncadd.s32 $0xFFFFE000  }
0xcf: {  	s15 =	sadd.s32 $0x14000, s13  }
0xd0: {  	[tilespmem:s25], [sflag:$0x1] =	stream.indirect.gather [spmem:s3], $0x40, s15, s24, $0xb8;
	[tilespmem:$0x1E400] =	vst v63  }
0xd1: {  	_ =	swait.ge [sflag:s23], $0x2000  }
0xd2: {  	[sflag:s23] =	ssyncset.done $0x0  }
0xd3: {  	[sflag:s23] =	ssyncadd.s32 $0xFFFFE000  }
0xd4: {  	[spmem:s2] =	stream.indirect.scatter.add.f32 [tilespmem:s1], [sflag:$0x2], $0x40, s14, s24, $0xb8;
	[tilespmem:$0x1E400] =	vst v63  }
.Ltmp5:
0xd5: {  	_ = 	snop;
	(pc) =	sbr.rel .LBB2_5-.Ltmp5, $4  }
0xd6: {  	_ =	swait.ge [sflag:s5], $0x2000  }
0xd7: {  	[sflag:s5] =	ssyncset.done $0x0  }
0xd8: {  	s12 =	sadd.s32 $0x800, s12;
	s15 =	sadd.s32 $0x14080, s13;
	[sflag:s5] =	ssyncadd.s32 $0xFFFFE000  }
0xd9: {  	[tilespmem:s28], [sflag:$0x1] =	stream.indirect.gather [spmem:s3], $0x40, s15, s24, $0xb8;
	[tilespmem:$0x1E400] =	vst v63  }
.LBB2_7:
0xda: {  	_ =	swait.ge [sflag:s23], $0x2000  }
0xdb: {  	[sflag:s23] =	ssyncset.done $0x0  }
0xdc: {  	[sflag:s23] =	ssyncadd.s32 $0xFFFFE000  }
0xdd: {  	[spmem:s2] =	stream.indirect.scatter.add.f32 [tilespmem:s1], [sflag:$0x2], $0x40, s14, s24, $0xb8;
	[tilespmem:$0x1E400] =	vst v63  }
0xde: {  	_ =	swait.ge [sflag:s5], $0x2000  }
0xdf: {  	[sflag:s5] =	ssyncset.done $0x0  }
0xe0: {  	[sflag:s5] =	ssyncadd.s32 $0xFFFFE000  }
0xe1: {  	_ =	swait.ge [sflag:s5], $0x2000  }
0xe2: {  	[sflag:s5] =	ssyncset.done $0x0  }
0xe3: {  	[sflag:s5] =	ssyncadd.s32 $0xFFFFE000  }
0xe4: {  	_ =	swait.ge [sflag:s5], $0x2000  }
0xe5: {  	[sflag:s5] =	ssyncset.done $0x0  }
0xe6: {  	s12 =	simm.s32 $0x0;
	s13 =	rddreg [dreg:$0xc];
	[sflag:s5] =	ssyncadd.s32 $0xFFFFE000  }
0xe7: {  	[tilespmem:s19], [sflag:$0x1] =	stream.linear.gather [hbm4b:s13+s12], $0x1400, $0x38;
	[tilespmem:$0x1E400] =	vst v63  }
0xe8: {  	s15 =	rddreg [dreg:$0xd]  }
0xe9: {  	[tilespmem:s20], [sflag:$0x1] =	stream.linear.gather [hbm4b:s15+s12], $0x1400, $0x38;
	[tilespmem:$0x1E400] =	vst v63  }
0xea: {  	_ =	swait.ge [sflag:s23], $0x1400  }
0xeb: {  	[sflag:s23] =	ssyncset.done $0x0  }
0xec: {  	[sflag:s23] =	ssyncadd.s32 $0xFFFFEC00  }
0xed: {  	_ =	swait.ge [sflag:s23], $0x1400  }
0xee: {  	[sflag:s23] =	ssyncset.done $0x0  }
0xef: {  	[sflag:s23] =	ssyncadd.s32 $0xFFFFEC00  }
0xf0: {  	[tilespmem:s25], [sflag:$0x1] =	stream.indirect.gather [spmem:s3], $0x40, s19, s24, $0xb8;
	[tilespmem:$0x1E400] =	vst v63  }
0xf1: {  	_ = 	snop  }
0xf2: {  	[tilespmem:s28], [sflag:$0x1] =	stream.indirect.gather [spmem:s3], $0x40, s26, s24, $0xb8;
	[tilespmem:$0x1E400] =	vst v63  }
0xf3: {  	_ =	swait.ge [sflag:s23], $0x2000  }
0xf4: {  	[sflag:s23] =	ssyncset.done $0x0  }
0xf5: {  	[sflag:s23] =	ssyncadd.s32 $0xFFFFE000  }
0xf6: {  	[spmem:s2] =	stream.indirect.scatter.add.f32 [tilespmem:s25], [sflag:$0x2], $0x40, s20, s24, $0xb8;
	[tilespmem:$0x1E400] =	vst v63  }
0xf7: {  	_ = 	snop  }
0xf8: {  	[tilespmem:s30], [sflag:$0x1] =	stream.indirect.gather [spmem:s3], $0x40, s29, s24, $0xb8;
	[tilespmem:$0x1E400] =	vst v63  }
0xf9: {  	_ =	swait.ge [sflag:s23], $0x2000  }
0xfa: {  	[sflag:s23] =	ssyncset.done $0x0  }
0xfb: {  	[sflag:s23] =	ssyncadd.s32 $0xFFFFE000  }
0xfc: {  	[spmem:s2] =	stream.indirect.scatter.add.f32 [tilespmem:s28], [sflag:$0x2], $0x40, s31, s24, $0xb8;
	[tilespmem:$0x1E400] =	vst v63  }
0xfd: {  	_ = 	snop  }
0xfe: {  	[tilespmem:s1], [sflag:$0x1] =	stream.indirect.gather [spmem:s3], $0x40, s0, s24, $0xb8;
	[tilespmem:$0x1E400] =	vst v63  }
0xff: {  	_ =	swait.ge [sflag:s23], $0x2000  }
0x100: {  	[sflag:s23] =	ssyncset.done $0x0  }
0x101: {  	[sflag:s23] =	ssyncadd.s32 $0xFFFFE000  }
0x102: {  	[spmem:s2] =	stream.indirect.scatter.add.f32 [tilespmem:s30], [sflag:$0x2], $0x40, s4, s24, $0xb8;
	[tilespmem:$0x1E400] =	vst v63  }
0x103: {  	_ =	swait.ge [sflag:s5], $0x2000  }
0x104: {  	[sflag:s5] =	ssyncset.done $0x0  }
0x105: {  	[sflag:s5] =	ssyncadd.s32 $0xFFFFE000  }
0x106: {  	[tilespmem:s25], [sflag:$0x1] =	stream.indirect.gather [spmem:s3], $0x40, s6, s24, $0xb8;
	[tilespmem:$0x1E400] =	vst v63  }
0x107: {  	_ =	swait.ge [sflag:s23], $0x2000  }
0x108: {  	[sflag:s23] =	ssyncset.done $0x0  }
0x109: {  	[sflag:s23] =	ssyncadd.s32 $0xFFFFE000  }
0x10a: {  	[spmem:s2] =	stream.indirect.scatter.add.f32 [tilespmem:s1], [sflag:$0x2], $0x40, s7, s24, $0xb8;
	[tilespmem:$0x1E400] =	vst v63  }
0x10b: {  	_ =	swait.ge [sflag:s5], $0x2000  }
0x10c: {  	[sflag:s5] =	ssyncset.done $0x0  }
0x10d: {  	[sflag:s5] =	ssyncadd.s32 $0xFFFFE000  }
0x10e: {  	[tilespmem:s28], [sflag:$0x1] =	stream.indirect.gather [spmem:s3], $0x40, s8, s24, $0xb8;
	[tilespmem:$0x1E400] =	vst v63  }
.LBB2_8:
0x10f: {  	_ =	swait.ge [sflag:s23], $0x2000  }
0x110: {  	s13 =	sshra.s32 s12, $0x2;
	[sflag:s23] =	ssyncset.done $0x0  }
0x111: {  	s14 =	sadd.s32 $0x15200, s13;
	[sflag:s23] =	ssyncadd.s32 $0xFFFFE000  }
0x112: {  	[spmem:s2] =	stream.indirect.scatter.add.f32 [tilespmem:s25], [sflag:$0x2], $0x40, s14, s24, $0xb8;
	[tilespmem:$0x1E400] =	vst v63  }
0x113: {  	_ =	swait.ge [sflag:s5], $0x2000  }
0x114: {  	[sflag:s5] =	ssyncset.done $0x0  }
0x115: {  	s15 =	sadd.s32 $0x13F00, s13;
	[sflag:s5] =	ssyncadd.s32 $0xFFFFE000  }
0x116: {  	[tilespmem:s30], [sflag:$0x1] =	stream.indirect.gather [spmem:s3], $0x40, s15, s24, $0xb8;
	[tilespmem:$0x1E400] =	vst v63  }
0x117: {  	_ =	swait.ge [sflag:s23], $0x2000  }
0x118: {  	[sflag:s23] =	ssyncset.done $0x0  }
0x119: {  	s15 =	sadd.s32 $0x15280, s13;
	[sflag:s23] =	ssyncadd.s32 $0xFFFFE000  }
0x11a: {  	[spmem:s2] =	stream.indirect.scatter.add.f32 [tilespmem:s28], [sflag:$0x2], $0x40, s15, s24, $0xb8;
	[tilespmem:$0x1E400] =	vst v63  }
0x11b: {  	_ =	swait.ge [sflag:s5], $0x2000  }
0x11c: {  	[sflag:s5] =	ssyncset.done $0x0  }
0x11d: {  	s15 =	sadd.s32 $0x13F80, s13;
	[sflag:s5] =	ssyncadd.s32 $0xFFFFE000  }
0x11e: {  	[tilespmem:s1], [sflag:$0x1] =	stream.indirect.gather [spmem:s3], $0x40, s15, s24, $0xb8;
	[tilespmem:$0x1E400] =	vst v63  }
0x11f: {  	_ =	swait.ge [sflag:s23], $0x2000  }
0x120: {  	p0 =	seq.s32 s12, $0x4000;
	[sflag:s23] =	ssyncset.done $0x0  }
.Ltmp6:
0x121: {  	s15 =	sadd.s32 $0x15300, s13;
	[sflag:s23] =	ssyncadd.s32 $0xFFFFE000;
	(pc) =	sbr.rel @p0 .LBB2_10-.Ltmp6, $4  }
0x122: {  	[spmem:s2] =	stream.indirect.scatter.add.f32 [tilespmem:s30], [sflag:$0x2], $0x40, s15, s24, $0xb8;
	[tilespmem:$0x1E400] =	vst v63  }
0x123: {  	_ =	swait.ge [sflag:s5], $0x2000  }
0x124: {  	[sflag:s5] =	ssyncset.done $0x0  }
0x125: {  	s14 =	sadd.s32 $0x15380, s13;
	[sflag:s5] =	ssyncadd.s32 $0xFFFFE000  }
0x126: {  	s15 =	sadd.s32 $0x14000, s13  }
0x127: {  	[tilespmem:s25], [sflag:$0x1] =	stream.indirect.gather [spmem:s3], $0x40, s15, s24, $0xb8;
	[tilespmem:$0x1E400] =	vst v63  }
0x128: {  	_ =	swait.ge [sflag:s23], $0x2000  }
0x129: {  	[sflag:s23] =	ssyncset.done $0x0  }
0x12a: {  	[sflag:s23] =	ssyncadd.s32 $0xFFFFE000  }
0x12b: {  	[spmem:s2] =	stream.indirect.scatter.add.f32 [tilespmem:s1], [sflag:$0x2], $0x40, s14, s24, $0xb8;
	[tilespmem:$0x1E400] =	vst v63  }
.Ltmp7:
0x12c: {  	_ = 	snop;
	(pc) =	sbr.rel .LBB2_8-.Ltmp7, $4  }
0x12d: {  	_ =	swait.ge [sflag:s5], $0x2000  }
0x12e: {  	[sflag:s5] =	ssyncset.done $0x0  }
0x12f: {  	s12 =	sadd.s32 $0x800, s12;
	s15 =	sadd.s32 $0x14080, s13;
	[sflag:s5] =	ssyncadd.s32 $0xFFFFE000  }
0x130: {  	[tilespmem:s28], [sflag:$0x1] =	stream.indirect.gather [spmem:s3], $0x40, s15, s24, $0xb8;
	[tilespmem:$0x1E400] =	vst v63  }
.LBB2_10:
0x131: {  	_ =	swait.ge [sflag:s23], $0x2000  }
0x132: {  	[sflag:s23] =	ssyncset.done $0x0  }
0x133: {  	[sflag:s23] =	ssyncadd.s32 $0xFFFFE000  }
0x134: {  	[spmem:s2] =	stream.indirect.scatter.add.f32 [tilespmem:s1], [sflag:$0x2], $0x40, s14, s24, $0xb8;
	[tilespmem:$0x1E400] =	vst v63  }
0x135: {  	_ =	swait.ge [sflag:s5], $0x2000  }
0x136: {  	[sflag:s5] =	ssyncset.done $0x0  }
0x137: {  	[sflag:s5] =	ssyncadd.s32 $0xFFFFE000  }
0x138: {  	_ =	swait.ge [sflag:s5], $0x2000  }
0x139: {  	[sflag:s5] =	ssyncset.done $0x0  }
0x13a: {  	[sflag:s5] =	ssyncadd.s32 $0xFFFFE000  }
0x13b: {  	_ =	swait.ge [sflag:s5], $0x2000  }
0x13c: {  	[sflag:s5] =	ssyncset.done $0x0  }
0x13d: {  	s12 =	simm.s32 $0x0;
	s13 =	rddreg [dreg:$0xe];
	[sflag:s5] =	ssyncadd.s32 $0xFFFFE000  }
0x13e: {  	[tilespmem:s19], [sflag:$0x1] =	stream.linear.gather [hbm4b:s13+s12], $0x1400, $0x38;
	[tilespmem:$0x1E400] =	vst v63  }
0x13f: {  	_ = 	snop  }
0x140: {  	[tilespmem:s20], [sflag:$0x1] =	stream.linear.gather [hbm4b:s16+s12], $0x1400, $0x38;
	[tilespmem:$0x1E400] =	vst v63  }
0x141: {  	_ =	swait.ge [sflag:s23], $0x1400  }
0x142: {  	[sflag:s23] =	ssyncset.done $0x0  }
0x143: {  	[sflag:s23] =	ssyncadd.s32 $0xFFFFEC00  }
0x144: {  	_ =	swait.ge [sflag:s23], $0x1400  }
0x145: {  	[sflag:s23] =	ssyncset.done $0x0  }
0x146: {  	[sflag:s23] =	ssyncadd.s32 $0xFFFFEC00  }
0x147: {  	[tilespmem:s25], [sflag:$0x1] =	stream.indirect.gather [spmem:s3], $0x40, s19, s24, $0xb8;
	[tilespmem:$0x1E400] =	vst v63  }
0x148: {  	_ = 	snop  }
0x149: {  	[tilespmem:s28], [sflag:$0x1] =	stream.indirect.gather [spmem:s3], $0x40, s26, s24, $0xb8;
	[tilespmem:$0x1E400] =	vst v63  }
0x14a: {  	_ =	swait.ge [sflag:s23], $0x2000  }
0x14b: {  	[sflag:s23] =	ssyncset.done $0x0  }
0x14c: {  	[sflag:s23] =	ssyncadd.s32 $0xFFFFE000  }
0x14d: {  	[spmem:s2] =	stream.indirect.scatter.add.f32 [tilespmem:s25], [sflag:$0x2], $0x40, s20, s24, $0xb8;
	[tilespmem:$0x1E400] =	vst v63  }
0x14e: {  	_ = 	snop  }
0x14f: {  	[tilespmem:s30], [sflag:$0x1] =	stream.indirect.gather [spmem:s3], $0x40, s29, s24, $0xb8;
	[tilespmem:$0x1E400] =	vst v63  }
0x150: {  	_ =	swait.ge [sflag:s23], $0x2000  }
0x151: {  	[sflag:s23] =	ssyncset.done $0x0  }
0x152: {  	[sflag:s23] =	ssyncadd.s32 $0xFFFFE000  }
0x153: {  	[spmem:s2] =	stream.indirect.scatter.add.f32 [tilespmem:s28], [sflag:$0x2], $0x40, s31, s24, $0xb8;
	[tilespmem:$0x1E400] =	vst v63  }
0x154: {  	_ = 	snop  }
0x155: {  	[tilespmem:s1], [sflag:$0x1] =	stream.indirect.gather [spmem:s3], $0x40, s0, s24, $0xb8;
	[tilespmem:$0x1E400] =	vst v63  }
0x156: {  	_ =	swait.ge [sflag:s23], $0x2000  }
0x157: {  	[sflag:s23] =	ssyncset.done $0x0  }
0x158: {  	[sflag:s23] =	ssyncadd.s32 $0xFFFFE000  }
0x159: {  	[spmem:s2] =	stream.indirect.scatter.add.f32 [tilespmem:s30], [sflag:$0x2], $0x40, s4, s24, $0xb8;
	[tilespmem:$0x1E400] =	vst v63  }
0x15a: {  	_ =	swait.ge [sflag:s5], $0x2000  }
0x15b: {  	[sflag:s5] =	ssyncset.done $0x0  }
0x15c: {  	[sflag:s5] =	ssyncadd.s32 $0xFFFFE000  }
0x15d: {  	[tilespmem:s25], [sflag:$0x1] =	stream.indirect.gather [spmem:s3], $0x40, s6, s24, $0xb8;
	[tilespmem:$0x1E400] =	vst v63  }
0x15e: {  	_ =	swait.ge [sflag:s23], $0x2000  }
0x15f: {  	[sflag:s23] =	ssyncset.done $0x0  }
0x160: {  	[sflag:s23] =	ssyncadd.s32 $0xFFFFE000  }
0x161: {  	[spmem:s2] =	stream.indirect.scatter.add.f32 [tilespmem:s1], [sflag:$0x2], $0x40, s7, s24, $0xb8;
	[tilespmem:$0x1E400] =	vst v63  }
0x162: {  	_ =	swait.ge [sflag:s5], $0x2000  }
0x163: {  	[sflag:s5] =	ssyncset.done $0x0  }
0x164: {  	[sflag:s5] =	ssyncadd.s32 $0xFFFFE000  }
0x165: {  	[tilespmem:s28], [sflag:$0x1] =	stream.indirect.gather [spmem:s3], $0x40, s8, s24, $0xb8;
	[tilespmem:$0x1E400] =	vst v63  }
.LBB2_11:
0x166: {  	_ =	swait.ge [sflag:s23], $0x2000  }
0x167: {  	s13 =	sshra.s32 s12, $0x2;
	[sflag:s23] =	ssyncset.done $0x0  }
0x168: {  	s14 =	sadd.s32 $0x15200, s13;
	[sflag:s23] =	ssyncadd.s32 $0xFFFFE000  }
0x169: {  	[spmem:s2] =	stream.indirect.scatter.add.f32 [tilespmem:s25], [sflag:$0x2], $0x40, s14, s24, $0xb8;
	[tilespmem:$0x1E400] =	vst v63  }
0x16a: {  	_ =	swait.ge [sflag:s5], $0x2000  }
0x16b: {  	[sflag:s5] =	ssyncset.done $0x0  }
0x16c: {  	s15 =	sadd.s32 $0x13F00, s13;
	[sflag:s5] =	ssyncadd.s32 $0xFFFFE000  }
0x16d: {  	[tilespmem:s30], [sflag:$0x1] =	stream.indirect.gather [spmem:s3], $0x40, s15, s24, $0xb8;
	[tilespmem:$0x1E400] =	vst v63  }
0x16e: {  	_ =	swait.ge [sflag:s23], $0x2000  }
0x16f: {  	[sflag:s23] =	ssyncset.done $0x0  }
0x170: {  	s15 =	sadd.s32 $0x15280, s13;
	[sflag:s23] =	ssyncadd.s32 $0xFFFFE000  }
0x171: {  	[spmem:s2] =	stream.indirect.scatter.add.f32 [tilespmem:s28], [sflag:$0x2], $0x40, s15, s24, $0xb8;
	[tilespmem:$0x1E400] =	vst v63  }
0x172: {  	_ =	swait.ge [sflag:s5], $0x2000  }
0x173: {  	[sflag:s5] =	ssyncset.done $0x0  }
0x174: {  	s15 =	sadd.s32 $0x13F80, s13;
	[sflag:s5] =	ssyncadd.s32 $0xFFFFE000  }
0x175: {  	[tilespmem:s1], [sflag:$0x1] =	stream.indirect.gather [spmem:s3], $0x40, s15, s24, $0xb8;
	[tilespmem:$0x1E400] =	vst v63  }
0x176: {  	_ =	swait.ge [sflag:s23], $0x2000  }
0x177: {  	p0 =	seq.s32 s12, $0x4000;
	[sflag:s23] =	ssyncset.done $0x0  }
.Ltmp8:
0x178: {  	s15 =	sadd.s32 $0x15300, s13;
	[sflag:s23] =	ssyncadd.s32 $0xFFFFE000;
	(pc) =	sbr.rel @p0 .LBB2_13-.Ltmp8, $4  }
0x179: {  	[spmem:s2] =	stream.indirect.scatter.add.f32 [tilespmem:s30], [sflag:$0x2], $0x40, s15, s24, $0xb8;
	[tilespmem:$0x1E400] =	vst v63  }
0x17a: {  	_ =	swait.ge [sflag:s5], $0x2000  }
0x17b: {  	[sflag:s5] =	ssyncset.done $0x0  }
0x17c: {  	s14 =	sadd.s32 $0x15380, s13;
	[sflag:s5] =	ssyncadd.s32 $0xFFFFE000  }
0x17d: {  	s15 =	sadd.s32 $0x14000, s13  }
0x17e: {  	[tilespmem:s25], [sflag:$0x1] =	stream.indirect.gather [spmem:s3], $0x40, s15, s24, $0xb8;
	[tilespmem:$0x1E400] =	vst v63  }
0x17f: {  	_ =	swait.ge [sflag:s23], $0x2000  }
0x180: {  	[sflag:s23] =	ssyncset.done $0x0  }
0x181: {  	[sflag:s23] =	ssyncadd.s32 $0xFFFFE000  }
0x182: {  	[spmem:s2] =	stream.indirect.scatter.add.f32 [tilespmem:s1], [sflag:$0x2], $0x40, s14, s24, $0xb8;
	[tilespmem:$0x1E400] =	vst v63  }
.Ltmp9:
0x183: {  	_ = 	snop;
	(pc) =	sbr.rel .LBB2_11-.Ltmp9, $4  }
0x184: {  	_ =	swait.ge [sflag:s5], $0x2000  }
0x185: {  	[sflag:s5] =	ssyncset.done $0x0  }
0x186: {  	s12 =	sadd.s32 $0x800, s12;
	s15 =	sadd.s32 $0x14080, s13;
	[sflag:s5] =	ssyncadd.s32 $0xFFFFE000  }
0x187: {  	[tilespmem:s28], [sflag:$0x1] =	stream.indirect.gather [spmem:s3], $0x40, s15, s24, $0xb8;
	[tilespmem:$0x1E400] =	vst v63  }
.LBB2_14:
0x188: {  	_ =	sfence.sel $0x180000  }
0x189: {  	[bflag:$0x0] =	sbarrier.arrive $0xFFFF  }
0x18a: {  	_ =	strace $0x9000004A  }
0x18b: {  	s0 =	stileid.u32;
	[bflag:$0x2] =	sbarrier.arrive $0xFFFF  }
0x18c: {  	p0 =	sne.s32 s0, $0x0;
	s0 =	rddreg [dreg:$0x4]  }
0x18d: {  	s0 =	sadd.s32 @!p0 $0x100000, s0  }
0x18e: {  	[sflag:s0] =	ssyncadd.tile.s32 @!p0 $0x1;
	_ =	shalt  }
.Lfunc_end2:
_tile_overlayer_lowered:
.L_overlay_start_2:
0x18f: {  	(tag) =	ssettag $0x2  }
0x190: {  	s0 =	rddreg [dreg:$0x0];
	s2 =	stileid.u32  }
0x191: {  	s1 =	rddreg [dreg:$0x1];
	p0 =	sne.s32 s2, $0x0  }
0x192: {  	s3 =	rddreg [dreg:$0x2];
	[bflag:$0x3] =	sbarrier.arrive $0xFFFF;
	s2 =	simm.s32 @!p0 $0x1C03  }
0x193: {  	[timem:s3], [sflag:s2] =	dma.local @!p0 [hbm:s0], s1  }
0x194: {  	s0 =	simm.s32 @!p0 $0x3  }
0x195: {  	_ =	swait.ge @!p0 [sflag:s0], s1  }
0x196: {  	s1 =	ssub.s32 @!p0 $0x0, s1;
	[sflag:s0] =	ssyncset.done @!p0 $0x0  }
0x197: {  	[sflag:s0] =	ssyncadd.s32 @!p0 s1  }
0x198: {  	[bflag:$0x3] =	sbarrier.arrive $0xFFFF  }
0x199: {  	_ =	shalt  }

// kernel: kernel.7.cloned.1.call-start
scs
__scs_entry_jumppad:
0x0: {  	(pc) =	sbr.rel $0x88, $3  }
0x1: {  	(tag) =	ssettag $0x0;
	lr =	simm.s32 $0x1  }
0x2: {  	[smem:$0x3F96] =	sst lr;
	_ =	strace $0xD0000000  }
0x3: {  	_ = 	snop  }
0x4: {  	_ = 	snop  }
0x5: {  	_ = 	snop  }
0x6: {  	_ = 	snop  }
0x7: {  	_ = 	snop  }
__scs_overlays_trampoline_lowered:
0x8: {  	[smem:$0x3FA5] =	sst s0  }
0x9: {  	[smem:$0x3FA6] =	sst s1  }
0xa: {  	[smem:$0x3FA7] =	sst s2  }
0xb: {  	[smem:$0x3FA8] =	sst s3  }
0xc: {  	[smem:$0x3FA9] =	sst s4  }
0xd: {  	[smem:$0x3FAA] =	sst s5  }
0xe: {  	[smem:$0x3FAB] =	sst s6  }
0xf: {  	[smem:$0x3FAC] =	sst s7  }
0x10: {  	[smem:$0x3FAD] =	sst s8  }
0x11: {  	[smem:$0x3FAE] =	sst s9;
	s0 =	simm.s32 @!p0 $0x0  }
0x12: {  	s1 =	sld [smem:$0x3F94];
	s0 =	simm.s32 @p0 $0x1  }
0x13: {  	[smem:$0x3FAF] =	sst s0;
	s0 =	simm.s32 @!p1 $0x0  }
0x14: {  	s2 =	sld [smem:$0x3F93];
	s0 =	simm.s32 @p1 $0x1  }
0x15: {  	[smem:$0x3FB0] =	sst s0;
	s0 =	simm.s32 @!p2 $0x0  }
0x16: {  	s3 =	sld [smem:$0x3FDB];
	s0 =	simm.s32 @p2 $0x1  }
0x17: {  	s4 =	simm.s32 $0x1BF5;
	[smem:$0x3FB2] =	sst s0  }
0x18: {  	s0 =	sld [smem:$0x3F95];
	_ =	swait.ge [sflag:s4], $0x0  }
0x19: {  	s7 =	sld [smem:$0x3F96]  }
0x1a: {  	s8 =	sadd.s32 $0xFFFFE003, lr  }
0x1b: {  	s9 =	sadd.s32 $0xFFFFFEF7, lr;
	s5 =	simm.s32 $0xFFFFFFFF;
	p2 =	slt.u32 s8, $0xFFFFF086  }
0x1c: {  	p1 =	slt.u32 s9, $0xF7A;
	s5 =	simm.s32 @!p2 $0x0  }
0x1d: {  	s5 =	simm.s32 @p1 $0x1;
	p0 =	seq.s32 s7, s2  }
0x1e: {  	s7 =	smul.u32 @!p0 $0xF7A, s2;
	p2 =	seq.s32 @!p0 s5, $0x0  }
0x1f: {  	s9 =	smul.u32 $0xF7A, s1;
	s8 =	simm.s32 @!p0 $0x1BF5;
	p2 =	por !p2, p0  }
0x20: {  	[sflag:s8] =	ssyncset.s32 @!p0 $0xFFFFF086;
	s6 =	sadd.s32 @!p0 s3, s7;
	s7 =	simm.s32 @!p0 $0x108  }
0x21: {  	s3 =	sadd.s32 s3, s9;
	s6 =	sadd.s32 @!p0 $0x88, s6;
	s7 =	simm.s32 @p2 $0x1082  }
0x22: {  	[simem:s7], [sflag:s8] =	dma.local @!p0 [hbm:s6], $0xF7A  }
0x23: {  	s9 =	sor.u32 $0xD0000000, s2;
	s6 =	simm.s32 $0x108;
	_ =	swait.ge @!p0 [sflag:s8], $0x0  }
0x24: {  	s3 =	sadd.s32 $0x88, s3;
	s6 =	simm.s32 @!p1 $0x1082;
	[sflag:s4] =	ssyncset.s32 $0xFFFFF086  }
0x25: {  	[simem:s6], [sflag:s4] =	dma.local [hbm:s3], $0xF7A  }
0x26: {  	[smem:$0x3F96] =	sst s1;
	(tag) =	ssettag s2;
	_ =	strace s9  }
0x27: {  	s1 =	sld [smem:$0x3FA6]  }
0x28: {  	s2 =	sld [smem:$0x3FA7]  }
0x29: {  	s4 =	sld [smem:$0x3FA9]  }
0x2a: {  	p0 =	seq.s32 s5, $0x0;
	s5 =	sld [smem:$0x3FAA]  }
0x2b: {  	s6 =	sld [smem:$0x3FAB]  }
0x2c: {  	s7 =	sld [smem:$0x3FAC]  }
0x2d: {  	s3 =	simm.s32 $0x108;
	s8 =	sld [smem:$0x3FAD]  }
0x2e: {  	s3 =	simm.s32 @!p0 $0x1082;
	s9 =	sld [smem:$0x3FAE]  }
0x2f: {  	lr =	sadd.s32 s0, s3;
	s0 =	sld [smem:$0x3FA5]  }
0x30: {  	s3 =	sld [smem:$0x3FA8]  }
0x31: {  	[smem:$0x3FB1] =	sst s10  }
0x32: {  	s10 =	sld [smem:$0x3FAF];
	_ =	sdelay $0x3  }
0x33: {  	p0 =	seq.s32 s10, $0x1;
	s10 =	sld [smem:$0x3FB1];
	_ =	sdelay $0x3  }
0x34: {  	[smem:$0x3FB1] =	sst s10  }
0x35: {  	s10 =	sld [smem:$0x3FB0];
	_ =	sdelay $0x3  }
0x36: {  	p1 =	seq.s32 s10, $0x1;
	s10 =	sld [smem:$0x3FB1];
	_ =	sdelay $0x3  }
0x37: {  	[smem:$0x3FB1] =	sst s10  }
0x38: {  	s10 =	sld [smem:$0x3FB2]  }
0x39: {  	_ = 	snop;
	(pc) =	sbr.ind lr, $3  }
0x3a: {  	_ = 	snop  }
0x3b: {  	_ = 	snop  }
0x3c: {  	p2 =	seq.s32 s10, $0x1;
	s10 =	sld [smem:$0x3FB1]  }
0x3d: {  	_ =	shalt  }
0x3e: {  	_ =	shalt  }
0x3f: {  	_ =	shalt  }
0x40: {  	_ =	shalt  }
0x41: {  	_ =	shalt  }
0x42: {  	_ =	shalt  }
0x43: {  	_ =	shalt  }
0x44: {  	_ =	shalt  }
0x45: {  	_ =	shalt  }
0x46: {  	_ =	shalt  }
0x47: {  	_ =	shalt  }
0x48: {  	_ =	shalt  }
0x49: {  	_ =	shalt  }
0x4a: {  	_ =	shalt  }
0x4b: {  	_ =	shalt  }
0x4c: {  	_ =	shalt  }
0x4d: {  	_ =	shalt  }
0x4e: {  	_ =	shalt  }
0x4f: {  	_ =	shalt  }
0x50: {  	_ =	shalt  }
0x51: {  	_ =	shalt  }
0x52: {  	_ =	shalt  }
0x53: {  	_ =	shalt  }
0x54: {  	_ =	shalt  }
0x55: {  	_ =	shalt  }
0x56: {  	_ =	shalt  }
0x57: {  	_ =	shalt  }
0x58: {  	_ =	shalt  }
0x59: {  	_ =	shalt  }
0x5a: {  	_ =	shalt  }
0x5b: {  	_ =	shalt  }
0x5c: {  	_ =	shalt  }
0x5d: {  	_ =	shalt  }
0x5e: {  	_ =	shalt  }
0x5f: {  	_ =	shalt  }
0x60: {  	_ =	shalt  }
0x61: {  	_ =	shalt  }
0x62: {  	_ =	shalt  }
0x63: {  	_ =	shalt  }
0x64: {  	_ =	shalt  }
0x65: {  	_ =	shalt  }
0x66: {  	_ =	shalt  }
0x67: {  	_ =	shalt  }
0x68: {  	_ =	shalt  }
0x69: {  	_ =	shalt  }
0x6a: {  	_ =	shalt  }
0x6b: {  	_ =	shalt  }
0x6c: {  	_ =	shalt  }
0x6d: {  	_ =	shalt  }
0x6e: {  	_ =	shalt  }
0x6f: {  	_ =	shalt  }
0x70: {  	_ =	shalt  }
0x71: {  	_ =	shalt  }
0x72: {  	_ =	shalt  }
0x73: {  	_ =	shalt  }
0x74: {  	_ =	shalt  }
0x75: {  	_ =	shalt  }
0x76: {  	_ =	shalt  }
0x77: {  	_ =	shalt  }
0x78: {  	_ =	shalt  }
0x79: {  	_ =	shalt  }
0x7a: {  	_ =	shalt  }
0x7b: {  	_ =	shalt  }
0x7c: {  	_ =	shalt  }
0x7d: {  	_ =	shalt  }
0x7e: {  	_ =	shalt  }
0x7f: {  	_ =	shalt  }
0x80: {  	_ =	shalt  }
0x81: {  	_ =	shalt  }
0x82: {  	_ =	shalt  }
0x83: {  	_ =	shalt  }
0x84: {  	_ =	shalt  }
0x85: {  	_ =	shalt  }
0x86: {  	_ =	shalt  }
0x87: {  	_ =	shalt  }
.Lfunc_end0:
.L_simem_size_0:
called_computation_lowered:
.L_overlay_start_0:
0x88: {  	s2 =	sld [smem:$0x3FD9]  }
0x89: {  	s3 =	sld [smem:$0x3FFE];
	_ =	sdelay $0x1  }
0x8a: {  	s1 =	srdreg.scid  }
0x8b: {  	s0 =	sand.u32 $0x1, s1  }
0x8c: {  	s17 =	sshll.u32 s0, $0xA;
	s2 =	sadd.s32 s3, s2  }
0x8d: {  	s2 =	sadd.s32 s2, s17  }
0x8e: {  	[smem:$0x3FBD] =	sst s2  }
0x8f: {  	_ = 	snop  }
0x90: {  	s2 =	sld [smem:$0x3FD0];
	(tm) =	ssettm $0x1  }
0x91: {  	s18 =	sld [smem:$0x3FFB];
	_ =	sdelay $0x3  }
0x92: {  	_ =	strace s18  }
0x93: {  	s3 =	sld [smem:$0x3FFC];
	_ =	sdelay $0x3  }
0x94: {  	_ =	strace s3  }
0x95: {  	s3 =	sld [smem:$0x3FFD];
	_ =	sdelay $0x3  }
0x96: {  	_ =	strace s3  }
0x97: {  	_ =	strace $0x8FFFFFFF  }
0x98: {  	s19 =	sld [smem:$0x3FDB];
	_ =	sdelay $0x1  }
0x99: {  	s4 =	simm.s32 $_scs_section_size  }
0x9a: {  	s5 =	simm.s32 $_size__tile_overlayer_lowered;
	s6 =	simm.s32 $_tile_overlayer_lowered  }
0x9b: {  	s22 =	simm.s32 $0x1BFF;
	s21 =	sshll.u32 s6, $0x1;
	s3 =	sadd.s32 s4, s19  }
0x9c: {  	s7 =	simm.s32 $0x0;
	s20 =	sshll.u32 s5, $0x1;
	s5 =	sadd.s32 s21, s3  }
0x9d: {  	[timem:s7], [sflag:s22] =	dma.local [hbm:s5], s20  }
0x9e: {  	_ =	swait.ge [sflag:s22], s20  }
0x9f: {  	s4 =	ssub.s32 $0x0, s20;
	[sflag:s22] =	ssyncset.done $0x0  }
0xa0: {  	[sflag:s22] =	ssyncadd.s32 s4;
	_ =	sdelay $0x1  }
0xa1: {  	s23 =	simm.s32 $0x1B8B  }
0xa2: {  	_ =	swait.ge [sflag:s23], $0x1  }
0xa3: {  	[sflag:s23] =	ssyncset.done $0x0  }
0xa4: {  	s25 =	simm.s32 $0x1B8E;
	s24 =	sld [smem:$0x3FFE];
	[sflag:s23] =	ssyncadd.s32 $0xFFFFFFFF  }
0xa5: {  	s26 =	simm.s32 $execute0_lowered;
	[smem:$0x3FD2] =	sst s25  }
0xa6: {  	s5 =	sshll.u32 s26, $0x1;
	_ =	strace $0x80000046;
	[dreg:$0x1] =	wrdreg $0xFFFFFFFF  }
0xa7: {  	s28 =	simm.s32 $_size_execute0_lowered;
	s3 =	sadd.s32 s3, s5;
	[dreg:$0x0] =	wrdreg $0x0  }
0xa8: {  	s5 =	sshll.u32 s28, $0x1;
	[dreg:$0x2] =	wrdreg s3  }
0xa9: {  	[dreg:$0x3] =	wrdreg s5  }
0xaa: {  	[dreg:$0x4] =	wrdreg $0xC0  }
0xab: {  	_ =	task [dreg:s7], $0x5FFFF  }
0xac: {  	[dreg:$0x1] =	wrdreg $0xFFFFFFFF  }
0xad: {  	[dreg:$0x0] =	wrdreg $0x60  }
0xae: {  	[dreg:$0x2] =	wrdreg s24  }
0xaf: {  	[dreg:$0x3] =	wrdreg s2  }
0xb0: {  	[dreg:$0x4] =	wrdreg $0x9E000  }
0xb1: {  	[dreg:$0x5] =	wrdreg $0x0  }
0xb2: {  	[dreg:$0x6] =	wrdreg $0x9  }
0xb3: {  	_ =	task.clear_ibuf [dreg:s7], $0x7FFFF;
	_ =	strace $0x90000046  }
0xb4: {  	s29 =	simm.s32 $0x9;
	_ =	strace $0x80000048  }
0xb5: {  	_ =	swait.ge [sflag:s29], $0x1  }
0xb6: {  	[sflag:s29] =	ssyncadd.s32 $0xFFFFFFFF  }
0xb7: {  	_ =	strace $0x90000048  }
0xb8: {  	_ =	sfence  }
0xb9: {  	s30 =	sld [smem:$0x0];
	_ =	sdelay $0x2  }
0xba: {  	s31 =	sshll.u32 s1, $0xD;
	s1 =	sshrl.u32 s1, $0x2  }
0xbb: {  	s3 =	sand.u32 $0x4000, s31;
	s1 =	sadd.s32 s1, s30  }
0xbc: {  	s0 =	sor.u32 s3, s0;
	s1 =	sshll.u32 s1, $0x11  }
0xbd: {  	s0 =	sor.u32 s1, s0  }
0xbe: {  	s0 =	sadd.s32 $0x8F2B, s0  }
0xbf: {  	[sflag:s0] =	ssyncadd.remote.s32 $0x1  }
0xc0: {  	_ =	sfence.sel $0xFFFF  }
0xc1: {  	[dreg:$0x0] =	wrdreg $0xFFFFFFFF;
	(pc) =	sbr.abs _section_cstart, $3  }
0xc2: {  	[dreg:$0x1] =	wrdreg $0xFFFFFFFF  }
0xc3: {  	_ =	task.clear_ibuf [dreg:s7], $0x2FFFF;
	_ =	strace $0x9FFFFFFF  }
0xc4: {  	(tm) =	ssettm $0x7FFFFFFF  }
0xc5: {  	_ =	shalt  }
tec
execute0_lowered:
.L_overlay_start_1:
0x0: {  	(tag) =	ssettag $0x1  }
0x1: {  	s0 =	rddreg [dreg:$0x0]  }
0x2: {  	s1 =	rddreg [dreg:$0x1]  }
0x3: {  	s2 =	rddreg [dreg:$0x2]  }
0x4: {  	s3 =	rddreg [dreg:$0x3];
	s4 =	srdreg.scid  }
0x5: {  	s9 =	stileid.u32;
	s6 =	simm.s32 $0x0;
	s28 =	simm.s32 $0x18400  }
0x6: {  	s29 =	simm.s32 $0x13D00;
	s30 =	simm.s32 $0x1A400;
	s31 =	simm.s32 $0x15080  }
0x7: {  	s4 =	sand.u32 $0x1, s4;
	s5 =	smul.u32 $0x9E00, s9;
	[smem:$0x7FF] =	sst s6  }
0x8: {  	s7 =	sadd.s32 $0x1400, s0;
	s8 =	smul.u32 $0x5000, s9;
	s10 =	sadd.s32 $0x32C00, s0  }
0x9: {  	s18 =	sshll.u32 s9, $0x6;
	s15 =	smul.u32 $0x9E000, s4;
	_ =	strace $0x80000047  }
0xa: {  	[dreg:$0x5] =	wrdreg s10;
	s4 =	ssub.s32 $0x2, s4;
	s9 =	sor.u32 $0x1C03, s18  }
0xb: {  	s10 =	simm.s32 $0x0;
	s16 =	sshrl.u32 s4, $0x1;
	s8 =	sshrl.u32 s8, $0x3  }
0xc: {  	s20 =	sadd.s32 s5, s2;
	s6 =	sadd.s32 s5, s15;
	s4 =	ssub.s32 s4, s16  }
0xd: {  	s17 =	sadd.s32 s1, s8;
	s19 =	sadd.s32 s7, s8;
	[dreg:$0x8] =	wrdreg s20  }
0xe: {  	s5 =	sadd.s32 s5, s3;
	s22 =	sadd.s32 $0x280, s8;
	s24 =	sadd.s32 $0x500, s8  }
0xf: {  	s26 =	sadd.s32 $0x780, s8;
	s20 =	simm.s32 $0x15000;
	[dreg:$0x6] =	wrdreg s17  }
0x10: {  	s8 =	simm.s32 $0x13E80;
	s6 =	sshrl.u32 s6, $0x3;
	[dreg:$0x7] =	wrdreg s19  }
0x11: {  	s23 =	sadd.s32 s1, s22;
	s25 =	sadd.s32 s1, s24;
	s1 =	sadd.s32 s1, s26  }
0x12: {  	s16 =	sadd.s32 s7, s26;
	s18 =	smax.u32 s4, $0x1;
	s19 =	simm.s32 $0x13C00  }
0x13: {  	s26 =	simm.s32 $0x13C80;
	s4 =	simm.s32 $0x15100;
	[dreg:$0xa] =	wrdreg s23  }
0x14: {  	s0 =	sadd.s32 s6, s0;
	s6 =	sadd.s32 s7, s22;
	[dreg:$0xc] =	wrdreg s25  }
0x15: {  	[dreg:$0xe] =	wrdreg s1;
	s22 =	sshrl.u32 s5, $0x3;
	s23 =	simm.s32 $0x1  }
.Ltmp0:
0x16: {  	s25 =	simm.s32 $0x16400;
	s1 =	simm.s32 $0x1C400;
	(pc) =	sbr.rel .LBB2_1-.Ltmp0, $4  }
0x17: {  	s5 =	simm.s32 $0x2;
	s21 =	sadd.s32 $0xB400, s0;
	[dreg:$0xb] =	wrdreg s6  }
0x18: {  	s6 =	sadd.s32 s7, s24;
	s17 =	sadd.s32 $0x34000, s0;
	s24 =	simm.s32 $0x80  }
0x19: {  	s0 =	simm.s32 $0x13D80;
	s7 =	simm.s32 $0x15180;
	[dreg:$0x9] =	wrdreg s21  }
0x1a: {  	[dreg:$0xd] =	wrdreg s6;
	s21 =	simm.s32 $0x3;
	s6 =	simm.s32 $0x13E00  }
.LBB2_13:
0x1b: {  	_ =	swait.ge [sflag:s23], $0x2000  }
0x1c: {  	[sflag:s23] =	ssyncset.done $0x0  }
0x1d: {  	[sflag:s23] =	ssyncadd.s32 $0xFFFFE000  }
0x1e: {  	[spmem:s2] =	stream.indirect.scatter.add.f32 [tilespmem:s1], [sflag:$0x2], $0x40, s14, s24, $0xb8;
	[tilespmem:$0x1E400] =	vst v63  }
0x1f: {  	_ =	swait.ge [sflag:s5], $0x2000  }
0x20: {  	[sflag:s5] =	ssyncset.done $0x0  }
0x21: {  	[sflag:s5] =	ssyncadd.s32 $0xFFFFE000  }
0x22: {  	_ =	swait.ge [sflag:s5], $0x2000  }
0x23: {  	[sflag:s5] =	ssyncset.done $0x0  }
0x24: {  	[sflag:s5] =	ssyncadd.s32 $0xFFFFE000  }
0x25: {  	_ =	swait.ge [sflag:s5], $0x2000  }
0x26: {  	s10 =	sadd.s32 $0x1, s10;
	[sflag:s5] =	ssyncset.done $0x0  }
0x27: {  	p0 =	sne.s32 s10, s18;
	[sflag:s5] =	ssyncadd.s32 $0xFFFFE000  }
.Ltmp1:
0x28: {  	[bflag:$0x0] =	sbarrier.arrive $0xFFFF;
	(pc) =	sbr.rel @!p0 .LBB2_14-.Ltmp1, $4  }
0x29: {  	[hbm:s17], [sflag:s9] =	dma.local [spmem:s11], $0x13C0  }
0x2a: {  	_ =	swait.ge [sflag:s21], $0x13C0  }
0x2b: {  	[sflag:s21] =	ssyncset.done $0x0  }
0x2c: {  	[sflag:s21] =	ssyncadd.s32 $0xFFFFEC40  }
.LBB2_1:
0x2d: {  	s12 =	rddreg [dreg:$0x6]  }
0x2e: {  	s11 =	simm.s32 $0x0;
	s15 =	rddreg [dreg:$0x7]  }
0x2f: {  	[tilespmem:s19], [sflag:$0x1] =	stream.linear.gather [hbm4b:s12+s11], $0x1400, $0x38;
	[tilespmem:$0x1E400] =	vst v63  }
0x30: {  	s13 =	rddreg [dreg:$0x8]  }
0x31: {  	[tilespmem:s20], [sflag:$0x1] =	stream.linear.gather [hbm4b:s15+s11], $0x1400, $0x38;
	[tilespmem:$0x1E400] =	vst v63  }
0x32: {  	s14 =	rddreg [dreg:$0x5];
	s11 =	sshrl.u32 s13, $0x3  }
0x33: {  	[spmem:s11], [sflag:s9] =	dma.local [hbm:s14], $0x13C0  }
0x34: {  	_ =	swait.ge [sflag:s21], $0x13C0  }
0x35: {  	[sflag:s21] =	ssyncset.done $0x0  }
0x36: {  	s15 =	rddreg [dreg:$0x9];
	[sflag:s21] =	ssyncadd.s32 $0xFFFFEC40  }
0x37: {  	[spmem:s22], [sflag:s9] =	dma.local [hbm:s15], $0x13C0  }
0x38: {  	_ =	swait.ge [sflag:s21], $0x13C0  }
0x39: {  	[sflag:s21] =	ssyncset.done $0x0  }
0x3a: {  	[sflag:s21] =	ssyncadd.s32 $0xFFFFEC40  }
0x3b: {  	[bflag:$0x0] =	sbarrier.arrive $0xFFFF  }
0x3c: {  	_ =	swait.ge [sflag:s23], $0x1400  }
0x3d: {  	[sflag:s23] =	ssyncset.done $0x0  }
0x3e: {  	[sflag:s23] =	ssyncadd.s32 $0xFFFFEC00  }
0x3f: {  	_ =	swait.ge [sflag:s23], $0x1400  }
0x40: {  	[sflag:s23] =	ssyncset.done $0x0  }
0x41: {  	[sflag:s23] =	ssyncadd.s32 $0xFFFFEC00  }
0x42: {  	[tilespmem:s25], [sflag:$0x1] =	stream.indirect.gather [spmem:s3], $0x40, s19, s24, $0xb8;
	[tilespmem:$0x1E400] =	vst v63  }
0x43: {  	_ = 	snop  }
0x44: {  	[tilespmem:s28], [sflag:$0x1] =	stream.indirect.gather [spmem:s3], $0x40, s26, s24, $0xb8;
	[tilespmem:$0x1E400] =	vst v63  }
0x45: {  	_ =	swait.ge [sflag:s23], $0x2000  }
0x46: {  	[sflag:s23] =	ssyncset.done $0x0  }
0x47: {  	[sflag:s23] =	ssyncadd.s32 $0xFFFFE000  }
0x48: {  	[spmem:s2] =	stream.indirect.scatter.add.f32 [tilespmem:s25], [sflag:$0x2], $0x40, s20, s24, $0xb8;
	[tilespmem:$0x1E400] =	vst v63  }
0x49: {  	_ = 	snop  }
0x4a: {  	[tilespmem:s30], [sflag:$0x1] =	stream.indirect.gather [spmem:s3], $0x40, s29, s24, $0xb8;
	[tilespmem:$0x1E400] =	vst v63  }
0x4b: {  	_ =	swait.ge [sflag:s23], $0x2000  }
0x4c: {  	[sflag:s23] =	ssyncset.done $0x0  }
0x4d: {  	[sflag:s23] =	ssyncadd.s32 $0xFFFFE000  }
0x4e: {  	[spmem:s2] =	stream.indirect.scatter.add.f32 [tilespmem:s28], [sflag:$0x2], $0x40, s31, s24, $0xb8;
	[tilespmem:$0x1E400] =	vst v63  }
0x4f: {  	_ = 	snop  }
0x50: {  	[tilespmem:s1], [sflag:$0x1] =	stream.indirect.gather [spmem:s3], $0x40, s0, s24, $0xb8;
	[tilespmem:$0x1E400] =	vst v63  }
0x51: {  	_ =	swait.ge [sflag:s23], $0x2000  }
0x52: {  	[sflag:s23] =	ssyncset.done $0x0  }
0x53: {  	[sflag:s23] =	ssyncadd.s32 $0xFFFFE000  }
0x54: {  	[spmem:s2] =	stream.indirect.scatter.add.f32 [tilespmem:s30], [sflag:$0x2], $0x40, s4, s24, $0xb8;
	[tilespmem:$0x1E400] =	vst v63  }
0x55: {  	_ =	swait.ge [sflag:s5], $0x2000  }
0x56: {  	[sflag:s5] =	ssyncset.done $0x0  }
0x57: {  	[sflag:s5] =	ssyncadd.s32 $0xFFFFE000  }
0x58: {  	[tilespmem:s25], [sflag:$0x1] =	stream.indirect.gather [spmem:s3], $0x40, s6, s24, $0xb8;
	[tilespmem:$0x1E400] =	vst v63  }
0x59: {  	_ =	swait.ge [sflag:s23], $0x2000  }
0x5a: {  	[sflag:s23] =	ssyncset.done $0x0  }
0x5b: {  	[sflag:s23] =	ssyncadd.s32 $0xFFFFE000  }
0x5c: {  	[spmem:s2] =	stream.indirect.scatter.add.f32 [tilespmem:s1], [sflag:$0x2], $0x40, s7, s24, $0xb8;
	[tilespmem:$0x1E400] =	vst v63  }
0x5d: {  	_ =	swait.ge [sflag:s5], $0x2000  }
0x5e: {  	[sflag:s5] =	ssyncset.done $0x0  }
0x5f: {  	s12 =	simm.s32 $0x0;
	[sflag:s5] =	ssyncadd.s32 $0xFFFFE000  }
0x60: {  	[tilespmem:s28], [sflag:$0x1] =	stream.indirect.gather [spmem:s3], $0x40, s8, s24, $0xb8;
	[tilespmem:$0x1E400] =	vst v63  }
.LBB2_2:
0x61: {  	_ =	swait.ge [sflag:s23], $0x2000  }
0x62: {  	s13 =	sshra.s32 s12, $0x2;
	[sflag:s23] =	ssyncset.done $0x0  }
0x63: {  	s14 =	sadd.s32 $0x15200, s13;
	[sflag:s23] =	ssyncadd.s32 $0xFFFFE000  }
0x64: {  	[spmem:s2] =	stream.indirect.scatter.add.f32 [tilespmem:s25], [sflag:$0x2], $0x40, s14, s24, $0xb8;
	[tilespmem:$0x1E400] =	vst v63  }
0x65: {  	_ =	swait.ge [sflag:s5], $0x2000  }
0x66: {  	[sflag:s5] =	ssyncset.done $0x0  }
0x67: {  	s15 =	sadd.s32 $0x13F00, s13;
	[sflag:s5] =	ssyncadd.s32 $0xFFFFE000  }
0x68: {  	[tilespmem:s30], [sflag:$0x1] =	stream.indirect.gather [spmem:s3], $0x40, s15, s24, $0xb8;
	[tilespmem:$0x1E400] =	vst v63  }
0x69: {  	_ =	swait.ge [sflag:s23], $0x2000  }
0x6a: {  	[sflag:s23] =	ssyncset.done $0x0  }
0x6b: {  	s15 =	sadd.s32 $0x15280, s13;
	[sflag:s23] =	ssyncadd.s32 $0xFFFFE000  }
0x6c: {  	[spmem:s2] =	stream.indirect.scatter.add.f32 [tilespmem:s28], [sflag:$0x2], $0x40, s15, s24, $0xb8;
	[tilespmem:$0x1E400] =	vst v63  }
0x6d: {  	_ =	swait.ge [sflag:s5], $0x2000  }
0x6e: {  	[sflag:s5] =	ssyncset.done $0x0  }
0x6f: {  	s15 =	sadd.s32 $0x13F80, s13;
	[sflag:s5] =	ssyncadd.s32 $0xFFFFE000  }
0x70: {  	[tilespmem:s1], [sflag:$0x1] =	stream.indirect.gather [spmem:s3], $0x40, s15, s24, $0xb8;
	[tilespmem:$0x1E400] =	vst v63  }
0x71: {  	_ =	swait.ge [sflag:s23], $0x2000  }
0x72: {  	p0 =	seq.s32 s12, $0x4000;
	[sflag:s23] =	ssyncset.done $0x0  }
.Ltmp2:
0x73: {  	s15 =	sadd.s32 $0x15300, s13;
	[sflag:s23] =	ssyncadd.s32 $0xFFFFE000;
	(pc) =	sbr.rel @p0 .LBB2_4-.Ltmp2, $4  }
0x74: {  	[spmem:s2] =	stream.indirect.scatter.add.f32 [tilespmem:s30], [sflag:$0x2], $0x40, s15, s24, $0xb8;
	[tilespmem:$0x1E400] =	vst v63  }
0x75: {  	_ =	swait.ge [sflag:s5], $0x2000  }
0x76: {  	[sflag:s5] =	ssyncset.done $0x0  }
0x77: {  	s14 =	sadd.s32 $0x15380, s13;
	[sflag:s5] =	ssyncadd.s32 $0xFFFFE000  }
0x78: {  	s15 =	sadd.s32 $0x14000, s13  }
0x79: {  	[tilespmem:s25], [sflag:$0x1] =	stream.indirect.gather [spmem:s3], $0x40, s15, s24, $0xb8;
	[tilespmem:$0x1E400] =	vst v63  }
0x7a: {  	_ =	swait.ge [sflag:s23], $0x2000  }
0x7b: {  	[sflag:s23] =	ssyncset.done $0x0  }
0x7c: {  	[sflag:s23] =	ssyncadd.s32 $0xFFFFE000  }
0x7d: {  	[spmem:s2] =	stream.indirect.scatter.add.f32 [tilespmem:s1], [sflag:$0x2], $0x40, s14, s24, $0xb8;
	[tilespmem:$0x1E400] =	vst v63  }
.Ltmp3:
0x7e: {  	_ = 	snop;
	(pc) =	sbr.rel .LBB2_2-.Ltmp3, $4  }
0x7f: {  	_ =	swait.ge [sflag:s5], $0x2000  }
0x80: {  	[sflag:s5] =	ssyncset.done $0x0  }
0x81: {  	s12 =	sadd.s32 $0x800, s12;
	s15 =	sadd.s32 $0x14080, s13;
	[sflag:s5] =	ssyncadd.s32 $0xFFFFE000  }
0x82: {  	[tilespmem:s28], [sflag:$0x1] =	stream.indirect.gather [spmem:s3], $0x40, s15, s24, $0xb8;
	[tilespmem:$0x1E400] =	vst v63  }
.LBB2_4:
0x83: {  	_ =	swait.ge [sflag:s23], $0x2000  }
0x84: {  	[sflag:s23] =	ssyncset.done $0x0  }
0x85: {  	[sflag:s23] =	ssyncadd.s32 $0xFFFFE000  }
0x86: {  	[spmem:s2] =	stream.indirect.scatter.add.f32 [tilespmem:s1], [sflag:$0x2], $0x40, s14, s24, $0xb8;
	[tilespmem:$0x1E400] =	vst v63  }
0x87: {  	_ =	swait.ge [sflag:s5], $0x2000  }
0x88: {  	[sflag:s5] =	ssyncset.done $0x0  }
0x89: {  	[sflag:s5] =	ssyncadd.s32 $0xFFFFE000  }
0x8a: {  	_ =	swait.ge [sflag:s5], $0x2000  }
0x8b: {  	[sflag:s5] =	ssyncset.done $0x0  }
0x8c: {  	[sflag:s5] =	ssyncadd.s32 $0xFFFFE000  }
0x8d: {  	_ =	swait.ge [sflag:s5], $0x2000  }
0x8e: {  	[sflag:s5] =	ssyncset.done $0x0  }
0x8f: {  	s12 =	simm.s32 $0x0;
	s13 =	rddreg [dreg:$0xa];
	[sflag:s5] =	ssyncadd.s32 $0xFFFFE000  }
0x90: {  	[tilespmem:s19], [sflag:$0x1] =	stream.linear.gather [hbm4b:s13+s12], $0x1400, $0x38;
	[tilespmem:$0x1E400] =	vst v63  }
0x91: {  	s15 =	rddreg [dreg:$0xb]  }
0x92: {  	[tilespmem:s20], [sflag:$0x1] =	stream.linear.gather [hbm4b:s15+s12], $0x1400, $0x38;
	[tilespmem:$0x1E400] =	vst v63  }
0x93: {  	_ =	swait.ge [sflag:s23], $0x1400  }
0x94: {  	[sflag:s23] =	ssyncset.done $0x0  }
0x95: {  	[sflag:s23] =	ssyncadd.s32 $0xFFFFEC00  }
0x96: {  	_ =	swait.ge [sflag:s23], $0x1400  }
0x97: {  	[sflag:s23] =	ssyncset.done $0x0  }
0x98: {  	[sflag:s23] =	ssyncadd.s32 $0xFFFFEC00  }
0x99: {  	[tilespmem:s25], [sflag:$0x1] =	stream.indirect.gather [spmem:s3], $0x40, s19, s24, $0xb8;
	[tilespmem:$0x1E400] =	vst v63  }
0x9a: {  	_ = 	snop  }
0x9b: {  	[tilespmem:s28], [sflag:$0x1] =	stream.indirect.gather [spmem:s3], $0x40, s26, s24, $0xb8;
	[tilespmem:$0x1E400] =	vst v63  }
0x9c: {  	_ =	swait.ge [sflag:s23], $0x2000  }
0x9d: {  	[sflag:s23] =	ssyncset.done $0x0  }
0x9e: {  	[sflag:s23] =	ssyncadd.s32 $0xFFFFE000  }
0x9f: {  	[spmem:s2] =	stream.indirect.scatter.add.f32 [tilespmem:s25], [sflag:$0x2], $0x40, s20, s24, $0xb8;
	[tilespmem:$0x1E400] =	vst v63  }
0xa0: {  	_ = 	snop  }
0xa1: {  	[tilespmem:s30], [sflag:$0x1] =	stream.indirect.gather [spmem:s3], $0x40, s29, s24, $0xb8;
	[tilespmem:$0x1E400] =	vst v63  }
0xa2: {  	_ =	swait.ge [sflag:s23], $0x2000  }
0xa3: {  	[sflag:s23] =	ssyncset.done $0x0  }
0xa4: {  	[sflag:s23] =	ssyncadd.s32 $0xFFFFE000  }
0xa5: {  	[spmem:s2] =	stream.indirect.scatter.add.f32 [tilespmem:s28], [sflag:$0x2], $0x40, s31, s24, $0xb8;
	[tilespmem:$0x1E400] =	vst v63  }
0xa6: {  	_ = 	snop  }
0xa7: {  	[tilespmem:s1], [sflag:$0x1] =	stream.indirect.gather [spmem:s3], $0x40, s0, s24, $0xb8;
	[tilespmem:$0x1E400] =	vst v63  }
0xa8: {  	_ =	swait.ge [sflag:s23], $0x2000  }
0xa9: {  	[sflag:s23] =	ssyncset.done $0x0  }
0xaa: {  	[sflag:s23] =	ssyncadd.s32 $0xFFFFE000  }
0xab: {  	[spmem:s2] =	stream.indirect.scatter.add.f32 [tilespmem:s30], [sflag:$0x2], $0x40, s4, s24, $0xb8;
	[tilespmem:$0x1E400] =	vst v63  }
0xac: {  	_ =	swait.ge [sflag:s5], $0x2000  }
0xad: {  	[sflag:s5] =	ssyncset.done $0x0  }
0xae: {  	[sflag:s5] =	ssyncadd.s32 $0xFFFFE000  }
0xaf: {  	[tilespmem:s25], [sflag:$0x1] =	stream.indirect.gather [spmem:s3], $0x40, s6, s24, $0xb8;
	[tilespmem:$0x1E400] =	vst v63  }
0xb0: {  	_ =	swait.ge [sflag:s23], $0x2000  }
0xb1: {  	[sflag:s23] =	ssyncset.done $0x0  }
0xb2: {  	[sflag:s23] =	ssyncadd.s32 $0xFFFFE000  }
0xb3: {  	[spmem:s2] =	stream.indirect.scatter.add.f32 [tilespmem:s1], [sflag:$0x2], $0x40, s7, s24, $0xb8;
	[tilespmem:$0x1E400] =	vst v63  }
0xb4: {  	_ =	swait.ge [sflag:s5], $0x2000  }
0xb5: {  	[sflag:s5] =	ssyncset.done $0x0  }
0xb6: {  	[sflag:s5] =	ssyncadd.s32 $0xFFFFE000  }
0xb7: {  	[tilespmem:s28], [sflag:$0x1] =	stream.indirect.gather [spmem:s3], $0x40, s8, s24, $0xb8;
	[tilespmem:$0x1E400] =	vst v63  }
.LBB2_5:
0xb8: {  	_ =	swait.ge [sflag:s23], $0x2000  }
0xb9: {  	s13 =	sshra.s32 s12, $0x2;
	[sflag:s23] =	ssyncset.done $0x0  }
0xba: {  	s14 =	sadd.s32 $0x15200, s13;
	[sflag:s23] =	ssyncadd.s32 $0xFFFFE000  }
0xbb: {  	[spmem:s2] =	stream.indirect.scatter.add.f32 [tilespmem:s25], [sflag:$0x2], $0x40, s14, s24, $0xb8;
	[tilespmem:$0x1E400] =	vst v63  }
0xbc: {  	_ =	swait.ge [sflag:s5], $0x2000  }
0xbd: {  	[sflag:s5] =	ssyncset.done $0x0  }
0xbe: {  	s15 =	sadd.s32 $0x13F00, s13;
	[sflag:s5] =	ssyncadd.s32 $0xFFFFE000  }
0xbf: {  	[tilespmem:s30], [sflag:$0x1] =	stream.indirect.gather [spmem:s3], $0x40, s15, s24, $0xb8;
	[tilespmem:$0x1E400] =	vst v63  }
0xc0: {  	_ =	swait.ge [sflag:s23], $0x2000  }
0xc1: {  	[sflag:s23] =	ssyncset.done $0x0  }
0xc2: {  	s15 =	sadd.s32 $0x15280, s13;
	[sflag:s23] =	ssyncadd.s32 $0xFFFFE000  }
0xc3: {  	[spmem:s2] =	stream.indirect.scatter.add.f32 [tilespmem:s28], [sflag:$0x2], $0x40, s15, s24, $0xb8;
	[tilespmem:$0x1E400] =	vst v63  }
0xc4: {  	_ =	swait.ge [sflag:s5], $0x2000  }
0xc5: {  	[sflag:s5] =	ssyncset.done $0x0  }
0xc6: {  	s15 =	sadd.s32 $0x13F80, s13;
	[sflag:s5] =	ssyncadd.s32 $0xFFFFE000  }
0xc7: {  	[tilespmem:s1], [sflag:$0x1] =	stream.indirect.gather [spmem:s3], $0x40, s15, s24, $0xb8;
	[tilespmem:$0x1E400] =	vst v63  }
0xc8: {  	_ =	swait.ge [sflag:s23], $0x2000  }
0xc9: {  	p0 =	seq.s32 s12, $0x4000;
	[sflag:s23] =	ssyncset.done $0x0  }
.Ltmp4:
0xca: {  	s15 =	sadd.s32 $0x15300, s13;
	[sflag:s23] =	ssyncadd.s32 $0xFFFFE000;
	(pc) =	sbr.rel @p0 .LBB2_7-.Ltmp4, $4  }
0xcb: {  	[spmem:s2] =	stream.indirect.scatter.add.f32 [tilespmem:s30], [sflag:$0x2], $0x40, s15, s24, $0xb8;
	[tilespmem:$0x1E400] =	vst v63  }
0xcc: {  	_ =	swait.ge [sflag:s5], $0x2000  }
0xcd: {  	[sflag:s5] =	ssyncset.done $0x0  }
0xce: {  	s14 =	sadd.s32 $0x15380, s13;
	[sflag:s5] =	ssyncadd.s32 $0xFFFFE000  }
0xcf: {  	s15 =	sadd.s32 $0x14000, s13  }
0xd0: {  	[tilespmem:s25], [sflag:$0x1] =	stream.indirect.gather [spmem:s3], $0x40, s15, s24, $0xb8;
	[tilespmem:$0x1E400] =	vst v63  }
0xd1: {  	_ =	swait.ge [sflag:s23], $0x2000  }
0xd2: {  	[sflag:s23] =	ssyncset.done $0x0  }
0xd3: {  	[sflag:s23] =	ssyncadd.s32 $0xFFFFE000  }
0xd4: {  	[spmem:s2] =	stream.indirect.scatter.add.f32 [tilespmem:s1], [sflag:$0x2], $0x40, s14, s24, $0xb8;
	[tilespmem:$0x1E400] =	vst v63  }
.Ltmp5:
0xd5: {  	_ = 	snop;
	(pc) =	sbr.rel .LBB2_5-.Ltmp5, $4  }
0xd6: {  	_ =	swait.ge [sflag:s5], $0x2000  }
0xd7: {  	[sflag:s5] =	ssyncset.done $0x0  }
0xd8: {  	s12 =	sadd.s32 $0x800, s12;
	s15 =	sadd.s32 $0x14080, s13;
	[sflag:s5] =	ssyncadd.s32 $0xFFFFE000  }
0xd9: {  	[tilespmem:s28], [sflag:$0x1] =	stream.indirect.gather [spmem:s3], $0x40, s15, s24, $0xb8;
	[tilespmem:$0x1E400] =	vst v63  }
.LBB2_7:
0xda: {  	_ =	swait.ge [sflag:s23], $0x2000  }
0xdb: {  	[sflag:s23] =	ssyncset.done $0x0  }
0xdc: {  	[sflag:s23] =	ssyncadd.s32 $0xFFFFE000  }
0xdd: {  	[spmem:s2] =	stream.indirect.scatter.add.f32 [tilespmem:s1], [sflag:$0x2], $0x40, s14, s24, $0xb8;
	[tilespmem:$0x1E400] =	vst v63  }
0xde: {  	_ =	swait.ge [sflag:s5], $0x2000  }
0xdf: {  	[sflag:s5] =	ssyncset.done $0x0  }
0xe0: {  	[sflag:s5] =	ssyncadd.s32 $0xFFFFE000  }
0xe1: {  	_ =	swait.ge [sflag:s5], $0x2000  }
0xe2: {  	[sflag:s5] =	ssyncset.done $0x0  }
0xe3: {  	[sflag:s5] =	ssyncadd.s32 $0xFFFFE000  }
0xe4: {  	_ =	swait.ge [sflag:s5], $0x2000  }
0xe5: {  	[sflag:s5] =	ssyncset.done $0x0  }
0xe6: {  	s12 =	simm.s32 $0x0;
	s13 =	rddreg [dreg:$0xc];
	[sflag:s5] =	ssyncadd.s32 $0xFFFFE000  }
0xe7: {  	[tilespmem:s19], [sflag:$0x1] =	stream.linear.gather [hbm4b:s13+s12], $0x1400, $0x38;
	[tilespmem:$0x1E400] =	vst v63  }
0xe8: {  	s15 =	rddreg [dreg:$0xd]  }
0xe9: {  	[tilespmem:s20], [sflag:$0x1] =	stream.linear.gather [hbm4b:s15+s12], $0x1400, $0x38;
	[tilespmem:$0x1E400] =	vst v63  }
0xea: {  	_ =	swait.ge [sflag:s23], $0x1400  }
0xeb: {  	[sflag:s23] =	ssyncset.done $0x0  }
0xec: {  	[sflag:s23] =	ssyncadd.s32 $0xFFFFEC00  }
0xed: {  	_ =	swait.ge [sflag:s23], $0x1400  }
0xee: {  	[sflag:s23] =	ssyncset.done $0x0  }
0xef: {  	[sflag:s23] =	ssyncadd.s32 $0xFFFFEC00  }
0xf0: {  	[tilespmem:s25], [sflag:$0x1] =	stream.indirect.gather [spmem:s3], $0x40, s19, s24, $0xb8;
	[tilespmem:$0x1E400] =	vst v63  }
0xf1: {  	_ = 	snop  }
0xf2: {  	[tilespmem:s28], [sflag:$0x1] =	stream.indirect.gather [spmem:s3], $0x40, s26, s24, $0xb8;
	[tilespmem:$0x1E400] =	vst v63  }
0xf3: {  	_ =	swait.ge [sflag:s23], $0x2000  }
0xf4: {  	[sflag:s23] =	ssyncset.done $0x0  }
0xf5: {  	[sflag:s23] =	ssyncadd.s32 $0xFFFFE000  }
0xf6: {  	[spmem:s2] =	stream.indirect.scatter.add.f32 [tilespmem:s25], [sflag:$0x2], $0x40, s20, s24, $0xb8;
	[tilespmem:$0x1E400] =	vst v63  }
0xf7: {  	_ = 	snop  }
0xf8: {  	[tilespmem:s30], [sflag:$0x1] =	stream.indirect.gather [spmem:s3], $0x40, s29, s24, $0xb8;
	[tilespmem:$0x1E400] =	vst v63  }
0xf9: {  	_ =	swait.ge [sflag:s23], $0x2000  }
0xfa: {  	[sflag:s23] =	ssyncset.done $0x0  }
0xfb: {  	[sflag:s23] =	ssyncadd.s32 $0xFFFFE000  }
0xfc: {  	[spmem:s2] =	stream.indirect.scatter.add.f32 [tilespmem:s28], [sflag:$0x2], $0x40, s31, s24, $0xb8;
	[tilespmem:$0x1E400] =	vst v63  }
0xfd: {  	_ = 	snop  }
0xfe: {  	[tilespmem:s1], [sflag:$0x1] =	stream.indirect.gather [spmem:s3], $0x40, s0, s24, $0xb8;
	[tilespmem:$0x1E400] =	vst v63  }
0xff: {  	_ =	swait.ge [sflag:s23], $0x2000  }
0x100: {  	[sflag:s23] =	ssyncset.done $0x0  }
0x101: {  	[sflag:s23] =	ssyncadd.s32 $0xFFFFE000  }
0x102: {  	[spmem:s2] =	stream.indirect.scatter.add.f32 [tilespmem:s30], [sflag:$0x2], $0x40, s4, s24, $0xb8;
	[tilespmem:$0x1E400] =	vst v63  }
0x103: {  	_ =	swait.ge [sflag:s5], $0x2000  }
0x104: {  	[sflag:s5] =	ssyncset.done $0x0  }
0x105: {  	[sflag:s5] =	ssyncadd.s32 $0xFFFFE000  }
0x106: {  	[tilespmem:s25], [sflag:$0x1] =	stream.indirect.gather [spmem:s3], $0x40, s6, s24, $0xb8;
	[tilespmem:$0x1E400] =	vst v63  }
0x107: {  	_ =	swait.ge [sflag:s23], $0x2000  }
0x108: {  	[sflag:s23] =	ssyncset.done $0x0  }
0x109: {  	[sflag:s23] =	ssyncadd.s32 $0xFFFFE000  }
0x10a: {  	[spmem:s2] =	stream.indirect.scatter.add.f32 [tilespmem:s1], [sflag:$0x2], $0x40, s7, s24, $0xb8;
	[tilespmem:$0x1E400] =	vst v63  }
0x10b: {  	_ =	swait.ge [sflag:s5], $0x2000  }
0x10c: {  	[sflag:s5] =	ssyncset.done $0x0  }
0x10d: {  	[sflag:s5] =	ssyncadd.s32 $0xFFFFE000  }
0x10e: {  	[tilespmem:s28], [sflag:$0x1] =	stream.indirect.gather [spmem:s3], $0x40, s8, s24, $0xb8;
	[tilespmem:$0x1E400] =	vst v63  }
.LBB2_8:
0x10f: {  	_ =	swait.ge [sflag:s23], $0x2000  }
0x110: {  	s13 =	sshra.s32 s12, $0x2;
	[sflag:s23] =	ssyncset.done $0x0  }
0x111: {  	s14 =	sadd.s32 $0x15200, s13;
	[sflag:s23] =	ssyncadd.s32 $0xFFFFE000  }
0x112: {  	[spmem:s2] =	stream.indirect.scatter.add.f32 [tilespmem:s25], [sflag:$0x2], $0x40, s14, s24, $0xb8;
	[tilespmem:$0x1E400] =	vst v63  }
0x113: {  	_ =	swait.ge [sflag:s5], $0x2000  }
0x114: {  	[sflag:s5] =	ssyncset.done $0x0  }
0x115: {  	s15 =	sadd.s32 $0x13F00, s13;
	[sflag:s5] =	ssyncadd.s32 $0xFFFFE000  }
0x116: {  	[tilespmem:s30], [sflag:$0x1] =	stream.indirect.gather [spmem:s3], $0x40, s15, s24, $0xb8;
	[tilespmem:$0x1E400] =	vst v63  }
0x117: {  	_ =	swait.ge [sflag:s23], $0x2000  }
0x118: {  	[sflag:s23] =	ssyncset.done $0x0  }
0x119: {  	s15 =	sadd.s32 $0x15280, s13;
	[sflag:s23] =	ssyncadd.s32 $0xFFFFE000  }
0x11a: {  	[spmem:s2] =	stream.indirect.scatter.add.f32 [tilespmem:s28], [sflag:$0x2], $0x40, s15, s24, $0xb8;
	[tilespmem:$0x1E400] =	vst v63  }
0x11b: {  	_ =	swait.ge [sflag:s5], $0x2000  }
0x11c: {  	[sflag:s5] =	ssyncset.done $0x0  }
0x11d: {  	s15 =	sadd.s32 $0x13F80, s13;
	[sflag:s5] =	ssyncadd.s32 $0xFFFFE000  }
0x11e: {  	[tilespmem:s1], [sflag:$0x1] =	stream.indirect.gather [spmem:s3], $0x40, s15, s24, $0xb8;
	[tilespmem:$0x1E400] =	vst v63  }
0x11f: {  	_ =	swait.ge [sflag:s23], $0x2000  }
0x120: {  	p0 =	seq.s32 s12, $0x4000;
	[sflag:s23] =	ssyncset.done $0x0  }
.Ltmp6:
0x121: {  	s15 =	sadd.s32 $0x15300, s13;
	[sflag:s23] =	ssyncadd.s32 $0xFFFFE000;
	(pc) =	sbr.rel @p0 .LBB2_10-.Ltmp6, $4  }
0x122: {  	[spmem:s2] =	stream.indirect.scatter.add.f32 [tilespmem:s30], [sflag:$0x2], $0x40, s15, s24, $0xb8;
	[tilespmem:$0x1E400] =	vst v63  }
0x123: {  	_ =	swait.ge [sflag:s5], $0x2000  }
0x124: {  	[sflag:s5] =	ssyncset.done $0x0  }
0x125: {  	s14 =	sadd.s32 $0x15380, s13;
	[sflag:s5] =	ssyncadd.s32 $0xFFFFE000  }
0x126: {  	s15 =	sadd.s32 $0x14000, s13  }
0x127: {  	[tilespmem:s25], [sflag:$0x1] =	stream.indirect.gather [spmem:s3], $0x40, s15, s24, $0xb8;
	[tilespmem:$0x1E400] =	vst v63  }
0x128: {  	_ =	swait.ge [sflag:s23], $0x2000  }
0x129: {  	[sflag:s23] =	ssyncset.done $0x0  }
0x12a: {  	[sflag:s23] =	ssyncadd.s32 $0xFFFFE000  }
0x12b: {  	[spmem:s2] =	stream.indirect.scatter.add.f32 [tilespmem:s1], [sflag:$0x2], $0x40, s14, s24, $0xb8;
	[tilespmem:$0x1E400] =	vst v63  }
.Ltmp7:
0x12c: {  	_ = 	snop;
	(pc) =	sbr.rel .LBB2_8-.Ltmp7, $4  }
0x12d: {  	_ =	swait.ge [sflag:s5], $0x2000  }
0x12e: {  	[sflag:s5] =	ssyncset.done $0x0  }
0x12f: {  	s12 =	sadd.s32 $0x800, s12;
	s15 =	sadd.s32 $0x14080, s13;
	[sflag:s5] =	ssyncadd.s32 $0xFFFFE000  }
0x130: {  	[tilespmem:s28], [sflag:$0x1] =	stream.indirect.gather [spmem:s3], $0x40, s15, s24, $0xb8;
	[tilespmem:$0x1E400] =	vst v63  }
.LBB2_10:
0x131: {  	_ =	swait.ge [sflag:s23], $0x2000  }
0x132: {  	[sflag:s23] =	ssyncset.done $0x0  }
0x133: {  	[sflag:s23] =	ssyncadd.s32 $0xFFFFE000  }
0x134: {  	[spmem:s2] =	stream.indirect.scatter.add.f32 [tilespmem:s1], [sflag:$0x2], $0x40, s14, s24, $0xb8;
	[tilespmem:$0x1E400] =	vst v63  }
0x135: {  	_ =	swait.ge [sflag:s5], $0x2000  }
0x136: {  	[sflag:s5] =	ssyncset.done $0x0  }
0x137: {  	[sflag:s5] =	ssyncadd.s32 $0xFFFFE000  }
0x138: {  	_ =	swait.ge [sflag:s5], $0x2000  }
0x139: {  	[sflag:s5] =	ssyncset.done $0x0  }
0x13a: {  	[sflag:s5] =	ssyncadd.s32 $0xFFFFE000  }
0x13b: {  	_ =	swait.ge [sflag:s5], $0x2000  }
0x13c: {  	[sflag:s5] =	ssyncset.done $0x0  }
0x13d: {  	s12 =	simm.s32 $0x0;
	s13 =	rddreg [dreg:$0xe];
	[sflag:s5] =	ssyncadd.s32 $0xFFFFE000  }
0x13e: {  	[tilespmem:s19], [sflag:$0x1] =	stream.linear.gather [hbm4b:s13+s12], $0x1400, $0x38;
	[tilespmem:$0x1E400] =	vst v63  }
0x13f: {  	_ = 	snop  }
0x140: {  	[tilespmem:s20], [sflag:$0x1] =	stream.linear.gather [hbm4b:s16+s12], $0x1400, $0x38;
	[tilespmem:$0x1E400] =	vst v63  }
0x141: {  	_ =	swait.ge [sflag:s23], $0x1400  }
0x142: {  	[sflag:s23] =	ssyncset.done $0x0  }
0x143: {  	[sflag:s23] =	ssyncadd.s32 $0xFFFFEC00  }
0x144: {  	_ =	swait.ge [sflag:s23], $0x1400  }
0x145: {  	[sflag:s23] =	ssyncset.done $0x0  }
0x146: {  	[sflag:s23] =	ssyncadd.s32 $0xFFFFEC00  }
0x147: {  	[tilespmem:s25], [sflag:$0x1] =	stream.indirect.gather [spmem:s3], $0x40, s19, s24, $0xb8;
	[tilespmem:$0x1E400] =	vst v63  }
0x148: {  	_ = 	snop  }
0x149: {  	[tilespmem:s28], [sflag:$0x1] =	stream.indirect.gather [spmem:s3], $0x40, s26, s24, $0xb8;
	[tilespmem:$0x1E400] =	vst v63  }
0x14a: {  	_ =	swait.ge [sflag:s23], $0x2000  }
0x14b: {  	[sflag:s23] =	ssyncset.done $0x0  }
0x14c: {  	[sflag:s23] =	ssyncadd.s32 $0xFFFFE000  }
0x14d: {  	[spmem:s2] =	stream.indirect.scatter.add.f32 [tilespmem:s25], [sflag:$0x2], $0x40, s20, s24, $0xb8;
	[tilespmem:$0x1E400] =	vst v63  }
0x14e: {  	_ = 	snop  }
0x14f: {  	[tilespmem:s30], [sflag:$0x1] =	stream.indirect.gather [spmem:s3], $0x40, s29, s24, $0xb8;
	[tilespmem:$0x1E400] =	vst v63  }
0x150: {  	_ =	swait.ge [sflag:s23], $0x2000  }
0x151: {  	[sflag:s23] =	ssyncset.done $0x0  }
0x152: {  	[sflag:s23] =	ssyncadd.s32 $0xFFFFE000  }
0x153: {  	[spmem:s2] =	stream.indirect.scatter.add.f32 [tilespmem:s28], [sflag:$0x2], $0x40, s31, s24, $0xb8;
	[tilespmem:$0x1E400] =	vst v63  }
0x154: {  	_ = 	snop  }
0x155: {  	[tilespmem:s1], [sflag:$0x1] =	stream.indirect.gather [spmem:s3], $0x40, s0, s24, $0xb8;
	[tilespmem:$0x1E400] =	vst v63  }
0x156: {  	_ =	swait.ge [sflag:s23], $0x2000  }
0x157: {  	[sflag:s23] =	ssyncset.done $0x0  }
0x158: {  	[sflag:s23] =	ssyncadd.s32 $0xFFFFE000  }
0x159: {  	[spmem:s2] =	stream.indirect.scatter.add.f32 [tilespmem:s30], [sflag:$0x2], $0x40, s4, s24, $0xb8;
	[tilespmem:$0x1E400] =	vst v63  }
0x15a: {  	_ =	swait.ge [sflag:s5], $0x2000  }
0x15b: {  	[sflag:s5] =	ssyncset.done $0x0  }
0x15c: {  	[sflag:s5] =	ssyncadd.s32 $0xFFFFE000  }
0x15d: {  	[tilespmem:s25], [sflag:$0x1] =	stream.indirect.gather [spmem:s3], $0x40, s6, s24, $0xb8;
	[tilespmem:$0x1E400] =	vst v63  }
0x15e: {  	_ =	swait.ge [sflag:s23], $0x2000  }
0x15f: {  	[sflag:s23] =	ssyncset.done $0x0  }
0x160: {  	[sflag:s23] =	ssyncadd.s32 $0xFFFFE000  }
0x161: {  	[spmem:s2] =	stream.indirect.scatter.add.f32 [tilespmem:s1], [sflag:$0x2], $0x40, s7, s24, $0xb8;
	[tilespmem:$0x1E400] =	vst v63  }
0x162: {  	_ =	swait.ge [sflag:s5], $0x2000  }
0x163: {  	[sflag:s5] =	ssyncset.done $0x0  }
0x164: {  	[sflag:s5] =	ssyncadd.s32 $0xFFFFE000  }
0x165: {  	[tilespmem:s28], [sflag:$0x1] =	stream.indirect.gather [spmem:s3], $0x40, s8, s24, $0xb8;
	[tilespmem:$0x1E400] =	vst v63  }
.LBB2_11:
0x166: {  	_ =	swait.ge [sflag:s23], $0x2000  }
0x167: {  	s13 =	sshra.s32 s12, $0x2;
	[sflag:s23] =	ssyncset.done $0x0  }
0x168: {  	s14 =	sadd.s32 $0x15200, s13;
	[sflag:s23] =	ssyncadd.s32 $0xFFFFE000  }
0x169: {  	[spmem:s2] =	stream.indirect.scatter.add.f32 [tilespmem:s25], [sflag:$0x2], $0x40, s14, s24, $0xb8;
	[tilespmem:$0x1E400] =	vst v63  }
0x16a: {  	_ =	swait.ge [sflag:s5], $0x2000  }
0x16b: {  	[sflag:s5] =	ssyncset.done $0x0  }
0x16c: {  	s15 =	sadd.s32 $0x13F00, s13;
	[sflag:s5] =	ssyncadd.s32 $0xFFFFE000  }
0x16d: {  	[tilespmem:s30], [sflag:$0x1] =	stream.indirect.gather [spmem:s3], $0x40, s15, s24, $0xb8;
	[tilespmem:$0x1E400] =	vst v63  }
0x16e: {  	_ =	swait.ge [sflag:s23], $0x2000  }
0x16f: {  	[sflag:s23] =	ssyncset.done $0x0  }
0x170: {  	s15 =	sadd.s32 $0x15280, s13;
	[sflag:s23] =	ssyncadd.s32 $0xFFFFE000  }
0x171: {  	[spmem:s2] =	stream.indirect.scatter.add.f32 [tilespmem:s28], [sflag:$0x2], $0x40, s15, s24, $0xb8;
	[tilespmem:$0x1E400] =	vst v63  }
0x172: {  	_ =	swait.ge [sflag:s5], $0x2000  }
0x173: {  	[sflag:s5] =	ssyncset.done $0x0  }
0x174: {  	s15 =	sadd.s32 $0x13F80, s13;
	[sflag:s5] =	ssyncadd.s32 $0xFFFFE000  }
0x175: {  	[tilespmem:s1], [sflag:$0x1] =	stream.indirect.gather [spmem:s3], $0x40, s15, s24, $0xb8;
	[tilespmem:$0x1E400] =	vst v63  }
0x176: {  	_ =	swait.ge [sflag:s23], $0x2000  }
0x177: {  	p0 =	seq.s32 s12, $0x4000;
	[sflag:s23] =	ssyncset.done $0x0  }
.Ltmp8:
0x178: {  	s15 =	sadd.s32 $0x15300, s13;
	[sflag:s23] =	ssyncadd.s32 $0xFFFFE000;
	(pc) =	sbr.rel @p0 .LBB2_13-.Ltmp8, $4  }
0x179: {  	[spmem:s2] =	stream.indirect.scatter.add.f32 [tilespmem:s30], [sflag:$0x2], $0x40, s15, s24, $0xb8;
	[tilespmem:$0x1E400] =	vst v63  }
0x17a: {  	_ =	swait.ge [sflag:s5], $0x2000  }
0x17b: {  	[sflag:s5] =	ssyncset.done $0x0  }
0x17c: {  	s14 =	sadd.s32 $0x15380, s13;
	[sflag:s5] =	ssyncadd.s32 $0xFFFFE000  }
0x17d: {  	s15 =	sadd.s32 $0x14000, s13  }
0x17e: {  	[tilespmem:s25], [sflag:$0x1] =	stream.indirect.gather [spmem:s3], $0x40, s15, s24, $0xb8;
	[tilespmem:$0x1E400] =	vst v63  }
0x17f: {  	_ =	swait.ge [sflag:s23], $0x2000  }
0x180: {  	[sflag:s23] =	ssyncset.done $0x0  }
0x181: {  	[sflag:s23] =	ssyncadd.s32 $0xFFFFE000  }
0x182: {  	[spmem:s2] =	stream.indirect.scatter.add.f32 [tilespmem:s1], [sflag:$0x2], $0x40, s14, s24, $0xb8;
	[tilespmem:$0x1E400] =	vst v63  }
.Ltmp9:
0x183: {  	_ = 	snop;
	(pc) =	sbr.rel .LBB2_11-.Ltmp9, $4  }
0x184: {  	_ =	swait.ge [sflag:s5], $0x2000  }
0x185: {  	[sflag:s5] =	ssyncset.done $0x0  }
0x186: {  	s12 =	sadd.s32 $0x800, s12;
	s15 =	sadd.s32 $0x14080, s13;
	[sflag:s5] =	ssyncadd.s32 $0xFFFFE000  }
0x187: {  	[tilespmem:s28], [sflag:$0x1] =	stream.indirect.gather [spmem:s3], $0x40, s15, s24, $0xb8;
	[tilespmem:$0x1E400] =	vst v63  }
.LBB2_14:
0x188: {  	_ =	sfence.sel $0x180000  }
0x189: {  	[bflag:$0x0] =	sbarrier.arrive $0xFFFF  }
0x18a: {  	_ =	strace $0x90000047  }
0x18b: {  	s0 =	stileid.u32;
	[bflag:$0x2] =	sbarrier.arrive $0xFFFF  }
0x18c: {  	p0 =	sne.s32 s0, $0x0;
	s0 =	rddreg [dreg:$0x4]  }
0x18d: {  	s0 =	sadd.s32 @!p0 $0x100000, s0  }
0x18e: {  	[sflag:s0] =	ssyncadd.tile.s32 @!p0 $0x1;
	_ =	shalt  }
.Lfunc_end2:
_tile_overlayer_lowered:
.L_overlay_start_2:
0x18f: {  	(tag) =	ssettag $0x2  }
0x190: {  	s0 =	rddreg [dreg:$0x0];
	s2 =	stileid.u32  }
0x191: {  	s1 =	rddreg [dreg:$0x1];
	p0 =	sne.s32 s2, $0x0  }
0x192: {  	s3 =	rddreg [dreg:$0x2];
	[bflag:$0x3] =	sbarrier.arrive $0xFFFF;
	s2 =	simm.s32 @!p0 $0x1C03  }
0x193: {  	[timem:s3], [sflag:s2] =	dma.local @!p0 [hbm:s0], s1  }
0x194: {  	s0 =	simm.s32 @!p0 $0x3  }
0x195: {  	_ =	swait.ge @!p0 [sflag:s0], s1  }
0x196: {  	s1 =	ssub.s32 @!p0 $0x0, s1;
	[sflag:s0] =	ssyncset.done @!p0 $0x0  }
0x197: {  	[sflag:s0] =	ssyncadd.s32 @!p0 s1  }
0x198: {  	[bflag:$0x3] =	sbarrier.arrive $0xFFFF  }
0x199: {  	_ =	shalt  }

</sc_bundles>
